<compile_context>
chip_gen: v7x
topology: tpu7x:2x2x1
jax: 0.10.2.dev20260603
libtpu: 0.0.44.dev20260713+nightly
codegen_flags: <defaults>
</compile_context>

<pallas_src>
import dataclasses
import functools

import jax
import jax.numpy as jnp
from jax import lax
from jax.experimental import pallas as pl
from jax.experimental.pallas import tpu as pltpu
from jax.experimental.pallas import tpu_sc as plsc

N = 4096
E = 131072
D1 = 128
D2 = 64

NC = 2
NS = 16
NW = NC * NS
L = 16

CH = 128
EPT = E // NW
NCH = EPT // CH
RPT = N // NS


def _make_spmm(D, AD, with_deg):
  mesh = plsc.VectorSubcoreMesh(core_axis_name="c", subcore_axis_name="s")
  out_type = [jax.ShapeDtypeStruct((NC, N, AD), jnp.float32)]
  if with_deg:
    out_type.append(jax.ShapeDtypeStruct((NC, NS, N), jnp.float32))
  scratch = [
      pltpu.VMEM((NCH, CH), jnp.int32),
      pltpu.VMEM((NCH, CH), jnp.int32),
      pltpu.VMEM((NCH, CH), jnp.float32),
      pltpu.VMEM((1, L, CH), jnp.float32),
      pltpu.VMEM((1, L, CH), jnp.float32),
      pltpu.VMEM((CH, D), jnp.float32),
      pltpu.VMEM((CH, D), jnp.float32),
      pltpu.VMEM((CH, AD), jnp.float32),
      pltpu.VMEM((CH, AD), jnp.float32),
      pltpu.VMEM_SHARED((N, AD), jnp.float32),
      pltpu.VMEM((N,), jnp.float32),
      pltpu.SemaphoreType.DMA,
      pltpu.SemaphoreType.DMA,
      pltpu.SemaphoreType.DMA,
      pltpu.SemaphoreType.DMA,
  ]

  cp = pltpu.CompilerParams()
  if "needs_layout_passes" in pltpu.CompilerParams.__dataclass_fields__:
    cp = dataclasses.replace(cp, needs_layout_passes=False)

  @functools.partial(pl.kernel, mesh=mesh, out_type=out_type,
                     scratch_types=scratch, compiler_params=cp)
  def spmm(rows_hbm, cols_hbm, ew_hbm, valx_hbm, xw_hbm, *out_and_scratch):
    if with_deg:
      out_hbm, deg_hbm = out_and_scratch[0], out_and_scratch[1]
      rest = out_and_scratch[2:]
    else:
      out_hbm = out_and_scratch[0]
      rest = out_and_scratch[1:]
    (rbuf, cbuf, wbuf, v0, v1, g0, g1, q0, q1, h_sh, degbuf,
     sg0, sg1, ss0, ss1) = rest
    cid = lax.axis_index("c")
    sid = lax.axis_index("s")
    wid = sid * NC + cid

    @plsc.parallel_loop(0, CH, unroll=4)
    def _(e):
      for c0 in range(0, AD, L):
        q0[e, pl.ds(c0, L)] = jnp.zeros((L,), jnp.float32)

    for k in range(RPT // CH):
      pltpu.sync_copy(q0, h_sh.at[pl.ds(sid * RPT + k * CH, CH)])
    if with_deg:
      @plsc.parallel_loop(0, N // L, unroll=4)
      def _(i):
        degbuf[pl.ds(i * L, L)] = jnp.zeros((L,), jnp.float32)

    pltpu.sync_copy(rows_hbm.at[pl.ds(wid * NCH, NCH)], rbuf)
    pltpu.sync_copy(cols_hbm.at[pl.ds(wid * NCH, NCH)], cbuf)
    pltpu.sync_copy(ew_hbm.at[pl.ds(wid * NCH, NCH)], wbuf)

    plsc.subcore_barrier()

    def start_fetch(g, v, sg, j):
      pltpu.async_copy(xw_hbm.at[cbuf.at[j]], g, sg)
      pltpu.async_copy(valx_hbm.at[pl.ds(wid * NCH + j, 1)], v, sg)

    def wait_fetch(g, v, sg, j):
      pltpu.make_async_copy(xw_hbm.at[cbuf.at[j]], g, sg).wait()
      pltpu.make_async_copy(valx_hbm.at[pl.ds(wid * NCH + j, 1)], v, sg).wait()

    def scale(g, q, v):
      @plsc.parallel_loop(0, L, unroll=4)
      def _(e8):
        for jj in range(CH // L):
          e = e8 * (CH // L) + jj
          vv = v[0, e8, pl.ds(jj * L, L)]
          for c0 in range(0, AD, L):
            q[e, pl.ds(c0, L)] = g[e, pl.ds(c0, L)] * vv

    def deg_scatter(j):
      if with_deg:
        for k in range(CH // L):
          plsc.addupdate_scatter(degbuf, [rbuf[j, pl.ds(k * L, L)]],
                                 wbuf[j, pl.ds(k * L, L)])

    start_fetch(g0, v0, sg0, 0)

    @pl.loop(0, NCH // 2)
    def _(jj):
      j0 = jj * 2
      j1 = j0 + 1

      @pl.when(jj > 0)
      def _():
        pltpu.make_async_copy(q1, h_sh.at[rbuf.at[j0 - 1]], ss1).wait()

      start_fetch(g1, v1, sg1, j1)
      wait_fetch(g0, v0, sg0, j0)
      scale(g0, q0, v0)
      pltpu.async_copy(q0, h_sh.at[rbuf.at[j0]], ss0, add=True)
      deg_scatter(j0)
      wait_fetch(g1, v1, sg1, j1)
      scale(g1, q1, v1)
      pltpu.make_async_copy(q0, h_sh.at[rbuf.at[j0]], ss0).wait()

      @pl.when(jj < NCH // 2 - 1)
      def _():
        start_fetch(g0, v0, sg0, j0 + 2)

      pltpu.async_copy(q1, h_sh.at[rbuf.at[j1]], ss1, add=True)
      deg_scatter(j1)

    pltpu.make_async_copy(q1, h_sh.at[rbuf.at[NCH - 1]], ss1).wait()
    if with_deg:
      pltpu.sync_copy(degbuf, deg_hbm.at[cid, sid])

    plsc.subcore_barrier()

    pltpu.sync_copy(h_sh.at[pl.ds(sid * RPT, RPT)],
                    out_hbm.at[cid, pl.ds(sid * RPT, RPT)])

  return spmm


_spmm1 = _make_spmm(D1, D1, with_deg=True)
_spmm2 = _make_spmm(D1, D1, with_deg=False)


def _tc_xw1(x, W1):
  def body(x_ref, w_ref, o_ref):
    o_ref[...] = jnp.dot(x_ref[...], w_ref[...],
                         preferred_element_type=jnp.float32)
  return pl.pallas_call(
      body, out_shape=jax.ShapeDtypeStruct((N, D1), jnp.float32))(x, W1)


def _tc_mid(hp, degp, b1, W2):
  def body(hp_ref, d_ref, b1_ref, w2_ref, o_ref, r_ref):
    recip = 1.0 / jnp.sum(d_ref[...], axis=1, keepdims=True)
    r_ref[...] = recip
    h = (hp_ref[0] + hp_ref[1]) * recip + b1_ref[...]
    h = jnp.maximum(h, 0.0)
    o_ref[...] = jnp.dot(h, w2_ref[...], preferred_element_type=jnp.float32)
  return pl.pallas_call(
      body, out_shape=[jax.ShapeDtypeStruct((N, D1), jnp.float32),
                       jax.ShapeDtypeStruct((N, 1), jnp.float32)])(
          hp, degp, b1, W2)


def _tc_out(op, recip, b2):
  def body(op_ref, r_ref, b2_ref, o_ref):
    z = (op_ref[0][:, :D2] + op_ref[1][:, :D2]) * r_ref[...] + b2_ref[...]
    m = jnp.max(z, axis=1, keepdims=True)
    s = jnp.sum(jnp.exp(z - m), axis=1, keepdims=True)
    o_ref[...] = z - (m + jnp.log(s))
  return pl.pallas_call(
      body, out_shape=jax.ShapeDtypeStruct((N, D2), jnp.float32))(
          op, recip, b2)


def kernel(x, edge_index, edge_weights, W1, b1, W2, b2):
  rows = edge_index[0].reshape(E // CH, CH)
  cols = edge_index[1].reshape(E // CH, CH)
  ew = edge_weights.reshape(E // CH, CH)
  valx = jnp.broadcast_to(
      edge_weights.reshape(E // CH, L, CH // L, 1),
      (E // CH, L, CH // L, L)).reshape(E // CH, L, CH)

  W2p = jnp.pad(W2, ((0, 0), (0, D1 - D2)))

  xw = _tc_xw1(x, W1)
  hp, degp = _spmm1(rows, cols, ew, valx, xw)
  degp2 = jnp.transpose(jnp.reshape(degp, (NC * NS, N)))
  hw, recip = _tc_mid(hp, degp2, b1, W2p)
  op, = _spmm2(rows, cols, ew, valx, hw)
  return _tc_out(op, recip, b2)

# --- scband reference (transcript-rebuilt; emitter-appended) ---
"""Pipeline reference for scband-gcn-53695681135100 (READ-ONLY COPY).

The authoritative reference and input builder live on the scoring server;
editing this copy changes nothing except your own understanding.
"""

import jax, jax.numpy as jnp
import numpy as np

N = 4096
E = 131072
DIMS = [128, 128, 64]


def setup_inputs(seed: int = 0) -> dict:
    key = jax.random.key(seed)
    k0, k1, k2, k3, k4, k5 = jax.random.split(key, 6)
    x = jax.random.normal(k0, (N, DIMS[0]), dtype=jnp.float32)
    src = jax.random.randint(k1, (E,), 0, N, dtype=jnp.int32)
    dst = jax.random.randint(k2, (E,), 0, N, dtype=jnp.int32)
    edge_index = jnp.stack([dst, src], axis=0)
    ar = jnp.arange(N, dtype=jnp.int32)
    # guarantee a self-loop per node so D (diag of row sums) is invertible
    edge_index = edge_index.at[:, :N].set(jnp.stack([ar, ar], axis=0))
    edge_weights = jax.random.uniform(k3, (E,), dtype=jnp.float32, minval=0.1, maxval=1.0)
    s1 = 1.0 / np.sqrt(DIMS[0])
    s2 = 1.0 / np.sqrt(DIMS[1])
    W1 = jax.random.uniform(k4, (DIMS[0], DIMS[1]), dtype=jnp.float32, minval=-s1, maxval=s1)
    b1 = jnp.zeros((DIMS[1],), dtype=jnp.float32)
    W2 = jax.random.uniform(k5, (DIMS[1], DIMS[2]), dtype=jnp.float32, minval=-s2, maxval=s2)
    b2 = jnp.zeros((DIMS[2],), dtype=jnp.float32)
    return {"x": x, "edge_index": edge_index, "edge_weights": edge_weights,
            "W1": W1, "b1": b1, "W2": W2, "b2": b2}


def _spmm(rows, cols, vals, n, dense):
    # SpecialSpmm: (sparse A) @ dense, A[rows, cols] = vals
    return jnp.zeros((n, dense.shape[1]), dtype=dense.dtype).at[rows].add(vals[:, None] * dense[cols])


def reference(x, edge_index, edge_weights, W1, b1, W2, b2):
    rows = edge_index[0]
    cols = edge_index[1]
    # torch.sparse.FloatTensor(indices, edge_weights, size).to_dense()
    A = jnp.zeros((N, N), dtype=jnp.float32).at[rows, cols].add(edge_weights)
    # D_inv(): D has row sums on the diagonal (diag of spmm with ones), then dense inverse
    row_sums = jnp.diagonal(_spmm(rows, cols, edge_weights, N, jnp.ones((N, N), dtype=jnp.float32)))
    D = jnp.zeros((N, N), dtype=jnp.float32).at[jnp.arange(N), jnp.arange(N)].set(row_sums)
    D_inv = jnp.linalg.inv(D)
    # values = (D_inv @ A).to_sparse()._values() -> gather at edge positions
    values_dense = D_inv @ A
    values = values_dense[rows, cols]
    # gc1: relu + dropout (dropout is a no-op in eval mode)
    h = _spmm(rows, cols, values, N, x @ W1) + b1
    h = jax.nn.relu(h)
    # gc2: last layer, no activation
    out = _spmm(rows, cols, values, N, h @ W2) + b2
    return jax.nn.log_softmax(out, axis=1)

if __name__ == "__main__":
    import jax
    _d = setup_inputs()
    print(jax.jit(kernel)(*tuple(_d.values())))

</pallas_src>

<mosaic_0001>
#map = affine_map<(d0, d1) -> (0, 0)>
#map1 = affine_map<(d0, d1) -> (0, 0, 0)>
module attributes {stable_mosaic.version = 14 : i64} {
  func.func @spmm(%arg0: i32, %arg1: i32, %arg2: memref<1024x128xi32, #tpu.memory_space<hbm>>, %arg3: memref<1024x128xi32, #tpu.memory_space<hbm>>, %arg4: memref<1024x128xf32, #tpu.memory_space<hbm>>, %arg5: memref<1024x16x128xf32, #tpu.memory_space<hbm>>, %arg6: memref<4096x128xf32, #tpu.memory_space<hbm>>, %arg7: memref<2x4096x128xf32, #tpu.memory_space<hbm>>, %arg8: memref<2x16x4096xf32, #tpu.memory_space<hbm>>, %arg9: memref<32x128xi32, #tpu.memory_space<vmem>>, %arg10: memref<32x128xi32, #tpu.memory_space<vmem>>, %arg11: memref<32x128xf32, #tpu.memory_space<vmem>>, %arg12: memref<1x16x128xf32, #tpu.memory_space<vmem>>, %arg13: memref<1x16x128xf32, #tpu.memory_space<vmem>>, %arg14: memref<128x128xf32, #tpu.memory_space<vmem>>, %arg15: memref<128x128xf32, #tpu.memory_space<vmem>>, %arg16: memref<128x128xf32, #tpu.memory_space<vmem>>, %arg17: memref<128x128xf32, #tpu.memory_space<vmem>>, %arg18: memref<4096x128xf32, #tpu.memory_space<vmem_shared>>, %arg19: memref<4096xf32, #tpu.memory_space<vmem>>, %arg20: memref<!tpu.dma_semaphore, #tpu.memory_space<semaphore_mem>>, %arg21: memref<!tpu.dma_semaphore, #tpu.memory_space<semaphore_mem>>, %arg22: memref<!tpu.dma_semaphore, #tpu.memory_space<semaphore_mem>>, %arg23: memref<!tpu.dma_semaphore, #tpu.memory_space<semaphore_mem>>) attributes {dimension_semantics = [#tpu.dimension_semantics<core_parallel>, #tpu.dimension_semantics<subcore_parallel>], iteration_bounds = array<i64: 2, 16>, scalar_prefetch = 0 : i64, scratch_operands = 15 : i64, tpu.core_type = #tpu.core_type<sc_vector_subcore>, window_params = [{transform_indices = #map}, {transform_indices = #map}, {transform_indices = #map}, {transform_indices = #map1}, {transform_indices = #map}, {transform_indices = #map1}, {transform_indices = #map1}]} {
    %mul3A = arith.constant 2 : i32
    %mul3A_0 = arith.muli %arg1, %mul3A : i32
    %add3A = arith.addi %mul3A_0, %arg0 : i32
    %parallel_loop3A = arith.constant 0 : i32
    %parallel_loop3A_1 = arith.constant 128 : i32
    %parallel_loop3A_2 = arith.constant 1 : i32
    scf.for %parallel_loop3A_51 = %parallel_loop3A to %parallel_loop3A_1 step %parallel_loop3A_2  : i32 {
      %parallel_loop3A_52 = arith.constant 0.000000e+00 : f32
      %parallel_loop3A_53 = vector.broadcast %parallel_loop3A_52 : f32 to vector<16xf32>
      %parallel_loop3A_54 = arith.index_cast %parallel_loop3A_51 : i32 to index
      %parallel_loop3A_55 = arith.constant 0 : index
      %parallel_loop3A_56 = tpu.vector_load %arg16[%parallel_loop3A_54, %parallel_loop3A_55] {strides = array<i32>} : memref<128x128xf32, #tpu.memory_space<vmem>>, vector<16xf32>,
      tpu.vector_store %arg16[%parallel_loop3A_54, %parallel_loop3A_55], %parallel_loop3A_53 {strides = array<i32>} : memref<128x128xf32, #tpu.memory_space<vmem>>, vector<16xf32>,
      %parallel_loop3A_57 = arith.constant 0.000000e+00 : f32
      %parallel_loop3A_58 = vector.broadcast %parallel_loop3A_57 : f32 to vector<16xf32>
      %parallel_loop3A_59 = arith.index_cast %parallel_loop3A_51 : i32 to index
      %parallel_loop3A_60 = arith.constant 16 : index
      %parallel_loop3A_61 = tpu.vector_load %arg16[%parallel_loop3A_59, %parallel_loop3A_60] {strides = array<i32>} : memref<128x128xf32, #tpu.memory_space<vmem>>, vector<16xf32>,
      tpu.vector_store %arg16[%parallel_loop3A_59, %parallel_loop3A_60], %parallel_loop3A_58 {strides = array<i32>} : memref<128x128xf32, #tpu.memory_space<vmem>>, vector<16xf32>,
      %parallel_loop3A_62 = arith.constant 0.000000e+00 : f32
      %parallel_loop3A_63 = vector.broadcast %parallel_loop3A_62 : f32 to vector<16xf32>
      %parallel_loop3A_64 = arith.index_cast %parallel_loop3A_51 : i32 to index
      %parallel_loop3A_65 = arith.constant 32 : index
      %parallel_loop3A_66 = tpu.vector_load %arg16[%parallel_loop3A_64, %parallel_loop3A_65] {strides = array<i32>} : memref<128x128xf32, #tpu.memory_space<vmem>>, vector<16xf32>,
      tpu.vector_store %arg16[%parallel_loop3A_64, %parallel_loop3A_65], %parallel_loop3A_63 {strides = array<i32>} : memref<128x128xf32, #tpu.memory_space<vmem>>, vector<16xf32>,
      %parallel_loop3A_67 = arith.constant 0.000000e+00 : f32
      %parallel_loop3A_68 = vector.broadcast %parallel_loop3A_67 : f32 to vector<16xf32>
      %parallel_loop3A_69 = arith.index_cast %parallel_loop3A_51 : i32 to index
      %parallel_loop3A_70 = arith.constant 48 : index
      %parallel_loop3A_71 = tpu.vector_load %arg16[%parallel_loop3A_69, %parallel_loop3A_70] {strides = array<i32>} : memref<128x128xf32, #tpu.memory_space<vmem>>, vector<16xf32>,
      tpu.vector_store %arg16[%parallel_loop3A_69, %parallel_loop3A_70], %parallel_loop3A_68 {strides = array<i32>} : memref<128x128xf32, #tpu.memory_space<vmem>>, vector<16xf32>,
      %parallel_loop3A_72 = arith.constant 0.000000e+00 : f32
      %parallel_loop3A_73 = vector.broadcast %parallel_loop3A_72 : f32 to vector<16xf32>
      %parallel_loop3A_74 = arith.index_cast %parallel_loop3A_51 : i32 to index
      %parallel_loop3A_75 = arith.constant 64 : index
      %parallel_loop3A_76 = tpu.vector_load %arg16[%parallel_loop3A_74, %parallel_loop3A_75] {strides = array<i32>} : memref<128x128xf32, #tpu.memory_space<vmem>>, vector<16xf32>,
      tpu.vector_store %arg16[%parallel_loop3A_74, %parallel_loop3A_75], %parallel_loop3A_73 {strides = array<i32>} : memref<128x128xf32, #tpu.memory_space<vmem>>, vector<16xf32>,
      %parallel_loop3A_77 = arith.constant 0.000000e+00 : f32
      %parallel_loop3A_78 = vector.broadcast %parallel_loop3A_77 : f32 to vector<16xf32>
      %parallel_loop3A_79 = arith.index_cast %parallel_loop3A_51 : i32 to index
      %parallel_loop3A_80 = arith.constant 80 : index
      %parallel_loop3A_81 = tpu.vector_load %arg16[%parallel_loop3A_79, %parallel_loop3A_80] {strides = array<i32>} : memref<128x128xf32, #tpu.memory_space<vmem>>, vector<16xf32>,
      tpu.vector_store %arg16[%parallel_loop3A_79, %parallel_loop3A_80], %parallel_loop3A_78 {strides = array<i32>} : memref<128x128xf32, #tpu.memory_space<vmem>>, vector<16xf32>,
      %parallel_loop3A_82 = arith.constant 0.000000e+00 : f32
      %parallel_loop3A_83 = vector.broadcast %parallel_loop3A_82 : f32 to vector<16xf32>
      %parallel_loop3A_84 = arith.index_cast %parallel_loop3A_51 : i32 to index
      %parallel_loop3A_85 = arith.constant 96 : index
      %parallel_loop3A_86 = tpu.vector_load %arg16[%parallel_loop3A_84, %parallel_loop3A_85] {strides = array<i32>} : memref<128x128xf32, #tpu.memory_space<vmem>>, vector<16xf32>,
      tpu.vector_store %arg16[%parallel_loop3A_84, %parallel_loop3A_85], %parallel_loop3A_83 {strides = array<i32>} : memref<128x128xf32, #tpu.memory_space<vmem>>, vector<16xf32>,
      %parallel_loop3A_87 = arith.constant 0.000000e+00 : f32
      %parallel_loop3A_88 = vector.broadcast %parallel_loop3A_87 : f32 to vector<16xf32>
      %parallel_loop3A_89 = arith.index_cast %parallel_loop3A_51 : i32 to index
      %parallel_loop3A_90 = arith.constant 112 : index
      %parallel_loop3A_91 = tpu.vector_load %arg16[%parallel_loop3A_89, %parallel_loop3A_90] {strides = array<i32>} : memref<128x128xf32, #tpu.memory_space<vmem>>, vector<16xf32>,
      tpu.vector_store %arg16[%parallel_loop3A_89, %parallel_loop3A_90], %parallel_loop3A_88 {strides = array<i32>} : memref<128x128xf32, #tpu.memory_space<vmem>>, vector<16xf32>,
    } {sc.loop_unroll_factor = 4 : i64, sc.parallel_access}
    %mul3A_3 = arith.constant 256 : i32
    %mul3A_4 = arith.muli %arg1, %mul3A_3 : i32
    %add3A_5 = arith.constant 0 : i32
    %add3A_6 = arith.addi %mul3A_4, %add3A_5 : i32
    "tpu.region"() ({
      %run_scoped3A = tpu.sem_alloc : memref<!tpu.dma_semaphore, #tpu.memory_space<semaphore_mem>>
      %dma_start3A_51 = arith.constant 0 : i32
      %dma_start3A_52 = tpu.memref_slice %arg18[%add3A_6, %dma_start3A_51] : memref<4096x128xf32, #tpu.memory_space<vmem_shared>> -> memref<128x128xf32, #tpu.memory_space<vmem_shared>>
      %dma_start3A_53 = arith.constant 0 : i32
      %dma_start3A_54 = tpu.memref_slice %arg18[%add3A_6, %dma_start3A_53] : memref<4096x128xf32, #tpu.memory_space<vmem_shared>> -> memref<128x128xf32, #tpu.memory_space<vmem_shared>>
      tpu.enqueue_dma source(%arg16 : memref<128x128xf32, #tpu.memory_space<vmem>>) target(%dma_start3A_54 : memref<128x128xf32, #tpu.memory_space<vmem_shared>>) target_semaphore(%run_scoped3A : memref<!tpu.dma_semaphore, #tpu.memory_space<semaphore_mem>>)
      %dma_wait3A_55 = arith.constant 0 : i32
      %dma_wait3A_56 = tpu.memref_slice %arg18[%add3A_6, %dma_wait3A_55] : memref<4096x128xf32, #tpu.memory_space<vmem_shared>> -> memref<128x128xf32, #tpu.memory_space<vmem_shared>>
      %dma_wait3A_57 = arith.constant 0 : i32
      %dma_wait3A_58 = tpu.memref_slice %arg18[%add3A_6, %dma_wait3A_57] : memref<4096x128xf32, #tpu.memory_space<vmem_shared>> -> memref<128x128xf32, #tpu.memory_space<vmem_shared>>
      tpu.wait_dma2 semaphore(%run_scoped3A : memref<!tpu.dma_semaphore, #tpu.memory_space<semaphore_mem>>) src(%arg16 : memref<128x128xf32, #tpu.memory_space<vmem>>) dst(%dma_wait3A_58 : memref<128x128xf32, #tpu.memory_space<vmem_shared>>)
      tpu.yield
    }) : () -> ()
    %mul3A_7 = arith.constant 256 : i32
    %mul3A_8 = arith.muli %arg1, %mul3A_7 : i32
    %add3A_9 = arith.constant 128 : i32
    %add3A_10 = arith.addi %mul3A_8, %add3A_9 : i32
    "tpu.region"() ({
      %run_scoped3A = tpu.sem_alloc : memref<!tpu.dma_semaphore, #tpu.memory_space<semaphore_mem>>
      %dma_start3A_51 = arith.constant 0 : i32
      %dma_start3A_52 = tpu.memref_slice %arg18[%add3A_10, %dma_start3A_51] : memref<4096x128xf32, #tpu.memory_space<vmem_shared>> -> memref<128x128xf32, #tpu.memory_space<vmem_shared>>
      %dma_start3A_53 = arith.constant 0 : i32
      %dma_start3A_54 = tpu.memref_slice %arg18[%add3A_10, %dma_start3A_53] : memref<4096x128xf32, #tpu.memory_space<vmem_shared>> -> memref<128x128xf32, #tpu.memory_space<vmem_shared>>
      tpu.enqueue_dma source(%arg16 : memref<128x128xf32, #tpu.memory_space<vmem>>) target(%dma_start3A_54 : memref<128x128xf32, #tpu.memory_space<vmem_shared>>) target_semaphore(%run_scoped3A : memref<!tpu.dma_semaphore, #tpu.memory_space<semaphore_mem>>)
      %dma_wait3A_55 = arith.constant 0 : i32
      %dma_wait3A_56 = tpu.memref_slice %arg18[%add3A_10, %dma_wait3A_55] : memref<4096x128xf32, #tpu.memory_space<vmem_shared>> -> memref<128x128xf32, #tpu.memory_space<vmem_shared>>
      %dma_wait3A_57 = arith.constant 0 : i32
      %dma_wait3A_58 = tpu.memref_slice %arg18[%add3A_10, %dma_wait3A_57] : memref<4096x128xf32, #tpu.memory_space<vmem_shared>> -> memref<128x128xf32, #tpu.memory_space<vmem_shared>>
      tpu.wait_dma2 semaphore(%run_scoped3A : memref<!tpu.dma_semaphore, #tpu.memory_space<semaphore_mem>>) src(%arg16 : memref<128x128xf32, #tpu.memory_space<vmem>>) dst(%dma_wait3A_58 : memref<128x128xf32, #tpu.memory_space<vmem_shared>>)
      tpu.yield
    }) : () -> ()
    %parallel_loop3A_11 = arith.constant 0 : i32
    %parallel_loop3A_12 = arith.constant 256 : i32
    %parallel_loop3A_13 = arith.constant 1 : i32
    scf.for %parallel_loop3A_51 = %parallel_loop3A_11 to %parallel_loop3A_12 step %parallel_loop3A_13  : i32 {
      %parallel_loop3A_52 = arith.constant 0.000000e+00 : f32
      %parallel_loop3A_53 = vector.broadcast %parallel_loop3A_52 : f32 to vector<16xf32>
      %parallel_loop3A_54 = arith.constant 16 : i32
      %parallel_loop3A_55 = arith.muli %parallel_loop3A_51, %parallel_loop3A_54 : i32
      %parallel_loop3A_56 = arith.index_cast %parallel_loop3A_55 : i32 to index
      %parallel_loop3A_57 = tpu.vector_load %arg19[%parallel_loop3A_56] {strides = array<i32>} : memref<4096xf32, #tpu.memory_space<vmem>>, vector<16xf32>,
      tpu.vector_store %arg19[%parallel_loop3A_56], %parallel_loop3A_53 {strides = array<i32>} : memref<4096xf32, #tpu.memory_space<vmem>>, vector<16xf32>,
    } {sc.loop_unroll_factor = 4 : i64, sc.parallel_access}
    %mul3A_14 = arith.constant 32 : i32
    %mul3A_15 = arith.muli %add3A, %mul3A_14 : i32
    "tpu.region"() ({
      %run_scoped3A = tpu.sem_alloc : memref<!tpu.dma_semaphore, #tpu.memory_space<semaphore_mem>>
      %dma_start3A_51 = arith.constant 0 : i32
      %dma_start3A_52 = tpu.memref_slice %arg2[%mul3A_15, %dma_start3A_51] : memref<1024x128xi32, #tpu.memory_space<hbm>> -> memref<32x128xi32, #tpu.memory_space<hbm>>
      %dma_start3A_53 = arith.constant 0 : i32
      %dma_start3A_54 = tpu.memref_slice %arg2[%mul3A_15, %dma_start3A_53] : memref<1024x128xi32, #tpu.memory_space<hbm>> -> memref<32x128xi32, #tpu.memory_space<hbm>>
      tpu.enqueue_dma source(%dma_start3A_54 : memref<32x128xi32, #tpu.memory_space<hbm>>) target(%arg9 : memref<32x128xi32, #tpu.memory_space<vmem>>) target_semaphore(%run_scoped3A : memref<!tpu.dma_semaphore, #tpu.memory_space<semaphore_mem>>)
      %dma_wait3A_55 = arith.constant 0 : i32
      %dma_wait3A_56 = tpu.memref_slice %arg2[%mul3A_15, %dma_wait3A_55] : memref<1024x128xi32, #tpu.memory_space<hbm>> -> memref<32x128xi32, #tpu.memory_space<hbm>>
      %dma_wait3A_57 = arith.constant 0 : i32
      %dma_wait3A_58 = tpu.memref_slice %arg2[%mul3A_15, %dma_wait3A_57] : memref<1024x128xi32, #tpu.memory_space<hbm>> -> memref<32x128xi32, #tpu.memory_space<hbm>>
      tpu.wait_dma2 semaphore(%run_scoped3A : memref<!tpu.dma_semaphore, #tpu.memory_space<semaphore_mem>>) src(%dma_wait3A_58 : memref<32x128xi32, #tpu.memory_space<hbm>>) dst(%arg9 : memref<32x128xi32, #tpu.memory_space<vmem>>)
      tpu.yield
    }) : () -> ()
    %mul3A_16 = arith.constant 32 : i32
    %mul3A_17 = arith.muli %add3A, %mul3A_16 : i32
    "tpu.region"() ({
      %run_scoped3A = tpu.sem_alloc : memref<!tpu.dma_semaphore, #tpu.memory_space<semaphore_mem>>
      %dma_start3A_51 = arith.constant 0 : i32
      %dma_start3A_52 = tpu.memref_slice %arg3[%mul3A_17, %dma_start3A_51] : memref<1024x128xi32, #tpu.memory_space<hbm>> -> memref<32x128xi32, #tpu.memory_space<hbm>>
      %dma_start3A_53 = arith.constant 0 : i32
      %dma_start3A_54 = tpu.memref_slice %arg3[%mul3A_17, %dma_start3A_53] : memref<1024x128xi32, #tpu.memory_space<hbm>> -> memref<32x128xi32, #tpu.memory_space<hbm>>
      tpu.enqueue_dma source(%dma_start3A_54 : memref<32x128xi32, #tpu.memory_space<hbm>>) target(%arg10 : memref<32x128xi32, #tpu.memory_space<vmem>>) target_semaphore(%run_scoped3A : memref<!tpu.dma_semaphore, #tpu.memory_space<semaphore_mem>>)
      %dma_wait3A_55 = arith.constant 0 : i32
      %dma_wait3A_56 = tpu.memref_slice %arg3[%mul3A_17, %dma_wait3A_55] : memref<1024x128xi32, #tpu.memory_space<hbm>> -> memref<32x128xi32, #tpu.memory_space<hbm>>
      %dma_wait3A_57 = arith.constant 0 : i32
      %dma_wait3A_58 = tpu.memref_slice %arg3[%mul3A_17, %dma_wait3A_57] : memref<1024x128xi32, #tpu.memory_space<hbm>> -> memref<32x128xi32, #tpu.memory_space<hbm>>
      tpu.wait_dma2 semaphore(%run_scoped3A : memref<!tpu.dma_semaphore, #tpu.memory_space<semaphore_mem>>) src(%dma_wait3A_58 : memref<32x128xi32, #tpu.memory_space<hbm>>) dst(%arg10 : memref<32x128xi32, #tpu.memory_space<vmem>>)
      tpu.yield
    }) : () -> ()
    %mul3A_18 = arith.constant 32 : i32
    %mul3A_19 = arith.muli %add3A, %mul3A_18 : i32
    "tpu.region"() ({
      %run_scoped3A = tpu.sem_alloc : memref<!tpu.dma_semaphore, #tpu.memory_space<semaphore_mem>>
      %dma_start3A_51 = arith.constant 0 : i32
      %dma_start3A_52 = tpu.memref_slice %arg4[%mul3A_19, %dma_start3A_51] : memref<1024x128xf32, #tpu.memory_space<hbm>> -> memref<32x128xf32, #tpu.memory_space<hbm>>
      %dma_start3A_53 = arith.constant 0 : i32
      %dma_start3A_54 = tpu.memref_slice %arg4[%mul3A_19, %dma_start3A_53] : memref<1024x128xf32, #tpu.memory_space<hbm>> -> memref<32x128xf32, #tpu.memory_space<hbm>>
      tpu.enqueue_dma source(%dma_start3A_54 : memref<32x128xf32, #tpu.memory_space<hbm>>) target(%arg11 : memref<32x128xf32, #tpu.memory_space<vmem>>) target_semaphore(%run_scoped3A : memref<!tpu.dma_semaphore, #tpu.memory_space<semaphore_mem>>)
      %dma_wait3A_55 = arith.constant 0 : i32
      %dma_wait3A_56 = tpu.memref_slice %arg4[%mul3A_19, %dma_wait3A_55] : memref<1024x128xf32, #tpu.memory_space<hbm>> -> memref<32x128xf32, #tpu.memory_space<hbm>>
      %dma_wait3A_57 = arith.constant 0 : i32
      %dma_wait3A_58 = tpu.memref_slice %arg4[%mul3A_19, %dma_wait3A_57] : memref<1024x128xf32, #tpu.memory_space<hbm>> -> memref<32x128xf32, #tpu.memory_space<hbm>>
      tpu.wait_dma2 semaphore(%run_scoped3A : memref<!tpu.dma_semaphore, #tpu.memory_space<semaphore_mem>>) src(%dma_wait3A_58 : memref<32x128xf32, #tpu.memory_space<hbm>>) dst(%arg11 : memref<32x128xf32, #tpu.memory_space<vmem>>)
      tpu.yield
    }) : () -> ()
    %barrier3A = arith.constant 0 : index
    tpu.barrier barrier_id(%barrier3A)
    %dma_start3A = arith.constant 0 : i32
    %dma_start3A_20 = arith.constant 0 : i32
    %dma_start3A_21 = tpu.memref_slice %arg10[%dma_start3A, %dma_start3A_20] : memref<32x128xi32, #tpu.memory_space<vmem>> -> memref<1x128xi32, #tpu.memory_space<vmem>>
    %dma_start3A_22 = tpu.memref_squeeze %dma_start3A_21 : memref<1x128xi32, #tpu.memory_space<vmem>> -> memref<128xi32, #tpu.memory_space<vmem>>
    %dma_start3A_23 = arith.constant 0 : i32
    %dma_start3A_24 = arith.constant 0 : i32
    %dma_start3A_25 = tpu.memref_slice %arg6[%dma_start3A_23, %dma_start3A_24] : memref<4096x128xf32, #tpu.memory_space<hbm>> -> memref<4096x128xf32, #tpu.memory_space<hbm>>
    tpu.enqueue_indirect_dma source(%dma_start3A_25 : memref<4096x128xf32, #tpu.memory_space<hbm>>) target(%arg14 : memref<128x128xf32, #tpu.memory_space<vmem>>) offsets(%dma_start3A_22 : memref<128xi32, #tpu.memory_space<vmem>>) semaphore(%arg20 : memref<!tpu.dma_semaphore, #tpu.memory_space<semaphore_mem>>)
    %mul3A_26 = arith.constant 32 : i32
    %mul3A_27 = arith.muli %add3A, %mul3A_26 : i32
    %add3A_28 = arith.constant 0 : i32
    %add3A_29 = arith.addi %mul3A_27, %add3A_28 : i32
    %dma_start3A_30 = arith.constant 0 : i32
    %dma_start3A_31 = arith.constant 0 : i32
    %dma_start3A_32 = tpu.memref_slice %arg5[%add3A_29, %dma_start3A_30, %dma_start3A_31] : memref<1024x16x128xf32, #tpu.memory_space<hbm>> -> memref<1x16x128xf32, #tpu.memory_space<hbm>>
    %dma_start3A_33 = arith.constant 0 : i32
    %dma_start3A_34 = arith.constant 0 : i32
    %dma_start3A_35 = tpu.memref_slice %arg5[%add3A_29, %dma_start3A_33, %dma_start3A_34] : memref<1024x16x128xf32, #tpu.memory_space<hbm>> -> memref<1x16x128xf32, #tpu.memory_space<hbm>>
    tpu.enqueue_dma source(%dma_start3A_35 : memref<1x16x128xf32, #tpu.memory_space<hbm>>) target(%arg12 : memref<1x16x128xf32, #tpu.memory_space<vmem>>) target_semaphore(%arg20 : memref<!tpu.dma_semaphore, #tpu.memory_space<semaphore_mem>>)
    %scan3A = arith.constant 0 : i32
    %scan3A_36 = arith.constant 16 : i32
    %scan3A_37 = arith.addi %scan3A, %scan3A_36 : i32
    %scan3A_38 = arith.constant 1 : i32
    scf.for %scan3A_51 = %scan3A to %scan3A_37 step %scan3A_38  : i32 {
      %mul3A_52 = arith.constant 1 : i32
      %mul3A_53 = arith.muli %scan3A_51, %mul3A_52 : i32
      %add3A_54 = arith.constant 0 : i32
      %add3A_55 = arith.addi %add3A_54, %mul3A_53 : i32
      %mul3A_56 = arith.constant 2 : i32
      %mul3A_57 = arith.muli %add3A_55, %mul3A_56 : i32
      %add3A_58 = arith.constant 1 : i32
      %add3A_59 = arith.addi %mul3A_57, %add3A_58 : i32
      %gt3A = arith.constant 0 : i32
      %gt3A_60 = arith.cmpi sgt, %add3A_55, %gt3A : i32
      %convert_element_type3A = arith.extui %gt3A_60 : i1 to i32
      %cond3A = arith.constant 0 : i32
      %cond3A_61 = arith.cmpi ne, %convert_element_type3A, %cond3A : i32
      scf.if %cond3A_61 {
        %sub3A = arith.constant 1 : i32
        %sub3A_230 = arith.subi %mul3A_57, %sub3A : i32
        %dma_wait3A_231 = arith.constant 0 : i32
        %dma_wait3A_232 = tpu.memref_slice %arg9[%sub3A_230, %dma_wait3A_231] : memref<32x128xi32, #tpu.memory_space<vmem>> -> memref<1x128xi32, #tpu.memory_space<vmem>>
        %dma_wait3A_233 = tpu.memref_squeeze %dma_wait3A_232 : memref<1x128xi32, #tpu.memory_space<vmem>> -> memref<128xi32, #tpu.memory_space<vmem>>
        %dma_wait3A_234 = arith.constant 0 : i32
        %dma_wait3A_235 = arith.constant 0 : i32
        %dma_wait3A_236 = tpu.memref_slice %arg18[%dma_wait3A_234, %dma_wait3A_235] : memref<4096x128xf32, #tpu.memory_space<vmem_shared>> -> memref<4096x128xf32, #tpu.memory_space<vmem_shared>>
        tpu.wait_indirect_dma semaphore(%arg23 : memref<!tpu.dma_semaphore, #tpu.memory_space<semaphore_mem>>) src(%arg17 : memref<128x128xf32, #tpu.memory_space<vmem>>) dst(%dma_wait3A_236 : memref<4096x128xf32, #tpu.memory_space<vmem_shared>>)
      } else {
      }
      %dma_start3A_62 = arith.constant 0 : i32
      %dma_start3A_63 = tpu.memref_slice %arg10[%add3A_59, %dma_start3A_62] : memref<32x128xi32, #tpu.memory_space<vmem>> -> memref<1x128xi32, #tpu.memory_space<vmem>>
      %dma_start3A_64 = tpu.memref_squeeze %dma_start3A_63 : memref<1x128xi32, #tpu.memory_space<vmem>> -> memref<128xi32, #tpu.memory_space<vmem>>
      %dma_start3A_65 = arith.constant 0 : i32
      %dma_start3A_66 = arith.constant 0 : i32
      %dma_start3A_67 = tpu.memref_slice %arg6[%dma_start3A_65, %dma_start3A_66] : memref<4096x128xf32, #tpu.memory_space<hbm>> -> memref<4096x128xf32, #tpu.memory_space<hbm>>
      tpu.enqueue_indirect_dma source(%dma_start3A_67 : memref<4096x128xf32, #tpu.memory_space<hbm>>) target(%arg15 : memref<128x128xf32, #tpu.memory_space<vmem>>) offsets(%dma_start3A_64 : memref<128xi32, #tpu.memory_space<vmem>>) semaphore(%arg21 : memref<!tpu.dma_semaphore, #tpu.memory_space<semaphore_mem>>)
      %mul3A_68 = arith.constant 32 : i32
      %mul3A_69 = arith.muli %add3A, %mul3A_68 : i32
      %add3A_70 = arith.addi %mul3A_69, %add3A_59 : i32
      %dma_start3A_71 = arith.constant 0 : i32
      %dma_start3A_72 = arith.constant 0 : i32
      %dma_start3A_73 = tpu.memref_slice %arg5[%add3A_70, %dma_start3A_71, %dma_start3A_72] : memref<1024x16x128xf32, #tpu.memory_space<hbm>> -> memref<1x16x128xf32, #tpu.memory_space<hbm>>
      %dma_start3A_74 = arith.constant 0 : i32
      %dma_start3A_75 = arith.constant 0 : i32
      %dma_start3A_76 = tpu.memref_slice %arg5[%add3A_70, %dma_start3A_74, %dma_start3A_75] : memref<1024x16x128xf32, #tpu.memory_space<hbm>> -> memref<1x16x128xf32, #tpu.memory_space<hbm>>
      tpu.enqueue_dma source(%dma_start3A_76 : memref<1x16x128xf32, #tpu.memory_space<hbm>>) target(%arg13 : memref<1x16x128xf32, #tpu.memory_space<vmem>>) target_semaphore(%arg21 : memref<!tpu.dma_semaphore, #tpu.memory_space<semaphore_mem>>)
      %dma_wait3A_77 = arith.constant 0 : i32
      %dma_wait3A_78 = tpu.memref_slice %arg10[%mul3A_57, %dma_wait3A_77] : memref<32x128xi32, #tpu.memory_space<vmem>> -> memref<1x128xi32, #tpu.memory_space<vmem>>
      %dma_wait3A_79 = tpu.memref_squeeze %dma_wait3A_78 : memref<1x128xi32, #tpu.memory_space<vmem>> -> memref<128xi32, #tpu.memory_space<vmem>>
      %dma_wait3A_80 = arith.constant 0 : i32
      %dma_wait3A_81 = arith.constant 0 : i32
      %dma_wait3A_82 = tpu.memref_slice %arg6[%dma_wait3A_80, %dma_wait3A_81] : memref<4096x128xf32, #tpu.memory_space<hbm>> -> memref<4096x128xf32, #tpu.memory_space<hbm>>
      tpu.wait_indirect_dma semaphore(%arg20 : memref<!tpu.dma_semaphore, #tpu.memory_space<semaphore_mem>>) src(%dma_wait3A_82 : memref<4096x128xf32, #tpu.memory_space<hbm>>) dst(%arg14 : memref<128x128xf32, #tpu.memory_space<vmem>>)
      %mul3A_83 = arith.constant 32 : i32
      %mul3A_84 = arith.muli %add3A, %mul3A_83 : i32
      %add3A_85 = arith.addi %mul3A_84, %mul3A_57 : i32
      %dma_wait3A_86 = arith.constant 0 : i32
      %dma_wait3A_87 = arith.constant 0 : i32
      %dma_wait3A_88 = tpu.memref_slice %arg5[%add3A_85, %dma_wait3A_86, %dma_wait3A_87] : memref<1024x16x128xf32, #tpu.memory_space<hbm>> -> memref<1x16x128xf32, #tpu.memory_space<hbm>>
      %dma_wait3A_89 = arith.constant 0 : i32
      %dma_wait3A_90 = arith.constant 0 : i32
      %dma_wait3A_91 = tpu.memref_slice %arg5[%add3A_85, %dma_wait3A_89, %dma_wait3A_90] : memref<1024x16x128xf32, #tpu.memory_space<hbm>> -> memref<1x16x128xf32, #tpu.memory_space<hbm>>
      tpu.wait_dma2 semaphore(%arg20 : memref<!tpu.dma_semaphore, #tpu.memory_space<semaphore_mem>>) src(%dma_wait3A_91 : memref<1x16x128xf32, #tpu.memory_space<hbm>>) dst(%arg12 : memref<1x16x128xf32, #tpu.memory_space<vmem>>)
      %parallel_loop3A_92 = arith.constant 0 : i32
      %parallel_loop3A_93 = arith.constant 16 : i32
      %parallel_loop3A_94 = arith.constant 1 : i32
      scf.for %parallel_loop3A_230 = %parallel_loop3A_92 to %parallel_loop3A_93 step %parallel_loop3A_94  : i32 {
        %parallel_loop3A_231 = arith.constant 8 : i32
        %parallel_loop3A_232 = arith.muli %parallel_loop3A_230, %parallel_loop3A_231 : i32
        %parallel_loop3A_233 = arith.constant 0 : i32
        %parallel_loop3A_234 = arith.addi %parallel_loop3A_232, %parallel_loop3A_233 : i32
        %parallel_loop3A_235 = arith.constant 0 : i32
        %parallel_loop3A_236 = arith.index_cast %parallel_loop3A_235 : i32 to index
        %parallel_loop3A_237 = arith.index_cast %parallel_loop3A_230 : i32 to index
        %parallel_loop3A_238 = arith.constant 0 : index
        %parallel_loop3A_239 = tpu.vector_load %arg12[%parallel_loop3A_236, %parallel_loop3A_237, %parallel_loop3A_238] {strides = array<i32>} : memref<1x16x128xf32, #tpu.memory_space<vmem>>, vector<16xf32>,
        %parallel_loop3A_240 = arith.index_cast %parallel_loop3A_234 : i32 to index
        %parallel_loop3A_241 = arith.constant 0 : index
        %parallel_loop3A_242 = tpu.vector_load %arg14[%parallel_loop3A_240, %parallel_loop3A_241] {strides = array<i32>} : memref<128x128xf32, #tpu.memory_space<vmem>>, vector<16xf32>,
        %parallel_loop3A_243 = arith.mulf %parallel_loop3A_242, %parallel_loop3A_239 : vector<16xf32>
        %parallel_loop3A_244 = arith.index_cast %parallel_loop3A_234 : i32 to index
        %parallel_loop3A_245 = arith.constant 0 : index
        %parallel_loop3A_246 = tpu.vector_load %arg16[%parallel_loop3A_244, %parallel_loop3A_245] {strides = array<i32>} : memref<128x128xf32, #tpu.memory_space<vmem>>, vector<16xf32>,
        tpu.vector_store %arg16[%parallel_loop3A_244, %parallel_loop3A_245], %parallel_loop3A_243 {strides = array<i32>} : memref<128x128xf32, #tpu.memory_space<vmem>>, vector<16xf32>,
        %parallel_loop3A_247 = arith.index_cast %parallel_loop3A_234 : i32 to index
        %parallel_loop3A_248 = arith.constant 16 : index
        %parallel_loop3A_249 = tpu.vector_load %arg14[%parallel_loop3A_247, %parallel_loop3A_248] {strides = array<i32>} : memref<128x128xf32, #tpu.memory_space<vmem>>, vector<16xf32>,
        %parallel_loop3A_250 = arith.mulf %parallel_loop3A_249, %parallel_loop3A_239 : vector<16xf32>
        %parallel_loop3A_251 = arith.index_cast %parallel_loop3A_234 : i32 to index
        %parallel_loop3A_252 = arith.constant 16 : index
        %parallel_loop3A_253 = tpu.vector_load %arg16[%parallel_loop3A_251, %parallel_loop3A_252] {strides = array<i32>} : memref<128x128xf32, #tpu.memory_space<vmem>>, vector<16xf32>,
        tpu.vector_store %arg16[%parallel_loop3A_251, %parallel_loop3A_252], %parallel_loop3A_250 {strides = array<i32>} : memref<128x128xf32, #tpu.memory_space<vmem>>, vector<16xf32>,
        %parallel_loop3A_254 = arith.index_cast %parallel_loop3A_234 : i32 to index
        %parallel_loop3A_255 = arith.constant 32 : index
        %parallel_loop3A_256 = tpu.vector_load %arg14[%parallel_loop3A_254, %parallel_loop3A_255] {strides = array<i32>} : memref<128x128xf32, #tpu.memory_space<vmem>>, vector<16xf32>,
        %parallel_loop3A_257 = arith.mulf %parallel_loop3A_256, %parallel_loop3A_239 : vector<16xf32>
        %parallel_loop3A_258 = arith.index_cast %parallel_loop3A_234 : i32 to index
        %parallel_loop3A_259 = arith.constant 32 : index
        %parallel_loop3A_260 = tpu.vector_load %arg16[%parallel_loop3A_258, %parallel_loop3A_259] {strides = array<i32>} : memref<128x128xf32, #tpu.memory_space<vmem>>, vector<16xf32>,
        tpu.vector_store %arg16[%parallel_loop3A_258, %parallel_loop3A_259], %parallel_loop3A_257 {strides = array<i32>} : memref<128x128xf32, #tpu.memory_space<vmem>>, vector<16xf32>,
        %parallel_loop3A_261 = arith.index_cast %parallel_loop3A_234 : i32 to index
        %parallel_loop3A_262 = arith.constant 48 : index
        %parallel_loop3A_263 = tpu.vector_load %arg14[%parallel_loop3A_261, %parallel_loop3A_262] {strides = array<i32>} : memref<128x128xf32, #tpu.memory_space<vmem>>, vector<16xf32>,
        %parallel_loop3A_264 = arith.mulf %parallel_loop3A_263, %parallel_loop3A_239 : vector<16xf32>
        %parallel_loop3A_265 = arith.index_cast %parallel_loop3A_234 : i32 to index
        %parallel_loop3A_266 = arith.constant 48 : index
        %parallel_loop3A_267 = tpu.vector_load %arg16[%parallel_loop3A_265, %parallel_loop3A_266] {strides = array<i32>} : memref<128x128xf32, #tpu.memory_space<vmem>>, vector<16xf32>,
        tpu.vector_store %arg16[%parallel_loop3A_265, %parallel_loop3A_266], %parallel_loop3A_264 {strides = array<i32>} : memref<128x128xf32, #tpu.memory_space<vmem>>, vector<16xf32>,
        %parallel_loop3A_268 = arith.index_cast %parallel_loop3A_234 : i32 to index
        %parallel_loop3A_269 = arith.constant 64 : index
        %parallel_loop3A_270 = tpu.vector_load %arg14[%parallel_loop3A_268, %parallel_loop3A_269] {strides = array<i32>} : memref<128x128xf32, #tpu.memory_space<vmem>>, vector<16xf32>,
        %parallel_loop3A_271 = arith.mulf %parallel_loop3A_270, %parallel_loop3A_239 : vector<16xf32>
        %parallel_loop3A_272 = arith.index_cast %parallel_loop3A_234 : i32 to index
        %parallel_loop3A_273 = arith.constant 64 : index
        %parallel_loop3A_274 = tpu.vector_load %arg16[%parallel_loop3A_272, %parallel_loop3A_273] {strides = array<i32>} : memref<128x128xf32, #tpu.memory_space<vmem>>, vector<16xf32>,
        tpu.vector_store %arg16[%parallel_loop3A_272, %parallel_loop3A_273], %parallel_loop3A_271 {strides = array<i32>} : memref<128x128xf32, #tpu.memory_space<vmem>>, vector<16xf32>,
        %parallel_loop3A_275 = arith.index_cast %parallel_loop3A_234 : i32 to index
        %parallel_loop3A_276 = arith.constant 80 : index
        %parallel_loop3A_277 = tpu.vector_load %arg14[%parallel_loop3A_275, %parallel_loop3A_276] {strides = array<i32>} : memref<128x128xf32, #tpu.memory_space<vmem>>, vector<16xf32>,
        %parallel_loop3A_278 = arith.mulf %parallel_loop3A_277, %parallel_loop3A_239 : vector<16xf32>
        %parallel_loop3A_279 = arith.index_cast %parallel_loop3A_234 : i32 to index
        %parallel_loop3A_280 = arith.constant 80 : index
        %parallel_loop3A_281 = tpu.vector_load %arg16[%parallel_loop3A_279, %parallel_loop3A_280] {strides = array<i32>} : memref<128x128xf32, #tpu.memory_space<vmem>>, vector<16xf32>,
        tpu.vector_store %arg16[%parallel_loop3A_279, %parallel_loop3A_280], %parallel_loop3A_278 {strides = array<i32>} : memref<128x128xf32, #tpu.memory_space<vmem>>, vector<16xf32>,
        %parallel_loop3A_282 = arith.index_cast %parallel_loop3A_234 : i32 to index
        %parallel_loop3A_283 = arith.constant 96 : index
        %parallel_loop3A_284 = tpu.vector_load %arg14[%parallel_loop3A_282, %parallel_loop3A_283] {strides = array<i32>} : memref<128x128xf32, #tpu.memory_space<vmem>>, vector<16xf32>,
        %parallel_loop3A_285 = arith.mulf %parallel_loop3A_284, %parallel_loop3A_239 : vector<16xf32>
        %parallel_loop3A_286 = arith.index_cast %parallel_loop3A_234 : i32 to index
        %parallel_loop3A_287 = arith.constant 96 : index
        %parallel_loop3A_288 = tpu.vector_load %arg16[%parallel_loop3A_286, %parallel_loop3A_287] {strides = array<i32>} : memref<128x128xf32, #tpu.memory_space<vmem>>, vector<16xf32>,
        tpu.vector_store %arg16[%parallel_loop3A_286, %parallel_loop3A_287], %parallel_loop3A_285 {strides = array<i32>} : memref<128x128xf32, #tpu.memory_space<vmem>>, vector<16xf32>,
        %parallel_loop3A_289 = arith.index_cast %parallel_loop3A_234 : i32 to index
        %parallel_loop3A_290 = arith.constant 112 : index
        %parallel_loop3A_291 = tpu.vector_load %arg14[%parallel_loop3A_289, %parallel_loop3A_290] {strides = array<i32>} : memref<128x128xf32, #tpu.memory_space<vmem>>, vector<16xf32>,
        %parallel_loop3A_292 = arith.mulf %parallel_loop3A_291, %parallel_loop3A_239 : vector<16xf32>
        %parallel_loop3A_293 = arith.index_cast %parallel_loop3A_234 : i32 to index
        %parallel_loop3A_294 = arith.constant 112 : index
        %parallel_loop3A_295 = tpu.vector_load %arg16[%parallel_loop3A_293, %parallel_loop3A_294] {strides = array<i32>} : memref<128x128xf32, #tpu.memory_space<vmem>>, vector<16xf32>,
        tpu.vector_store %arg16[%parallel_loop3A_293, %parallel_loop3A_294], %parallel_loop3A_292 {strides = array<i32>} : memref<128x128xf32, #tpu.memory_space<vmem>>, vector<16xf32>,
        %parallel_loop3A_296 = arith.constant 8 : i32
        %parallel_loop3A_297 = arith.muli %parallel_loop3A_230, %parallel_loop3A_296 : i32
        %parallel_loop3A_298 = arith.constant 1 : i32
        %parallel_loop3A_299 = arith.addi %parallel_loop3A_297, %parallel_loop3A_298 : i32
        %parallel_loop3A_300 = arith.constant 0 : i32
        %parallel_loop3A_301 = arith.index_cast %parallel_loop3A_300 : i32 to index
        %parallel_loop3A_302 = arith.index_cast %parallel_loop3A_230 : i32 to index
        %parallel_loop3A_303 = arith.constant 16 : index
        %parallel_loop3A_304 = tpu.vector_load %arg12[%parallel_loop3A_301, %parallel_loop3A_302, %parallel_loop3A_303] {strides = array<i32>} : memref<1x16x128xf32, #tpu.memory_space<vmem>>, vector<16xf32>,
        %parallel_loop3A_305 = arith.index_cast %parallel_loop3A_299 : i32 to index
        %parallel_loop3A_306 = arith.constant 0 : index
        %parallel_loop3A_307 = tpu.vector_load %arg14[%parallel_loop3A_305, %parallel_loop3A_306] {strides = array<i32>} : memref<128x128xf32, #tpu.memory_space<vmem>>, vector<16xf32>,
        %parallel_loop3A_308 = arith.mulf %parallel_loop3A_307, %parallel_loop3A_304 : vector<16xf32>
        %parallel_loop3A_309 = arith.index_cast %parallel_loop3A_299 : i32 to index
        %parallel_loop3A_310 = arith.constant 0 : index
        %parallel_loop3A_311 = tpu.vector_load %arg16[%parallel_loop3A_309, %parallel_loop3A_310] {strides = array<i32>} : memref<128x128xf32, #tpu.memory_space<vmem>>, vector<16xf32>,
        tpu.vector_store %arg16[%parallel_loop3A_309, %parallel_loop3A_310], %parallel_loop3A_308 {strides = array<i32>} : memref<128x128xf32, #tpu.memory_space<vmem>>, vector<16xf32>,
        %parallel_loop3A_312 = arith.index_cast %parallel_loop3A_299 : i32 to index
        %parallel_loop3A_313 = arith.constant 16 : index
        %parallel_loop3A_314 = tpu.vector_load %arg14[%parallel_loop3A_312, %parallel_loop3A_313] {strides = array<i32>} : memref<128x128xf32, #tpu.memory_space<vmem>>, vector<16xf32>,
        %parallel_loop3A_315 = arith.mulf %parallel_loop3A_314, %parallel_loop3A_304 : vector<16xf32>
        %parallel_loop3A_316 = arith.index_cast %parallel_loop3A_299 : i32 to index
        %parallel_loop3A_317 = arith.constant 16 : index
        %parallel_loop3A_318 = tpu.vector_load %arg16[%parallel_loop3A_316, %parallel_loop3A_317] {strides = array<i32>} : memref<128x128xf32, #tpu.memory_space<vmem>>, vector<16xf32>,
        tpu.vector_store %arg16[%parallel_loop3A_316, %parallel_loop3A_317], %parallel_loop3A_315 {strides = array<i32>} : memref<128x128xf32, #tpu.memory_space<vmem>>, vector<16xf32>,
        %parallel_loop3A_319 = arith.index_cast %parallel_loop3A_299 : i32 to index
        %parallel_loop3A_320 = arith.constant 32 : index
        %parallel_loop3A_321 = tpu.vector_load %arg14[%parallel_loop3A_319, %parallel_loop3A_320] {strides = array<i32>} : memref<128x128xf32, #tpu.memory_space<vmem>>, vector<16xf32>,
        %parallel_loop3A_322 = arith.mulf %parallel_loop3A_321, %parallel_loop3A_304 : vector<16xf32>
        %parallel_loop3A_323 = arith.index_cast %parallel_loop3A_299 : i32 to index
        %parallel_loop3A_324 = arith.constant 32 : index
        %parallel_loop3A_325 = tpu.vector_load %arg16[%parallel_loop3A_323, %parallel_loop3A_324] {strides = array<i32>} : memref<128x128xf32, #tpu.memory_space<vmem>>, vector<16xf32>,
        tpu.vector_store %arg16[%parallel_loop3A_323, %parallel_loop3A_324], %parallel_loop3A_322 {strides = array<i32>} : memref<128x128xf32, #tpu.memory_space<vmem>>, vector<16xf32>,
        %parallel_loop3A_326 = arith.index_cast %parallel_loop3A_299 : i32 to index
        %parallel_loop3A_327 = arith.constant 48 : index
        %parallel_loop3A_328 = tpu.vector_load %arg14[%parallel_loop3A_326, %parallel_loop3A_327] {strides = array<i32>} : memref<128x128xf32, #tpu.memory_space<vmem>>, vector<16xf32>,
        %parallel_loop3A_329 = arith.mulf %parallel_loop3A_328, %parallel_loop3A_304 : vector<16xf32>
        %parallel_loop3A_330 = arith.index_cast %parallel_loop3A_299 : i32 to index
        %parallel_loop3A_331 = arith.constant 48 : index
        %parallel_loop3A_332 = tpu.vector_load %arg16[%parallel_loop3A_330, %parallel_loop3A_331] {strides = array<i32>} : memref<128x128xf32, #tpu.memory_space<vmem>>, vector<16xf32>,
        tpu.vector_store %arg16[%parallel_loop3A_330, %parallel_loop3A_331], %parallel_loop3A_329 {strides = array<i32>} : memref<128x128xf32, #tpu.memory_space<vmem>>, vector<16xf32>,
        %parallel_loop3A_333 = arith.index_cast %parallel_loop3A_299 : i32 to index
        %parallel_loop3A_334 = arith.constant 64 : index
        %parallel_loop3A_335 = tpu.vector_load %arg14[%parallel_loop3A_333, %parallel_loop3A_334] {strides = array<i32>} : memref<128x128xf32, #tpu.memory_space<vmem>>, vector<16xf32>,
        %parallel_loop3A_336 = arith.mulf %parallel_loop3A_335, %parallel_loop3A_304 : vector<16xf32>
        %parallel_loop3A_337 = arith.index_cast %parallel_loop3A_299 : i32 to index
        %parallel_loop3A_338 = arith.constant 64 : index
        %parallel_loop3A_339 = tpu.vector_load %arg16[%parallel_loop3A_337, %parallel_loop3A_338] {strides = array<i32>} : memref<128x128xf32, #tpu.memory_space<vmem>>, vector<16xf32>,
        tpu.vector_store %arg16[%parallel_loop3A_337, %parallel_loop3A_338], %parallel_loop3A_336 {strides = array<i32>} : memref<128x128xf32, #tpu.memory_space<vmem>>, vector<16xf32>,
        %parallel_loop3A_340 = arith.index_cast %parallel_loop3A_299 : i32 to index
        %parallel_loop3A_341 = arith.constant 80 : index
        %parallel_loop3A_342 = tpu.vector_load %arg14[%parallel_loop3A_340, %parallel_loop3A_341] {strides = array<i32>} : memref<128x128xf32, #tpu.memory_space<vmem>>, vector<16xf32>,
        %parallel_loop3A_343 = arith.mulf %parallel_loop3A_342, %parallel_loop3A_304 : vector<16xf32>
        %parallel_loop3A_344 = arith.index_cast %parallel_loop3A_299 : i32 to index
        %parallel_loop3A_345 = arith.constant 80 : index
        %parallel_loop3A_346 = tpu.vector_load %arg16[%parallel_loop3A_344, %parallel_loop3A_345] {strides = array<i32>} : memref<128x128xf32, #tpu.memory_space<vmem>>, vector<16xf32>,
        tpu.vector_store %arg16[%parallel_loop3A_344, %parallel_loop3A_345], %parallel_loop3A_343 {strides = array<i32>} : memref<128x128xf32, #tpu.memory_space<vmem>>, vector<16xf32>,
        %parallel_loop3A_347 = arith.index_cast %parallel_loop3A_299 : i32 to index
        %parallel_loop3A_348 = arith.constant 96 : index
        %parallel_loop3A_349 = tpu.vector_load %arg14[%parallel_loop3A_347, %parallel_loop3A_348] {strides = array<i32>} : memref<128x128xf32, #tpu.memory_space<vmem>>, vector<16xf32>,
        %parallel_loop3A_350 = arith.mulf %parallel_loop3A_349, %parallel_loop3A_304 : vector<16xf32>
        %parallel_loop3A_351 = arith.index_cast %parallel_loop3A_299 : i32 to index
        %parallel_loop3A_352 = arith.constant 96 : index
        %parallel_loop3A_353 = tpu.vector_load %arg16[%parallel_loop3A_351, %parallel_loop3A_352] {strides = array<i32>} : memref<128x128xf32, #tpu.memory_space<vmem>>, vector<16xf32>,
        tpu.vector_store %arg16[%parallel_loop3A_351, %parallel_loop3A_352], %parallel_loop3A_350 {strides = array<i32>} : memref<128x128xf32, #tpu.memory_space<vmem>>, vector<16xf32>,
        %parallel_loop3A_354 = arith.index_cast %parallel_loop3A_299 : i32 to index
        %parallel_loop3A_355 = arith.constant 112 : index
        %parallel_loop3A_356 = tpu.vector_load %arg14[%parallel_loop3A_354, %parallel_loop3A_355] {strides = array<i32>} : memref<128x128xf32, #tpu.memory_space<vmem>>, vector<16xf32>,
        %parallel_loop3A_357 = arith.mulf %parallel_loop3A_356, %parallel_loop3A_304 : vector<16xf32>
        %parallel_loop3A_358 = arith.index_cast %parallel_loop3A_299 : i32 to index
        %parallel_loop3A_359 = arith.constant 112 : index
        %parallel_loop3A_360 = tpu.vector_load %arg16[%parallel_loop3A_358, %parallel_loop3A_359] {strides = array<i32>} : memref<128x128xf32, #tpu.memory_space<vmem>>, vector<16xf32>,
        tpu.vector_store %arg16[%parallel_loop3A_358, %parallel_loop3A_359], %parallel_loop3A_357 {strides = array<i32>} : memref<128x128xf32, #tpu.memory_space<vmem>>, vector<16xf32>,
        %parallel_loop3A_361 = arith.constant 8 : i32
        %parallel_loop3A_362 = arith.muli %parallel_loop3A_230, %parallel_loop3A_361 : i32
        %parallel_loop3A_363 = arith.constant 2 : i32
        %parallel_loop3A_364 = arith.addi %parallel_loop3A_362, %parallel_loop3A_363 : i32
        %parallel_loop3A_365 = arith.constant 0 : i32
        %parallel_loop3A_366 = arith.index_cast %parallel_loop3A_365 : i32 to index
        %parallel_loop3A_367 = arith.index_cast %parallel_loop3A_230 : i32 to index
        %parallel_loop3A_368 = arith.constant 32 : index
        %parallel_loop3A_369 = tpu.vector_load %arg12[%parallel_loop3A_366, %parallel_loop3A_367, %parallel_loop3A_368] {strides = array<i32>} : memref<1x16x128xf32, #tpu.memory_space<vmem>>, vector<16xf32>,
        %parallel_loop3A_370 = arith.index_cast %parallel_loop3A_364 : i32 to index
        %parallel_loop3A_371 = arith.constant 0 : index
        %parallel_loop3A_372 = tpu.vector_load %arg14[%parallel_loop3A_370, %parallel_loop3A_371] {strides = array<i32>} : memref<128x128xf32, #tpu.memory_space<vmem>>, vector<16xf32>,
        %parallel_loop3A_373 = arith.mulf %parallel_loop3A_372, %parallel_loop3A_369 : vector<16xf32>
        %parallel_loop3A_374 = arith.index_cast %parallel_loop3A_364 : i32 to index
        %parallel_loop3A_375 = arith.constant 0 : index
        %parallel_loop3A_376 = tpu.vector_load %arg16[%parallel_loop3A_374, %parallel_loop3A_375] {strides = array<i32>} : memref<128x128xf32, #tpu.memory_space<vmem>>, vector<16xf32>,
        tpu.vector_store %arg16[%parallel_loop3A_374, %parallel_loop3A_375], %parallel_loop3A_373 {strides = array<i32>} : memref<128x128xf32, #tpu.memory_space<vmem>>, vector<16xf32>,
        %parallel_loop3A_377 = arith.index_cast %parallel_loop3A_364 : i32 to index
        %parallel_loop3A_378 = arith.constant 16 : index
        %parallel_loop3A_379 = tpu.vector_load %arg14[%parallel_loop3A_377, %parallel_loop3A_378] {strides = array<i32>} : memref<128x128xf32, #tpu.memory_space<vmem>>, vector<16xf32>,
        %parallel_loop3A_380 = arith.mulf %parallel_loop3A_379, %parallel_loop3A_369 : vector<16xf32>
        %parallel_loop3A_381 = arith.index_cast %parallel_loop3A_364 : i32 to index
        %parallel_loop3A_382 = arith.constant 16 : index
        %parallel_loop3A_383 = tpu.vector_load %arg16[%parallel_loop3A_381, %parallel_loop3A_382] {strides = array<i32>} : memref<128x128xf32, #tpu.memory_space<vmem>>, vector<16xf32>,
        tpu.vector_store %arg16[%parallel_loop3A_381, %parallel_loop3A_382], %parallel_loop3A_380 {strides = array<i32>} : memref<128x128xf32, #tpu.memory_space<vmem>>, vector<16xf32>,
        %parallel_loop3A_384 = arith.index_cast %parallel_loop3A_364 : i32 to index
        %parallel_loop3A_385 = arith.constant 32 : index
        %parallel_loop3A_386 = tpu.vector_load %arg14[%parallel_loop3A_384, %parallel_loop3A_385] {strides = array<i32>} : memref<128x128xf32, #tpu.memory_space<vmem>>, vector<16xf32>,
        %parallel_loop3A_387 = arith.mulf %parallel_loop3A_386, %parallel_loop3A_369 : vector<16xf32>
        %parallel_loop3A_388 = arith.index_cast %parallel_loop3A_364 : i32 to index
        %parallel_loop3A_389 = arith.constant 32 : index
        %parallel_loop3A_390 = tpu.vector_load %arg16[%parallel_loop3A_388, %parallel_loop3A_389] {strides = array<i32>} : memref<128x128xf32, #tpu.memory_space<vmem>>, vector<16xf32>,
        tpu.vector_store %arg16[%parallel_loop3A_388, %parallel_loop3A_389], %parallel_loop3A_387 {strides = array<i32>} : memref<128x128xf32, #tpu.memory_space<vmem>>, vector<16xf32>,
        %parallel_loop3A_391 = arith.index_cast %parallel_loop3A_364 : i32 to index
        %parallel_loop3A_392 = arith.constant 48 : index
        %parallel_loop3A_393 = tpu.vector_load %arg14[%parallel_loop3A_391, %parallel_loop3A_392] {strides = array<i32>} : memref<128x128xf32, #tpu.memory_space<vmem>>, vector<16xf32>,
        %parallel_loop3A_394 = arith.mulf %parallel_loop3A_393, %parallel_loop3A_369 : vector<16xf32>
        %parallel_loop3A_395 = arith.index_cast %parallel_loop3A_364 : i32 to index
        %parallel_loop3A_396 = arith.constant 48 : index
        %parallel_loop3A_397 = tpu.vector_load %arg16[%parallel_loop3A_395, %parallel_loop3A_396] {strides = array<i32>} : memref<128x128xf32, #tpu.memory_space<vmem>>, vector<16xf32>,
        tpu.vector_store %arg16[%parallel_loop3A_395, %parallel_loop3A_396], %parallel_loop3A_394 {strides = array<i32>} : memref<128x128xf32, #tpu.memory_space<vmem>>, vector<16xf32>,
        %parallel_loop3A_398 = arith.index_cast %parallel_loop3A_364 : i32 to index
        %parallel_loop3A_399 = arith.constant 64 : index
        %parallel_loop3A_400 = tpu.vector_load %arg14[%parallel_loop3A_398, %parallel_loop3A_399] {strides = array<i32>} : memref<128x128xf32, #tpu.memory_space<vmem>>, vector<16xf32>,
        %parallel_loop3A_401 = arith.mulf %parallel_loop3A_400, %parallel_loop3A_369 : vector<16xf32>
        %parallel_loop3A_402 = arith.index_cast %parallel_loop3A_364 : i32 to index
        %parallel_loop3A_403 = arith.constant 64 : index
        %parallel_loop3A_404 = tpu.vector_load %arg16[%parallel_loop3A_402, %parallel_loop3A_403] {strides = array<i32>} : memref<128x128xf32, #tpu.memory_space<vmem>>, vector<16xf32>,
        tpu.vector_store %arg16[%parallel_loop3A_402, %parallel_loop3A_403], %parallel_loop3A_401 {strides = array<i32>} : memref<128x128xf32, #tpu.memory_space<vmem>>, vector<16xf32>,
        %parallel_loop3A_405 = arith.index_cast %parallel_loop3A_364 : i32 to index
        %parallel_loop3A_406 = arith.constant 80 : index
        %parallel_loop3A_407 = tpu.vector_load %arg14[%parallel_loop3A_405, %parallel_loop3A_406] {strides = array<i32>} : memref<128x128xf32, #tpu.memory_space<vmem>>, vector<16xf32>,
        %parallel_loop3A_408 = arith.mulf %parallel_loop3A_407, %parallel_loop3A_369 : vector<16xf32>
        %parallel_loop3A_409 = arith.index_cast %parallel_loop3A_364 : i32 to index
        %parallel_loop3A_410 = arith.constant 80 : index
        %parallel_loop3A_411 = tpu.vector_load %arg16[%parallel_loop3A_409, %parallel_loop3A_410] {strides = array<i32>} : memref<128x128xf32, #tpu.memory_space<vmem>>, vector<16xf32>,
        tpu.vector_store %arg16[%parallel_loop3A_409, %parallel_loop3A_410], %parallel_loop3A_408 {strides = array<i32>} : memref<128x128xf32, #tpu.memory_space<vmem>>, vector<16xf32>,
        %parallel_loop3A_412 = arith.index_cast %parallel_loop3A_364 : i32 to index
        %parallel_loop3A_413 = arith.constant 96 : index
        %parallel_loop3A_414 = tpu.vector_load %arg14[%parallel_loop3A_412, %parallel_loop3A_413] {strides = array<i32>} : memref<128x128xf32, #tpu.memory_space<vmem>>, vector<16xf32>,
        %parallel_loop3A_415 = arith.mulf %parallel_loop3A_414, %parallel_loop3A_369 : vector<16xf32>
        %parallel_loop3A_416 = arith.index_cast %parallel_loop3A_364 : i32 to index
        %parallel_loop3A_417 = arith.constant 96 : index
        %parallel_loop3A_418 = tpu.vector_load %arg16[%parallel_loop3A_416, %parallel_loop3A_417] {strides = array<i32>} : memref<128x128xf32, #tpu.memory_space<vmem>>, vector<16xf32>,
        tpu.vector_store %arg16[%parallel_loop3A_416, %parallel_loop3A_417], %parallel_loop3A_415 {strides = array<i32>} : memref<128x128xf32, #tpu.memory_space<vmem>>, vector<16xf32>,
        %parallel_loop3A_419 = arith.index_cast %parallel_loop3A_364 : i32 to index
        %parallel_loop3A_420 = arith.constant 112 : index
        %parallel_loop3A_421 = tpu.vector_load %arg14[%parallel_loop3A_419, %parallel_loop3A_420] {strides = array<i32>} : memref<128x128xf32, #tpu.memory_space<vmem>>, vector<16xf32>,
        %parallel_loop3A_422 = arith.mulf %parallel_loop3A_421, %parallel_loop3A_369 : vector<16xf32>
        %parallel_loop3A_423 = arith.index_cast %parallel_loop3A_364 : i32 to index
        %parallel_loop3A_424 = arith.constant 112 : index
        %parallel_loop3A_425 = tpu.vector_load %arg16[%parallel_loop3A_423, %parallel_loop3A_424] {strides = array<i32>} : memref<128x128xf32, #tpu.memory_space<vmem>>, vector<16xf32>,
        tpu.vector_store %arg16[%parallel_loop3A_423, %parallel_loop3A_424], %parallel_loop3A_422 {strides = array<i32>} : memref<128x128xf32, #tpu.memory_space<vmem>>, vector<16xf32>,
        %parallel_loop3A_426 = arith.constant 8 : i32
        %parallel_loop3A_427 = arith.muli %parallel_loop3A_230, %parallel_loop3A_426 : i32
        %parallel_loop3A_428 = arith.constant 3 : i32
        %parallel_loop3A_429 = arith.addi %parallel_loop3A_427, %parallel_loop3A_428 : i32
        %parallel_loop3A_430 = arith.constant 0 : i32
        %parallel_loop3A_431 = arith.index_cast %parallel_loop3A_430 : i32 to index
        %parallel_loop3A_432 = arith.index_cast %parallel_loop3A_230 : i32 to index
        %parallel_loop3A_433 = arith.constant 48 : index
        %parallel_loop3A_434 = tpu.vector_load %arg12[%parallel_loop3A_431, %parallel_loop3A_432, %parallel_loop3A_433] {strides = array<i32>} : memref<1x16x128xf32, #tpu.memory_space<vmem>>, vector<16xf32>,
        %parallel_loop3A_435 = arith.index_cast %parallel_loop3A_429 : i32 to index
        %parallel_loop3A_436 = arith.constant 0 : index
        %parallel_loop3A_437 = tpu.vector_load %arg14[%parallel_loop3A_435, %parallel_loop3A_436] {strides = array<i32>} : memref<128x128xf32, #tpu.memory_space<vmem>>, vector<16xf32>,
        %parallel_loop3A_438 = arith.mulf %parallel_loop3A_437, %parallel_loop3A_434 : vector<16xf32>
        %parallel_loop3A_439 = arith.index_cast %parallel_loop3A_429 : i32 to index
        %parallel_loop3A_440 = arith.constant 0 : index
        %parallel_loop3A_441 = tpu.vector_load %arg16[%parallel_loop3A_439, %parallel_loop3A_440] {strides = array<i32>} : memref<128x128xf32, #tpu.memory_space<vmem>>, vector<16xf32>,
        tpu.vector_store %arg16[%parallel_loop3A_439, %parallel_loop3A_440], %parallel_loop3A_438 {strides = array<i32>} : memref<128x128xf32, #tpu.memory_space<vmem>>, vector<16xf32>,
        %parallel_loop3A_442 = arith.index_cast %parallel_loop3A_429 : i32 to index
        %parallel_loop3A_443 = arith.constant 16 : index
        %parallel_loop3A_444 = tpu.vector_load %arg14[%parallel_loop3A_442, %parallel_loop3A_443] {strides = array<i32>} : memref<128x128xf32, #tpu.memory_space<vmem>>, vector<16xf32>,
        %parallel_loop3A_445 = arith.mulf %parallel_loop3A_444, %parallel_loop3A_434 : vector<16xf32>
        %parallel_loop3A_446 = arith.index_cast %parallel_loop3A_429 : i32 to index
        %parallel_loop3A_447 = arith.constant 16 : index
        %parallel_loop3A_448 = tpu.vector_load %arg16[%parallel_loop3A_446, %parallel_loop3A_447] {strides = array<i32>} : memref<128x128xf32, #tpu.memory_space<vmem>>, vector<16xf32>,
        tpu.vector_store %arg16[%parallel_loop3A_446, %parallel_loop3A_447], %parallel_loop3A_445 {strides = array<i32>} : memref<128x128xf32, #tpu.memory_space<vmem>>, vector<16xf32>,
        %parallel_loop3A_449 = arith.index_cast %parallel_loop3A_429 : i32 to index
        %parallel_loop3A_450 = arith.constant 32 : index
        %parallel_loop3A_451 = tpu.vector_load %arg14[%parallel_loop3A_449, %parallel_loop3A_450] {strides = array<i32>} : memref<128x128xf32, #tpu.memory_space<vmem>>, vector<16xf32>,
        %parallel_loop3A_452 = arith.mulf %parallel_loop3A_451, %parallel_loop3A_434 : vector<16xf32>
        %parallel_loop3A_453 = arith.index_cast %parallel_loop3A_429 : i32 to index
        %parallel_loop3A_454 = arith.constant 32 : index
        %parallel_loop3A_455 = tpu.vector_load %arg16[%parallel_loop3A_453, %parallel_loop3A_454] {strides = array<i32>} : memref<128x128xf32, #tpu.memory_space<vmem>>, vector<16xf32>,
        tpu.vector_store %arg16[%parallel_loop3A_453, %parallel_loop3A_454], %parallel_loop3A_452 {strides = array<i32>} : memref<128x128xf32, #tpu.memory_space<vmem>>, vector<16xf32>,
        %parallel_loop3A_456 = arith.index_cast %parallel_loop3A_429 : i32 to index
        %parallel_loop3A_457 = arith.constant 48 : index
        %parallel_loop3A_458 = tpu.vector_load %arg14[%parallel_loop3A_456, %parallel_loop3A_457] {strides = array<i32>} : memref<128x128xf32, #tpu.memory_space<vmem>>, vector<16xf32>,
        %parallel_loop3A_459 = arith.mulf %parallel_loop3A_458, %parallel_loop3A_434 : vector<16xf32>
        %parallel_loop3A_460 = arith.index_cast %parallel_loop3A_429 : i32 to index
        %parallel_loop3A_461 = arith.constant 48 : index
        %parallel_loop3A_462 = tpu.vector_load %arg16[%parallel_loop3A_460, %parallel_loop3A_461] {strides = array<i32>} : memref<128x128xf32, #tpu.memory_space<vmem>>, vector<16xf32>,
        tpu.vector_store %arg16[%parallel_loop3A_460, %parallel_loop3A_461], %parallel_loop3A_459 {strides = array<i32>} : memref<128x128xf32, #tpu.memory_space<vmem>>, vector<16xf32>,
        %parallel_loop3A_463 = arith.index_cast %parallel_loop3A_429 : i32 to index
        %parallel_loop3A_464 = arith.constant 64 : index
        %parallel_loop3A_465 = tpu.vector_load %arg14[%parallel_loop3A_463, %parallel_loop3A_464] {strides = array<i32>} : memref<128x128xf32, #tpu.memory_space<vmem>>, vector<16xf32>,
        %parallel_loop3A_466 = arith.mulf %parallel_loop3A_465, %parallel_loop3A_434 : vector<16xf32>
        %parallel_loop3A_467 = arith.index_cast %parallel_loop3A_429 : i32 to index
        %parallel_loop3A_468 = arith.constant 64 : index
        %parallel_loop3A_469 = tpu.vector_load %arg16[%parallel_loop3A_467, %parallel_loop3A_468] {strides = array<i32>} : memref<128x128xf32, #tpu.memory_space<vmem>>, vector<16xf32>,
        tpu.vector_store %arg16[%parallel_loop3A_467, %parallel_loop3A_468], %parallel_loop3A_466 {strides = array<i32>} : memref<128x128xf32, #tpu.memory_space<vmem>>, vector<16xf32>,
        %parallel_loop3A_470 = arith.index_cast %parallel_loop3A_429 : i32 to index
        %parallel_loop3A_471 = arith.constant 80 : index
        %parallel_loop3A_472 = tpu.vector_load %arg14[%parallel_loop3A_470, %parallel_loop3A_471] {strides = array<i32>} : memref<128x128xf32, #tpu.memory_space<vmem>>, vector<16xf32>,
        %parallel_loop3A_473 = arith.mulf %parallel_loop3A_472, %parallel_loop3A_434 : vector<16xf32>
        %parallel_loop3A_474 = arith.index_cast %parallel_loop3A_429 : i32 to index
        %parallel_loop3A_475 = arith.constant 80 : index
        %parallel_loop3A_476 = tpu.vector_load %arg16[%parallel_loop3A_474, %parallel_loop3A_475] {strides = array<i32>} : memref<128x128xf32, #tpu.memory_space<vmem>>, vector<16xf32>,
        tpu.vector_store %arg16[%parallel_loop3A_474, %parallel_loop3A_475], %parallel_loop3A_473 {strides = array<i32>} : memref<128x128xf32, #tpu.memory_space<vmem>>, vector<16xf32>,
        %parallel_loop3A_477 = arith.index_cast %parallel_loop3A_429 : i32 to index
        %parallel_loop3A_478 = arith.constant 96 : index
        %parallel_loop3A_479 = tpu.vector_load %arg14[%parallel_loop3A_477, %parallel_loop3A_478] {strides = array<i32>} : memref<128x128xf32, #tpu.memory_space<vmem>>, vector<16xf32>,
        %parallel_loop3A_480 = arith.mulf %parallel_loop3A_479, %parallel_loop3A_434 : vector<16xf32>
        %parallel_loop3A_481 = arith.index_cast %parallel_loop3A_429 : i32 to index
        %parallel_loop3A_482 = arith.constant 96 : index
        %parallel_loop3A_483 = tpu.vector_load %arg16[%parallel_loop3A_481, %parallel_loop3A_482] {strides = array<i32>} : memref<128x128xf32, #tpu.memory_space<vmem>>, vector<16xf32>,
        tpu.vector_store %arg16[%parallel_loop3A_481, %parallel_loop3A_482], %parallel_loop3A_480 {strides = array<i32>} : memref<128x128xf32, #tpu.memory_space<vmem>>, vector<16xf32>,
        %parallel_loop3A_484 = arith.index_cast %parallel_loop3A_429 : i32 to index
        %parallel_loop3A_485 = arith.constant 112 : index
        %parallel_loop3A_486 = tpu.vector_load %arg14[%parallel_loop3A_484, %parallel_loop3A_485] {strides = array<i32>} : memref<128x128xf32, #tpu.memory_space<vmem>>, vector<16xf32>,
        %parallel_loop3A_487 = arith.mulf %parallel_loop3A_486, %parallel_loop3A_434 : vector<16xf32>
        %parallel_loop3A_488 = arith.index_cast %parallel_loop3A_429 : i32 to index
        %parallel_loop3A_489 = arith.constant 112 : index
        %parallel_loop3A_490 = tpu.vector_load %arg16[%parallel_loop3A_488, %parallel_loop3A_489] {strides = array<i32>} : memref<128x128xf32, #tpu.memory_space<vmem>>, vector<16xf32>,
        tpu.vector_store %arg16[%parallel_loop3A_488, %parallel_loop3A_489], %parallel_loop3A_487 {strides = array<i32>} : memref<128x128xf32, #tpu.memory_space<vmem>>, vector<16xf32>,
        %parallel_loop3A_491 = arith.constant 8 : i32
        %parallel_loop3A_492 = arith.muli %parallel_loop3A_230, %parallel_loop3A_491 : i32
        %parallel_loop3A_493 = arith.constant 4 : i32
        %parallel_loop3A_494 = arith.addi %parallel_loop3A_492, %parallel_loop3A_493 : i32
        %parallel_loop3A_495 = arith.constant 0 : i32
        %parallel_loop3A_496 = arith.index_cast %parallel_loop3A_495 : i32 to index
        %parallel_loop3A_497 = arith.index_cast %parallel_loop3A_230 : i32 to index
        %parallel_loop3A_498 = arith.constant 64 : index
        %parallel_loop3A_499 = tpu.vector_load %arg12[%parallel_loop3A_496, %parallel_loop3A_497, %parallel_loop3A_498] {strides = array<i32>} : memref<1x16x128xf32, #tpu.memory_space<vmem>>, vector<16xf32>,
        %parallel_loop3A_500 = arith.index_cast %parallel_loop3A_494 : i32 to index
        %parallel_loop3A_501 = arith.constant 0 : index
        %parallel_loop3A_502 = tpu.vector_load %arg14[%parallel_loop3A_500, %parallel_loop3A_501] {strides = array<i32>} : memref<128x128xf32, #tpu.memory_space<vmem>>, vector<16xf32>,
        %parallel_loop3A_503 = arith.mulf %parallel_loop3A_502, %parallel_loop3A_499 : vector<16xf32>
        %parallel_loop3A_504 = arith.index_cast %parallel_loop3A_494 : i32 to index
        %parallel_loop3A_505 = arith.constant 0 : index
        %parallel_loop3A_506 = tpu.vector_load %arg16[%parallel_loop3A_504, %parallel_loop3A_505] {strides = array<i32>} : memref<128x128xf32, #tpu.memory_space<vmem>>, vector<16xf32>,
        tpu.vector_store %arg16[%parallel_loop3A_504, %parallel_loop3A_505], %parallel_loop3A_503 {strides = array<i32>} : memref<128x128xf32, #tpu.memory_space<vmem>>, vector<16xf32>,
        %parallel_loop3A_507 = arith.index_cast %parallel_loop3A_494 : i32 to index
        %parallel_loop3A_508 = arith.constant 16 : index
        %parallel_loop3A_509 = tpu.vector_load %arg14[%parallel_loop3A_507, %parallel_loop3A_508] {strides = array<i32>} : memref<128x128xf32, #tpu.memory_space<vmem>>, vector<16xf32>,
        %parallel_loop3A_510 = arith.mulf %parallel_loop3A_509, %parallel_loop3A_499 : vector<16xf32>
        %parallel_loop3A_511 = arith.index_cast %parallel_loop3A_494 : i32 to index
        %parallel_loop3A_512 = arith.constant 16 : index
        %parallel_loop3A_513 = tpu.vector_load %arg16[%parallel_loop3A_511, %parallel_loop3A_512] {strides = array<i32>} : memref<128x128xf32, #tpu.memory_space<vmem>>, vector<16xf32>,
        tpu.vector_store %arg16[%parallel_loop3A_511, %parallel_loop3A_512], %parallel_loop3A_510 {strides = array<i32>} : memref<128x128xf32, #tpu.memory_space<vmem>>, vector<16xf32>,
        %parallel_loop3A_514 = arith.index_cast %parallel_loop3A_494 : i32 to index
        %parallel_loop3A_515 = arith.constant 32 : index
        %parallel_loop3A_516 = tpu.vector_load %arg14[%parallel_loop3A_514, %parallel_loop3A_515] {strides = array<i32>} : memref<128x128xf32, #tpu.memory_space<vmem>>, vector<16xf32>,
        %parallel_loop3A_517 = arith.mulf %parallel_loop3A_516, %parallel_loop3A_499 : vector<16xf32>
        %parallel_loop3A_518 = arith.index_cast %parallel_loop3A_494 : i32 to index
        %parallel_loop3A_519 = arith.constant 32 : index
        %parallel_loop3A_520 = tpu.vector_load %arg16[%parallel_loop3A_518, %parallel_loop3A_519] {strides = array<i32>} : memref<128x128xf32, #tpu.memory_space<vmem>>, vector<16xf32>,
        tpu.vector_store %arg16[%parallel_loop3A_518, %parallel_loop3A_519], %parallel_loop3A_517 {strides = array<i32>} : memref<128x128xf32, #tpu.memory_space<vmem>>, vector<16xf32>,
        %parallel_loop3A_521 = arith.index_cast %parallel_loop3A_494 : i32 to index
        %parallel_loop3A_522 = arith.constant 48 : index
        %parallel_loop3A_523 = tpu.vector_load %arg14[%parallel_loop3A_521, %parallel_loop3A_522] {strides = array<i32>} : memref<128x128xf32, #tpu.memory_space<vmem>>, vector<16xf32>,
        %parallel_loop3A_524 = arith.mulf %parallel_loop3A_523, %parallel_loop3A_499 : vector<16xf32>
        %parallel_loop3A_525 = arith.index_cast %parallel_loop3A_494 : i32 to index
        %parallel_loop3A_526 = arith.constant 48 : index
        %parallel_loop3A_527 = tpu.vector_load %arg16[%parallel_loop3A_525, %parallel_loop3A_526] {strides = array<i32>} : memref<128x128xf32, #tpu.memory_space<vmem>>, vector<16xf32>,
        tpu.vector_store %arg16[%parallel_loop3A_525, %parallel_loop3A_526], %parallel_loop3A_524 {strides = array<i32>} : memref<128x128xf32, #tpu.memory_space<vmem>>, vector<16xf32>,
        %parallel_loop3A_528 = arith.index_cast %parallel_loop3A_494 : i32 to index
        %parallel_loop3A_529 = arith.constant 64 : index
        %parallel_loop3A_530 = tpu.vector_load %arg14[%parallel_loop3A_528, %parallel_loop3A_529] {strides = array<i32>} : memref<128x128xf32, #tpu.memory_space<vmem>>, vector<16xf32>,
        %parallel_loop3A_531 = arith.mulf %parallel_loop3A_530, %parallel_loop3A_499 : vector<16xf32>
        %parallel_loop3A_532 = arith.index_cast %parallel_loop3A_494 : i32 to index
        %parallel_loop3A_533 = arith.constant 64 : index
        %parallel_loop3A_534 = tpu.vector_load %arg16[%parallel_loop3A_532, %parallel_loop3A_533] {strides = array<i32>} : memref<128x128xf32, #tpu.memory_space<vmem>>, vector<16xf32>,
        tpu.vector_store %arg16[%parallel_loop3A_532, %parallel_loop3A_533], %parallel_loop3A_531 {strides = array<i32>} : memref<128x128xf32, #tpu.memory_space<vmem>>, vector<16xf32>,
        %parallel_loop3A_535 = arith.index_cast %parallel_loop3A_494 : i32 to index
        %parallel_loop3A_536 = arith.constant 80 : index
        %parallel_loop3A_537 = tpu.vector_load %arg14[%parallel_loop3A_535, %parallel_loop3A_536] {strides = array<i32>} : memref<128x128xf32, #tpu.memory_space<vmem>>, vector<16xf32>,
        %parallel_loop3A_538 = arith.mulf %parallel_loop3A_537, %parallel_loop3A_499 : vector<16xf32>
        %parallel_loop3A_539 = arith.index_cast %parallel_loop3A_494 : i32 to index
        %parallel_loop3A_540 = arith.constant 80 : index
        %parallel_loop3A_541 = tpu.vector_load %arg16[%parallel_loop3A_539, %parallel_loop3A_540] {strides = array<i32>} : memref<128x128xf32, #tpu.memory_space<vmem>>, vector<16xf32>,
        tpu.vector_store %arg16[%parallel_loop3A_539, %parallel_loop3A_540], %parallel_loop3A_538 {strides = array<i32>} : memref<128x128xf32, #tpu.memory_space<vmem>>, vector<16xf32>,
        %parallel_loop3A_542 = arith.index_cast %parallel_loop3A_494 : i32 to index
        %parallel_loop3A_543 = arith.constant 96 : index
        %parallel_loop3A_544 = tpu.vector_load %arg14[%parallel_loop3A_542, %parallel_loop3A_543] {strides = array<i32>} : memref<128x128xf32, #tpu.memory_space<vmem>>, vector<16xf32>,
        %parallel_loop3A_545 = arith.mulf %parallel_loop3A_544, %parallel_loop3A_499 : vector<16xf32>
        %parallel_loop3A_546 = arith.index_cast %parallel_loop3A_494 : i32 to index
        %parallel_loop3A_547 = arith.constant 96 : index
        %parallel_loop3A_548 = tpu.vector_load %arg16[%parallel_loop3A_546, %parallel_loop3A_547] {strides = array<i32>} : memref<128x128xf32, #tpu.memory_space<vmem>>, vector<16xf32>,
        tpu.vector_store %arg16[%parallel_loop3A_546, %parallel_loop3A_547], %parallel_loop3A_545 {strides = array<i32>} : memref<128x128xf32, #tpu.memory_space<vmem>>, vector<16xf32>,
        %parallel_loop3A_549 = arith.index_cast %parallel_loop3A_494 : i32 to index
        %parallel_loop3A_550 = arith.constant 112 : index
        %parallel_loop3A_551 = tpu.vector_load %arg14[%parallel_loop3A_549, %parallel_loop3A_550] {strides = array<i32>} : memref<128x128xf32, #tpu.memory_space<vmem>>, vector<16xf32>,
        %parallel_loop3A_552 = arith.mulf %parallel_loop3A_551, %parallel_loop3A_499 : vector<16xf32>
        %parallel_loop3A_553 = arith.index_cast %parallel_loop3A_494 : i32 to index
        %parallel_loop3A_554 = arith.constant 112 : index
        %parallel_loop3A_555 = tpu.vector_load %arg16[%parallel_loop3A_553, %parallel_loop3A_554] {strides = array<i32>} : memref<128x128xf32, #tpu.memory_space<vmem>>, vector<16xf32>,
        tpu.vector_store %arg16[%parallel_loop3A_553, %parallel_loop3A_554], %parallel_loop3A_552 {strides = array<i32>} : memref<128x128xf32, #tpu.memory_space<vmem>>, vector<16xf32>,
        %parallel_loop3A_556 = arith.constant 8 : i32
        %parallel_loop3A_557 = arith.muli %parallel_loop3A_230, %parallel_loop3A_556 : i32
        %parallel_loop3A_558 = arith.constant 5 : i32
        %parallel_loop3A_559 = arith.addi %parallel_loop3A_557, %parallel_loop3A_558 : i32
        %parallel_loop3A_560 = arith.constant 0 : i32
        %parallel_loop3A_561 = arith.index_cast %parallel_loop3A_560 : i32 to index
        %parallel_loop3A_562 = arith.index_cast %parallel_loop3A_230 : i32 to index
        %parallel_loop3A_563 = arith.constant 80 : index
        %parallel_loop3A_564 = tpu.vector_load %arg12[%parallel_loop3A_561, %parallel_loop3A_562, %parallel_loop3A_563] {strides = array<i32>} : memref<1x16x128xf32, #tpu.memory_space<vmem>>, vector<16xf32>,
        %parallel_loop3A_565 = arith.index_cast %parallel_loop3A_559 : i32 to index
        %parallel_loop3A_566 = arith.constant 0 : index
        %parallel_loop3A_567 = tpu.vector_load %arg14[%parallel_loop3A_565, %parallel_loop3A_566] {strides = array<i32>} : memref<128x128xf32, #tpu.memory_space<vmem>>, vector<16xf32>,
        %parallel_loop3A_568 = arith.mulf %parallel_loop3A_567, %parallel_loop3A_564 : vector<16xf32>
        %parallel_loop3A_569 = arith.index_cast %parallel_loop3A_559 : i32 to index
        %parallel_loop3A_570 = arith.constant 0 : index
        %parallel_loop3A_571 = tpu.vector_load %arg16[%parallel_loop3A_569, %parallel_loop3A_570] {strides = array<i32>} : memref<128x128xf32, #tpu.memory_space<vmem>>, vector<16xf32>,
        tpu.vector_store %arg16[%parallel_loop3A_569, %parallel_loop3A_570], %parallel_loop3A_568 {strides = array<i32>} : memref<128x128xf32, #tpu.memory_space<vmem>>, vector<16xf32>,
        %parallel_loop3A_572 = arith.index_cast %parallel_loop3A_559 : i32 to index
        %parallel_loop3A_573 = arith.constant 16 : index
        %parallel_loop3A_574 = tpu.vector_load %arg14[%parallel_loop3A_572, %parallel_loop3A_573] {strides = array<i32>} : memref<128x128xf32, #tpu.memory_space<vmem>>, vector<16xf32>,
        %parallel_loop3A_575 = arith.mulf %parallel_loop3A_574, %parallel_loop3A_564 : vector<16xf32>
        %parallel_loop3A_576 = arith.index_cast %parallel_loop3A_559 : i32 to index
        %parallel_loop3A_577 = arith.constant 16 : index
        %parallel_loop3A_578 = tpu.vector_load %arg16[%parallel_loop3A_576, %parallel_loop3A_577] {strides = array<i32>} : memref<128x128xf32, #tpu.memory_space<vmem>>, vector<16xf32>,
        tpu.vector_store %arg16[%parallel_loop3A_576, %parallel_loop3A_577], %parallel_loop3A_575 {strides = array<i32>} : memref<128x128xf32, #tpu.memory_space<vmem>>, vector<16xf32>,
        %parallel_loop3A_579 = arith.index_cast %parallel_loop3A_559 : i32 to index
        %parallel_loop3A_580 = arith.constant 32 : index
        %parallel_loop3A_581 = tpu.vector_load %arg14[%parallel_loop3A_579, %parallel_loop3A_580] {strides = array<i32>} : memref<128x128xf32, #tpu.memory_space<vmem>>, vector<16xf32>,
        %parallel_loop3A_582 = arith.mulf %parallel_loop3A_581, %parallel_loop3A_564 : vector<16xf32>
        %parallel_loop3A_583 = arith.index_cast %parallel_loop3A_559 : i32 to index
        %parallel_loop3A_584 = arith.constant 32 : index
        %parallel_loop3A_585 = tpu.vector_load %arg16[%parallel_loop3A_583, %parallel_loop3A_584] {strides = array<i32>} : memref<128x128xf32, #tpu.memory_space<vmem>>, vector<16xf32>,
        tpu.vector_store %arg16[%parallel_loop3A_583, %parallel_loop3A_584], %parallel_loop3A_582 {strides = array<i32>} : memref<128x128xf32, #tpu.memory_space<vmem>>, vector<16xf32>,
        %parallel_loop3A_586 = arith.index_cast %parallel_loop3A_559 : i32 to index
        %parallel_loop3A_587 = arith.constant 48 : index
        %parallel_loop3A_588 = tpu.vector_load %arg14[%parallel_loop3A_586, %parallel_loop3A_587] {strides = array<i32>} : memref<128x128xf32, #tpu.memory_space<vmem>>, vector<16xf32>,
        %parallel_loop3A_589 = arith.mulf %parallel_loop3A_588, %parallel_loop3A_564 : vector<16xf32>
        %parallel_loop3A_590 = arith.index_cast %parallel_loop3A_559 : i32 to index
        %parallel_loop3A_591 = arith.constant 48 : index
        %parallel_loop3A_592 = tpu.vector_load %arg16[%parallel_loop3A_590, %parallel_loop3A_591] {strides = array<i32>} : memref<128x128xf32, #tpu.memory_space<vmem>>, vector<16xf32>,
        tpu.vector_store %arg16[%parallel_loop3A_590, %parallel_loop3A_591], %parallel_loop3A_589 {strides = array<i32>} : memref<128x128xf32, #tpu.memory_space<vmem>>, vector<16xf32>,
        %parallel_loop3A_593 = arith.index_cast %parallel_loop3A_559 : i32 to index
        %parallel_loop3A_594 = arith.constant 64 : index
        %parallel_loop3A_595 = tpu.vector_load %arg14[%parallel_loop3A_593, %parallel_loop3A_594] {strides = array<i32>} : memref<128x128xf32, #tpu.memory_space<vmem>>, vector<16xf32>,
        %parallel_loop3A_596 = arith.mulf %parallel_loop3A_595, %parallel_loop3A_564 : vector<16xf32>
        %parallel_loop3A_597 = arith.index_cast %parallel_loop3A_559 : i32 to index
        %parallel_loop3A_598 = arith.constant 64 : index
        %parallel_loop3A_599 = tpu.vector_load %arg16[%parallel_loop3A_597, %parallel_loop3A_598] {strides = array<i32>} : memref<128x128xf32, #tpu.memory_space<vmem>>, vector<16xf32>,
        tpu.vector_store %arg16[%parallel_loop3A_597, %parallel_loop3A_598], %parallel_loop3A_596 {strides = array<i32>} : memref<128x128xf32, #tpu.memory_space<vmem>>, vector<16xf32>,
        %parallel_loop3A_600 = arith.index_cast %parallel_loop3A_559 : i32 to index
        %parallel_loop3A_601 = arith.constant 80 : index
        %parallel_loop3A_602 = tpu.vector_load %arg14[%parallel_loop3A_600, %parallel_loop3A_601] {strides = array<i32>} : memref<128x128xf32, #tpu.memory_space<vmem>>, vector<16xf32>,
        %parallel_loop3A_603 = arith.mulf %parallel_loop3A_602, %parallel_loop3A_564 : vector<16xf32>
        %parallel_loop3A_604 = arith.index_cast %parallel_loop3A_559 : i32 to index
        %parallel_loop3A_605 = arith.constant 80 : index
        %parallel_loop3A_606 = tpu.vector_load %arg16[%parallel_loop3A_604, %parallel_loop3A_605] {strides = array<i32>} : memref<128x128xf32, #tpu.memory_space<vmem>>, vector<16xf32>,
        tpu.vector_store %arg16[%parallel_loop3A_604, %parallel_loop3A_605], %parallel_loop3A_603 {strides = array<i32>} : memref<128x128xf32, #tpu.memory_space<vmem>>, vector<16xf32>,
        %parallel_loop3A_607 = arith.index_cast %parallel_loop3A_559 : i32 to index
        %parallel_loop3A_608 = arith.constant 96 : index
        %parallel_loop3A_609 = tpu.vector_load %arg14[%parallel_loop3A_607, %parallel_loop3A_608] {strides = array<i32>} : memref<128x128xf32, #tpu.memory_space<vmem>>, vector<16xf32>,
        %parallel_loop3A_610 = arith.mulf %parallel_loop3A_609, %parallel_loop3A_564 : vector<16xf32>
        %parallel_loop3A_611 = arith.index_cast %parallel_loop3A_559 : i32 to index
        %parallel_loop3A_612 = arith.constant 96 : index
        %parallel_loop3A_613 = tpu.vector_load %arg16[%parallel_loop3A_611, %parallel_loop3A_612] {strides = array<i32>} : memref<128x128xf32, #tpu.memory_space<vmem>>, vector<16xf32>,
        tpu.vector_store %arg16[%parallel_loop3A_611, %parallel_loop3A_612], %parallel_loop3A_610 {strides = array<i32>} : memref<128x128xf32, #tpu.memory_space<vmem>>, vector<16xf32>,
        %parallel_loop3A_614 = arith.index_cast %parallel_loop3A_559 : i32 to index
        %parallel_loop3A_615 = arith.constant 112 : index
        %parallel_loop3A_616 = tpu.vector_load %arg14[%parallel_loop3A_614, %parallel_loop3A_615] {strides = array<i32>} : memref<128x128xf32, #tpu.memory_space<vmem>>, vector<16xf32>,
        %parallel_loop3A_617 = arith.mulf %parallel_loop3A_616, %parallel_loop3A_564 : vector<16xf32>
        %parallel_loop3A_618 = arith.index_cast %parallel_loop3A_559 : i32 to index
        %parallel_loop3A_619 = arith.constant 112 : index
        %parallel_loop3A_620 = tpu.vector_load %arg16[%parallel_loop3A_618, %parallel_loop3A_619] {strides = array<i32>} : memref<128x128xf32, #tpu.memory_space<vmem>>, vector<16xf32>,
        tpu.vector_store %arg16[%parallel_loop3A_618, %parallel_loop3A_619], %parallel_loop3A_617 {strides = array<i32>} : memref<128x128xf32, #tpu.memory_space<vmem>>, vector<16xf32>,
        %parallel_loop3A_621 = arith.constant 8 : i32
        %parallel_loop3A_622 = arith.muli %parallel_loop3A_230, %parallel_loop3A_621 : i32
        %parallel_loop3A_623 = arith.constant 6 : i32
        %parallel_loop3A_624 = arith.addi %parallel_loop3A_622, %parallel_loop3A_623 : i32
        %parallel_loop3A_625 = arith.constant 0 : i32
        %parallel_loop3A_626 = arith.index_cast %parallel_loop3A_625 : i32 to index
        %parallel_loop3A_627 = arith.index_cast %parallel_loop3A_230 : i32 to index
        %parallel_loop3A_628 = arith.constant 96 : index
        %parallel_loop3A_629 = tpu.vector_load %arg12[%parallel_loop3A_626, %parallel_loop3A_627, %parallel_loop3A_628] {strides = array<i32>} : memref<1x16x128xf32, #tpu.memory_space<vmem>>, vector<16xf32>,
        %parallel_loop3A_630 = arith.index_cast %parallel_loop3A_624 : i32 to index
        %parallel_loop3A_631 = arith.constant 0 : index
        %parallel_loop3A_632 = tpu.vector_load %arg14[%parallel_loop3A_630, %parallel_loop3A_631] {strides = array<i32>} : memref<128x128xf32, #tpu.memory_space<vmem>>, vector<16xf32>,
        %parallel_loop3A_633 = arith.mulf %parallel_loop3A_632, %parallel_loop3A_629 : vector<16xf32>
        %parallel_loop3A_634 = arith.index_cast %parallel_loop3A_624 : i32 to index
        %parallel_loop3A_635 = arith.constant 0 : index
        %parallel_loop3A_636 = tpu.vector_load %arg16[%parallel_loop3A_634, %parallel_loop3A_635] {strides = array<i32>} : memref<128x128xf32, #tpu.memory_space<vmem>>, vector<16xf32>,
        tpu.vector_store %arg16[%parallel_loop3A_634, %parallel_loop3A_635], %parallel_loop3A_633 {strides = array<i32>} : memref<128x128xf32, #tpu.memory_space<vmem>>, vector<16xf32>,
        %parallel_loop3A_637 = arith.index_cast %parallel_loop3A_624 : i32 to index
        %parallel_loop3A_638 = arith.constant 16 : index
        %parallel_loop3A_639 = tpu.vector_load %arg14[%parallel_loop3A_637, %parallel_loop3A_638] {strides = array<i32>} : memref<128x128xf32, #tpu.memory_space<vmem>>, vector<16xf32>,
        %parallel_loop3A_640 = arith.mulf %parallel_loop3A_639, %parallel_loop3A_629 : vector<16xf32>
        %parallel_loop3A_641 = arith.index_cast %parallel_loop3A_624 : i32 to index
        %parallel_loop3A_642 = arith.constant 16 : index
        %parallel_loop3A_643 = tpu.vector_load %arg16[%parallel_loop3A_641, %parallel_loop3A_642] {strides = array<i32>} : memref<128x128xf32, #tpu.memory_space<vmem>>, vector<16xf32>,
        tpu.vector_store %arg16[%parallel_loop3A_641, %parallel_loop3A_642], %parallel_loop3A_640 {strides = array<i32>} : memref<128x128xf32, #tpu.memory_space<vmem>>, vector<16xf32>,
        %parallel_loop3A_644 = arith.index_cast %parallel_loop3A_624 : i32 to index
        %parallel_loop3A_645 = arith.constant 32 : index
        %parallel_loop3A_646 = tpu.vector_load %arg14[%parallel_loop3A_644, %parallel_loop3A_645] {strides = array<i32>} : memref<128x128xf32, #tpu.memory_space<vmem>>, vector<16xf32>,
        %parallel_loop3A_647 = arith.mulf %parallel_loop3A_646, %parallel_loop3A_629 : vector<16xf32>
        %parallel_loop3A_648 = arith.index_cast %parallel_loop3A_624 : i32 to index
        %parallel_loop3A_649 = arith.constant 32 : index
        %parallel_loop3A_650 = tpu.vector_load %arg16[%parallel_loop3A_648, %parallel_loop3A_649] {strides = array<i32>} : memref<128x128xf32, #tpu.memory_space<vmem>>, vector<16xf32>,
        tpu.vector_store %arg16[%parallel_loop3A_648, %parallel_loop3A_649], %parallel_loop3A_647 {strides = array<i32>} : memref<128x128xf32, #tpu.memory_space<vmem>>, vector<16xf32>,
        %parallel_loop3A_651 = arith.index_cast %parallel_loop3A_624 : i32 to index
        %parallel_loop3A_652 = arith.constant 48 : index
        %parallel_loop3A_653 = tpu.vector_load %arg14[%parallel_loop3A_651, %parallel_loop3A_652] {strides = array<i32>} : memref<128x128xf32, #tpu.memory_space<vmem>>, vector<16xf32>,
        %parallel_loop3A_654 = arith.mulf %parallel_loop3A_653, %parallel_loop3A_629 : vector<16xf32>
        %parallel_loop3A_655 = arith.index_cast %parallel_loop3A_624 : i32 to index
        %parallel_loop3A_656 = arith.constant 48 : index
        %parallel_loop3A_657 = tpu.vector_load %arg16[%parallel_loop3A_655, %parallel_loop3A_656] {strides = array<i32>} : memref<128x128xf32, #tpu.memory_space<vmem>>, vector<16xf32>,
        tpu.vector_store %arg16[%parallel_loop3A_655, %parallel_loop3A_656], %parallel_loop3A_654 {strides = array<i32>} : memref<128x128xf32, #tpu.memory_space<vmem>>, vector<16xf32>,
        %parallel_loop3A_658 = arith.index_cast %parallel_loop3A_624 : i32 to index
        %parallel_loop3A_659 = arith.constant 64 : index
        %parallel_loop3A_660 = tpu.vector_load %arg14[%parallel_loop3A_658, %parallel_loop3A_659] {strides = array<i32>} : memref<128x128xf32, #tpu.memory_space<vmem>>, vector<16xf32>,
        %parallel_loop3A_661 = arith.mulf %parallel_loop3A_660, %parallel_loop3A_629 : vector<16xf32>
        %parallel_loop3A_662 = arith.index_cast %parallel_loop3A_624 : i32 to index
        %parallel_loop3A_663 = arith.constant 64 : index
        %parallel_loop3A_664 = tpu.vector_load %arg16[%parallel_loop3A_662, %parallel_loop3A_663] {strides = array<i32>} : memref<128x128xf32, #tpu.memory_space<vmem>>, vector<16xf32>,
        tpu.vector_store %arg16[%parallel_loop3A_662, %parallel_loop3A_663], %parallel_loop3A_661 {strides = array<i32>} : memref<128x128xf32, #tpu.memory_space<vmem>>, vector<16xf32>,
        %parallel_loop3A_665 = arith.index_cast %parallel_loop3A_624 : i32 to index
        %parallel_loop3A_666 = arith.constant 80 : index
        %parallel_loop3A_667 = tpu.vector_load %arg14[%parallel_loop3A_665, %parallel_loop3A_666] {strides = array<i32>} : memref<128x128xf32, #tpu.memory_space<vmem>>, vector<16xf32>,
        %parallel_loop3A_668 = arith.mulf %parallel_loop3A_667, %parallel_loop3A_629 : vector<16xf32>
        %parallel_loop3A_669 = arith.index_cast %parallel_loop3A_624 : i32 to index
        %parallel_loop3A_670 = arith.constant 80 : index
        %parallel_loop3A_671 = tpu.vector_load %arg16[%parallel_loop3A_669, %parallel_loop3A_670] {strides = array<i32>} : memref<128x128xf32, #tpu.memory_space<vmem>>, vector<16xf32>,
        tpu.vector_store %arg16[%parallel_loop3A_669, %parallel_loop3A_670], %parallel_loop3A_668 {strides = array<i32>} : memref<128x128xf32, #tpu.memory_space<vmem>>, vector<16xf32>,
        %parallel_loop3A_672 = arith.index_cast %parallel_loop3A_624 : i32 to index
        %parallel_loop3A_673 = arith.constant 96 : index
        %parallel_loop3A_674 = tpu.vector_load %arg14[%parallel_loop3A_672, %parallel_loop3A_673] {strides = array<i32>} : memref<128x128xf32, #tpu.memory_space<vmem>>, vector<16xf32>,
        %parallel_loop3A_675 = arith.mulf %parallel_loop3A_674, %parallel_loop3A_629 : vector<16xf32>
        %parallel_loop3A_676 = arith.index_cast %parallel_loop3A_624 : i32 to index
        %parallel_loop3A_677 = arith.constant 96 : index
        %parallel_loop3A_678 = tpu.vector_load %arg16[%parallel_loop3A_676, %parallel_loop3A_677] {strides = array<i32>} : memref<128x128xf32, #tpu.memory_space<vmem>>, vector<16xf32>,
        tpu.vector_store %arg16[%parallel_loop3A_676, %parallel_loop3A_677], %parallel_loop3A_675 {strides = array<i32>} : memref<128x128xf32, #tpu.memory_space<vmem>>, vector<16xf32>,
        %parallel_loop3A_679 = arith.index_cast %parallel_loop3A_624 : i32 to index
        %parallel_loop3A_680 = arith.constant 112 : index
        %parallel_loop3A_681 = tpu.vector_load %arg14[%parallel_loop3A_679, %parallel_loop3A_680] {strides = array<i32>} : memref<128x128xf32, #tpu.memory_space<vmem>>, vector<16xf32>,
        %parallel_loop3A_682 = arith.mulf %parallel_loop3A_681, %parallel_loop3A_629 : vector<16xf32>
        %parallel_loop3A_683 = arith.index_cast %parallel_loop3A_624 : i32 to index
        %parallel_loop3A_684 = arith.constant 112 : index
        %parallel_loop3A_685 = tpu.vector_load %arg16[%parallel_loop3A_683, %parallel_loop3A_684] {strides = array<i32>} : memref<128x128xf32, #tpu.memory_space<vmem>>, vector<16xf32>,
        tpu.vector_store %arg16[%parallel_loop3A_683, %parallel_loop3A_684], %parallel_loop3A_682 {strides = array<i32>} : memref<128x128xf32, #tpu.memory_space<vmem>>, vector<16xf32>,
        %parallel_loop3A_686 = arith.constant 8 : i32
        %parallel_loop3A_687 = arith.muli %parallel_loop3A_230, %parallel_loop3A_686 : i32
        %parallel_loop3A_688 = arith.constant 7 : i32
        %parallel_loop3A_689 = arith.addi %parallel_loop3A_687, %parallel_loop3A_688 : i32
        %parallel_loop3A_690 = arith.constant 0 : i32
        %parallel_loop3A_691 = arith.index_cast %parallel_loop3A_690 : i32 to index
        %parallel_loop3A_692 = arith.index_cast %parallel_loop3A_230 : i32 to index
        %parallel_loop3A_693 = arith.constant 112 : index
        %parallel_loop3A_694 = tpu.vector_load %arg12[%parallel_loop3A_691, %parallel_loop3A_692, %parallel_loop3A_693] {strides = array<i32>} : memref<1x16x128xf32, #tpu.memory_space<vmem>>, vector<16xf32>,
        %parallel_loop3A_695 = arith.index_cast %parallel_loop3A_689 : i32 to index
        %parallel_loop3A_696 = arith.constant 0 : index
        %parallel_loop3A_697 = tpu.vector_load %arg14[%parallel_loop3A_695, %parallel_loop3A_696] {strides = array<i32>} : memref<128x128xf32, #tpu.memory_space<vmem>>, vector<16xf32>,
        %parallel_loop3A_698 = arith.mulf %parallel_loop3A_697, %parallel_loop3A_694 : vector<16xf32>
        %parallel_loop3A_699 = arith.index_cast %parallel_loop3A_689 : i32 to index
        %parallel_loop3A_700 = arith.constant 0 : index
        %parallel_loop3A_701 = tpu.vector_load %arg16[%parallel_loop3A_699, %parallel_loop3A_700] {strides = array<i32>} : memref<128x128xf32, #tpu.memory_space<vmem>>, vector<16xf32>,
        tpu.vector_store %arg16[%parallel_loop3A_699, %parallel_loop3A_700], %parallel_loop3A_698 {strides = array<i32>} : memref<128x128xf32, #tpu.memory_space<vmem>>, vector<16xf32>,
        %parallel_loop3A_702 = arith.index_cast %parallel_loop3A_689 : i32 to index
        %parallel_loop3A_703 = arith.constant 16 : index
        %parallel_loop3A_704 = tpu.vector_load %arg14[%parallel_loop3A_702, %parallel_loop3A_703] {strides = array<i32>} : memref<128x128xf32, #tpu.memory_space<vmem>>, vector<16xf32>,
        %parallel_loop3A_705 = arith.mulf %parallel_loop3A_704, %parallel_loop3A_694 : vector<16xf32>
        %parallel_loop3A_706 = arith.index_cast %parallel_loop3A_689 : i32 to index
        %parallel_loop3A_707 = arith.constant 16 : index
        %parallel_loop3A_708 = tpu.vector_load %arg16[%parallel_loop3A_706, %parallel_loop3A_707] {strides = array<i32>} : memref<128x128xf32, #tpu.memory_space<vmem>>, vector<16xf32>,
        tpu.vector_store %arg16[%parallel_loop3A_706, %parallel_loop3A_707], %parallel_loop3A_705 {strides = array<i32>} : memref<128x128xf32, #tpu.memory_space<vmem>>, vector<16xf32>,
        %parallel_loop3A_709 = arith.index_cast %parallel_loop3A_689 : i32 to index
        %parallel_loop3A_710 = arith.constant 32 : index
        %parallel_loop3A_711 = tpu.vector_load %arg14[%parallel_loop3A_709, %parallel_loop3A_710] {strides = array<i32>} : memref<128x128xf32, #tpu.memory_space<vmem>>, vector<16xf32>,
        %parallel_loop3A_712 = arith.mulf %parallel_loop3A_711, %parallel_loop3A_694 : vector<16xf32>
        %parallel_loop3A_713 = arith.index_cast %parallel_loop3A_689 : i32 to index
        %parallel_loop3A_714 = arith.constant 32 : index
        %parallel_loop3A_715 = tpu.vector_load %arg16[%parallel_loop3A_713, %parallel_loop3A_714] {strides = array<i32>} : memref<128x128xf32, #tpu.memory_space<vmem>>, vector<16xf32>,
        tpu.vector_store %arg16[%parallel_loop3A_713, %parallel_loop3A_714], %parallel_loop3A_712 {strides = array<i32>} : memref<128x128xf32, #tpu.memory_space<vmem>>, vector<16xf32>,
        %parallel_loop3A_716 = arith.index_cast %parallel_loop3A_689 : i32 to index
        %parallel_loop3A_717 = arith.constant 48 : index
        %parallel_loop3A_718 = tpu.vector_load %arg14[%parallel_loop3A_716, %parallel_loop3A_717] {strides = array<i32>} : memref<128x128xf32, #tpu.memory_space<vmem>>, vector<16xf32>,
        %parallel_loop3A_719 = arith.mulf %parallel_loop3A_718, %parallel_loop3A_694 : vector<16xf32>
        %parallel_loop3A_720 = arith.index_cast %parallel_loop3A_689 : i32 to index
        %parallel_loop3A_721 = arith.constant 48 : index
        %parallel_loop3A_722 = tpu.vector_load %arg16[%parallel_loop3A_720, %parallel_loop3A_721] {strides = array<i32>} : memref<128x128xf32, #tpu.memory_space<vmem>>, vector<16xf32>,
        tpu.vector_store %arg16[%parallel_loop3A_720, %parallel_loop3A_721], %parallel_loop3A_719 {strides = array<i32>} : memref<128x128xf32, #tpu.memory_space<vmem>>, vector<16xf32>,
        %parallel_loop3A_723 = arith.index_cast %parallel_loop3A_689 : i32 to index
        %parallel_loop3A_724 = arith.constant 64 : index
        %parallel_loop3A_725 = tpu.vector_load %arg14[%parallel_loop3A_723, %parallel_loop3A_724] {strides = array<i32>} : memref<128x128xf32, #tpu.memory_space<vmem>>, vector<16xf32>,
        %parallel_loop3A_726 = arith.mulf %parallel_loop3A_725, %parallel_loop3A_694 : vector<16xf32>
        %parallel_loop3A_727 = arith.index_cast %parallel_loop3A_689 : i32 to index
        %parallel_loop3A_728 = arith.constant 64 : index
        %parallel_loop3A_729 = tpu.vector_load %arg16[%parallel_loop3A_727, %parallel_loop3A_728] {strides = array<i32>} : memref<128x128xf32, #tpu.memory_space<vmem>>, vector<16xf32>,
        tpu.vector_store %arg16[%parallel_loop3A_727, %parallel_loop3A_728], %parallel_loop3A_726 {strides = array<i32>} : memref<128x128xf32, #tpu.memory_space<vmem>>, vector<16xf32>,
        %parallel_loop3A_730 = arith.index_cast %parallel_loop3A_689 : i32 to index
        %parallel_loop3A_731 = arith.constant 80 : index
        %parallel_loop3A_732 = tpu.vector_load %arg14[%parallel_loop3A_730, %parallel_loop3A_731] {strides = array<i32>} : memref<128x128xf32, #tpu.memory_space<vmem>>, vector<16xf32>,
        %parallel_loop3A_733 = arith.mulf %parallel_loop3A_732, %parallel_loop3A_694 : vector<16xf32>
        %parallel_loop3A_734 = arith.index_cast %parallel_loop3A_689 : i32 to index
        %parallel_loop3A_735 = arith.constant 80 : index
        %parallel_loop3A_736 = tpu.vector_load %arg16[%parallel_loop3A_734, %parallel_loop3A_735] {strides = array<i32>} : memref<128x128xf32, #tpu.memory_space<vmem>>, vector<16xf32>,
        tpu.vector_store %arg16[%parallel_loop3A_734, %parallel_loop3A_735], %parallel_loop3A_733 {strides = array<i32>} : memref<128x128xf32, #tpu.memory_space<vmem>>, vector<16xf32>,
        %parallel_loop3A_737 = arith.index_cast %parallel_loop3A_689 : i32 to index
        %parallel_loop3A_738 = arith.constant 96 : index
        %parallel_loop3A_739 = tpu.vector_load %arg14[%parallel_loop3A_737, %parallel_loop3A_738] {strides = array<i32>} : memref<128x128xf32, #tpu.memory_space<vmem>>, vector<16xf32>,
        %parallel_loop3A_740 = arith.mulf %parallel_loop3A_739, %parallel_loop3A_694 : vector<16xf32>
        %parallel_loop3A_741 = arith.index_cast %parallel_loop3A_689 : i32 to index
        %parallel_loop3A_742 = arith.constant 96 : index
        %parallel_loop3A_743 = tpu.vector_load %arg16[%parallel_loop3A_741, %parallel_loop3A_742] {strides = array<i32>} : memref<128x128xf32, #tpu.memory_space<vmem>>, vector<16xf32>,
        tpu.vector_store %arg16[%parallel_loop3A_741, %parallel_loop3A_742], %parallel_loop3A_740 {strides = array<i32>} : memref<128x128xf32, #tpu.memory_space<vmem>>, vector<16xf32>,
        %parallel_loop3A_744 = arith.index_cast %parallel_loop3A_689 : i32 to index
        %parallel_loop3A_745 = arith.constant 112 : index
        %parallel_loop3A_746 = tpu.vector_load %arg14[%parallel_loop3A_744, %parallel_loop3A_745] {strides = array<i32>} : memref<128x128xf32, #tpu.memory_space<vmem>>, vector<16xf32>,
        %parallel_loop3A_747 = arith.mulf %parallel_loop3A_746, %parallel_loop3A_694 : vector<16xf32>
        %parallel_loop3A_748 = arith.index_cast %parallel_loop3A_689 : i32 to index
        %parallel_loop3A_749 = arith.constant 112 : index
        %parallel_loop3A_750 = tpu.vector_load %arg16[%parallel_loop3A_748, %parallel_loop3A_749] {strides = array<i32>} : memref<128x128xf32, #tpu.memory_space<vmem>>, vector<16xf32>,
        tpu.vector_store %arg16[%parallel_loop3A_748, %parallel_loop3A_749], %parallel_loop3A_747 {strides = array<i32>} : memref<128x128xf32, #tpu.memory_space<vmem>>, vector<16xf32>,
      } {sc.loop_unroll_factor = 4 : i64, sc.parallel_access}
      %dma_start3A_95 = arith.constant 0 : i32
      %dma_start3A_96 = tpu.memref_slice %arg9[%mul3A_57, %dma_start3A_95] : memref<32x128xi32, #tpu.memory_space<vmem>> -> memref<1x128xi32, #tpu.memory_space<vmem>>
      %dma_start3A_97 = tpu.memref_squeeze %dma_start3A_96 : memref<1x128xi32, #tpu.memory_space<vmem>> -> memref<128xi32, #tpu.memory_space<vmem>>
      %dma_start3A_98 = arith.constant 0 : i32
      %dma_start3A_99 = arith.constant 0 : i32
      %dma_start3A_100 = tpu.memref_slice %arg18[%dma_start3A_98, %dma_start3A_99] : memref<4096x128xf32, #tpu.memory_space<vmem_shared>> -> memref<4096x128xf32, #tpu.memory_space<vmem_shared>>
      tpu.enqueue_indirect_dma source(%arg16 : memref<128x128xf32, #tpu.memory_space<vmem>>) target(%dma_start3A_100 : memref<4096x128xf32, #tpu.memory_space<vmem_shared>>) offsets(%dma_start3A_97 : memref<128xi32, #tpu.memory_space<vmem>>) semaphore(%arg22 : memref<!tpu.dma_semaphore, #tpu.memory_space<semaphore_mem>>) {add = true}
      %get3A = arith.index_cast %mul3A_57 : i32 to index
      %get3A_101 = arith.constant 0 : index
      %get3A_102 = tpu.vector_load %arg9[%get3A, %get3A_101] {strides = array<i32>} : memref<32x128xi32, #tpu.memory_space<vmem>>, vector<16xi32>,
      %get3A_103 = arith.index_cast %mul3A_57 : i32 to index
      %get3A_104 = arith.constant 0 : index
      %get3A_105 = tpu.vector_load %arg11[%get3A_103, %get3A_104] {strides = array<i32>} : memref<32x128xf32, #tpu.memory_space<vmem>>, vector<16xf32>,
      tpu.vector_store_idx %arg19[%get3A_102], %get3A_105 {add = true} : memref<4096xf32, #tpu.memory_space<vmem>>[vector<16xi32>], vector<16xf32>,
      %get3A_106 = arith.index_cast %mul3A_57 : i32 to index
      %get3A_107 = arith.constant 16 : index
      %get3A_108 = tpu.vector_load %arg9[%get3A_106, %get3A_107] {strides = array<i32>} : memref<32x128xi32, #tpu.memory_space<vmem>>, vector<16xi32>,
      %get3A_109 = arith.index_cast %mul3A_57 : i32 to index
      %get3A_110 = arith.constant 16 : index
      %get3A_111 = tpu.vector_load %arg11[%get3A_109, %get3A_110] {strides = array<i32>} : memref<32x128xf32, #tpu.memory_space<vmem>>, vector<16xf32>,
      tpu.vector_store_idx %arg19[%get3A_108], %get3A_111 {add = true} : memref<4096xf32, #tpu.memory_space<vmem>>[vector<16xi32>], vector<16xf32>,
      %get3A_112 = arith.index_cast %mul3A_57 : i32 to index
      %get3A_113 = arith.constant 32 : index
      %get3A_114 = tpu.vector_load %arg9[%get3A_112, %get3A_113] {strides = array<i32>} : memref<32x128xi32, #tpu.memory_space<vmem>>, vector<16xi32>,
      %get3A_115 = arith.index_cast %mul3A_57 : i32 to index
      %get3A_116 = arith.constant 32 : index
      %get3A_117 = tpu.vector_load %arg11[%get3A_115, %get3A_116] {strides = array<i32>} : memref<32x128xf32, #tpu.memory_space<vmem>>, vector<16xf32>,
      tpu.vector_store_idx %arg19[%get3A_114], %get3A_117 {add = true} : memref<4096xf32, #tpu.memory_space<vmem>>[vector<16xi32>], vector<16xf32>,
      %get3A_118 = arith.index_cast %mul3A_57 : i32 to index
      %get3A_119 = arith.constant 48 : index
      %get3A_120 = tpu.vector_load %arg9[%get3A_118, %get3A_119] {strides = array<i32>} : memref<32x128xi32, #tpu.memory_space<vmem>>, vector<16xi32>,
      %get3A_121 = arith.index_cast %mul3A_57 : i32 to index
      %get3A_122 = arith.constant 48 : index
      %get3A_123 = tpu.vector_load %arg11[%get3A_121, %get3A_122] {strides = array<i32>} : memref<32x128xf32, #tpu.memory_space<vmem>>, vector<16xf32>,
      tpu.vector_store_idx %arg19[%get3A_120], %get3A_123 {add = true} : memref<4096xf32, #tpu.memory_space<vmem>>[vector<16xi32>], vector<16xf32>,
      %get3A_124 = arith.index_cast %mul3A_57 : i32 to index
      %get3A_125 = arith.constant 64 : index
      %get3A_126 = tpu.vector_load %arg9[%get3A_124, %get3A_125] {strides = array<i32>} : memref<32x128xi32, #tpu.memory_space<vmem>>, vector<16xi32>,
      %get3A_127 = arith.index_cast %mul3A_57 : i32 to index
      %get3A_128 = arith.constant 64 : index
      %get3A_129 = tpu.vector_load %arg11[%get3A_127, %get3A_128] {strides = array<i32>} : memref<32x128xf32, #tpu.memory_space<vmem>>, vector<16xf32>,
      tpu.vector_store_idx %arg19[%get3A_126], %get3A_129 {add = true} : memref<4096xf32, #tpu.memory_space<vmem>>[vector<16xi32>], vector<16xf32>,
      %get3A_130 = arith.index_cast %mul3A_57 : i32 to index
      %get3A_131 = arith.constant 80 : index
      %get3A_132 = tpu.vector_load %arg9[%get3A_130, %get3A_131] {strides = array<i32>} : memref<32x128xi32, #tpu.memory_space<vmem>>, vector<16xi32>,
      %get3A_133 = arith.index_cast %mul3A_57 : i32 to index
      %get3A_134 = arith.constant 80 : index
      %get3A_135 = tpu.vector_load %arg11[%get3A_133, %get3A_134] {strides = array<i32>} : memref<32x128xf32, #tpu.memory_space<vmem>>, vector<16xf32>,
      tpu.vector_store_idx %arg19[%get3A_132], %get3A_135 {add = true} : memref<4096xf32, #tpu.memory_space<vmem>>[vector<16xi32>], vector<16xf32>,
      %get3A_136 = arith.index_cast %mul3A_57 : i32 to index
      %get3A_137 = arith.constant 96 : index
      %get3A_138 = tpu.vector_load %arg9[%get3A_136, %get3A_137] {strides = array<i32>} : memref<32x128xi32, #tpu.memory_space<vmem>>, vector<16xi32>,
      %get3A_139 = arith.index_cast %mul3A_57 : i32 to index
      %get3A_140 = arith.constant 96 : index
      %get3A_141 = tpu.vector_load %arg11[%get3A_139, %get3A_140] {strides = array<i32>} : memref<32x128xf32, #tpu.memory_space<vmem>>, vector<16xf32>,
      tpu.vector_store_idx %arg19[%get3A_138], %get3A_141 {add = true} : memref<4096xf32, #tpu.memory_space<vmem>>[vector<16xi32>], vector<16xf32>,
      %get3A_142 = arith.index_cast %mul3A_57 : i32 to index
      %get3A_143 = arith.constant 112 : index
      %get3A_144 = tpu.vector_load %arg9[%get3A_142, %get3A_143] {strides = array<i32>} : memref<32x128xi32, #tpu.memory_space<vmem>>, vector<16xi32>,
      %get3A_145 = arith.index_cast %mul3A_57 : i32 to index
      %get3A_146 = arith.constant 112 : index
      %get3A_147 = tpu.vector_load %arg11[%get3A_145, %get3A_146] {strides = array<i32>} : memref<32x128xf32, #tpu.memory_space<vmem>>, vector<16xf32>,
      tpu.vector_store_idx %arg19[%get3A_144], %get3A_147 {add = true} : memref<4096xf32, #tpu.memory_space<vmem>>[vector<16xi32>], vector<16xf32>,
      %dma_wait3A_148 = arith.constant 0 : i32
      %dma_wait3A_149 = tpu.memref_slice %arg10[%add3A_59, %dma_wait3A_148] : memref<32x128xi32, #tpu.memory_space<vmem>> -> memref<1x128xi32, #tpu.memory_space<vmem>>
      %dma_wait3A_150 = tpu.memref_squeeze %dma_wait3A_149 : memref<1x128xi32, #tpu.memory_space<vmem>> -> memref<128xi32, #tpu.memory_space<vmem>>
      %dma_wait3A_151 = arith.constant 0 : i32
      %dma_wait3A_152 = arith.constant 0 : i32
      %dma_wait3A_153 = tpu.memref_slice %arg6[%dma_wait3A_151, %dma_wait3A_152] : memref<4096x128xf32, #tpu.memory_space<hbm>> -> memref<4096x128xf32, #tpu.memory_space<hbm>>
      tpu.wait_indirect_dma semaphore(%arg21 : memref<!tpu.dma_semaphore, #tpu.memory_space<semaphore_mem>>) src(%dma_wait3A_153 : memref<4096x128xf32, #tpu.memory_space<hbm>>) dst(%arg15 : memref<128x128xf32, #tpu.memory_space<vmem>>)
      %mul3A_154 = arith.constant 32 : i32
      %mul3A_155 = arith.muli %add3A, %mul3A_154 : i32
      %add3A_156 = arith.addi %mul3A_155, %add3A_59 : i32
      %dma_wait3A_157 = arith.constant 0 : i32
      %dma_wait3A_158 = arith.constant 0 : i32
      %dma_wait3A_159 = tpu.memref_slice %arg5[%add3A_156, %dma_wait3A_157, %dma_wait3A_158] : memref<1024x16x128xf32, #tpu.memory_space<hbm>> -> memref<1x16x128xf32, #tpu.memory_space<hbm>>
      %dma_wait3A_160 = arith.constant 0 : i32
      %dma_wait3A_161 = arith.constant 0 : i32
      %dma_wait3A_162 = tpu.memref_slice %arg5[%add3A_156, %dma_wait3A_160, %dma_wait3A_161] : memref<1024x16x128xf32, #tpu.memory_space<hbm>> -> memref<1x16x128xf32, #tpu.memory_space<hbm>>
      tpu.wait_dma2 semaphore(%arg21 : memref<!tpu.dma_semaphore, #tpu.memory_space<semaphore_mem>>) src(%dma_wait3A_162 : memref<1x16x128xf32, #tpu.memory_space<hbm>>) dst(%arg13 : memref<1x16x128xf32, #tpu.memory_space<vmem>>)
      %parallel_loop3A_163 = arith.constant 0 : i32
      %parallel_loop3A_164 = arith.constant 16 : i32
      %parallel_loop3A_165 = arith.constant 1 : i32
      scf.for %parallel_loop3A_230 = %parallel_loop3A_163 to %parallel_loop3A_164 step %parallel_loop3A_165  : i32 {
        %parallel_loop3A_231 = arith.constant 8 : i32
        %parallel_loop3A_232 = arith.muli %parallel_loop3A_230, %parallel_loop3A_231 : i32
        %parallel_loop3A_233 = arith.constant 0 : i32
        %parallel_loop3A_234 = arith.addi %parallel_loop3A_232, %parallel_loop3A_233 : i32
        %parallel_loop3A_235 = arith.constant 0 : i32
        %parallel_loop3A_236 = arith.index_cast %parallel_loop3A_235 : i32 to index
        %parallel_loop3A_237 = arith.index_cast %parallel_loop3A_230 : i32 to index
        %parallel_loop3A_238 = arith.constant 0 : index
        %parallel_loop3A_239 = tpu.vector_load %arg13[%parallel_loop3A_236, %parallel_loop3A_237, %parallel_loop3A_238] {strides = array<i32>} : memref<1x16x128xf32, #tpu.memory_space<vmem>>, vector<16xf32>,
        %parallel_loop3A_240 = arith.index_cast %parallel_loop3A_234 : i32 to index
        %parallel_loop3A_241 = arith.constant 0 : index
        %parallel_loop3A_242 = tpu.vector_load %arg15[%parallel_loop3A_240, %parallel_loop3A_241] {strides = array<i32>} : memref<128x128xf32, #tpu.memory_space<vmem>>, vector<16xf32>,
        %parallel_loop3A_243 = arith.mulf %parallel_loop3A_242, %parallel_loop3A_239 : vector<16xf32>
        %parallel_loop3A_244 = arith.index_cast %parallel_loop3A_234 : i32 to index
        %parallel_loop3A_245 = arith.constant 0 : index
        %parallel_loop3A_246 = tpu.vector_load %arg17[%parallel_loop3A_244, %parallel_loop3A_245] {strides = array<i32>} : memref<128x128xf32, #tpu.memory_space<vmem>>, vector<16xf32>,
        tpu.vector_store %arg17[%parallel_loop3A_244, %parallel_loop3A_245], %parallel_loop3A_243 {strides = array<i32>} : memref<128x128xf32, #tpu.memory_space<vmem>>, vector<16xf32>,
        %parallel_loop3A_247 = arith.index_cast %parallel_loop3A_234 : i32 to index
        %parallel_loop3A_248 = arith.constant 16 : index
        %parallel_loop3A_249 = tpu.vector_load %arg15[%parallel_loop3A_247, %parallel_loop3A_248] {strides = array<i32>} : memref<128x128xf32, #tpu.memory_space<vmem>>, vector<16xf32>,
        %parallel_loop3A_250 = arith.mulf %parallel_loop3A_249, %parallel_loop3A_239 : vector<16xf32>
        %parallel_loop3A_251 = arith.index_cast %parallel_loop3A_234 : i32 to index
        %parallel_loop3A_252 = arith.constant 16 : index
        %parallel_loop3A_253 = tpu.vector_load %arg17[%parallel_loop3A_251, %parallel_loop3A_252] {strides = array<i32>} : memref<128x128xf32, #tpu.memory_space<vmem>>, vector<16xf32>,
        tpu.vector_store %arg17[%parallel_loop3A_251, %parallel_loop3A_252], %parallel_loop3A_250 {strides = array<i32>} : memref<128x128xf32, #tpu.memory_space<vmem>>, vector<16xf32>,
        %parallel_loop3A_254 = arith.index_cast %parallel_loop3A_234 : i32 to index
        %parallel_loop3A_255 = arith.constant 32 : index
        %parallel_loop3A_256 = tpu.vector_load %arg15[%parallel_loop3A_254, %parallel_loop3A_255] {strides = array<i32>} : memref<128x128xf32, #tpu.memory_space<vmem>>, vector<16xf32>,
        %parallel_loop3A_257 = arith.mulf %parallel_loop3A_256, %parallel_loop3A_239 : vector<16xf32>
        %parallel_loop3A_258 = arith.index_cast %parallel_loop3A_234 : i32 to index
        %parallel_loop3A_259 = arith.constant 32 : index
        %parallel_loop3A_260 = tpu.vector_load %arg17[%parallel_loop3A_258, %parallel_loop3A_259] {strides = array<i32>} : memref<128x128xf32, #tpu.memory_space<vmem>>, vector<16xf32>,
        tpu.vector_store %arg17[%parallel_loop3A_258, %parallel_loop3A_259], %parallel_loop3A_257 {strides = array<i32>} : memref<128x128xf32, #tpu.memory_space<vmem>>, vector<16xf32>,
        %parallel_loop3A_261 = arith.index_cast %parallel_loop3A_234 : i32 to index
        %parallel_loop3A_262 = arith.constant 48 : index
        %parallel_loop3A_263 = tpu.vector_load %arg15[%parallel_loop3A_261, %parallel_loop3A_262] {strides = array<i32>} : memref<128x128xf32, #tpu.memory_space<vmem>>, vector<16xf32>,
        %parallel_loop3A_264 = arith.mulf %parallel_loop3A_263, %parallel_loop3A_239 : vector<16xf32>
        %parallel_loop3A_265 = arith.index_cast %parallel_loop3A_234 : i32 to index
        %parallel_loop3A_266 = arith.constant 48 : index
        %parallel_loop3A_267 = tpu.vector_load %arg17[%parallel_loop3A_265, %parallel_loop3A_266] {strides = array<i32>} : memref<128x128xf32, #tpu.memory_space<vmem>>, vector<16xf32>,
        tpu.vector_store %arg17[%parallel_loop3A_265, %parallel_loop3A_266], %parallel_loop3A_264 {strides = array<i32>} : memref<128x128xf32, #tpu.memory_space<vmem>>, vector<16xf32>,
        %parallel_loop3A_268 = arith.index_cast %parallel_loop3A_234 : i32 to index
        %parallel_loop3A_269 = arith.constant 64 : index
        %parallel_loop3A_270 = tpu.vector_load %arg15[%parallel_loop3A_268, %parallel_loop3A_269] {strides = array<i32>} : memref<128x128xf32, #tpu.memory_space<vmem>>, vector<16xf32>,
        %parallel_loop3A_271 = arith.mulf %parallel_loop3A_270, %parallel_loop3A_239 : vector<16xf32>
        %parallel_loop3A_272 = arith.index_cast %parallel_loop3A_234 : i32 to index
        %parallel_loop3A_273 = arith.constant 64 : index
        %parallel_loop3A_274 = tpu.vector_load %arg17[%parallel_loop3A_272, %parallel_loop3A_273] {strides = array<i32>} : memref<128x128xf32, #tpu.memory_space<vmem>>, vector<16xf32>,
        tpu.vector_store %arg17[%parallel_loop3A_272, %parallel_loop3A_273], %parallel_loop3A_271 {strides = array<i32>} : memref<128x128xf32, #tpu.memory_space<vmem>>, vector<16xf32>,
        %parallel_loop3A_275 = arith.index_cast %parallel_loop3A_234 : i32 to index
        %parallel_loop3A_276 = arith.constant 80 : index
        %parallel_loop3A_277 = tpu.vector_load %arg15[%parallel_loop3A_275, %parallel_loop3A_276] {strides = array<i32>} : memref<128x128xf32, #tpu.memory_space<vmem>>, vector<16xf32>,
        %parallel_loop3A_278 = arith.mulf %parallel_loop3A_277, %parallel_loop3A_239 : vector<16xf32>
        %parallel_loop3A_279 = arith.index_cast %parallel_loop3A_234 : i32 to index
        %parallel_loop3A_280 = arith.constant 80 : index
        %parallel_loop3A_281 = tpu.vector_load %arg17[%parallel_loop3A_279, %parallel_loop3A_280] {strides = array<i32>} : memref<128x128xf32, #tpu.memory_space<vmem>>, vector<16xf32>,
        tpu.vector_store %arg17[%parallel_loop3A_279, %parallel_loop3A_280], %parallel_loop3A_278 {strides = array<i32>} : memref<128x128xf32, #tpu.memory_space<vmem>>, vector<16xf32>,
        %parallel_loop3A_282 = arith.index_cast %parallel_loop3A_234 : i32 to index
        %parallel_loop3A_283 = arith.constant 96 : index
        %parallel_loop3A_284 = tpu.vector_load %arg15[%parallel_loop3A_282, %parallel_loop3A_283] {strides = array<i32>} : memref<128x128xf32, #tpu.memory_space<vmem>>, vector<16xf32>,
        %parallel_loop3A_285 = arith.mulf %parallel_loop3A_284, %parallel_loop3A_239 : vector<16xf32>
        %parallel_loop3A_286 = arith.index_cast %parallel_loop3A_234 : i32 to index
        %parallel_loop3A_287 = arith.constant 96 : index
        %parallel_loop3A_288 = tpu.vector_load %arg17[%parallel_loop3A_286, %parallel_loop3A_287] {strides = array<i32>} : memref<128x128xf32, #tpu.memory_space<vmem>>, vector<16xf32>,
        tpu.vector_store %arg17[%parallel_loop3A_286, %parallel_loop3A_287], %parallel_loop3A_285 {strides = array<i32>} : memref<128x128xf32, #tpu.memory_space<vmem>>, vector<16xf32>,
        %parallel_loop3A_289 = arith.index_cast %parallel_loop3A_234 : i32 to index
        %parallel_loop3A_290 = arith.constant 112 : index
        %parallel_loop3A_291 = tpu.vector_load %arg15[%parallel_loop3A_289, %parallel_loop3A_290] {strides = array<i32>} : memref<128x128xf32, #tpu.memory_space<vmem>>, vector<16xf32>,
        %parallel_loop3A_292 = arith.mulf %parallel_loop3A_291, %parallel_loop3A_239 : vector<16xf32>
        %parallel_loop3A_293 = arith.index_cast %parallel_loop3A_234 : i32 to index
        %parallel_loop3A_294 = arith.constant 112 : index
        %parallel_loop3A_295 = tpu.vector_load %arg17[%parallel_loop3A_293, %parallel_loop3A_294] {strides = array<i32>} : memref<128x128xf32, #tpu.memory_space<vmem>>, vector<16xf32>,
        tpu.vector_store %arg17[%parallel_loop3A_293, %parallel_loop3A_294], %parallel_loop3A_292 {strides = array<i32>} : memref<128x128xf32, #tpu.memory_space<vmem>>, vector<16xf32>,
        %parallel_loop3A_296 = arith.constant 8 : i32
        %parallel_loop3A_297 = arith.muli %parallel_loop3A_230, %parallel_loop3A_296 : i32
        %parallel_loop3A_298 = arith.constant 1 : i32
        %parallel_loop3A_299 = arith.addi %parallel_loop3A_297, %parallel_loop3A_298 : i32
        %parallel_loop3A_300 = arith.constant 0 : i32
        %parallel_loop3A_301 = arith.index_cast %parallel_loop3A_300 : i32 to index
        %parallel_loop3A_302 = arith.index_cast %parallel_loop3A_230 : i32 to index
        %parallel_loop3A_303 = arith.constant 16 : index
        %parallel_loop3A_304 = tpu.vector_load %arg13[%parallel_loop3A_301, %parallel_loop3A_302, %parallel_loop3A_303] {strides = array<i32>} : memref<1x16x128xf32, #tpu.memory_space<vmem>>, vector<16xf32>,
        %parallel_loop3A_305 = arith.index_cast %parallel_loop3A_299 : i32 to index
        %parallel_loop3A_306 = arith.constant 0 : index
        %parallel_loop3A_307 = tpu.vector_load %arg15[%parallel_loop3A_305, %parallel_loop3A_306] {strides = array<i32>} : memref<128x128xf32, #tpu.memory_space<vmem>>, vector<16xf32>,
        %parallel_loop3A_308 = arith.mulf %parallel_loop3A_307, %parallel_loop3A_304 : vector<16xf32>
        %parallel_loop3A_309 = arith.index_cast %parallel_loop3A_299 : i32 to index
        %parallel_loop3A_310 = arith.constant 0 : index
        %parallel_loop3A_311 = tpu.vector_load %arg17[%parallel_loop3A_309, %parallel_loop3A_310] {strides = array<i32>} : memref<128x128xf32, #tpu.memory_space<vmem>>, vector<16xf32>,
        tpu.vector_store %arg17[%parallel_loop3A_309, %parallel_loop3A_310], %parallel_loop3A_308 {strides = array<i32>} : memref<128x128xf32, #tpu.memory_space<vmem>>, vector<16xf32>,
        %parallel_loop3A_312 = arith.index_cast %parallel_loop3A_299 : i32 to index
        %parallel_loop3A_313 = arith.constant 16 : index
        %parallel_loop3A_314 = tpu.vector_load %arg15[%parallel_loop3A_312, %parallel_loop3A_313] {strides = array<i32>} : memref<128x128xf32, #tpu.memory_space<vmem>>, vector<16xf32>,
        %parallel_loop3A_315 = arith.mulf %parallel_loop3A_314, %parallel_loop3A_304 : vector<16xf32>
        %parallel_loop3A_316 = arith.index_cast %parallel_loop3A_299 : i32 to index
        %parallel_loop3A_317 = arith.constant 16 : index
        %parallel_loop3A_318 = tpu.vector_load %arg17[%parallel_loop3A_316, %parallel_loop3A_317] {strides = array<i32>} : memref<128x128xf32, #tpu.memory_space<vmem>>, vector<16xf32>,
        tpu.vector_store %arg17[%parallel_loop3A_316, %parallel_loop3A_317], %parallel_loop3A_315 {strides = array<i32>} : memref<128x128xf32, #tpu.memory_space<vmem>>, vector<16xf32>,
        %parallel_loop3A_319 = arith.index_cast %parallel_loop3A_299 : i32 to index
        %parallel_loop3A_320 = arith.constant 32 : index
        %parallel_loop3A_321 = tpu.vector_load %arg15[%parallel_loop3A_319, %parallel_loop3A_320] {strides = array<i32>} : memref<128x128xf32, #tpu.memory_space<vmem>>, vector<16xf32>,
        %parallel_loop3A_322 = arith.mulf %parallel_loop3A_321, %parallel_loop3A_304 : vector<16xf32>
        %parallel_loop3A_323 = arith.index_cast %parallel_loop3A_299 : i32 to index
        %parallel_loop3A_324 = arith.constant 32 : index
        %parallel_loop3A_325 = tpu.vector_load %arg17[%parallel_loop3A_323, %parallel_loop3A_324] {strides = array<i32>} : memref<128x128xf32, #tpu.memory_space<vmem>>, vector<16xf32>,
        tpu.vector_store %arg17[%parallel_loop3A_323, %parallel_loop3A_324], %parallel_loop3A_322 {strides = array<i32>} : memref<128x128xf32, #tpu.memory_space<vmem>>, vector<16xf32>,
        %parallel_loop3A_326 = arith.index_cast %parallel_loop3A_299 : i32 to index
        %parallel_loop3A_327 = arith.constant 48 : index
        %parallel_loop3A_328 = tpu.vector_load %arg15[%parallel_loop3A_326, %parallel_loop3A_327] {strides = array<i32>} : memref<128x128xf32, #tpu.memory_space<vmem>>, vector<16xf32>,
        %parallel_loop3A_329 = arith.mulf %parallel_loop3A_328, %parallel_loop3A_304 : vector<16xf32>
        %parallel_loop3A_330 = arith.index_cast %parallel_loop3A_299 : i32 to index
        %parallel_loop3A_331 = arith.constant 48 : index
        %parallel_loop3A_332 = tpu.vector_load %arg17[%parallel_loop3A_330, %parallel_loop3A_331] {strides = array<i32>} : memref<128x128xf32, #tpu.memory_space<vmem>>, vector<16xf32>,
        tpu.vector_store %arg17[%parallel_loop3A_330, %parallel_loop3A_331], %parallel_loop3A_329 {strides = array<i32>} : memref<128x128xf32, #tpu.memory_space<vmem>>, vector<16xf32>,
        %parallel_loop3A_333 = arith.index_cast %parallel_loop3A_299 : i32 to index
        %parallel_loop3A_334 = arith.constant 64 : index
        %parallel_loop3A_335 = tpu.vector_load %arg15[%parallel_loop3A_333, %parallel_loop3A_334] {strides = array<i32>} : memref<128x128xf32, #tpu.memory_space<vmem>>, vector<16xf32>,
        %parallel_loop3A_336 = arith.mulf %parallel_loop3A_335, %parallel_loop3A_304 : vector<16xf32>
        %parallel_loop3A_337 = arith.index_cast %parallel_loop3A_299 : i32 to index
        %parallel_loop3A_338 = arith.constant 64 : index
        %parallel_loop3A_339 = tpu.vector_load %arg17[%parallel_loop3A_337, %parallel_loop3A_338] {strides = array<i32>} : memref<128x128xf32, #tpu.memory_space<vmem>>, vector<16xf32>,
        tpu.vector_store %arg17[%parallel_loop3A_337, %parallel_loop3A_338], %parallel_loop3A_336 {strides = array<i32>} : memref<128x128xf32, #tpu.memory_space<vmem>>, vector<16xf32>,
        %parallel_loop3A_340 = arith.index_cast %parallel_loop3A_299 : i32 to index
        %parallel_loop3A_341 = arith.constant 80 : index
        %parallel_loop3A_342 = tpu.vector_load %arg15[%parallel_loop3A_340, %parallel_loop3A_341] {strides = array<i32>} : memref<128x128xf32, #tpu.memory_space<vmem>>, vector<16xf32>,
        %parallel_loop3A_343 = arith.mulf %parallel_loop3A_342, %parallel_loop3A_304 : vector<16xf32>
        %parallel_loop3A_344 = arith.index_cast %parallel_loop3A_299 : i32 to index
        %parallel_loop3A_345 = arith.constant 80 : index
        %parallel_loop3A_346 = tpu.vector_load %arg17[%parallel_loop3A_344, %parallel_loop3A_345] {strides = array<i32>} : memref<128x128xf32, #tpu.memory_space<vmem>>, vector<16xf32>,
        tpu.vector_store %arg17[%parallel_loop3A_344, %parallel_loop3A_345], %parallel_loop3A_343 {strides = array<i32>} : memref<128x128xf32, #tpu.memory_space<vmem>>, vector<16xf32>,
        %parallel_loop3A_347 = arith.index_cast %parallel_loop3A_299 : i32 to index
        %parallel_loop3A_348 = arith.constant 96 : index
        %parallel_loop3A_349 = tpu.vector_load %arg15[%parallel_loop3A_347, %parallel_loop3A_348] {strides = array<i32>} : memref<128x128xf32, #tpu.memory_space<vmem>>, vector<16xf32>,
        %parallel_loop3A_350 = arith.mulf %parallel_loop3A_349, %parallel_loop3A_304 : vector<16xf32>
        %parallel_loop3A_351 = arith.index_cast %parallel_loop3A_299 : i32 to index
        %parallel_loop3A_352 = arith.constant 96 : index
        %parallel_loop3A_353 = tpu.vector_load %arg17[%parallel_loop3A_351, %parallel_loop3A_352] {strides = array<i32>} : memref<128x128xf32, #tpu.memory_space<vmem>>, vector<16xf32>,
        tpu.vector_store %arg17[%parallel_loop3A_351, %parallel_loop3A_352], %parallel_loop3A_350 {strides = array<i32>} : memref<128x128xf32, #tpu.memory_space<vmem>>, vector<16xf32>,
        %parallel_loop3A_354 = arith.index_cast %parallel_loop3A_299 : i32 to index
        %parallel_loop3A_355 = arith.constant 112 : index
        %parallel_loop3A_356 = tpu.vector_load %arg15[%parallel_loop3A_354, %parallel_loop3A_355] {strides = array<i32>} : memref<128x128xf32, #tpu.memory_space<vmem>>, vector<16xf32>,
        %parallel_loop3A_357 = arith.mulf %parallel_loop3A_356, %parallel_loop3A_304 : vector<16xf32>
        %parallel_loop3A_358 = arith.index_cast %parallel_loop3A_299 : i32 to index
        %parallel_loop3A_359 = arith.constant 112 : index
        %parallel_loop3A_360 = tpu.vector_load %arg17[%parallel_loop3A_358, %parallel_loop3A_359] {strides = array<i32>} : memref<128x128xf32, #tpu.memory_space<vmem>>, vector<16xf32>,
        tpu.vector_store %arg17[%parallel_loop3A_358, %parallel_loop3A_359], %parallel_loop3A_357 {strides = array<i32>} : memref<128x128xf32, #tpu.memory_space<vmem>>, vector<16xf32>,
        %parallel_loop3A_361 = arith.constant 8 : i32
        %parallel_loop3A_362 = arith.muli %parallel_loop3A_230, %parallel_loop3A_361 : i32
        %parallel_loop3A_363 = arith.constant 2 : i32
        %parallel_loop3A_364 = arith.addi %parallel_loop3A_362, %parallel_loop3A_363 : i32
        %parallel_loop3A_365 = arith.constant 0 : i32
        %parallel_loop3A_366 = arith.index_cast %parallel_loop3A_365 : i32 to index
        %parallel_loop3A_367 = arith.index_cast %parallel_loop3A_230 : i32 to index
        %parallel_loop3A_368 = arith.constant 32 : index
        %parallel_loop3A_369 = tpu.vector_load %arg13[%parallel_loop3A_366, %parallel_loop3A_367, %parallel_loop3A_368] {strides = array<i32>} : memref<1x16x128xf32, #tpu.memory_space<vmem>>, vector<16xf32>,
        %parallel_loop3A_370 = arith.index_cast %parallel_loop3A_364 : i32 to index
        %parallel_loop3A_371 = arith.constant 0 : index
        %parallel_loop3A_372 = tpu.vector_load %arg15[%parallel_loop3A_370, %parallel_loop3A_371] {strides = array<i32>} : memref<128x128xf32, #tpu.memory_space<vmem>>, vector<16xf32>,
        %parallel_loop3A_373 = arith.mulf %parallel_loop3A_372, %parallel_loop3A_369 : vector<16xf32>
        %parallel_loop3A_374 = arith.index_cast %parallel_loop3A_364 : i32 to index
        %parallel_loop3A_375 = arith.constant 0 : index
        %parallel_loop3A_376 = tpu.vector_load %arg17[%parallel_loop3A_374, %parallel_loop3A_375] {strides = array<i32>} : memref<128x128xf32, #tpu.memory_space<vmem>>, vector<16xf32>,
        tpu.vector_store %arg17[%parallel_loop3A_374, %parallel_loop3A_375], %parallel_loop3A_373 {strides = array<i32>} : memref<128x128xf32, #tpu.memory_space<vmem>>, vector<16xf32>,
        %parallel_loop3A_377 = arith.index_cast %parallel_loop3A_364 : i32 to index
        %parallel_loop3A_378 = arith.constant 16 : index
        %parallel_loop3A_379 = tpu.vector_load %arg15[%parallel_loop3A_377, %parallel_loop3A_378] {strides = array<i32>} : memref<128x128xf32, #tpu.memory_space<vmem>>, vector<16xf32>,
        %parallel_loop3A_380 = arith.mulf %parallel_loop3A_379, %parallel_loop3A_369 : vector<16xf32>
        %parallel_loop3A_381 = arith.index_cast %parallel_loop3A_364 : i32 to index
        %parallel_loop3A_382 = arith.constant 16 : index
        %parallel_loop3A_383 = tpu.vector_load %arg17[%parallel_loop3A_381, %parallel_loop3A_382] {strides = array<i32>} : memref<128x128xf32, #tpu.memory_space<vmem>>, vector<16xf32>,
        tpu.vector_store %arg17[%parallel_loop3A_381, %parallel_loop3A_382], %parallel_loop3A_380 {strides = array<i32>} : memref<128x128xf32, #tpu.memory_space<vmem>>, vector<16xf32>,
        %parallel_loop3A_384 = arith.index_cast %parallel_loop3A_364 : i32 to index
        %parallel_loop3A_385 = arith.constant 32 : index
        %parallel_loop3A_386 = tpu.vector_load %arg15[%parallel_loop3A_384, %parallel_loop3A_385] {strides = array<i32>} : memref<128x128xf32, #tpu.memory_space<vmem>>, vector<16xf32>,
        %parallel_loop3A_387 = arith.mulf %parallel_loop3A_386, %parallel_loop3A_369 : vector<16xf32>
        %parallel_loop3A_388 = arith.index_cast %parallel_loop3A_364 : i32 to index
        %parallel_loop3A_389 = arith.constant 32 : index
        %parallel_loop3A_390 = tpu.vector_load %arg17[%parallel_loop3A_388, %parallel_loop3A_389] {strides = array<i32>} : memref<128x128xf32, #tpu.memory_space<vmem>>, vector<16xf32>,
        tpu.vector_store %arg17[%parallel_loop3A_388, %parallel_loop3A_389], %parallel_loop3A_387 {strides = array<i32>} : memref<128x128xf32, #tpu.memory_space<vmem>>, vector<16xf32>,
        %parallel_loop3A_391 = arith.index_cast %parallel_loop3A_364 : i32 to index
        %parallel_loop3A_392 = arith.constant 48 : index
        %parallel_loop3A_393 = tpu.vector_load %arg15[%parallel_loop3A_391, %parallel_loop3A_392] {strides = array<i32>} : memref<128x128xf32, #tpu.memory_space<vmem>>, vector<16xf32>,
        %parallel_loop3A_394 = arith.mulf %parallel_loop3A_393, %parallel_loop3A_369 : vector<16xf32>
        %parallel_loop3A_395 = arith.index_cast %parallel_loop3A_364 : i32 to index
        %parallel_loop3A_396 = arith.constant 48 : index
        %parallel_loop3A_397 = tpu.vector_load %arg17[%parallel_loop3A_395, %parallel_loop3A_396] {strides = array<i32>} : memref<128x128xf32, #tpu.memory_space<vmem>>, vector<16xf32>,
        tpu.vector_store %arg17[%parallel_loop3A_395, %parallel_loop3A_396], %parallel_loop3A_394 {strides = array<i32>} : memref<128x128xf32, #tpu.memory_space<vmem>>, vector<16xf32>,
        %parallel_loop3A_398 = arith.index_cast %parallel_loop3A_364 : i32 to index
        %parallel_loop3A_399 = arith.constant 64 : index
        %parallel_loop3A_400 = tpu.vector_load %arg15[%parallel_loop3A_398, %parallel_loop3A_399] {strides = array<i32>} : memref<128x128xf32, #tpu.memory_space<vmem>>, vector<16xf32>,
        %parallel_loop3A_401 = arith.mulf %parallel_loop3A_400, %parallel_loop3A_369 : vector<16xf32>
        %parallel_loop3A_402 = arith.index_cast %parallel_loop3A_364 : i32 to index
        %parallel_loop3A_403 = arith.constant 64 : index
        %parallel_loop3A_404 = tpu.vector_load %arg17[%parallel_loop3A_402, %parallel_loop3A_403] {strides = array<i32>} : memref<128x128xf32, #tpu.memory_space<vmem>>, vector<16xf32>,
        tpu.vector_store %arg17[%parallel_loop3A_402, %parallel_loop3A_403], %parallel_loop3A_401 {strides = array<i32>} : memref<128x128xf32, #tpu.memory_space<vmem>>, vector<16xf32>,
        %parallel_loop3A_405 = arith.index_cast %parallel_loop3A_364 : i32 to index
        %parallel_loop3A_406 = arith.constant 80 : index
        %parallel_loop3A_407 = tpu.vector_load %arg15[%parallel_loop3A_405, %parallel_loop3A_406] {strides = array<i32>} : memref<128x128xf32, #tpu.memory_space<vmem>>, vector<16xf32>,
        %parallel_loop3A_408 = arith.mulf %parallel_loop3A_407, %parallel_loop3A_369 : vector<16xf32>
        %parallel_loop3A_409 = arith.index_cast %parallel_loop3A_364 : i32 to index
        %parallel_loop3A_410 = arith.constant 80 : index
        %parallel_loop3A_411 = tpu.vector_load %arg17[%parallel_loop3A_409, %parallel_loop3A_410] {strides = array<i32>} : memref<128x128xf32, #tpu.memory_space<vmem>>, vector<16xf32>,
        tpu.vector_store %arg17[%parallel_loop3A_409, %parallel_loop3A_410], %parallel_loop3A_408 {strides = array<i32>} : memref<128x128xf32, #tpu.memory_space<vmem>>, vector<16xf32>,
        %parallel_loop3A_412 = arith.index_cast %parallel_loop3A_364 : i32 to index
        %parallel_loop3A_413 = arith.constant 96 : index
        %parallel_loop3A_414 = tpu.vector_load %arg15[%parallel_loop3A_412, %parallel_loop3A_413] {strides = array<i32>} : memref<128x128xf32, #tpu.memory_space<vmem>>, vector<16xf32>,
        %parallel_loop3A_415 = arith.mulf %parallel_loop3A_414, %parallel_loop3A_369 : vector<16xf32>
        %parallel_loop3A_416 = arith.index_cast %parallel_loop3A_364 : i32 to index
        %parallel_loop3A_417 = arith.constant 96 : index
        %parallel_loop3A_418 = tpu.vector_load %arg17[%parallel_loop3A_416, %parallel_loop3A_417] {strides = array<i32>} : memref<128x128xf32, #tpu.memory_space<vmem>>, vector<16xf32>,
        tpu.vector_store %arg17[%parallel_loop3A_416, %parallel_loop3A_417], %parallel_loop3A_415 {strides = array<i32>} : memref<128x128xf32, #tpu.memory_space<vmem>>, vector<16xf32>,
        %parallel_loop3A_419 = arith.index_cast %parallel_loop3A_364 : i32 to index
        %parallel_loop3A_420 = arith.constant 112 : index
        %parallel_loop3A_421 = tpu.vector_load %arg15[%parallel_loop3A_419, %parallel_loop3A_420] {strides = array<i32>} : memref<128x128xf32, #tpu.memory_space<vmem>>, vector<16xf32>,
        %parallel_loop3A_422 = arith.mulf %parallel_loop3A_421, %parallel_loop3A_369 : vector<16xf32>
        %parallel_loop3A_423 = arith.index_cast %parallel_loop3A_364 : i32 to index
        %parallel_loop3A_424 = arith.constant 112 : index
        %parallel_loop3A_425 = tpu.vector_load %arg17[%parallel_loop3A_423, %parallel_loop3A_424] {strides = array<i32>} : memref<128x128xf32, #tpu.memory_space<vmem>>, vector<16xf32>,
        tpu.vector_store %arg17[%parallel_loop3A_423, %parallel_loop3A_424], %parallel_loop3A_422 {strides = array<i32>} : memref<128x128xf32, #tpu.memory_space<vmem>>, vector<16xf32>,
        %parallel_loop3A_426 = arith.constant 8 : i32
        %parallel_loop3A_427 = arith.muli %parallel_loop3A_230, %parallel_loop3A_426 : i32
        %parallel_loop3A_428 = arith.constant 3 : i32
        %parallel_loop3A_429 = arith.addi %parallel_loop3A_427, %parallel_loop3A_428 : i32
        %parallel_loop3A_430 = arith.constant 0 : i32
        %parallel_loop3A_431 = arith.index_cast %parallel_loop3A_430 : i32 to index
        %parallel_loop3A_432 = arith.index_cast %parallel_loop3A_230 : i32 to index
        %parallel_loop3A_433 = arith.constant 48 : index
        %parallel_loop3A_434 = tpu.vector_load %arg13[%parallel_loop3A_431, %parallel_loop3A_432, %parallel_loop3A_433] {strides = array<i32>} : memref<1x16x128xf32, #tpu.memory_space<vmem>>, vector<16xf32>,
        %parallel_loop3A_435 = arith.index_cast %parallel_loop3A_429 : i32 to index
        %parallel_loop3A_436 = arith.constant 0 : index
        %parallel_loop3A_437 = tpu.vector_load %arg15[%parallel_loop3A_435, %parallel_loop3A_436] {strides = array<i32>} : memref<128x128xf32, #tpu.memory_space<vmem>>, vector<16xf32>,
        %parallel_loop3A_438 = arith.mulf %parallel_loop3A_437, %parallel_loop3A_434 : vector<16xf32>
        %parallel_loop3A_439 = arith.index_cast %parallel_loop3A_429 : i32 to index
        %parallel_loop3A_440 = arith.constant 0 : index
        %parallel_loop3A_441 = tpu.vector_load %arg17[%parallel_loop3A_439, %parallel_loop3A_440] {strides = array<i32>} : memref<128x128xf32, #tpu.memory_space<vmem>>, vector<16xf32>,
        tpu.vector_store %arg17[%parallel_loop3A_439, %parallel_loop3A_440], %parallel_loop3A_438 {strides = array<i32>} : memref<128x128xf32, #tpu.memory_space<vmem>>, vector<16xf32>,
        %parallel_loop3A_442 = arith.index_cast %parallel_loop3A_429 : i32 to index
        %parallel_loop3A_443 = arith.constant 16 : index
        %parallel_loop3A_444 = tpu.vector_load %arg15[%parallel_loop3A_442, %parallel_loop3A_443] {strides = array<i32>} : memref<128x128xf32, #tpu.memory_space<vmem>>, vector<16xf32>,
        %parallel_loop3A_445 = arith.mulf %parallel_loop3A_444, %parallel_loop3A_434 : vector<16xf32>
        %parallel_loop3A_446 = arith.index_cast %parallel_loop3A_429 : i32 to index
        %parallel_loop3A_447 = arith.constant 16 : index
        %parallel_loop3A_448 = tpu.vector_load %arg17[%parallel_loop3A_446, %parallel_loop3A_447] {strides = array<i32>} : memref<128x128xf32, #tpu.memory_space<vmem>>, vector<16xf32>,
        tpu.vector_store %arg17[%parallel_loop3A_446, %parallel_loop3A_447], %parallel_loop3A_445 {strides = array<i32>} : memref<128x128xf32, #tpu.memory_space<vmem>>, vector<16xf32>,
        %parallel_loop3A_449 = arith.index_cast %parallel_loop3A_429 : i32 to index
        %parallel_loop3A_450 = arith.constant 32 : index
        %parallel_loop3A_451 = tpu.vector_load %arg15[%parallel_loop3A_449, %parallel_loop3A_450] {strides = array<i32>} : memref<128x128xf32, #tpu.memory_space<vmem>>, vector<16xf32>,
        %parallel_loop3A_452 = arith.mulf %parallel_loop3A_451, %parallel_loop3A_434 : vector<16xf32>
        %parallel_loop3A_453 = arith.index_cast %parallel_loop3A_429 : i32 to index
        %parallel_loop3A_454 = arith.constant 32 : index
        %parallel_loop3A_455 = tpu.vector_load %arg17[%parallel_loop3A_453, %parallel_loop3A_454] {strides = array<i32>} : memref<128x128xf32, #tpu.memory_space<vmem>>, vector<16xf32>,
        tpu.vector_store %arg17[%parallel_loop3A_453, %parallel_loop3A_454], %parallel_loop3A_452 {strides = array<i32>} : memref<128x128xf32, #tpu.memory_space<vmem>>, vector<16xf32>,
        %parallel_loop3A_456 = arith.index_cast %parallel_loop3A_429 : i32 to index
        %parallel_loop3A_457 = arith.constant 48 : index
        %parallel_loop3A_458 = tpu.vector_load %arg15[%parallel_loop3A_456, %parallel_loop3A_457] {strides = array<i32>} : memref<128x128xf32, #tpu.memory_space<vmem>>, vector<16xf32>,
        %parallel_loop3A_459 = arith.mulf %parallel_loop3A_458, %parallel_loop3A_434 : vector<16xf32>
        %parallel_loop3A_460 = arith.index_cast %parallel_loop3A_429 : i32 to index
        %parallel_loop3A_461 = arith.constant 48 : index
        %parallel_loop3A_462 = tpu.vector_load %arg17[%parallel_loop3A_460, %parallel_loop3A_461] {strides = array<i32>} : memref<128x128xf32, #tpu.memory_space<vmem>>, vector<16xf32>,
        tpu.vector_store %arg17[%parallel_loop3A_460, %parallel_loop3A_461], %parallel_loop3A_459 {strides = array<i32>} : memref<128x128xf32, #tpu.memory_space<vmem>>, vector<16xf32>,
        %parallel_loop3A_463 = arith.index_cast %parallel_loop3A_429 : i32 to index
        %parallel_loop3A_464 = arith.constant 64 : index
        %parallel_loop3A_465 = tpu.vector_load %arg15[%parallel_loop3A_463, %parallel_loop3A_464] {strides = array<i32>} : memref<128x128xf32, #tpu.memory_space<vmem>>, vector<16xf32>,
        %parallel_loop3A_466 = arith.mulf %parallel_loop3A_465, %parallel_loop3A_434 : vector<16xf32>
        %parallel_loop3A_467 = arith.index_cast %parallel_loop3A_429 : i32 to index
        %parallel_loop3A_468 = arith.constant 64 : index
        %parallel_loop3A_469 = tpu.vector_load %arg17[%parallel_loop3A_467, %parallel_loop3A_468] {strides = array<i32>} : memref<128x128xf32, #tpu.memory_space<vmem>>, vector<16xf32>,
        tpu.vector_store %arg17[%parallel_loop3A_467, %parallel_loop3A_468], %parallel_loop3A_466 {strides = array<i32>} : memref<128x128xf32, #tpu.memory_space<vmem>>, vector<16xf32>,
        %parallel_loop3A_470 = arith.index_cast %parallel_loop3A_429 : i32 to index
        %parallel_loop3A_471 = arith.constant 80 : index
        %parallel_loop3A_472 = tpu.vector_load %arg15[%parallel_loop3A_470, %parallel_loop3A_471] {strides = array<i32>} : memref<128x128xf32, #tpu.memory_space<vmem>>, vector<16xf32>,
        %parallel_loop3A_473 = arith.mulf %parallel_loop3A_472, %parallel_loop3A_434 : vector<16xf32>
        %parallel_loop3A_474 = arith.index_cast %parallel_loop3A_429 : i32 to index
        %parallel_loop3A_475 = arith.constant 80 : index
        %parallel_loop3A_476 = tpu.vector_load %arg17[%parallel_loop3A_474, %parallel_loop3A_475] {strides = array<i32>} : memref<128x128xf32, #tpu.memory_space<vmem>>, vector<16xf32>,
        tpu.vector_store %arg17[%parallel_loop3A_474, %parallel_loop3A_475], %parallel_loop3A_473 {strides = array<i32>} : memref<128x128xf32, #tpu.memory_space<vmem>>, vector<16xf32>,
        %parallel_loop3A_477 = arith.index_cast %parallel_loop3A_429 : i32 to index
        %parallel_loop3A_478 = arith.constant 96 : index
        %parallel_loop3A_479 = tpu.vector_load %arg15[%parallel_loop3A_477, %parallel_loop3A_478] {strides = array<i32>} : memref<128x128xf32, #tpu.memory_space<vmem>>, vector<16xf32>,
        %parallel_loop3A_480 = arith.mulf %parallel_loop3A_479, %parallel_loop3A_434 : vector<16xf32>
        %parallel_loop3A_481 = arith.index_cast %parallel_loop3A_429 : i32 to index
        %parallel_loop3A_482 = arith.constant 96 : index
        %parallel_loop3A_483 = tpu.vector_load %arg17[%parallel_loop3A_481, %parallel_loop3A_482] {strides = array<i32>} : memref<128x128xf32, #tpu.memory_space<vmem>>, vector<16xf32>,
        tpu.vector_store %arg17[%parallel_loop3A_481, %parallel_loop3A_482], %parallel_loop3A_480 {strides = array<i32>} : memref<128x128xf32, #tpu.memory_space<vmem>>, vector<16xf32>,
        %parallel_loop3A_484 = arith.index_cast %parallel_loop3A_429 : i32 to index
        %parallel_loop3A_485 = arith.constant 112 : index
        %parallel_loop3A_486 = tpu.vector_load %arg15[%parallel_loop3A_484, %parallel_loop3A_485] {strides = array<i32>} : memref<128x128xf32, #tpu.memory_space<vmem>>, vector<16xf32>,
        %parallel_loop3A_487 = arith.mulf %parallel_loop3A_486, %parallel_loop3A_434 : vector<16xf32>
        %parallel_loop3A_488 = arith.index_cast %parallel_loop3A_429 : i32 to index
        %parallel_loop3A_489 = arith.constant 112 : index
        %parallel_loop3A_490 = tpu.vector_load %arg17[%parallel_loop3A_488, %parallel_loop3A_489] {strides = array<i32>} : memref<128x128xf32, #tpu.memory_space<vmem>>, vector<16xf32>,
        tpu.vector_store %arg17[%parallel_loop3A_488, %parallel_loop3A_489], %parallel_loop3A_487 {strides = array<i32>} : memref<128x128xf32, #tpu.memory_space<vmem>>, vector<16xf32>,
        %parallel_loop3A_491 = arith.constant 8 : i32
        %parallel_loop3A_492 = arith.muli %parallel_loop3A_230, %parallel_loop3A_491 : i32
        %parallel_loop3A_493 = arith.constant 4 : i32
        %parallel_loop3A_494 = arith.addi %parallel_loop3A_492, %parallel_loop3A_493 : i32
        %parallel_loop3A_495 = arith.constant 0 : i32
        %parallel_loop3A_496 = arith.index_cast %parallel_loop3A_495 : i32 to index
        %parallel_loop3A_497 = arith.index_cast %parallel_loop3A_230 : i32 to index
        %parallel_loop3A_498 = arith.constant 64 : index
        %parallel_loop3A_499 = tpu.vector_load %arg13[%parallel_loop3A_496, %parallel_loop3A_497, %parallel_loop3A_498] {strides = array<i32>} : memref<1x16x128xf32, #tpu.memory_space<vmem>>, vector<16xf32>,
        %parallel_loop3A_500 = arith.index_cast %parallel_loop3A_494 : i32 to index
        %parallel_loop3A_501 = arith.constant 0 : index
        %parallel_loop3A_502 = tpu.vector_load %arg15[%parallel_loop3A_500, %parallel_loop3A_501] {strides = array<i32>} : memref<128x128xf32, #tpu.memory_space<vmem>>, vector<16xf32>,
        %parallel_loop3A_503 = arith.mulf %parallel_loop3A_502, %parallel_loop3A_499 : vector<16xf32>
        %parallel_loop3A_504 = arith.index_cast %parallel_loop3A_494 : i32 to index
        %parallel_loop3A_505 = arith.constant 0 : index
        %parallel_loop3A_506 = tpu.vector_load %arg17[%parallel_loop3A_504, %parallel_loop3A_505] {strides = array<i32>} : memref<128x128xf32, #tpu.memory_space<vmem>>, vector<16xf32>,
        tpu.vector_store %arg17[%parallel_loop3A_504, %parallel_loop3A_505], %parallel_loop3A_503 {strides = array<i32>} : memref<128x128xf32, #tpu.memory_space<vmem>>, vector<16xf32>,
        %parallel_loop3A_507 = arith.index_cast %parallel_loop3A_494 : i32 to index
        %parallel_loop3A_508 = arith.constant 16 : index
        %parallel_loop3A_509 = tpu.vector_load %arg15[%parallel_loop3A_507, %parallel_loop3A_508] {strides = array<i32>} : memref<128x128xf32, #tpu.memory_space<vmem>>, vector<16xf32>,
        %parallel_loop3A_510 = arith.mulf %parallel_loop3A_509, %parallel_loop3A_499 : vector<16xf32>
        %parallel_loop3A_511 = arith.index_cast %parallel_loop3A_494 : i32 to index
        %parallel_loop3A_512 = arith.constant 16 : index
        %parallel_loop3A_513 = tpu.vector_load %arg17[%parallel_loop3A_511, %parallel_loop3A_512] {strides = array<i32>} : memref<128x128xf32, #tpu.memory_space<vmem>>, vector<16xf32>,
        tpu.vector_store %arg17[%parallel_loop3A_511, %parallel_loop3A_512], %parallel_loop3A_510 {strides = array<i32>} : memref<128x128xf32, #tpu.memory_space<vmem>>, vector<16xf32>,
        %parallel_loop3A_514 = arith.index_cast %parallel_loop3A_494 : i32 to index
        %parallel_loop3A_515 = arith.constant 32 : index
        %parallel_loop3A_516 = tpu.vector_load %arg15[%parallel_loop3A_514, %parallel_loop3A_515] {strides = array<i32>} : memref<128x128xf32, #tpu.memory_space<vmem>>, vector<16xf32>,
        %parallel_loop3A_517 = arith.mulf %parallel_loop3A_516, %parallel_loop3A_499 : vector<16xf32>
        %parallel_loop3A_518 = arith.index_cast %parallel_loop3A_494 : i32 to index
        %parallel_loop3A_519 = arith.constant 32 : index
        %parallel_loop3A_520 = tpu.vector_load %arg17[%parallel_loop3A_518, %parallel_loop3A_519] {strides = array<i32>} : memref<128x128xf32, #tpu.memory_space<vmem>>, vector<16xf32>,
        tpu.vector_store %arg17[%parallel_loop3A_518, %parallel_loop3A_519], %parallel_loop3A_517 {strides = array<i32>} : memref<128x128xf32, #tpu.memory_space<vmem>>, vector<16xf32>,
        %parallel_loop3A_521 = arith.index_cast %parallel_loop3A_494 : i32 to index
        %parallel_loop3A_522 = arith.constant 48 : index
        %parallel_loop3A_523 = tpu.vector_load %arg15[%parallel_loop3A_521, %parallel_loop3A_522] {strides = array<i32>} : memref<128x128xf32, #tpu.memory_space<vmem>>, vector<16xf32>,
        %parallel_loop3A_524 = arith.mulf %parallel_loop3A_523, %parallel_loop3A_499 : vector<16xf32>
        %parallel_loop3A_525 = arith.index_cast %parallel_loop3A_494 : i32 to index
        %parallel_loop3A_526 = arith.constant 48 : index
        %parallel_loop3A_527 = tpu.vector_load %arg17[%parallel_loop3A_525, %parallel_loop3A_526] {strides = array<i32>} : memref<128x128xf32, #tpu.memory_space<vmem>>, vector<16xf32>,
        tpu.vector_store %arg17[%parallel_loop3A_525, %parallel_loop3A_526], %parallel_loop3A_524 {strides = array<i32>} : memref<128x128xf32, #tpu.memory_space<vmem>>, vector<16xf32>,
        %parallel_loop3A_528 = arith.index_cast %parallel_loop3A_494 : i32 to index
        %parallel_loop3A_529 = arith.constant 64 : index
        %parallel_loop3A_530 = tpu.vector_load %arg15[%parallel_loop3A_528, %parallel_loop3A_529] {strides = array<i32>} : memref<128x128xf32, #tpu.memory_space<vmem>>, vector<16xf32>,
        %parallel_loop3A_531 = arith.mulf %parallel_loop3A_530, %parallel_loop3A_499 : vector<16xf32>
        %parallel_loop3A_532 = arith.index_cast %parallel_loop3A_494 : i32 to index
        %parallel_loop3A_533 = arith.constant 64 : index
        %parallel_loop3A_534 = tpu.vector_load %arg17[%parallel_loop3A_532, %parallel_loop3A_533] {strides = array<i32>} : memref<128x128xf32, #tpu.memory_space<vmem>>, vector<16xf32>,
        tpu.vector_store %arg17[%parallel_loop3A_532, %parallel_loop3A_533], %parallel_loop3A_531 {strides = array<i32>} : memref<128x128xf32, #tpu.memory_space<vmem>>, vector<16xf32>,
        %parallel_loop3A_535 = arith.index_cast %parallel_loop3A_494 : i32 to index
        %parallel_loop3A_536 = arith.constant 80 : index
        %parallel_loop3A_537 = tpu.vector_load %arg15[%parallel_loop3A_535, %parallel_loop3A_536] {strides = array<i32>} : memref<128x128xf32, #tpu.memory_space<vmem>>, vector<16xf32>,
        %parallel_loop3A_538 = arith.mulf %parallel_loop3A_537, %parallel_loop3A_499 : vector<16xf32>
        %parallel_loop3A_539 = arith.index_cast %parallel_loop3A_494 : i32 to index
        %parallel_loop3A_540 = arith.constant 80 : index
        %parallel_loop3A_541 = tpu.vector_load %arg17[%parallel_loop3A_539, %parallel_loop3A_540] {strides = array<i32>} : memref<128x128xf32, #tpu.memory_space<vmem>>, vector<16xf32>,
        tpu.vector_store %arg17[%parallel_loop3A_539, %parallel_loop3A_540], %parallel_loop3A_538 {strides = array<i32>} : memref<128x128xf32, #tpu.memory_space<vmem>>, vector<16xf32>,
        %parallel_loop3A_542 = arith.index_cast %parallel_loop3A_494 : i32 to index
        %parallel_loop3A_543 = arith.constant 96 : index
        %parallel_loop3A_544 = tpu.vector_load %arg15[%parallel_loop3A_542, %parallel_loop3A_543] {strides = array<i32>} : memref<128x128xf32, #tpu.memory_space<vmem>>, vector<16xf32>,
        %parallel_loop3A_545 = arith.mulf %parallel_loop3A_544, %parallel_loop3A_499 : vector<16xf32>
        %parallel_loop3A_546 = arith.index_cast %parallel_loop3A_494 : i32 to index
        %parallel_loop3A_547 = arith.constant 96 : index
        %parallel_loop3A_548 = tpu.vector_load %arg17[%parallel_loop3A_546, %parallel_loop3A_547] {strides = array<i32>} : memref<128x128xf32, #tpu.memory_space<vmem>>, vector<16xf32>,
        tpu.vector_store %arg17[%parallel_loop3A_546, %parallel_loop3A_547], %parallel_loop3A_545 {strides = array<i32>} : memref<128x128xf32, #tpu.memory_space<vmem>>, vector<16xf32>,
        %parallel_loop3A_549 = arith.index_cast %parallel_loop3A_494 : i32 to index
        %parallel_loop3A_550 = arith.constant 112 : index
        %parallel_loop3A_551 = tpu.vector_load %arg15[%parallel_loop3A_549, %parallel_loop3A_550] {strides = array<i32>} : memref<128x128xf32, #tpu.memory_space<vmem>>, vector<16xf32>,
        %parallel_loop3A_552 = arith.mulf %parallel_loop3A_551, %parallel_loop3A_499 : vector<16xf32>
        %parallel_loop3A_553 = arith.index_cast %parallel_loop3A_494 : i32 to index
        %parallel_loop3A_554 = arith.constant 112 : index
        %parallel_loop3A_555 = tpu.vector_load %arg17[%parallel_loop3A_553, %parallel_loop3A_554] {strides = array<i32>} : memref<128x128xf32, #tpu.memory_space<vmem>>, vector<16xf32>,
        tpu.vector_store %arg17[%parallel_loop3A_553, %parallel_loop3A_554], %parallel_loop3A_552 {strides = array<i32>} : memref<128x128xf32, #tpu.memory_space<vmem>>, vector<16xf32>,
        %parallel_loop3A_556 = arith.constant 8 : i32
        %parallel_loop3A_557 = arith.muli %parallel_loop3A_230, %parallel_loop3A_556 : i32
        %parallel_loop3A_558 = arith.constant 5 : i32
        %parallel_loop3A_559 = arith.addi %parallel_loop3A_557, %parallel_loop3A_558 : i32
        %parallel_loop3A_560 = arith.constant 0 : i32
        %parallel_loop3A_561 = arith.index_cast %parallel_loop3A_560 : i32 to index
        %parallel_loop3A_562 = arith.index_cast %parallel_loop3A_230 : i32 to index
        %parallel_loop3A_563 = arith.constant 80 : index
        %parallel_loop3A_564 = tpu.vector_load %arg13[%parallel_loop3A_561, %parallel_loop3A_562, %parallel_loop3A_563] {strides = array<i32>} : memref<1x16x128xf32, #tpu.memory_space<vmem>>, vector<16xf32>,
        %parallel_loop3A_565 = arith.index_cast %parallel_loop3A_559 : i32 to index
        %parallel_loop3A_566 = arith.constant 0 : index
        %parallel_loop3A_567 = tpu.vector_load %arg15[%parallel_loop3A_565, %parallel_loop3A_566] {strides = array<i32>} : memref<128x128xf32, #tpu.memory_space<vmem>>, vector<16xf32>,
        %parallel_loop3A_568 = arith.mulf %parallel_loop3A_567, %parallel_loop3A_564 : vector<16xf32>
        %parallel_loop3A_569 = arith.index_cast %parallel_loop3A_559 : i32 to index
        %parallel_loop3A_570 = arith.constant 0 : index
        %parallel_loop3A_571 = tpu.vector_load %arg17[%parallel_loop3A_569, %parallel_loop3A_570] {strides = array<i32>} : memref<128x128xf32, #tpu.memory_space<vmem>>, vector<16xf32>,
        tpu.vector_store %arg17[%parallel_loop3A_569, %parallel_loop3A_570], %parallel_loop3A_568 {strides = array<i32>} : memref<128x128xf32, #tpu.memory_space<vmem>>, vector<16xf32>,
        %parallel_loop3A_572 = arith.index_cast %parallel_loop3A_559 : i32 to index
        %parallel_loop3A_573 = arith.constant 16 : index
        %parallel_loop3A_574 = tpu.vector_load %arg15[%parallel_loop3A_572, %parallel_loop3A_573] {strides = array<i32>} : memref<128x128xf32, #tpu.memory_space<vmem>>, vector<16xf32>,
        %parallel_loop3A_575 = arith.mulf %parallel_loop3A_574, %parallel_loop3A_564 : vector<16xf32>
        %parallel_loop3A_576 = arith.index_cast %parallel_loop3A_559 : i32 to index
        %parallel_loop3A_577 = arith.constant 16 : index
        %parallel_loop3A_578 = tpu.vector_load %arg17[%parallel_loop3A_576, %parallel_loop3A_577] {strides = array<i32>} : memref<128x128xf32, #tpu.memory_space<vmem>>, vector<16xf32>,
        tpu.vector_store %arg17[%parallel_loop3A_576, %parallel_loop3A_577], %parallel_loop3A_575 {strides = array<i32>} : memref<128x128xf32, #tpu.memory_space<vmem>>, vector<16xf32>,
        %parallel_loop3A_579 = arith.index_cast %parallel_loop3A_559 : i32 to index
        %parallel_loop3A_580 = arith.constant 32 : index
        %parallel_loop3A_581 = tpu.vector_load %arg15[%parallel_loop3A_579, %parallel_loop3A_580] {strides = array<i32>} : memref<128x128xf32, #tpu.memory_space<vmem>>, vector<16xf32>,
        %parallel_loop3A_582 = arith.mulf %parallel_loop3A_581, %parallel_loop3A_564 : vector<16xf32>
        %parallel_loop3A_583 = arith.index_cast %parallel_loop3A_559 : i32 to index
        %parallel_loop3A_584 = arith.constant 32 : index
        %parallel_loop3A_585 = tpu.vector_load %arg17[%parallel_loop3A_583, %parallel_loop3A_584] {strides = array<i32>} : memref<128x128xf32, #tpu.memory_space<vmem>>, vector<16xf32>,
        tpu.vector_store %arg17[%parallel_loop3A_583, %parallel_loop3A_584], %parallel_loop3A_582 {strides = array<i32>} : memref<128x128xf32, #tpu.memory_space<vmem>>, vector<16xf32>,
        %parallel_loop3A_586 = arith.index_cast %parallel_loop3A_559 : i32 to index
        %parallel_loop3A_587 = arith.constant 48 : index
        %parallel_loop3A_588 = tpu.vector_load %arg15[%parallel_loop3A_586, %parallel_loop3A_587] {strides = array<i32>} : memref<128x128xf32, #tpu.memory_space<vmem>>, vector<16xf32>,
        %parallel_loop3A_589 = arith.mulf %parallel_loop3A_588, %parallel_loop3A_564 : vector<16xf32>
        %parallel_loop3A_590 = arith.index_cast %parallel_loop3A_559 : i32 to index
        %parallel_loop3A_591 = arith.constant 48 : index
        %parallel_loop3A_592 = tpu.vector_load %arg17[%parallel_loop3A_590, %parallel_loop3A_591] {strides = array<i32>} : memref<128x128xf32, #tpu.memory_space<vmem>>, vector<16xf32>,
        tpu.vector_store %arg17[%parallel_loop3A_590, %parallel_loop3A_591], %parallel_loop3A_589 {strides = array<i32>} : memref<128x128xf32, #tpu.memory_space<vmem>>, vector<16xf32>,
        %parallel_loop3A_593 = arith.index_cast %parallel_loop3A_559 : i32 to index
        %parallel_loop3A_594 = arith.constant 64 : index
        %parallel_loop3A_595 = tpu.vector_load %arg15[%parallel_loop3A_593, %parallel_loop3A_594] {strides = array<i32>} : memref<128x128xf32, #tpu.memory_space<vmem>>, vector<16xf32>,
        %parallel_loop3A_596 = arith.mulf %parallel_loop3A_595, %parallel_loop3A_564 : vector<16xf32>
        %parallel_loop3A_597 = arith.index_cast %parallel_loop3A_559 : i32 to index
        %parallel_loop3A_598 = arith.constant 64 : index
        %parallel_loop3A_599 = tpu.vector_load %arg17[%parallel_loop3A_597, %parallel_loop3A_598] {strides = array<i32>} : memref<128x128xf32, #tpu.memory_space<vmem>>, vector<16xf32>,
        tpu.vector_store %arg17[%parallel_loop3A_597, %parallel_loop3A_598], %parallel_loop3A_596 {strides = array<i32>} : memref<128x128xf32, #tpu.memory_space<vmem>>, vector<16xf32>,
        %parallel_loop3A_600 = arith.index_cast %parallel_loop3A_559 : i32 to index
        %parallel_loop3A_601 = arith.constant 80 : index
        %parallel_loop3A_602 = tpu.vector_load %arg15[%parallel_loop3A_600, %parallel_loop3A_601] {strides = array<i32>} : memref<128x128xf32, #tpu.memory_space<vmem>>, vector<16xf32>,
        %parallel_loop3A_603 = arith.mulf %parallel_loop3A_602, %parallel_loop3A_564 : vector<16xf32>
        %parallel_loop3A_604 = arith.index_cast %parallel_loop3A_559 : i32 to index
        %parallel_loop3A_605 = arith.constant 80 : index
        %parallel_loop3A_606 = tpu.vector_load %arg17[%parallel_loop3A_604, %parallel_loop3A_605] {strides = array<i32>} : memref<128x128xf32, #tpu.memory_space<vmem>>, vector<16xf32>,
        tpu.vector_store %arg17[%parallel_loop3A_604, %parallel_loop3A_605], %parallel_loop3A_603 {strides = array<i32>} : memref<128x128xf32, #tpu.memory_space<vmem>>, vector<16xf32>,
        %parallel_loop3A_607 = arith.index_cast %parallel_loop3A_559 : i32 to index
        %parallel_loop3A_608 = arith.constant 96 : index
        %parallel_loop3A_609 = tpu.vector_load %arg15[%parallel_loop3A_607, %parallel_loop3A_608] {strides = array<i32>} : memref<128x128xf32, #tpu.memory_space<vmem>>, vector<16xf32>,
        %parallel_loop3A_610 = arith.mulf %parallel_loop3A_609, %parallel_loop3A_564 : vector<16xf32>
        %parallel_loop3A_611 = arith.index_cast %parallel_loop3A_559 : i32 to index
        %parallel_loop3A_612 = arith.constant 96 : index
        %parallel_loop3A_613 = tpu.vector_load %arg17[%parallel_loop3A_611, %parallel_loop3A_612] {strides = array<i32>} : memref<128x128xf32, #tpu.memory_space<vmem>>, vector<16xf32>,
        tpu.vector_store %arg17[%parallel_loop3A_611, %parallel_loop3A_612], %parallel_loop3A_610 {strides = array<i32>} : memref<128x128xf32, #tpu.memory_space<vmem>>, vector<16xf32>,
        %parallel_loop3A_614 = arith.index_cast %parallel_loop3A_559 : i32 to index
        %parallel_loop3A_615 = arith.constant 112 : index
        %parallel_loop3A_616 = tpu.vector_load %arg15[%parallel_loop3A_614, %parallel_loop3A_615] {strides = array<i32>} : memref<128x128xf32, #tpu.memory_space<vmem>>, vector<16xf32>,
        %parallel_loop3A_617 = arith.mulf %parallel_loop3A_616, %parallel_loop3A_564 : vector<16xf32>
        %parallel_loop3A_618 = arith.index_cast %parallel_loop3A_559 : i32 to index
        %parallel_loop3A_619 = arith.constant 112 : index
        %parallel_loop3A_620 = tpu.vector_load %arg17[%parallel_loop3A_618, %parallel_loop3A_619] {strides = array<i32>} : memref<128x128xf32, #tpu.memory_space<vmem>>, vector<16xf32>,
        tpu.vector_store %arg17[%parallel_loop3A_618, %parallel_loop3A_619], %parallel_loop3A_617 {strides = array<i32>} : memref<128x128xf32, #tpu.memory_space<vmem>>, vector<16xf32>,
        %parallel_loop3A_621 = arith.constant 8 : i32
        %parallel_loop3A_622 = arith.muli %parallel_loop3A_230, %parallel_loop3A_621 : i32
        %parallel_loop3A_623 = arith.constant 6 : i32
        %parallel_loop3A_624 = arith.addi %parallel_loop3A_622, %parallel_loop3A_623 : i32
        %parallel_loop3A_625 = arith.constant 0 : i32
        %parallel_loop3A_626 = arith.index_cast %parallel_loop3A_625 : i32 to index
        %parallel_loop3A_627 = arith.index_cast %parallel_loop3A_230 : i32 to index
        %parallel_loop3A_628 = arith.constant 96 : index
        %parallel_loop3A_629 = tpu.vector_load %arg13[%parallel_loop3A_626, %parallel_loop3A_627, %parallel_loop3A_628] {strides = array<i32>} : memref<1x16x128xf32, #tpu.memory_space<vmem>>, vector<16xf32>,
        %parallel_loop3A_630 = arith.index_cast %parallel_loop3A_624 : i32 to index
        %parallel_loop3A_631 = arith.constant 0 : index
        %parallel_loop3A_632 = tpu.vector_load %arg15[%parallel_loop3A_630, %parallel_loop3A_631] {strides = array<i32>} : memref<128x128xf32, #tpu.memory_space<vmem>>, vector<16xf32>,
        %parallel_loop3A_633 = arith.mulf %parallel_loop3A_632, %parallel_loop3A_629 : vector<16xf32>
        %parallel_loop3A_634 = arith.index_cast %parallel_loop3A_624 : i32 to index
        %parallel_loop3A_635 = arith.constant 0 : index
        %parallel_loop3A_636 = tpu.vector_load %arg17[%parallel_loop3A_634, %parallel_loop3A_635] {strides = array<i32>} : memref<128x128xf32, #tpu.memory_space<vmem>>, vector<16xf32>,
        tpu.vector_store %arg17[%parallel_loop3A_634, %parallel_loop3A_635], %parallel_loop3A_633 {strides = array<i32>} : memref<128x128xf32, #tpu.memory_space<vmem>>, vector<16xf32>,
        %parallel_loop3A_637 = arith.index_cast %parallel_loop3A_624 : i32 to index
        %parallel_loop3A_638 = arith.constant 16 : index
        %parallel_loop3A_639 = tpu.vector_load %arg15[%parallel_loop3A_637, %parallel_loop3A_638] {strides = array<i32>} : memref<128x128xf32, #tpu.memory_space<vmem>>, vector<16xf32>,
        %parallel_loop3A_640 = arith.mulf %parallel_loop3A_639, %parallel_loop3A_629 : vector<16xf32>
        %parallel_loop3A_641 = arith.index_cast %parallel_loop3A_624 : i32 to index
        %parallel_loop3A_642 = arith.constant 16 : index
        %parallel_loop3A_643 = tpu.vector_load %arg17[%parallel_loop3A_641, %parallel_loop3A_642] {strides = array<i32>} : memref<128x128xf32, #tpu.memory_space<vmem>>, vector<16xf32>,
        tpu.vector_store %arg17[%parallel_loop3A_641, %parallel_loop3A_642], %parallel_loop3A_640 {strides = array<i32>} : memref<128x128xf32, #tpu.memory_space<vmem>>, vector<16xf32>,
        %parallel_loop3A_644 = arith.index_cast %parallel_loop3A_624 : i32 to index
        %parallel_loop3A_645 = arith.constant 32 : index
        %parallel_loop3A_646 = tpu.vector_load %arg15[%parallel_loop3A_644, %parallel_loop3A_645] {strides = array<i32>} : memref<128x128xf32, #tpu.memory_space<vmem>>, vector<16xf32>,
        %parallel_loop3A_647 = arith.mulf %parallel_loop3A_646, %parallel_loop3A_629 : vector<16xf32>
        %parallel_loop3A_648 = arith.index_cast %parallel_loop3A_624 : i32 to index
        %parallel_loop3A_649 = arith.constant 32 : index
        %parallel_loop3A_650 = tpu.vector_load %arg17[%parallel_loop3A_648, %parallel_loop3A_649] {strides = array<i32>} : memref<128x128xf32, #tpu.memory_space<vmem>>, vector<16xf32>,
        tpu.vector_store %arg17[%parallel_loop3A_648, %parallel_loop3A_649], %parallel_loop3A_647 {strides = array<i32>} : memref<128x128xf32, #tpu.memory_space<vmem>>, vector<16xf32>,
        %parallel_loop3A_651 = arith.index_cast %parallel_loop3A_624 : i32 to index
        %parallel_loop3A_652 = arith.constant 48 : index
        %parallel_loop3A_653 = tpu.vector_load %arg15[%parallel_loop3A_651, %parallel_loop3A_652] {strides = array<i32>} : memref<128x128xf32, #tpu.memory_space<vmem>>, vector<16xf32>,
        %parallel_loop3A_654 = arith.mulf %parallel_loop3A_653, %parallel_loop3A_629 : vector<16xf32>
        %parallel_loop3A_655 = arith.index_cast %parallel_loop3A_624 : i32 to index
        %parallel_loop3A_656 = arith.constant 48 : index
        %parallel_loop3A_657 = tpu.vector_load %arg17[%parallel_loop3A_655, %parallel_loop3A_656] {strides = array<i32>} : memref<128x128xf32, #tpu.memory_space<vmem>>, vector<16xf32>,
        tpu.vector_store %arg17[%parallel_loop3A_655, %parallel_loop3A_656], %parallel_loop3A_654 {strides = array<i32>} : memref<128x128xf32, #tpu.memory_space<vmem>>, vector<16xf32>,
        %parallel_loop3A_658 = arith.index_cast %parallel_loop3A_624 : i32 to index
        %parallel_loop3A_659 = arith.constant 64 : index
        %parallel_loop3A_660 = tpu.vector_load %arg15[%parallel_loop3A_658, %parallel_loop3A_659] {strides = array<i32>} : memref<128x128xf32, #tpu.memory_space<vmem>>, vector<16xf32>,
        %parallel_loop3A_661 = arith.mulf %parallel_loop3A_660, %parallel_loop3A_629 : vector<16xf32>
        %parallel_loop3A_662 = arith.index_cast %parallel_loop3A_624 : i32 to index
        %parallel_loop3A_663 = arith.constant 64 : index
        %parallel_loop3A_664 = tpu.vector_load %arg17[%parallel_loop3A_662, %parallel_loop3A_663] {strides = array<i32>} : memref<128x128xf32, #tpu.memory_space<vmem>>, vector<16xf32>,
        tpu.vector_store %arg17[%parallel_loop3A_662, %parallel_loop3A_663], %parallel_loop3A_661 {strides = array<i32>} : memref<128x128xf32, #tpu.memory_space<vmem>>, vector<16xf32>,
        %parallel_loop3A_665 = arith.index_cast %parallel_loop3A_624 : i32 to index
        %parallel_loop3A_666 = arith.constant 80 : index
        %parallel_loop3A_667 = tpu.vector_load %arg15[%parallel_loop3A_665, %parallel_loop3A_666] {strides = array<i32>} : memref<128x128xf32, #tpu.memory_space<vmem>>, vector<16xf32>,
        %parallel_loop3A_668 = arith.mulf %parallel_loop3A_667, %parallel_loop3A_629 : vector<16xf32>
        %parallel_loop3A_669 = arith.index_cast %parallel_loop3A_624 : i32 to index
        %parallel_loop3A_670 = arith.constant 80 : index
        %parallel_loop3A_671 = tpu.vector_load %arg17[%parallel_loop3A_669, %parallel_loop3A_670] {strides = array<i32>} : memref<128x128xf32, #tpu.memory_space<vmem>>, vector<16xf32>,
        tpu.vector_store %arg17[%parallel_loop3A_669, %parallel_loop3A_670], %parallel_loop3A_668 {strides = array<i32>} : memref<128x128xf32, #tpu.memory_space<vmem>>, vector<16xf32>,
        %parallel_loop3A_672 = arith.index_cast %parallel_loop3A_624 : i32 to index
        %parallel_loop3A_673 = arith.constant 96 : index
        %parallel_loop3A_674 = tpu.vector_load %arg15[%parallel_loop3A_672, %parallel_loop3A_673] {strides = array<i32>} : memref<128x128xf32, #tpu.memory_space<vmem>>, vector<16xf32>,
        %parallel_loop3A_675 = arith.mulf %parallel_loop3A_674, %parallel_loop3A_629 : vector<16xf32>
        %parallel_loop3A_676 = arith.index_cast %parallel_loop3A_624 : i32 to index
        %parallel_loop3A_677 = arith.constant 96 : index
        %parallel_loop3A_678 = tpu.vector_load %arg17[%parallel_loop3A_676, %parallel_loop3A_677] {strides = array<i32>} : memref<128x128xf32, #tpu.memory_space<vmem>>, vector<16xf32>,
        tpu.vector_store %arg17[%parallel_loop3A_676, %parallel_loop3A_677], %parallel_loop3A_675 {strides = array<i32>} : memref<128x128xf32, #tpu.memory_space<vmem>>, vector<16xf32>,
        %parallel_loop3A_679 = arith.index_cast %parallel_loop3A_624 : i32 to index
        %parallel_loop3A_680 = arith.constant 112 : index
        %parallel_loop3A_681 = tpu.vector_load %arg15[%parallel_loop3A_679, %parallel_loop3A_680] {strides = array<i32>} : memref<128x128xf32, #tpu.memory_space<vmem>>, vector<16xf32>,
        %parallel_loop3A_682 = arith.mulf %parallel_loop3A_681, %parallel_loop3A_629 : vector<16xf32>
        %parallel_loop3A_683 = arith.index_cast %parallel_loop3A_624 : i32 to index
        %parallel_loop3A_684 = arith.constant 112 : index
        %parallel_loop3A_685 = tpu.vector_load %arg17[%parallel_loop3A_683, %parallel_loop3A_684] {strides = array<i32>} : memref<128x128xf32, #tpu.memory_space<vmem>>, vector<16xf32>,
        tpu.vector_store %arg17[%parallel_loop3A_683, %parallel_loop3A_684], %parallel_loop3A_682 {strides = array<i32>} : memref<128x128xf32, #tpu.memory_space<vmem>>, vector<16xf32>,
        %parallel_loop3A_686 = arith.constant 8 : i32
        %parallel_loop3A_687 = arith.muli %parallel_loop3A_230, %parallel_loop3A_686 : i32
        %parallel_loop3A_688 = arith.constant 7 : i32
        %parallel_loop3A_689 = arith.addi %parallel_loop3A_687, %parallel_loop3A_688 : i32
        %parallel_loop3A_690 = arith.constant 0 : i32
        %parallel_loop3A_691 = arith.index_cast %parallel_loop3A_690 : i32 to index
        %parallel_loop3A_692 = arith.index_cast %parallel_loop3A_230 : i32 to index
        %parallel_loop3A_693 = arith.constant 112 : index
        %parallel_loop3A_694 = tpu.vector_load %arg13[%parallel_loop3A_691, %parallel_loop3A_692, %parallel_loop3A_693] {strides = array<i32>} : memref<1x16x128xf32, #tpu.memory_space<vmem>>, vector<16xf32>,
        %parallel_loop3A_695 = arith.index_cast %parallel_loop3A_689 : i32 to index
        %parallel_loop3A_696 = arith.constant 0 : index
        %parallel_loop3A_697 = tpu.vector_load %arg15[%parallel_loop3A_695, %parallel_loop3A_696] {strides = array<i32>} : memref<128x128xf32, #tpu.memory_space<vmem>>, vector<16xf32>,
        %parallel_loop3A_698 = arith.mulf %parallel_loop3A_697, %parallel_loop3A_694 : vector<16xf32>
        %parallel_loop3A_699 = arith.index_cast %parallel_loop3A_689 : i32 to index
        %parallel_loop3A_700 = arith.constant 0 : index
        %parallel_loop3A_701 = tpu.vector_load %arg17[%parallel_loop3A_699, %parallel_loop3A_700] {strides = array<i32>} : memref<128x128xf32, #tpu.memory_space<vmem>>, vector<16xf32>,
        tpu.vector_store %arg17[%parallel_loop3A_699, %parallel_loop3A_700], %parallel_loop3A_698 {strides = array<i32>} : memref<128x128xf32, #tpu.memory_space<vmem>>, vector<16xf32>,
        %parallel_loop3A_702 = arith.index_cast %parallel_loop3A_689 : i32 to index
        %parallel_loop3A_703 = arith.constant 16 : index
        %parallel_loop3A_704 = tpu.vector_load %arg15[%parallel_loop3A_702, %parallel_loop3A_703] {strides = array<i32>} : memref<128x128xf32, #tpu.memory_space<vmem>>, vector<16xf32>,
        %parallel_loop3A_705 = arith.mulf %parallel_loop3A_704, %parallel_loop3A_694 : vector<16xf32>
        %parallel_loop3A_706 = arith.index_cast %parallel_loop3A_689 : i32 to index
        %parallel_loop3A_707 = arith.constant 16 : index
        %parallel_loop3A_708 = tpu.vector_load %arg17[%parallel_loop3A_706, %parallel_loop3A_707] {strides = array<i32>} : memref<128x128xf32, #tpu.memory_space<vmem>>, vector<16xf32>,
        tpu.vector_store %arg17[%parallel_loop3A_706, %parallel_loop3A_707], %parallel_loop3A_705 {strides = array<i32>} : memref<128x128xf32, #tpu.memory_space<vmem>>, vector<16xf32>,
        %parallel_loop3A_709 = arith.index_cast %parallel_loop3A_689 : i32 to index
        %parallel_loop3A_710 = arith.constant 32 : index
        %parallel_loop3A_711 = tpu.vector_load %arg15[%parallel_loop3A_709, %parallel_loop3A_710] {strides = array<i32>} : memref<128x128xf32, #tpu.memory_space<vmem>>, vector<16xf32>,
        %parallel_loop3A_712 = arith.mulf %parallel_loop3A_711, %parallel_loop3A_694 : vector<16xf32>
        %parallel_loop3A_713 = arith.index_cast %parallel_loop3A_689 : i32 to index
        %parallel_loop3A_714 = arith.constant 32 : index
        %parallel_loop3A_715 = tpu.vector_load %arg17[%parallel_loop3A_713, %parallel_loop3A_714] {strides = array<i32>} : memref<128x128xf32, #tpu.memory_space<vmem>>, vector<16xf32>,
        tpu.vector_store %arg17[%parallel_loop3A_713, %parallel_loop3A_714], %parallel_loop3A_712 {strides = array<i32>} : memref<128x128xf32, #tpu.memory_space<vmem>>, vector<16xf32>,
        %parallel_loop3A_716 = arith.index_cast %parallel_loop3A_689 : i32 to index
        %parallel_loop3A_717 = arith.constant 48 : index
        %parallel_loop3A_718 = tpu.vector_load %arg15[%parallel_loop3A_716, %parallel_loop3A_717] {strides = array<i32>} : memref<128x128xf32, #tpu.memory_space<vmem>>, vector<16xf32>,
        %parallel_loop3A_719 = arith.mulf %parallel_loop3A_718, %parallel_loop3A_694 : vector<16xf32>
        %parallel_loop3A_720 = arith.index_cast %parallel_loop3A_689 : i32 to index
        %parallel_loop3A_721 = arith.constant 48 : index
        %parallel_loop3A_722 = tpu.vector_load %arg17[%parallel_loop3A_720, %parallel_loop3A_721] {strides = array<i32>} : memref<128x128xf32, #tpu.memory_space<vmem>>, vector<16xf32>,
        tpu.vector_store %arg17[%parallel_loop3A_720, %parallel_loop3A_721], %parallel_loop3A_719 {strides = array<i32>} : memref<128x128xf32, #tpu.memory_space<vmem>>, vector<16xf32>,
        %parallel_loop3A_723 = arith.index_cast %parallel_loop3A_689 : i32 to index
        %parallel_loop3A_724 = arith.constant 64 : index
        %parallel_loop3A_725 = tpu.vector_load %arg15[%parallel_loop3A_723, %parallel_loop3A_724] {strides = array<i32>} : memref<128x128xf32, #tpu.memory_space<vmem>>, vector<16xf32>,
        %parallel_loop3A_726 = arith.mulf %parallel_loop3A_725, %parallel_loop3A_694 : vector<16xf32>
        %parallel_loop3A_727 = arith.index_cast %parallel_loop3A_689 : i32 to index
        %parallel_loop3A_728 = arith.constant 64 : index
        %parallel_loop3A_729 = tpu.vector_load %arg17[%parallel_loop3A_727, %parallel_loop3A_728] {strides = array<i32>} : memref<128x128xf32, #tpu.memory_space<vmem>>, vector<16xf32>,
        tpu.vector_store %arg17[%parallel_loop3A_727, %parallel_loop3A_728], %parallel_loop3A_726 {strides = array<i32>} : memref<128x128xf32, #tpu.memory_space<vmem>>, vector<16xf32>,
        %parallel_loop3A_730 = arith.index_cast %parallel_loop3A_689 : i32 to index
        %parallel_loop3A_731 = arith.constant 80 : index
        %parallel_loop3A_732 = tpu.vector_load %arg15[%parallel_loop3A_730, %parallel_loop3A_731] {strides = array<i32>} : memref<128x128xf32, #tpu.memory_space<vmem>>, vector<16xf32>,
        %parallel_loop3A_733 = arith.mulf %parallel_loop3A_732, %parallel_loop3A_694 : vector<16xf32>
        %parallel_loop3A_734 = arith.index_cast %parallel_loop3A_689 : i32 to index
        %parallel_loop3A_735 = arith.constant 80 : index
        %parallel_loop3A_736 = tpu.vector_load %arg17[%parallel_loop3A_734, %parallel_loop3A_735] {strides = array<i32>} : memref<128x128xf32, #tpu.memory_space<vmem>>, vector<16xf32>,
        tpu.vector_store %arg17[%parallel_loop3A_734, %parallel_loop3A_735], %parallel_loop3A_733 {strides = array<i32>} : memref<128x128xf32, #tpu.memory_space<vmem>>, vector<16xf32>,
        %parallel_loop3A_737 = arith.index_cast %parallel_loop3A_689 : i32 to index
        %parallel_loop3A_738 = arith.constant 96 : index
        %parallel_loop3A_739 = tpu.vector_load %arg15[%parallel_loop3A_737, %parallel_loop3A_738] {strides = array<i32>} : memref<128x128xf32, #tpu.memory_space<vmem>>, vector<16xf32>,
        %parallel_loop3A_740 = arith.mulf %parallel_loop3A_739, %parallel_loop3A_694 : vector<16xf32>
        %parallel_loop3A_741 = arith.index_cast %parallel_loop3A_689 : i32 to index
        %parallel_loop3A_742 = arith.constant 96 : index
        %parallel_loop3A_743 = tpu.vector_load %arg17[%parallel_loop3A_741, %parallel_loop3A_742] {strides = array<i32>} : memref<128x128xf32, #tpu.memory_space<vmem>>, vector<16xf32>,
        tpu.vector_store %arg17[%parallel_loop3A_741, %parallel_loop3A_742], %parallel_loop3A_740 {strides = array<i32>} : memref<128x128xf32, #tpu.memory_space<vmem>>, vector<16xf32>,
        %parallel_loop3A_744 = arith.index_cast %parallel_loop3A_689 : i32 to index
        %parallel_loop3A_745 = arith.constant 112 : index
        %parallel_loop3A_746 = tpu.vector_load %arg15[%parallel_loop3A_744, %parallel_loop3A_745] {strides = array<i32>} : memref<128x128xf32, #tpu.memory_space<vmem>>, vector<16xf32>,
        %parallel_loop3A_747 = arith.mulf %parallel_loop3A_746, %parallel_loop3A_694 : vector<16xf32>
        %parallel_loop3A_748 = arith.index_cast %parallel_loop3A_689 : i32 to index
        %parallel_loop3A_749 = arith.constant 112 : index
        %parallel_loop3A_750 = tpu.vector_load %arg17[%parallel_loop3A_748, %parallel_loop3A_749] {strides = array<i32>} : memref<128x128xf32, #tpu.memory_space<vmem>>, vector<16xf32>,
        tpu.vector_store %arg17[%parallel_loop3A_748, %parallel_loop3A_749], %parallel_loop3A_747 {strides = array<i32>} : memref<128x128xf32, #tpu.memory_space<vmem>>, vector<16xf32>,
      } {sc.loop_unroll_factor = 4 : i64, sc.parallel_access}
      %dma_wait3A_166 = arith.constant 0 : i32
      %dma_wait3A_167 = tpu.memref_slice %arg9[%mul3A_57, %dma_wait3A_166] : memref<32x128xi32, #tpu.memory_space<vmem>> -> memref<1x128xi32, #tpu.memory_space<vmem>>
      %dma_wait3A_168 = tpu.memref_squeeze %dma_wait3A_167 : memref<1x128xi32, #tpu.memory_space<vmem>> -> memref<128xi32, #tpu.memory_space<vmem>>
      %dma_wait3A_169 = arith.constant 0 : i32
      %dma_wait3A_170 = arith.constant 0 : i32
      %dma_wait3A_171 = tpu.memref_slice %arg18[%dma_wait3A_169, %dma_wait3A_170] : memref<4096x128xf32, #tpu.memory_space<vmem_shared>> -> memref<4096x128xf32, #tpu.memory_space<vmem_shared>>
      tpu.wait_indirect_dma semaphore(%arg22 : memref<!tpu.dma_semaphore, #tpu.memory_space<semaphore_mem>>) src(%arg16 : memref<128x128xf32, #tpu.memory_space<vmem>>) dst(%dma_wait3A_171 : memref<4096x128xf32, #tpu.memory_space<vmem_shared>>)
      %lt3A = arith.constant 15 : i32
      %lt3A_172 = arith.cmpi slt, %add3A_55, %lt3A : i32
      %convert_element_type3A_173 = arith.extui %lt3A_172 : i1 to i32
      %cond3A_174 = arith.constant 0 : i32
      %cond3A_175 = arith.cmpi ne, %convert_element_type3A_173, %cond3A_174 : i32
      scf.if %cond3A_175 {
        %add3A_230 = arith.constant 2 : i32
        %add3A_231 = arith.addi %mul3A_57, %add3A_230 : i32
        %dma_start3A_232 = arith.constant 0 : i32
        %dma_start3A_233 = tpu.memref_slice %arg10[%add3A_231, %dma_start3A_232] : memref<32x128xi32, #tpu.memory_space<vmem>> -> memref<1x128xi32, #tpu.memory_space<vmem>>
        %dma_start3A_234 = tpu.memref_squeeze %dma_start3A_233 : memref<1x128xi32, #tpu.memory_space<vmem>> -> memref<128xi32, #tpu.memory_space<vmem>>
        %dma_start3A_235 = arith.constant 0 : i32
        %dma_start3A_236 = arith.constant 0 : i32
        %dma_start3A_237 = tpu.memref_slice %arg6[%dma_start3A_235, %dma_start3A_236] : memref<4096x128xf32, #tpu.memory_space<hbm>> -> memref<4096x128xf32, #tpu.memory_space<hbm>>
        tpu.enqueue_indirect_dma source(%dma_start3A_237 : memref<4096x128xf32, #tpu.memory_space<hbm>>) target(%arg14 : memref<128x128xf32, #tpu.memory_space<vmem>>) offsets(%dma_start3A_234 : memref<128xi32, #tpu.memory_space<vmem>>) semaphore(%arg20 : memref<!tpu.dma_semaphore, #tpu.memory_space<semaphore_mem>>)
        %mul3A_238 = arith.constant 32 : i32
        %mul3A_239 = arith.muli %add3A, %mul3A_238 : i32
        %add3A_240 = arith.addi %mul3A_239, %add3A_231 : i32
        %dma_start3A_241 = arith.constant 0 : i32
        %dma_start3A_242 = arith.constant 0 : i32
        %dma_start3A_243 = tpu.memref_slice %arg5[%add3A_240, %dma_start3A_241, %dma_start3A_242] : memref<1024x16x128xf32, #tpu.memory_space<hbm>> -> memref<1x16x128xf32, #tpu.memory_space<hbm>>
        %dma_start3A_244 = arith.constant 0 : i32
        %dma_start3A_245 = arith.constant 0 : i32
        %dma_start3A_246 = tpu.memref_slice %arg5[%add3A_240, %dma_start3A_244, %dma_start3A_245] : memref<1024x16x128xf32, #tpu.memory_space<hbm>> -> memref<1x16x128xf32, #tpu.memory_space<hbm>>
        tpu.enqueue_dma source(%dma_start3A_246 : memref<1x16x128xf32, #tpu.memory_space<hbm>>) target(%arg12 : memref<1x16x128xf32, #tpu.memory_space<vmem>>) target_semaphore(%arg20 : memref<!tpu.dma_semaphore, #tpu.memory_space<semaphore_mem>>)
      } else {
      }
      %dma_start3A_176 = arith.constant 0 : i32
      %dma_start3A_177 = tpu.memref_slice %arg9[%add3A_59, %dma_start3A_176] : memref<32x128xi32, #tpu.memory_space<vmem>> -> memref<1x128xi32, #tpu.memory_space<vmem>>
      %dma_start3A_178 = tpu.memref_squeeze %dma_start3A_177 : memref<1x128xi32, #tpu.memory_space<vmem>> -> memref<128xi32, #tpu.memory_space<vmem>>
      %dma_start3A_179 = arith.constant 0 : i32
      %dma_start3A_180 = arith.constant 0 : i32
      %dma_start3A_181 = tpu.memref_slice %arg18[%dma_start3A_179, %dma_start3A_180] : memref<4096x128xf32, #tpu.memory_space<vmem_shared>> -> memref<4096x128xf32, #tpu.memory_space<vmem_shared>>
      tpu.enqueue_indirect_dma source(%arg17 : memref<128x128xf32, #tpu.memory_space<vmem>>) target(%dma_start3A_181 : memref<4096x128xf32, #tpu.memory_space<vmem_shared>>) offsets(%dma_start3A_178 : memref<128xi32, #tpu.memory_space<vmem>>) semaphore(%arg23 : memref<!tpu.dma_semaphore, #tpu.memory_space<semaphore_mem>>) {add = true}
      %get3A_182 = arith.index_cast %add3A_59 : i32 to index
      %get3A_183 = arith.constant 0 : index
      %get3A_184 = tpu.vector_load %arg9[%get3A_182, %get3A_183] {strides = array<i32>} : memref<32x128xi32, #tpu.memory_space<vmem>>, vector<16xi32>,
      %get3A_185 = arith.index_cast %add3A_59 : i32 to index
      %get3A_186 = arith.constant 0 : index
      %get3A_187 = tpu.vector_load %arg11[%get3A_185, %get3A_186] {strides = array<i32>} : memref<32x128xf32, #tpu.memory_space<vmem>>, vector<16xf32>,
      tpu.vector_store_idx %arg19[%get3A_184], %get3A_187 {add = true} : memref<4096xf32, #tpu.memory_space<vmem>>[vector<16xi32>], vector<16xf32>,
      %get3A_188 = arith.index_cast %add3A_59 : i32 to index
      %get3A_189 = arith.constant 16 : index
      %get3A_190 = tpu.vector_load %arg9[%get3A_188, %get3A_189] {strides = array<i32>} : memref<32x128xi32, #tpu.memory_space<vmem>>, vector<16xi32>,
      %get3A_191 = arith.index_cast %add3A_59 : i32 to index
      %get3A_192 = arith.constant 16 : index
      %get3A_193 = tpu.vector_load %arg11[%get3A_191, %get3A_192] {strides = array<i32>} : memref<32x128xf32, #tpu.memory_space<vmem>>, vector<16xf32>,
      tpu.vector_store_idx %arg19[%get3A_190], %get3A_193 {add = true} : memref<4096xf32, #tpu.memory_space<vmem>>[vector<16xi32>], vector<16xf32>,
      %get3A_194 = arith.index_cast %add3A_59 : i32 to index
      %get3A_195 = arith.constant 32 : index
      %get3A_196 = tpu.vector_load %arg9[%get3A_194, %get3A_195] {strides = array<i32>} : memref<32x128xi32, #tpu.memory_space<vmem>>, vector<16xi32>,
      %get3A_197 = arith.index_cast %add3A_59 : i32 to index
      %get3A_198 = arith.constant 32 : index
      %get3A_199 = tpu.vector_load %arg11[%get3A_197, %get3A_198] {strides = array<i32>} : memref<32x128xf32, #tpu.memory_space<vmem>>, vector<16xf32>,
      tpu.vector_store_idx %arg19[%get3A_196], %get3A_199 {add = true} : memref<4096xf32, #tpu.memory_space<vmem>>[vector<16xi32>], vector<16xf32>,
      %get3A_200 = arith.index_cast %add3A_59 : i32 to index
      %get3A_201 = arith.constant 48 : index
      %get3A_202 = tpu.vector_load %arg9[%get3A_200, %get3A_201] {strides = array<i32>} : memref<32x128xi32, #tpu.memory_space<vmem>>, vector<16xi32>,
      %get3A_203 = arith.index_cast %add3A_59 : i32 to index
      %get3A_204 = arith.constant 48 : index
      %get3A_205 = tpu.vector_load %arg11[%get3A_203, %get3A_204] {strides = array<i32>} : memref<32x128xf32, #tpu.memory_space<vmem>>, vector<16xf32>,
      tpu.vector_store_idx %arg19[%get3A_202], %get3A_205 {add = true} : memref<4096xf32, #tpu.memory_space<vmem>>[vector<16xi32>], vector<16xf32>,
      %get3A_206 = arith.index_cast %add3A_59 : i32 to index
      %get3A_207 = arith.constant 64 : index
      %get3A_208 = tpu.vector_load %arg9[%get3A_206, %get3A_207] {strides = array<i32>} : memref<32x128xi32, #tpu.memory_space<vmem>>, vector<16xi32>,
      %get3A_209 = arith.index_cast %add3A_59 : i32 to index
      %get3A_210 = arith.constant 64 : index
      %get3A_211 = tpu.vector_load %arg11[%get3A_209, %get3A_210] {strides = array<i32>} : memref<32x128xf32, #tpu.memory_space<vmem>>, vector<16xf32>,
      tpu.vector_store_idx %arg19[%get3A_208], %get3A_211 {add = true} : memref<4096xf32, #tpu.memory_space<vmem>>[vector<16xi32>], vector<16xf32>,
      %get3A_212 = arith.index_cast %add3A_59 : i32 to index
      %get3A_213 = arith.constant 80 : index
      %get3A_214 = tpu.vector_load %arg9[%get3A_212, %get3A_213] {strides = array<i32>} : memref<32x128xi32, #tpu.memory_space<vmem>>, vector<16xi32>,
      %get3A_215 = arith.index_cast %add3A_59 : i32 to index
      %get3A_216 = arith.constant 80 : index
      %get3A_217 = tpu.vector_load %arg11[%get3A_215, %get3A_216] {strides = array<i32>} : memref<32x128xf32, #tpu.memory_space<vmem>>, vector<16xf32>,
      tpu.vector_store_idx %arg19[%get3A_214], %get3A_217 {add = true} : memref<4096xf32, #tpu.memory_space<vmem>>[vector<16xi32>], vector<16xf32>,
      %get3A_218 = arith.index_cast %add3A_59 : i32 to index
      %get3A_219 = arith.constant 96 : index
      %get3A_220 = tpu.vector_load %arg9[%get3A_218, %get3A_219] {strides = array<i32>} : memref<32x128xi32, #tpu.memory_space<vmem>>, vector<16xi32>,
      %get3A_221 = arith.index_cast %add3A_59 : i32 to index
      %get3A_222 = arith.constant 96 : index
      %get3A_223 = tpu.vector_load %arg11[%get3A_221, %get3A_222] {strides = array<i32>} : memref<32x128xf32, #tpu.memory_space<vmem>>, vector<16xf32>,
      tpu.vector_store_idx %arg19[%get3A_220], %get3A_223 {add = true} : memref<4096xf32, #tpu.memory_space<vmem>>[vector<16xi32>], vector<16xf32>,
      %get3A_224 = arith.index_cast %add3A_59 : i32 to index
      %get3A_225 = arith.constant 112 : index
      %get3A_226 = tpu.vector_load %arg9[%get3A_224, %get3A_225] {strides = array<i32>} : memref<32x128xi32, #tpu.memory_space<vmem>>, vector<16xi32>,
      %get3A_227 = arith.index_cast %add3A_59 : i32 to index
      %get3A_228 = arith.constant 112 : index
      %get3A_229 = tpu.vector_load %arg11[%get3A_227, %get3A_228] {strides = array<i32>} : memref<32x128xf32, #tpu.memory_space<vmem>>, vector<16xf32>,
      tpu.vector_store_idx %arg19[%get3A_226], %get3A_229 {add = true} : memref<4096xf32, #tpu.memory_space<vmem>>[vector<16xi32>], vector<16xf32>,
    }
    %scan3A_39 = arith.constant 16 : i32
    %dma_wait3A = arith.constant 31 : i32
    %dma_wait3A_40 = arith.constant 0 : i32
    %dma_wait3A_41 = tpu.memref_slice %arg9[%dma_wait3A, %dma_wait3A_40] : memref<32x128xi32, #tpu.memory_space<vmem>> -> memref<1x128xi32, #tpu.memory_space<vmem>>
    %dma_wait3A_42 = tpu.memref_squeeze %dma_wait3A_41 : memref<1x128xi32, #tpu.memory_space<vmem>> -> memref<128xi32, #tpu.memory_space<vmem>>
    %dma_wait3A_43 = arith.constant 0 : i32
    %dma_wait3A_44 = arith.constant 0 : i32
    %dma_wait3A_45 = tpu.memref_slice %arg18[%dma_wait3A_43, %dma_wait3A_44] : memref<4096x128xf32, #tpu.memory_space<vmem_shared>> -> memref<4096x128xf32, #tpu.memory_space<vmem_shared>>
    tpu.wait_indirect_dma semaphore(%arg23 : memref<!tpu.dma_semaphore, #tpu.memory_space<semaphore_mem>>) src(%arg17 : memref<128x128xf32, #tpu.memory_space<vmem>>) dst(%dma_wait3A_45 : memref<4096x128xf32, #tpu.memory_space<vmem_shared>>)
    "tpu.region"() ({
      %run_scoped3A = tpu.sem_alloc : memref<!tpu.dma_semaphore, #tpu.memory_space<semaphore_mem>>
      %dma_start3A_51 = arith.constant 0 : i32
      %dma_start3A_52 = tpu.memref_slice %arg8[%arg0, %arg1, %dma_start3A_51] : memref<2x16x4096xf32, #tpu.memory_space<hbm>> -> memref<1x1x4096xf32, #tpu.memory_space<hbm>>
      %dma_start3A_53 = tpu.memref_squeeze %dma_start3A_52 : memref<1x1x4096xf32, #tpu.memory_space<hbm>> -> memref<4096xf32, #tpu.memory_space<hbm>>
      %dma_start3A_54 = arith.constant 0 : i32
      %dma_start3A_55 = tpu.memref_slice %arg8[%arg0, %arg1, %dma_start3A_54] : memref<2x16x4096xf32, #tpu.memory_space<hbm>> -> memref<1x1x4096xf32, #tpu.memory_space<hbm>>
      %dma_start3A_56 = tpu.memref_squeeze %dma_start3A_55 : memref<1x1x4096xf32, #tpu.memory_space<hbm>> -> memref<4096xf32, #tpu.memory_space<hbm>>
      tpu.enqueue_dma source(%arg19 : memref<4096xf32, #tpu.memory_space<vmem>>) target(%dma_start3A_56 : memref<4096xf32, #tpu.memory_space<hbm>>) target_semaphore(%run_scoped3A : memref<!tpu.dma_semaphore, #tpu.memory_space<semaphore_mem>>)
      %dma_wait3A_57 = arith.constant 0 : i32
      %dma_wait3A_58 = tpu.memref_slice %arg8[%arg0, %arg1, %dma_wait3A_57] : memref<2x16x4096xf32, #tpu.memory_space<hbm>> -> memref<1x1x4096xf32, #tpu.memory_space<hbm>>
      %dma_wait3A_59 = tpu.memref_squeeze %dma_wait3A_58 : memref<1x1x4096xf32, #tpu.memory_space<hbm>> -> memref<4096xf32, #tpu.memory_space<hbm>>
      %dma_wait3A_60 = arith.constant 0 : i32
      %dma_wait3A_61 = tpu.memref_slice %arg8[%arg0, %arg1, %dma_wait3A_60] : memref<2x16x4096xf32, #tpu.memory_space<hbm>> -> memref<1x1x4096xf32, #tpu.memory_space<hbm>>
      %dma_wait3A_62 = tpu.memref_squeeze %dma_wait3A_61 : memref<1x1x4096xf32, #tpu.memory_space<hbm>> -> memref<4096xf32, #tpu.memory_space<hbm>>
      tpu.wait_dma2 semaphore(%run_scoped3A : memref<!tpu.dma_semaphore, #tpu.memory_space<semaphore_mem>>) src(%arg19 : memref<4096xf32, #tpu.memory_space<vmem>>) dst(%dma_wait3A_62 : memref<4096xf32, #tpu.memory_space<hbm>>)
      tpu.yield
    }) : () -> ()
    %barrier3A_46 = arith.constant 0 : index
    tpu.barrier barrier_id(%barrier3A_46)
    %mul3A_47 = arith.constant 256 : i32
    %mul3A_48 = arith.muli %arg1, %mul3A_47 : i32
    %mul3A_49 = arith.constant 256 : i32
    %mul3A_50 = arith.muli %arg1, %mul3A_49 : i32
    "tpu.region"() ({
      %run_scoped3A = tpu.sem_alloc : memref<!tpu.dma_semaphore, #tpu.memory_space<semaphore_mem>>
      %dma_start3A_51 = arith.constant 0 : i32
      %dma_start3A_52 = tpu.memref_slice %arg7[%arg0, %mul3A_50, %dma_start3A_51] : memref<2x4096x128xf32, #tpu.memory_space<hbm>> -> memref<1x256x128xf32, #tpu.memory_space<hbm>>
      %dma_start3A_53 = tpu.memref_squeeze %dma_start3A_52 : memref<1x256x128xf32, #tpu.memory_space<hbm>> -> memref<256x128xf32, #tpu.memory_space<hbm>>
      %dma_start3A_54 = arith.constant 0 : i32
      %dma_start3A_55 = tpu.memref_slice %arg18[%mul3A_48, %dma_start3A_54] : memref<4096x128xf32, #tpu.memory_space<vmem_shared>> -> memref<256x128xf32, #tpu.memory_space<vmem_shared>>
      tpu.enqueue_dma source(%dma_start3A_55 : memref<256x128xf32, #tpu.memory_space<vmem_shared>>) target(%dma_start3A_53 : memref<256x128xf32, #tpu.memory_space<hbm>>) target_semaphore(%run_scoped3A : memref<!tpu.dma_semaphore, #tpu.memory_space<semaphore_mem>>)
      %dma_wait3A_56 = arith.constant 0 : i32
      %dma_wait3A_57 = tpu.memref_slice %arg7[%arg0, %mul3A_50, %dma_wait3A_56] : memref<2x4096x128xf32, #tpu.memory_space<hbm>> -> memref<1x256x128xf32, #tpu.memory_space<hbm>>
      %dma_wait3A_58 = tpu.memref_squeeze %dma_wait3A_57 : memref<1x256x128xf32, #tpu.memory_space<hbm>> -> memref<256x128xf32, #tpu.memory_space<hbm>>
      %dma_wait3A_59 = arith.constant 0 : i32
      %dma_wait3A_60 = tpu.memref_slice %arg18[%mul3A_48, %dma_wait3A_59] : memref<4096x128xf32, #tpu.memory_space<vmem_shared>> -> memref<256x128xf32, #tpu.memory_space<vmem_shared>>
      tpu.wait_dma2 semaphore(%run_scoped3A : memref<!tpu.dma_semaphore, #tpu.memory_space<semaphore_mem>>) src(%dma_wait3A_60 : memref<256x128xf32, #tpu.memory_space<vmem_shared>>) dst(%dma_wait3A_58 : memref<256x128xf32, #tpu.memory_space<hbm>>)
      tpu.yield
    }) : () -> ()
    return
  }
}

#map = affine_map<(d0, d1) -> (0, 0)>
#map1 = affine_map<(d0, d1) -> (0, 0, 0)>
module attributes {stable_mosaic.version = 14 : i64} {
  func.func @spmm(%arg0: i32, %arg1: i32, %arg2: memref<1024x128xi32, #tpu.memory_space<hbm>>, %arg3: memref<1024x128xi32, #tpu.memory_space<hbm>>, %arg4: memref<1024x128xf32, #tpu.memory_space<hbm>>, %arg5: memref<1024x16x128xf32, #tpu.memory_space<hbm>>, %arg6: memref<4096x128xf32, #tpu.memory_space<hbm>>, %arg7: memref<2x4096x128xf32, #tpu.memory_space<hbm>>, %arg8: memref<32x128xi32, #tpu.memory_space<vmem>>, %arg9: memref<32x128xi32, #tpu.memory_space<vmem>>, %arg10: memref<32x128xf32, #tpu.memory_space<vmem>>, %arg11: memref<1x16x128xf32, #tpu.memory_space<vmem>>, %arg12: memref<1x16x128xf32, #tpu.memory_space<vmem>>, %arg13: memref<128x128xf32, #tpu.memory_space<vmem>>, %arg14: memref<128x128xf32, #tpu.memory_space<vmem>>, %arg15: memref<128x128xf32, #tpu.memory_space<vmem>>, %arg16: memref<128x128xf32, #tpu.memory_space<vmem>>, %arg17: memref<4096x128xf32, #tpu.memory_space<vmem_shared>>, %arg18: memref<4096xf32, #tpu.memory_space<vmem>>, %arg19: memref<!tpu.dma_semaphore, #tpu.memory_space<semaphore_mem>>, %arg20: memref<!tpu.dma_semaphore, #tpu.memory_space<semaphore_mem>>, %arg21: memref<!tpu.dma_semaphore, #tpu.memory_space<semaphore_mem>>, %arg22: memref<!tpu.dma_semaphore, #tpu.memory_space<semaphore_mem>>) attributes {dimension_semantics = [#tpu.dimension_semantics<core_parallel>, #tpu.dimension_semantics<subcore_parallel>], iteration_bounds = array<i64: 2, 16>, scalar_prefetch = 0 : i64, scratch_operands = 15 : i64, tpu.core_type = #tpu.core_type<sc_vector_subcore>, window_params = [{transform_indices = #map}, {transform_indices = #map}, {transform_indices = #map}, {transform_indices = #map1}, {transform_indices = #map}, {transform_indices = #map1}]} {
    %mul3A = arith.constant 2 : i32
    %mul3A_0 = arith.muli %arg1, %mul3A : i32
    %add3A = arith.addi %mul3A_0, %arg0 : i32
    %parallel_loop3A = arith.constant 0 : i32
    %parallel_loop3A_1 = arith.constant 128 : i32
    %parallel_loop3A_2 = arith.constant 1 : i32
    scf.for %parallel_loop3A_48 = %parallel_loop3A to %parallel_loop3A_1 step %parallel_loop3A_2  : i32 {
      %parallel_loop3A_49 = arith.constant 0.000000e+00 : f32
      %parallel_loop3A_50 = vector.broadcast %parallel_loop3A_49 : f32 to vector<16xf32>
      %parallel_loop3A_51 = arith.index_cast %parallel_loop3A_48 : i32 to index
      %parallel_loop3A_52 = arith.constant 0 : index
      %parallel_loop3A_53 = tpu.vector_load %arg15[%parallel_loop3A_51, %parallel_loop3A_52] {strides = array<i32>} : memref<128x128xf32, #tpu.memory_space<vmem>>, vector<16xf32>,
      tpu.vector_store %arg15[%parallel_loop3A_51, %parallel_loop3A_52], %parallel_loop3A_50 {strides = array<i32>} : memref<128x128xf32, #tpu.memory_space<vmem>>, vector<16xf32>,
      %parallel_loop3A_54 = arith.constant 0.000000e+00 : f32
      %parallel_loop3A_55 = vector.broadcast %parallel_loop3A_54 : f32 to vector<16xf32>
      %parallel_loop3A_56 = arith.index_cast %parallel_loop3A_48 : i32 to index
      %parallel_loop3A_57 = arith.constant 16 : index
      %parallel_loop3A_58 = tpu.vector_load %arg15[%parallel_loop3A_56, %parallel_loop3A_57] {strides = array<i32>} : memref<128x128xf32, #tpu.memory_space<vmem>>, vector<16xf32>,
      tpu.vector_store %arg15[%parallel_loop3A_56, %parallel_loop3A_57], %parallel_loop3A_55 {strides = array<i32>} : memref<128x128xf32, #tpu.memory_space<vmem>>, vector<16xf32>,
      %parallel_loop3A_59 = arith.constant 0.000000e+00 : f32
      %parallel_loop3A_60 = vector.broadcast %parallel_loop3A_59 : f32 to vector<16xf32>
      %parallel_loop3A_61 = arith.index_cast %parallel_loop3A_48 : i32 to index
      %parallel_loop3A_62 = arith.constant 32 : index
      %parallel_loop3A_63 = tpu.vector_load %arg15[%parallel_loop3A_61, %parallel_loop3A_62] {strides = array<i32>} : memref<128x128xf32, #tpu.memory_space<vmem>>, vector<16xf32>,
      tpu.vector_store %arg15[%parallel_loop3A_61, %parallel_loop3A_62], %parallel_loop3A_60 {strides = array<i32>} : memref<128x128xf32, #tpu.memory_space<vmem>>, vector<16xf32>,
      %parallel_loop3A_64 = arith.constant 0.000000e+00 : f32
      %parallel_loop3A_65 = vector.broadcast %parallel_loop3A_64 : f32 to vector<16xf32>
      %parallel_loop3A_66 = arith.index_cast %parallel_loop3A_48 : i32 to index
      %parallel_loop3A_67 = arith.constant 48 : index
      %parallel_loop3A_68 = tpu.vector_load %arg15[%parallel_loop3A_66, %parallel_loop3A_67] {strides = array<i32>} : memref<128x128xf32, #tpu.memory_space<vmem>>, vector<16xf32>,
      tpu.vector_store %arg15[%parallel_loop3A_66, %parallel_loop3A_67], %parallel_loop3A_65 {strides = array<i32>} : memref<128x128xf32, #tpu.memory_space<vmem>>, vector<16xf32>,
      %parallel_loop3A_69 = arith.constant 0.000000e+00 : f32
      %parallel_loop3A_70 = vector.broadcast %parallel_loop3A_69 : f32 to vector<16xf32>
      %parallel_loop3A_71 = arith.index_cast %parallel_loop3A_48 : i32 to index
      %parallel_loop3A_72 = arith.constant 64 : index
      %parallel_loop3A_73 = tpu.vector_load %arg15[%parallel_loop3A_71, %parallel_loop3A_72] {strides = array<i32>} : memref<128x128xf32, #tpu.memory_space<vmem>>, vector<16xf32>,
      tpu.vector_store %arg15[%parallel_loop3A_71, %parallel_loop3A_72], %parallel_loop3A_70 {strides = array<i32>} : memref<128x128xf32, #tpu.memory_space<vmem>>, vector<16xf32>,
      %parallel_loop3A_74 = arith.constant 0.000000e+00 : f32
      %parallel_loop3A_75 = vector.broadcast %parallel_loop3A_74 : f32 to vector<16xf32>
      %parallel_loop3A_76 = arith.index_cast %parallel_loop3A_48 : i32 to index
      %parallel_loop3A_77 = arith.constant 80 : index
      %parallel_loop3A_78 = tpu.vector_load %arg15[%parallel_loop3A_76, %parallel_loop3A_77] {strides = array<i32>} : memref<128x128xf32, #tpu.memory_space<vmem>>, vector<16xf32>,
      tpu.vector_store %arg15[%parallel_loop3A_76, %parallel_loop3A_77], %parallel_loop3A_75 {strides = array<i32>} : memref<128x128xf32, #tpu.memory_space<vmem>>, vector<16xf32>,
      %parallel_loop3A_79 = arith.constant 0.000000e+00 : f32
      %parallel_loop3A_80 = vector.broadcast %parallel_loop3A_79 : f32 to vector<16xf32>
      %parallel_loop3A_81 = arith.index_cast %parallel_loop3A_48 : i32 to index
      %parallel_loop3A_82 = arith.constant 96 : index
      %parallel_loop3A_83 = tpu.vector_load %arg15[%parallel_loop3A_81, %parallel_loop3A_82] {strides = array<i32>} : memref<128x128xf32, #tpu.memory_space<vmem>>, vector<16xf32>,
      tpu.vector_store %arg15[%parallel_loop3A_81, %parallel_loop3A_82], %parallel_loop3A_80 {strides = array<i32>} : memref<128x128xf32, #tpu.memory_space<vmem>>, vector<16xf32>,
      %parallel_loop3A_84 = arith.constant 0.000000e+00 : f32
      %parallel_loop3A_85 = vector.broadcast %parallel_loop3A_84 : f32 to vector<16xf32>
      %parallel_loop3A_86 = arith.index_cast %parallel_loop3A_48 : i32 to index
      %parallel_loop3A_87 = arith.constant 112 : index
      %parallel_loop3A_88 = tpu.vector_load %arg15[%parallel_loop3A_86, %parallel_loop3A_87] {strides = array<i32>} : memref<128x128xf32, #tpu.memory_space<vmem>>, vector<16xf32>,
      tpu.vector_store %arg15[%parallel_loop3A_86, %parallel_loop3A_87], %parallel_loop3A_85 {strides = array<i32>} : memref<128x128xf32, #tpu.memory_space<vmem>>, vector<16xf32>,
    } {sc.loop_unroll_factor = 4 : i64, sc.parallel_access}
    %mul3A_3 = arith.constant 256 : i32
    %mul3A_4 = arith.muli %arg1, %mul3A_3 : i32
    %add3A_5 = arith.constant 0 : i32
    %add3A_6 = arith.addi %mul3A_4, %add3A_5 : i32
    "tpu.region"() ({
      %run_scoped3A = tpu.sem_alloc : memref<!tpu.dma_semaphore, #tpu.memory_space<semaphore_mem>>
      %dma_start3A_48 = arith.constant 0 : i32
      %dma_start3A_49 = tpu.memref_slice %arg17[%add3A_6, %dma_start3A_48] : memref<4096x128xf32, #tpu.memory_space<vmem_shared>> -> memref<128x128xf32, #tpu.memory_space<vmem_shared>>
      %dma_start3A_50 = arith.constant 0 : i32
      %dma_start3A_51 = tpu.memref_slice %arg17[%add3A_6, %dma_start3A_50] : memref<4096x128xf32, #tpu.memory_space<vmem_shared>> -> memref<128x128xf32, #tpu.memory_space<vmem_shared>>
      tpu.enqueue_dma source(%arg15 : memref<128x128xf32, #tpu.memory_space<vmem>>) target(%dma_start3A_51 : memref<128x128xf32, #tpu.memory_space<vmem_shared>>) target_semaphore(%run_scoped3A : memref<!tpu.dma_semaphore, #tpu.memory_space<semaphore_mem>>)
      %dma_wait3A_52 = arith.constant 0 : i32
      %dma_wait3A_53 = tpu.memref_slice %arg17[%add3A_6, %dma_wait3A_52] : memref<4096x128xf32, #tpu.memory_space<vmem_shared>> -> memref<128x128xf32, #tpu.memory_space<vmem_shared>>
      %dma_wait3A_54 = arith.constant 0 : i32
      %dma_wait3A_55 = tpu.memref_slice %arg17[%add3A_6, %dma_wait3A_54] : memref<4096x128xf32, #tpu.memory_space<vmem_shared>> -> memref<128x128xf32, #tpu.memory_space<vmem_shared>>
      tpu.wait_dma2 semaphore(%run_scoped3A : memref<!tpu.dma_semaphore, #tpu.memory_space<semaphore_mem>>) src(%arg15 : memref<128x128xf32, #tpu.memory_space<vmem>>) dst(%dma_wait3A_55 : memref<128x128xf32, #tpu.memory_space<vmem_shared>>)
      tpu.yield
    }) : () -> ()
    %mul3A_7 = arith.constant 256 : i32
    %mul3A_8 = arith.muli %arg1, %mul3A_7 : i32
    %add3A_9 = arith.constant 128 : i32
    %add3A_10 = arith.addi %mul3A_8, %add3A_9 : i32
    "tpu.region"() ({
      %run_scoped3A = tpu.sem_alloc : memref<!tpu.dma_semaphore, #tpu.memory_space<semaphore_mem>>
      %dma_start3A_48 = arith.constant 0 : i32
      %dma_start3A_49 = tpu.memref_slice %arg17[%add3A_10, %dma_start3A_48] : memref<4096x128xf32, #tpu.memory_space<vmem_shared>> -> memref<128x128xf32, #tpu.memory_space<vmem_shared>>
      %dma_start3A_50 = arith.constant 0 : i32
      %dma_start3A_51 = tpu.memref_slice %arg17[%add3A_10, %dma_start3A_50] : memref<4096x128xf32, #tpu.memory_space<vmem_shared>> -> memref<128x128xf32, #tpu.memory_space<vmem_shared>>
      tpu.enqueue_dma source(%arg15 : memref<128x128xf32, #tpu.memory_space<vmem>>) target(%dma_start3A_51 : memref<128x128xf32, #tpu.memory_space<vmem_shared>>) target_semaphore(%run_scoped3A : memref<!tpu.dma_semaphore, #tpu.memory_space<semaphore_mem>>)
      %dma_wait3A_52 = arith.constant 0 : i32
      %dma_wait3A_53 = tpu.memref_slice %arg17[%add3A_10, %dma_wait3A_52] : memref<4096x128xf32, #tpu.memory_space<vmem_shared>> -> memref<128x128xf32, #tpu.memory_space<vmem_shared>>
      %dma_wait3A_54 = arith.constant 0 : i32
      %dma_wait3A_55 = tpu.memref_slice %arg17[%add3A_10, %dma_wait3A_54] : memref<4096x128xf32, #tpu.memory_space<vmem_shared>> -> memref<128x128xf32, #tpu.memory_space<vmem_shared>>
      tpu.wait_dma2 semaphore(%run_scoped3A : memref<!tpu.dma_semaphore, #tpu.memory_space<semaphore_mem>>) src(%arg15 : memref<128x128xf32, #tpu.memory_space<vmem>>) dst(%dma_wait3A_55 : memref<128x128xf32, #tpu.memory_space<vmem_shared>>)
      tpu.yield
    }) : () -> ()
    %mul3A_11 = arith.constant 32 : i32
    %mul3A_12 = arith.muli %add3A, %mul3A_11 : i32
    "tpu.region"() ({
      %run_scoped3A = tpu.sem_alloc : memref<!tpu.dma_semaphore, #tpu.memory_space<semaphore_mem>>
      %dma_start3A_48 = arith.constant 0 : i32
      %dma_start3A_49 = tpu.memref_slice %arg2[%mul3A_12, %dma_start3A_48] : memref<1024x128xi32, #tpu.memory_space<hbm>> -> memref<32x128xi32, #tpu.memory_space<hbm>>
      %dma_start3A_50 = arith.constant 0 : i32
      %dma_start3A_51 = tpu.memref_slice %arg2[%mul3A_12, %dma_start3A_50] : memref<1024x128xi32, #tpu.memory_space<hbm>> -> memref<32x128xi32, #tpu.memory_space<hbm>>
      tpu.enqueue_dma source(%dma_start3A_51 : memref<32x128xi32, #tpu.memory_space<hbm>>) target(%arg8 : memref<32x128xi32, #tpu.memory_space<vmem>>) target_semaphore(%run_scoped3A : memref<!tpu.dma_semaphore, #tpu.memory_space<semaphore_mem>>)
      %dma_wait3A_52 = arith.constant 0 : i32
      %dma_wait3A_53 = tpu.memref_slice %arg2[%mul3A_12, %dma_wait3A_52] : memref<1024x128xi32, #tpu.memory_space<hbm>> -> memref<32x128xi32, #tpu.memory_space<hbm>>
      %dma_wait3A_54 = arith.constant 0 : i32
      %dma_wait3A_55 = tpu.memref_slice %arg2[%mul3A_12, %dma_wait3A_54] : memref<1024x128xi32, #tpu.memory_space<hbm>> -> memref<32x128xi32, #tpu.memory_space<hbm>>
      tpu.wait_dma2 semaphore(%run_scoped3A : memref<!tpu.dma_semaphore, #tpu.memory_space<semaphore_mem>>) src(%dma_wait3A_55 : memref<32x128xi32, #tpu.memory_space<hbm>>) dst(%arg8 : memref<32x128xi32, #tpu.memory_space<vmem>>)
      tpu.yield
    }) : () -> ()
    %mul3A_13 = arith.constant 32 : i32
    %mul3A_14 = arith.muli %add3A, %mul3A_13 : i32
    "tpu.region"() ({
      %run_scoped3A = tpu.sem_alloc : memref<!tpu.dma_semaphore, #tpu.memory_space<semaphore_mem>>
      %dma_start3A_48 = arith.constant 0 : i32
      %dma_start3A_49 = tpu.memref_slice %arg3[%mul3A_14, %dma_start3A_48] : memref<1024x128xi32, #tpu.memory_space<hbm>> -> memref<32x128xi32, #tpu.memory_space<hbm>>
      %dma_start3A_50 = arith.constant 0 : i32
      %dma_start3A_51 = tpu.memref_slice %arg3[%mul3A_14, %dma_start3A_50] : memref<1024x128xi32, #tpu.memory_space<hbm>> -> memref<32x128xi32, #tpu.memory_space<hbm>>
      tpu.enqueue_dma source(%dma_start3A_51 : memref<32x128xi32, #tpu.memory_space<hbm>>) target(%arg9 : memref<32x128xi32, #tpu.memory_space<vmem>>) target_semaphore(%run_scoped3A : memref<!tpu.dma_semaphore, #tpu.memory_space<semaphore_mem>>)
      %dma_wait3A_52 = arith.constant 0 : i32
      %dma_wait3A_53 = tpu.memref_slice %arg3[%mul3A_14, %dma_wait3A_52] : memref<1024x128xi32, #tpu.memory_space<hbm>> -> memref<32x128xi32, #tpu.memory_space<hbm>>
      %dma_wait3A_54 = arith.constant 0 : i32
      %dma_wait3A_55 = tpu.memref_slice %arg3[%mul3A_14, %dma_wait3A_54] : memref<1024x128xi32, #tpu.memory_space<hbm>> -> memref<32x128xi32, #tpu.memory_space<hbm>>
      tpu.wait_dma2 semaphore(%run_scoped3A : memref<!tpu.dma_semaphore, #tpu.memory_space<semaphore_mem>>) src(%dma_wait3A_55 : memref<32x128xi32, #tpu.memory_space<hbm>>) dst(%arg9 : memref<32x128xi32, #tpu.memory_space<vmem>>)
      tpu.yield
    }) : () -> ()
    %mul3A_15 = arith.constant 32 : i32
    %mul3A_16 = arith.muli %add3A, %mul3A_15 : i32
    "tpu.region"() ({
      %run_scoped3A = tpu.sem_alloc : memref<!tpu.dma_semaphore, #tpu.memory_space<semaphore_mem>>
      %dma_start3A_48 = arith.constant 0 : i32
      %dma_start3A_49 = tpu.memref_slice %arg4[%mul3A_16, %dma_start3A_48] : memref<1024x128xf32, #tpu.memory_space<hbm>> -> memref<32x128xf32, #tpu.memory_space<hbm>>
      %dma_start3A_50 = arith.constant 0 : i32
      %dma_start3A_51 = tpu.memref_slice %arg4[%mul3A_16, %dma_start3A_50] : memref<1024x128xf32, #tpu.memory_space<hbm>> -> memref<32x128xf32, #tpu.memory_space<hbm>>
      tpu.enqueue_dma source(%dma_start3A_51 : memref<32x128xf32, #tpu.memory_space<hbm>>) target(%arg10 : memref<32x128xf32, #tpu.memory_space<vmem>>) target_semaphore(%run_scoped3A : memref<!tpu.dma_semaphore, #tpu.memory_space<semaphore_mem>>)
      %dma_wait3A_52 = arith.constant 0 : i32
      %dma_wait3A_53 = tpu.memref_slice %arg4[%mul3A_16, %dma_wait3A_52] : memref<1024x128xf32, #tpu.memory_space<hbm>> -> memref<32x128xf32, #tpu.memory_space<hbm>>
      %dma_wait3A_54 = arith.constant 0 : i32
      %dma_wait3A_55 = tpu.memref_slice %arg4[%mul3A_16, %dma_wait3A_54] : memref<1024x128xf32, #tpu.memory_space<hbm>> -> memref<32x128xf32, #tpu.memory_space<hbm>>
      tpu.wait_dma2 semaphore(%run_scoped3A : memref<!tpu.dma_semaphore, #tpu.memory_space<semaphore_mem>>) src(%dma_wait3A_55 : memref<32x128xf32, #tpu.memory_space<hbm>>) dst(%arg10 : memref<32x128xf32, #tpu.memory_space<vmem>>)
      tpu.yield
    }) : () -> ()
    %barrier3A = arith.constant 0 : index
    tpu.barrier barrier_id(%barrier3A)
    %dma_start3A = arith.constant 0 : i32
    %dma_start3A_17 = arith.constant 0 : i32
    %dma_start3A_18 = tpu.memref_slice %arg9[%dma_start3A, %dma_start3A_17] : memref<32x128xi32, #tpu.memory_space<vmem>> -> memref<1x128xi32, #tpu.memory_space<vmem>>
    %dma_start3A_19 = tpu.memref_squeeze %dma_start3A_18 : memref<1x128xi32, #tpu.memory_space<vmem>> -> memref<128xi32, #tpu.memory_space<vmem>>
    %dma_start3A_20 = arith.constant 0 : i32
    %dma_start3A_21 = arith.constant 0 : i32
    %dma_start3A_22 = tpu.memref_slice %arg6[%dma_start3A_20, %dma_start3A_21] : memref<4096x128xf32, #tpu.memory_space<hbm>> -> memref<4096x128xf32, #tpu.memory_space<hbm>>
    tpu.enqueue_indirect_dma source(%dma_start3A_22 : memref<4096x128xf32, #tpu.memory_space<hbm>>) target(%arg13 : memref<128x128xf32, #tpu.memory_space<vmem>>) offsets(%dma_start3A_19 : memref<128xi32, #tpu.memory_space<vmem>>) semaphore(%arg19 : memref<!tpu.dma_semaphore, #tpu.memory_space<semaphore_mem>>)
    %mul3A_23 = arith.constant 32 : i32
    %mul3A_24 = arith.muli %add3A, %mul3A_23 : i32
    %add3A_25 = arith.constant 0 : i32
    %add3A_26 = arith.addi %mul3A_24, %add3A_25 : i32
    %dma_start3A_27 = arith.constant 0 : i32
    %dma_start3A_28 = arith.constant 0 : i32
    %dma_start3A_29 = tpu.memref_slice %arg5[%add3A_26, %dma_start3A_27, %dma_start3A_28] : memref<1024x16x128xf32, #tpu.memory_space<hbm>> -> memref<1x16x128xf32, #tpu.memory_space<hbm>>
    %dma_start3A_30 = arith.constant 0 : i32
    %dma_start3A_31 = arith.constant 0 : i32
    %dma_start3A_32 = tpu.memref_slice %arg5[%add3A_26, %dma_start3A_30, %dma_start3A_31] : memref<1024x16x128xf32, #tpu.memory_space<hbm>> -> memref<1x16x128xf32, #tpu.memory_space<hbm>>
    tpu.enqueue_dma source(%dma_start3A_32 : memref<1x16x128xf32, #tpu.memory_space<hbm>>) target(%arg11 : memref<1x16x128xf32, #tpu.memory_space<vmem>>) target_semaphore(%arg19 : memref<!tpu.dma_semaphore, #tpu.memory_space<semaphore_mem>>)
    %scan3A = arith.constant 0 : i32
    %scan3A_33 = arith.constant 16 : i32
    %scan3A_34 = arith.addi %scan3A, %scan3A_33 : i32
    %scan3A_35 = arith.constant 1 : i32
    scf.for %scan3A_48 = %scan3A to %scan3A_34 step %scan3A_35  : i32 {
      %mul3A_49 = arith.constant 1 : i32
      %mul3A_50 = arith.muli %scan3A_48, %mul3A_49 : i32
      %add3A_51 = arith.constant 0 : i32
      %add3A_52 = arith.addi %add3A_51, %mul3A_50 : i32
      %mul3A_53 = arith.constant 2 : i32
      %mul3A_54 = arith.muli %add3A_52, %mul3A_53 : i32
      %add3A_55 = arith.constant 1 : i32
      %add3A_56 = arith.addi %mul3A_54, %add3A_55 : i32
      %gt3A = arith.constant 0 : i32
      %gt3A_57 = arith.cmpi sgt, %add3A_52, %gt3A : i32
      %convert_element_type3A = arith.extui %gt3A_57 : i1 to i32
      %cond3A = arith.constant 0 : i32
      %cond3A_58 = arith.cmpi ne, %convert_element_type3A, %cond3A : i32
      scf.if %cond3A_58 {
        %sub3A = arith.constant 1 : i32
        %sub3A_132 = arith.subi %mul3A_54, %sub3A : i32
        %dma_wait3A_133 = arith.constant 0 : i32
        %dma_wait3A_134 = tpu.memref_slice %arg8[%sub3A_132, %dma_wait3A_133] : memref<32x128xi32, #tpu.memory_space<vmem>> -> memref<1x128xi32, #tpu.memory_space<vmem>>
        %dma_wait3A_135 = tpu.memref_squeeze %dma_wait3A_134 : memref<1x128xi32, #tpu.memory_space<vmem>> -> memref<128xi32, #tpu.memory_space<vmem>>
        %dma_wait3A_136 = arith.constant 0 : i32
        %dma_wait3A_137 = arith.constant 0 : i32
        %dma_wait3A_138 = tpu.memref_slice %arg17[%dma_wait3A_136, %dma_wait3A_137] : memref<4096x128xf32, #tpu.memory_space<vmem_shared>> -> memref<4096x128xf32, #tpu.memory_space<vmem_shared>>
        tpu.wait_indirect_dma semaphore(%arg22 : memref<!tpu.dma_semaphore, #tpu.memory_space<semaphore_mem>>) src(%arg16 : memref<128x128xf32, #tpu.memory_space<vmem>>) dst(%dma_wait3A_138 : memref<4096x128xf32, #tpu.memory_space<vmem_shared>>)
      } else {
      }
      %dma_start3A_59 = arith.constant 0 : i32
      %dma_start3A_60 = tpu.memref_slice %arg9[%add3A_56, %dma_start3A_59] : memref<32x128xi32, #tpu.memory_space<vmem>> -> memref<1x128xi32, #tpu.memory_space<vmem>>
      %dma_start3A_61 = tpu.memref_squeeze %dma_start3A_60 : memref<1x128xi32, #tpu.memory_space<vmem>> -> memref<128xi32, #tpu.memory_space<vmem>>
      %dma_start3A_62 = arith.constant 0 : i32
      %dma_start3A_63 = arith.constant 0 : i32
      %dma_start3A_64 = tpu.memref_slice %arg6[%dma_start3A_62, %dma_start3A_63] : memref<4096x128xf32, #tpu.memory_space<hbm>> -> memref<4096x128xf32, #tpu.memory_space<hbm>>
      tpu.enqueue_indirect_dma source(%dma_start3A_64 : memref<4096x128xf32, #tpu.memory_space<hbm>>) target(%arg14 : memref<128x128xf32, #tpu.memory_space<vmem>>) offsets(%dma_start3A_61 : memref<128xi32, #tpu.memory_space<vmem>>) semaphore(%arg20 : memref<!tpu.dma_semaphore, #tpu.memory_space<semaphore_mem>>)
      %mul3A_65 = arith.constant 32 : i32
      %mul3A_66 = arith.muli %add3A, %mul3A_65 : i32
      %add3A_67 = arith.addi %mul3A_66, %add3A_56 : i32
      %dma_start3A_68 = arith.constant 0 : i32
      %dma_start3A_69 = arith.constant 0 : i32
      %dma_start3A_70 = tpu.memref_slice %arg5[%add3A_67, %dma_start3A_68, %dma_start3A_69] : memref<1024x16x128xf32, #tpu.memory_space<hbm>> -> memref<1x16x128xf32, #tpu.memory_space<hbm>>
      %dma_start3A_71 = arith.constant 0 : i32
      %dma_start3A_72 = arith.constant 0 : i32
      %dma_start3A_73 = tpu.memref_slice %arg5[%add3A_67, %dma_start3A_71, %dma_start3A_72] : memref<1024x16x128xf32, #tpu.memory_space<hbm>> -> memref<1x16x128xf32, #tpu.memory_space<hbm>>
      tpu.enqueue_dma source(%dma_start3A_73 : memref<1x16x128xf32, #tpu.memory_space<hbm>>) target(%arg12 : memref<1x16x128xf32, #tpu.memory_space<vmem>>) target_semaphore(%arg20 : memref<!tpu.dma_semaphore, #tpu.memory_space<semaphore_mem>>)
      %dma_wait3A_74 = arith.constant 0 : i32
      %dma_wait3A_75 = tpu.memref_slice %arg9[%mul3A_54, %dma_wait3A_74] : memref<32x128xi32, #tpu.memory_space<vmem>> -> memref<1x128xi32, #tpu.memory_space<vmem>>
      %dma_wait3A_76 = tpu.memref_squeeze %dma_wait3A_75 : memref<1x128xi32, #tpu.memory_space<vmem>> -> memref<128xi32, #tpu.memory_space<vmem>>
      %dma_wait3A_77 = arith.constant 0 : i32
      %dma_wait3A_78 = arith.constant 0 : i32
      %dma_wait3A_79 = tpu.memref_slice %arg6[%dma_wait3A_77, %dma_wait3A_78] : memref<4096x128xf32, #tpu.memory_space<hbm>> -> memref<4096x128xf32, #tpu.memory_space<hbm>>
      tpu.wait_indirect_dma semaphore(%arg19 : memref<!tpu.dma_semaphore, #tpu.memory_space<semaphore_mem>>) src(%dma_wait3A_79 : memref<4096x128xf32, #tpu.memory_space<hbm>>) dst(%arg13 : memref<128x128xf32, #tpu.memory_space<vmem>>)
      %mul3A_80 = arith.constant 32 : i32
      %mul3A_81 = arith.muli %add3A, %mul3A_80 : i32
      %add3A_82 = arith.addi %mul3A_81, %mul3A_54 : i32
      %dma_wait3A_83 = arith.constant 0 : i32
      %dma_wait3A_84 = arith.constant 0 : i32
      %dma_wait3A_85 = tpu.memref_slice %arg5[%add3A_82, %dma_wait3A_83, %dma_wait3A_84] : memref<1024x16x128xf32, #tpu.memory_space<hbm>> -> memref<1x16x128xf32, #tpu.memory_space<hbm>>
      %dma_wait3A_86 = arith.constant 0 : i32
      %dma_wait3A_87 = arith.constant 0 : i32
      %dma_wait3A_88 = tpu.memref_slice %arg5[%add3A_82, %dma_wait3A_86, %dma_wait3A_87] : memref<1024x16x128xf32, #tpu.memory_space<hbm>> -> memref<1x16x128xf32, #tpu.memory_space<hbm>>
      tpu.wait_dma2 semaphore(%arg19 : memref<!tpu.dma_semaphore, #tpu.memory_space<semaphore_mem>>) src(%dma_wait3A_88 : memref<1x16x128xf32, #tpu.memory_space<hbm>>) dst(%arg11 : memref<1x16x128xf32, #tpu.memory_space<vmem>>)
      %parallel_loop3A_89 = arith.constant 0 : i32
      %parallel_loop3A_90 = arith.constant 16 : i32
      %parallel_loop3A_91 = arith.constant 1 : i32
      scf.for %parallel_loop3A_132 = %parallel_loop3A_89 to %parallel_loop3A_90 step %parallel_loop3A_91  : i32 {
        %parallel_loop3A_133 = arith.constant 8 : i32
        %parallel_loop3A_134 = arith.muli %parallel_loop3A_132, %parallel_loop3A_133 : i32
        %parallel_loop3A_135 = arith.constant 0 : i32
        %parallel_loop3A_136 = arith.addi %parallel_loop3A_134, %parallel_loop3A_135 : i32
        %parallel_loop3A_137 = arith.constant 0 : i32
        %parallel_loop3A_138 = arith.index_cast %parallel_loop3A_137 : i32 to index
        %parallel_loop3A_139 = arith.index_cast %parallel_loop3A_132 : i32 to index
        %parallel_loop3A_140 = arith.constant 0 : index
        %parallel_loop3A_141 = tpu.vector_load %arg11[%parallel_loop3A_138, %parallel_loop3A_139, %parallel_loop3A_140] {strides = array<i32>} : memref<1x16x128xf32, #tpu.memory_space<vmem>>, vector<16xf32>,
        %parallel_loop3A_142 = arith.index_cast %parallel_loop3A_136 : i32 to index
        %parallel_loop3A_143 = arith.constant 0 : index
        %parallel_loop3A_144 = tpu.vector_load %arg13[%parallel_loop3A_142, %parallel_loop3A_143] {strides = array<i32>} : memref<128x128xf32, #tpu.memory_space<vmem>>, vector<16xf32>,
        %parallel_loop3A_145 = arith.mulf %parallel_loop3A_144, %parallel_loop3A_141 : vector<16xf32>
        %parallel_loop3A_146 = arith.index_cast %parallel_loop3A_136 : i32 to index
        %parallel_loop3A_147 = arith.constant 0 : index
        %parallel_loop3A_148 = tpu.vector_load %arg15[%parallel_loop3A_146, %parallel_loop3A_147] {strides = array<i32>} : memref<128x128xf32, #tpu.memory_space<vmem>>, vector<16xf32>,
        tpu.vector_store %arg15[%parallel_loop3A_146, %parallel_loop3A_147], %parallel_loop3A_145 {strides = array<i32>} : memref<128x128xf32, #tpu.memory_space<vmem>>, vector<16xf32>,
        %parallel_loop3A_149 = arith.index_cast %parallel_loop3A_136 : i32 to index
        %parallel_loop3A_150 = arith.constant 16 : index
        %parallel_loop3A_151 = tpu.vector_load %arg13[%parallel_loop3A_149, %parallel_loop3A_150] {strides = array<i32>} : memref<128x128xf32, #tpu.memory_space<vmem>>, vector<16xf32>,
        %parallel_loop3A_152 = arith.mulf %parallel_loop3A_151, %parallel_loop3A_141 : vector<16xf32>
        %parallel_loop3A_153 = arith.index_cast %parallel_loop3A_136 : i32 to index
        %parallel_loop3A_154 = arith.constant 16 : index
        %parallel_loop3A_155 = tpu.vector_load %arg15[%parallel_loop3A_153, %parallel_loop3A_154] {strides = array<i32>} : memref<128x128xf32, #tpu.memory_space<vmem>>, vector<16xf32>,
        tpu.vector_store %arg15[%parallel_loop3A_153, %parallel_loop3A_154], %parallel_loop3A_152 {strides = array<i32>} : memref<128x128xf32, #tpu.memory_space<vmem>>, vector<16xf32>,
        %parallel_loop3A_156 = arith.index_cast %parallel_loop3A_136 : i32 to index
        %parallel_loop3A_157 = arith.constant 32 : index
        %parallel_loop3A_158 = tpu.vector_load %arg13[%parallel_loop3A_156, %parallel_loop3A_157] {strides = array<i32>} : memref<128x128xf32, #tpu.memory_space<vmem>>, vector<16xf32>,
        %parallel_loop3A_159 = arith.mulf %parallel_loop3A_158, %parallel_loop3A_141 : vector<16xf32>
        %parallel_loop3A_160 = arith.index_cast %parallel_loop3A_136 : i32 to index
        %parallel_loop3A_161 = arith.constant 32 : index
        %parallel_loop3A_162 = tpu.vector_load %arg15[%parallel_loop3A_160, %parallel_loop3A_161] {strides = array<i32>} : memref<128x128xf32, #tpu.memory_space<vmem>>, vector<16xf32>,
        tpu.vector_store %arg15[%parallel_loop3A_160, %parallel_loop3A_161], %parallel_loop3A_159 {strides = array<i32>} : memref<128x128xf32, #tpu.memory_space<vmem>>, vector<16xf32>,
        %parallel_loop3A_163 = arith.index_cast %parallel_loop3A_136 : i32 to index
        %parallel_loop3A_164 = arith.constant 48 : index
        %parallel_loop3A_165 = tpu.vector_load %arg13[%parallel_loop3A_163, %parallel_loop3A_164] {strides = array<i32>} : memref<128x128xf32, #tpu.memory_space<vmem>>, vector<16xf32>,
        %parallel_loop3A_166 = arith.mulf %parallel_loop3A_165, %parallel_loop3A_141 : vector<16xf32>
        %parallel_loop3A_167 = arith.index_cast %parallel_loop3A_136 : i32 to index
        %parallel_loop3A_168 = arith.constant 48 : index
        %parallel_loop3A_169 = tpu.vector_load %arg15[%parallel_loop3A_167, %parallel_loop3A_168] {strides = array<i32>} : memref<128x128xf32, #tpu.memory_space<vmem>>, vector<16xf32>,
        tpu.vector_store %arg15[%parallel_loop3A_167, %parallel_loop3A_168], %parallel_loop3A_166 {strides = array<i32>} : memref<128x128xf32, #tpu.memory_space<vmem>>, vector<16xf32>,
        %parallel_loop3A_170 = arith.index_cast %parallel_loop3A_136 : i32 to index
        %parallel_loop3A_171 = arith.constant 64 : index
        %parallel_loop3A_172 = tpu.vector_load %arg13[%parallel_loop3A_170, %parallel_loop3A_171] {strides = array<i32>} : memref<128x128xf32, #tpu.memory_space<vmem>>, vector<16xf32>,
        %parallel_loop3A_173 = arith.mulf %parallel_loop3A_172, %parallel_loop3A_141 : vector<16xf32>
        %parallel_loop3A_174 = arith.index_cast %parallel_loop3A_136 : i32 to index
        %parallel_loop3A_175 = arith.constant 64 : index
        %parallel_loop3A_176 = tpu.vector_load %arg15[%parallel_loop3A_174, %parallel_loop3A_175] {strides = array<i32>} : memref<128x128xf32, #tpu.memory_space<vmem>>, vector<16xf32>,
        tpu.vector_store %arg15[%parallel_loop3A_174, %parallel_loop3A_175], %parallel_loop3A_173 {strides = array<i32>} : memref<128x128xf32, #tpu.memory_space<vmem>>, vector<16xf32>,
        %parallel_loop3A_177 = arith.index_cast %parallel_loop3A_136 : i32 to index
        %parallel_loop3A_178 = arith.constant 80 : index
        %parallel_loop3A_179 = tpu.vector_load %arg13[%parallel_loop3A_177, %parallel_loop3A_178] {strides = array<i32>} : memref<128x128xf32, #tpu.memory_space<vmem>>, vector<16xf32>,
        %parallel_loop3A_180 = arith.mulf %parallel_loop3A_179, %parallel_loop3A_141 : vector<16xf32>
        %parallel_loop3A_181 = arith.index_cast %parallel_loop3A_136 : i32 to index
        %parallel_loop3A_182 = arith.constant 80 : index
        %parallel_loop3A_183 = tpu.vector_load %arg15[%parallel_loop3A_181, %parallel_loop3A_182] {strides = array<i32>} : memref<128x128xf32, #tpu.memory_space<vmem>>, vector<16xf32>,
        tpu.vector_store %arg15[%parallel_loop3A_181, %parallel_loop3A_182], %parallel_loop3A_180 {strides = array<i32>} : memref<128x128xf32, #tpu.memory_space<vmem>>, vector<16xf32>,
        %parallel_loop3A_184 = arith.index_cast %parallel_loop3A_136 : i32 to index
        %parallel_loop3A_185 = arith.constant 96 : index
        %parallel_loop3A_186 = tpu.vector_load %arg13[%parallel_loop3A_184, %parallel_loop3A_185] {strides = array<i32>} : memref<128x128xf32, #tpu.memory_space<vmem>>, vector<16xf32>,
        %parallel_loop3A_187 = arith.mulf %parallel_loop3A_186, %parallel_loop3A_141 : vector<16xf32>
        %parallel_loop3A_188 = arith.index_cast %parallel_loop3A_136 : i32 to index
        %parallel_loop3A_189 = arith.constant 96 : index
        %parallel_loop3A_190 = tpu.vector_load %arg15[%parallel_loop3A_188, %parallel_loop3A_189] {strides = array<i32>} : memref<128x128xf32, #tpu.memory_space<vmem>>, vector<16xf32>,
        tpu.vector_store %arg15[%parallel_loop3A_188, %parallel_loop3A_189], %parallel_loop3A_187 {strides = array<i32>} : memref<128x128xf32, #tpu.memory_space<vmem>>, vector<16xf32>,
        %parallel_loop3A_191 = arith.index_cast %parallel_loop3A_136 : i32 to index
        %parallel_loop3A_192 = arith.constant 112 : index
        %parallel_loop3A_193 = tpu.vector_load %arg13[%parallel_loop3A_191, %parallel_loop3A_192] {strides = array<i32>} : memref<128x128xf32, #tpu.memory_space<vmem>>, vector<16xf32>,
        %parallel_loop3A_194 = arith.mulf %parallel_loop3A_193, %parallel_loop3A_141 : vector<16xf32>
        %parallel_loop3A_195 = arith.index_cast %parallel_loop3A_136 : i32 to index
        %parallel_loop3A_196 = arith.constant 112 : index
        %parallel_loop3A_197 = tpu.vector_load %arg15[%parallel_loop3A_195, %parallel_loop3A_196] {strides = array<i32>} : memref<128x128xf32, #tpu.memory_space<vmem>>, vector<16xf32>,
        tpu.vector_store %arg15[%parallel_loop3A_195, %parallel_loop3A_196], %parallel_loop3A_194 {strides = array<i32>} : memref<128x128xf32, #tpu.memory_space<vmem>>, vector<16xf32>,
        %parallel_loop3A_198 = arith.constant 8 : i32
        %parallel_loop3A_199 = arith.muli %parallel_loop3A_132, %parallel_loop3A_198 : i32
        %parallel_loop3A_200 = arith.constant 1 : i32
        %parallel_loop3A_201 = arith.addi %parallel_loop3A_199, %parallel_loop3A_200 : i32
        %parallel_loop3A_202 = arith.constant 0 : i32
        %parallel_loop3A_203 = arith.index_cast %parallel_loop3A_202 : i32 to index
        %parallel_loop3A_204 = arith.index_cast %parallel_loop3A_132 : i32 to index
        %parallel_loop3A_205 = arith.constant 16 : index
        %parallel_loop3A_206 = tpu.vector_load %arg11[%parallel_loop3A_203, %parallel_loop3A_204, %parallel_loop3A_205] {strides = array<i32>} : memref<1x16x128xf32, #tpu.memory_space<vmem>>, vector<16xf32>,
        %parallel_loop3A_207 = arith.index_cast %parallel_loop3A_201 : i32 to index
        %parallel_loop3A_208 = arith.constant 0 : index
        %parallel_loop3A_209 = tpu.vector_load %arg13[%parallel_loop3A_207, %parallel_loop3A_208] {strides = array<i32>} : memref<128x128xf32, #tpu.memory_space<vmem>>, vector<16xf32>,
        %parallel_loop3A_210 = arith.mulf %parallel_loop3A_209, %parallel_loop3A_206 : vector<16xf32>
        %parallel_loop3A_211 = arith.index_cast %parallel_loop3A_201 : i32 to index
        %parallel_loop3A_212 = arith.constant 0 : index
        %parallel_loop3A_213 = tpu.vector_load %arg15[%parallel_loop3A_211, %parallel_loop3A_212] {strides = array<i32>} : memref<128x128xf32, #tpu.memory_space<vmem>>, vector<16xf32>,
        tpu.vector_store %arg15[%parallel_loop3A_211, %parallel_loop3A_212], %parallel_loop3A_210 {strides = array<i32>} : memref<128x128xf32, #tpu.memory_space<vmem>>, vector<16xf32>,
        %parallel_loop3A_214 = arith.index_cast %parallel_loop3A_201 : i32 to index
        %parallel_loop3A_215 = arith.constant 16 : index
        %parallel_loop3A_216 = tpu.vector_load %arg13[%parallel_loop3A_214, %parallel_loop3A_215] {strides = array<i32>} : memref<128x128xf32, #tpu.memory_space<vmem>>, vector<16xf32>,
        %parallel_loop3A_217 = arith.mulf %parallel_loop3A_216, %parallel_loop3A_206 : vector<16xf32>
        %parallel_loop3A_218 = arith.index_cast %parallel_loop3A_201 : i32 to index
        %parallel_loop3A_219 = arith.constant 16 : index
        %parallel_loop3A_220 = tpu.vector_load %arg15[%parallel_loop3A_218, %parallel_loop3A_219] {strides = array<i32>} : memref<128x128xf32, #tpu.memory_space<vmem>>, vector<16xf32>,
        tpu.vector_store %arg15[%parallel_loop3A_218, %parallel_loop3A_219], %parallel_loop3A_217 {strides = array<i32>} : memref<128x128xf32, #tpu.memory_space<vmem>>, vector<16xf32>,
        %parallel_loop3A_221 = arith.index_cast %parallel_loop3A_201 : i32 to index
        %parallel_loop3A_222 = arith.constant 32 : index
        %parallel_loop3A_223 = tpu.vector_load %arg13[%parallel_loop3A_221, %parallel_loop3A_222] {strides = array<i32>} : memref<128x128xf32, #tpu.memory_space<vmem>>, vector<16xf32>,
        %parallel_loop3A_224 = arith.mulf %parallel_loop3A_223, %parallel_loop3A_206 : vector<16xf32>
        %parallel_loop3A_225 = arith.index_cast %parallel_loop3A_201 : i32 to index
        %parallel_loop3A_226 = arith.constant 32 : index
        %parallel_loop3A_227 = tpu.vector_load %arg15[%parallel_loop3A_225, %parallel_loop3A_226] {strides = array<i32>} : memref<128x128xf32, #tpu.memory_space<vmem>>, vector<16xf32>,
        tpu.vector_store %arg15[%parallel_loop3A_225, %parallel_loop3A_226], %parallel_loop3A_224 {strides = array<i32>} : memref<128x128xf32, #tpu.memory_space<vmem>>, vector<16xf32>,
        %parallel_loop3A_228 = arith.index_cast %parallel_loop3A_201 : i32 to index
        %parallel_loop3A_229 = arith.constant 48 : index
        %parallel_loop3A_230 = tpu.vector_load %arg13[%parallel_loop3A_228, %parallel_loop3A_229] {strides = array<i32>} : memref<128x128xf32, #tpu.memory_space<vmem>>, vector<16xf32>,
        %parallel_loop3A_231 = arith.mulf %parallel_loop3A_230, %parallel_loop3A_206 : vector<16xf32>
        %parallel_loop3A_232 = arith.index_cast %parallel_loop3A_201 : i32 to index
        %parallel_loop3A_233 = arith.constant 48 : index
        %parallel_loop3A_234 = tpu.vector_load %arg15[%parallel_loop3A_232, %parallel_loop3A_233] {strides = array<i32>} : memref<128x128xf32, #tpu.memory_space<vmem>>, vector<16xf32>,
        tpu.vector_store %arg15[%parallel_loop3A_232, %parallel_loop3A_233], %parallel_loop3A_231 {strides = array<i32>} : memref<128x128xf32, #tpu.memory_space<vmem>>, vector<16xf32>,
        %parallel_loop3A_235 = arith.index_cast %parallel_loop3A_201 : i32 to index
        %parallel_loop3A_236 = arith.constant 64 : index
        %parallel_loop3A_237 = tpu.vector_load %arg13[%parallel_loop3A_235, %parallel_loop3A_236] {strides = array<i32>} : memref<128x128xf32, #tpu.memory_space<vmem>>, vector<16xf32>,
        %parallel_loop3A_238 = arith.mulf %parallel_loop3A_237, %parallel_loop3A_206 : vector<16xf32>
        %parallel_loop3A_239 = arith.index_cast %parallel_loop3A_201 : i32 to index
        %parallel_loop3A_240 = arith.constant 64 : index
        %parallel_loop3A_241 = tpu.vector_load %arg15[%parallel_loop3A_239, %parallel_loop3A_240] {strides = array<i32>} : memref<128x128xf32, #tpu.memory_space<vmem>>, vector<16xf32>,
        tpu.vector_store %arg15[%parallel_loop3A_239, %parallel_loop3A_240], %parallel_loop3A_238 {strides = array<i32>} : memref<128x128xf32, #tpu.memory_space<vmem>>, vector<16xf32>,
        %parallel_loop3A_242 = arith.index_cast %parallel_loop3A_201 : i32 to index
        %parallel_loop3A_243 = arith.constant 80 : index
        %parallel_loop3A_244 = tpu.vector_load %arg13[%parallel_loop3A_242, %parallel_loop3A_243] {strides = array<i32>} : memref<128x128xf32, #tpu.memory_space<vmem>>, vector<16xf32>,
        %parallel_loop3A_245 = arith.mulf %parallel_loop3A_244, %parallel_loop3A_206 : vector<16xf32>
        %parallel_loop3A_246 = arith.index_cast %parallel_loop3A_201 : i32 to index
        %parallel_loop3A_247 = arith.constant 80 : index
        %parallel_loop3A_248 = tpu.vector_load %arg15[%parallel_loop3A_246, %parallel_loop3A_247] {strides = array<i32>} : memref<128x128xf32, #tpu.memory_space<vmem>>, vector<16xf32>,
        tpu.vector_store %arg15[%parallel_loop3A_246, %parallel_loop3A_247], %parallel_loop3A_245 {strides = array<i32>} : memref<128x128xf32, #tpu.memory_space<vmem>>, vector<16xf32>,
        %parallel_loop3A_249 = arith.index_cast %parallel_loop3A_201 : i32 to index
        %parallel_loop3A_250 = arith.constant 96 : index
        %parallel_loop3A_251 = tpu.vector_load %arg13[%parallel_loop3A_249, %parallel_loop3A_250] {strides = array<i32>} : memref<128x128xf32, #tpu.memory_space<vmem>>, vector<16xf32>,
        %parallel_loop3A_252 = arith.mulf %parallel_loop3A_251, %parallel_loop3A_206 : vector<16xf32>
        %parallel_loop3A_253 = arith.index_cast %parallel_loop3A_201 : i32 to index
        %parallel_loop3A_254 = arith.constant 96 : index
        %parallel_loop3A_255 = tpu.vector_load %arg15[%parallel_loop3A_253, %parallel_loop3A_254] {strides = array<i32>} : memref<128x128xf32, #tpu.memory_space<vmem>>, vector<16xf32>,
        tpu.vector_store %arg15[%parallel_loop3A_253, %parallel_loop3A_254], %parallel_loop3A_252 {strides = array<i32>} : memref<128x128xf32, #tpu.memory_space<vmem>>, vector<16xf32>,
        %parallel_loop3A_256 = arith.index_cast %parallel_loop3A_201 : i32 to index
        %parallel_loop3A_257 = arith.constant 112 : index
        %parallel_loop3A_258 = tpu.vector_load %arg13[%parallel_loop3A_256, %parallel_loop3A_257] {strides = array<i32>} : memref<128x128xf32, #tpu.memory_space<vmem>>, vector<16xf32>,
        %parallel_loop3A_259 = arith.mulf %parallel_loop3A_258, %parallel_loop3A_206 : vector<16xf32>
        %parallel_loop3A_260 = arith.index_cast %parallel_loop3A_201 : i32 to index
        %parallel_loop3A_261 = arith.constant 112 : index
        %parallel_loop3A_262 = tpu.vector_load %arg15[%parallel_loop3A_260, %parallel_loop3A_261] {strides = array<i32>} : memref<128x128xf32, #tpu.memory_space<vmem>>, vector<16xf32>,
        tpu.vector_store %arg15[%parallel_loop3A_260, %parallel_loop3A_261], %parallel_loop3A_259 {strides = array<i32>} : memref<128x128xf32, #tpu.memory_space<vmem>>, vector<16xf32>,
        %parallel_loop3A_263 = arith.constant 8 : i32
        %parallel_loop3A_264 = arith.muli %parallel_loop3A_132, %parallel_loop3A_263 : i32
        %parallel_loop3A_265 = arith.constant 2 : i32
        %parallel_loop3A_266 = arith.addi %parallel_loop3A_264, %parallel_loop3A_265 : i32
        %parallel_loop3A_267 = arith.constant 0 : i32
        %parallel_loop3A_268 = arith.index_cast %parallel_loop3A_267 : i32 to index
        %parallel_loop3A_269 = arith.index_cast %parallel_loop3A_132 : i32 to index
        %parallel_loop3A_270 = arith.constant 32 : index
        %parallel_loop3A_271 = tpu.vector_load %arg11[%parallel_loop3A_268, %parallel_loop3A_269, %parallel_loop3A_270] {strides = array<i32>} : memref<1x16x128xf32, #tpu.memory_space<vmem>>, vector<16xf32>,
        %parallel_loop3A_272 = arith.index_cast %parallel_loop3A_266 : i32 to index
        %parallel_loop3A_273 = arith.constant 0 : index
        %parallel_loop3A_274 = tpu.vector_load %arg13[%parallel_loop3A_272, %parallel_loop3A_273] {strides = array<i32>} : memref<128x128xf32, #tpu.memory_space<vmem>>, vector<16xf32>,
        %parallel_loop3A_275 = arith.mulf %parallel_loop3A_274, %parallel_loop3A_271 : vector<16xf32>
        %parallel_loop3A_276 = arith.index_cast %parallel_loop3A_266 : i32 to index
        %parallel_loop3A_277 = arith.constant 0 : index
        %parallel_loop3A_278 = tpu.vector_load %arg15[%parallel_loop3A_276, %parallel_loop3A_277] {strides = array<i32>} : memref<128x128xf32, #tpu.memory_space<vmem>>, vector<16xf32>,
        tpu.vector_store %arg15[%parallel_loop3A_276, %parallel_loop3A_277], %parallel_loop3A_275 {strides = array<i32>} : memref<128x128xf32, #tpu.memory_space<vmem>>, vector<16xf32>,
        %parallel_loop3A_279 = arith.index_cast %parallel_loop3A_266 : i32 to index
        %parallel_loop3A_280 = arith.constant 16 : index
        %parallel_loop3A_281 = tpu.vector_load %arg13[%parallel_loop3A_279, %parallel_loop3A_280] {strides = array<i32>} : memref<128x128xf32, #tpu.memory_space<vmem>>, vector<16xf32>,
        %parallel_loop3A_282 = arith.mulf %parallel_loop3A_281, %parallel_loop3A_271 : vector<16xf32>
        %parallel_loop3A_283 = arith.index_cast %parallel_loop3A_266 : i32 to index
        %parallel_loop3A_284 = arith.constant 16 : index
        %parallel_loop3A_285 = tpu.vector_load %arg15[%parallel_loop3A_283, %parallel_loop3A_284] {strides = array<i32>} : memref<128x128xf32, #tpu.memory_space<vmem>>, vector<16xf32>,
        tpu.vector_store %arg15[%parallel_loop3A_283, %parallel_loop3A_284], %parallel_loop3A_282 {strides = array<i32>} : memref<128x128xf32, #tpu.memory_space<vmem>>, vector<16xf32>,
        %parallel_loop3A_286 = arith.index_cast %parallel_loop3A_266 : i32 to index
        %parallel_loop3A_287 = arith.constant 32 : index
        %parallel_loop3A_288 = tpu.vector_load %arg13[%parallel_loop3A_286, %parallel_loop3A_287] {strides = array<i32>} : memref<128x128xf32, #tpu.memory_space<vmem>>, vector<16xf32>,
        %parallel_loop3A_289 = arith.mulf %parallel_loop3A_288, %parallel_loop3A_271 : vector<16xf32>
        %parallel_loop3A_290 = arith.index_cast %parallel_loop3A_266 : i32 to index
        %parallel_loop3A_291 = arith.constant 32 : index
        %parallel_loop3A_292 = tpu.vector_load %arg15[%parallel_loop3A_290, %parallel_loop3A_291] {strides = array<i32>} : memref<128x128xf32, #tpu.memory_space<vmem>>, vector<16xf32>,
        tpu.vector_store %arg15[%parallel_loop3A_290, %parallel_loop3A_291], %parallel_loop3A_289 {strides = array<i32>} : memref<128x128xf32, #tpu.memory_space<vmem>>, vector<16xf32>,
        %parallel_loop3A_293 = arith.index_cast %parallel_loop3A_266 : i32 to index
        %parallel_loop3A_294 = arith.constant 48 : index
        %parallel_loop3A_295 = tpu.vector_load %arg13[%parallel_loop3A_293, %parallel_loop3A_294] {strides = array<i32>} : memref<128x128xf32, #tpu.memory_space<vmem>>, vector<16xf32>,
        %parallel_loop3A_296 = arith.mulf %parallel_loop3A_295, %parallel_loop3A_271 : vector<16xf32>
        %parallel_loop3A_297 = arith.index_cast %parallel_loop3A_266 : i32 to index
        %parallel_loop3A_298 = arith.constant 48 : index
        %parallel_loop3A_299 = tpu.vector_load %arg15[%parallel_loop3A_297, %parallel_loop3A_298] {strides = array<i32>} : memref<128x128xf32, #tpu.memory_space<vmem>>, vector<16xf32>,
        tpu.vector_store %arg15[%parallel_loop3A_297, %parallel_loop3A_298], %parallel_loop3A_296 {strides = array<i32>} : memref<128x128xf32, #tpu.memory_space<vmem>>, vector<16xf32>,
        %parallel_loop3A_300 = arith.index_cast %parallel_loop3A_266 : i32 to index
        %parallel_loop3A_301 = arith.constant 64 : index
        %parallel_loop3A_302 = tpu.vector_load %arg13[%parallel_loop3A_300, %parallel_loop3A_301] {strides = array<i32>} : memref<128x128xf32, #tpu.memory_space<vmem>>, vector<16xf32>,
        %parallel_loop3A_303 = arith.mulf %parallel_loop3A_302, %parallel_loop3A_271 : vector<16xf32>
        %parallel_loop3A_304 = arith.index_cast %parallel_loop3A_266 : i32 to index
        %parallel_loop3A_305 = arith.constant 64 : index
        %parallel_loop3A_306 = tpu.vector_load %arg15[%parallel_loop3A_304, %parallel_loop3A_305] {strides = array<i32>} : memref<128x128xf32, #tpu.memory_space<vmem>>, vector<16xf32>,
        tpu.vector_store %arg15[%parallel_loop3A_304, %parallel_loop3A_305], %parallel_loop3A_303 {strides = array<i32>} : memref<128x128xf32, #tpu.memory_space<vmem>>, vector<16xf32>,
        %parallel_loop3A_307 = arith.index_cast %parallel_loop3A_266 : i32 to index
        %parallel_loop3A_308 = arith.constant 80 : index
        %parallel_loop3A_309 = tpu.vector_load %arg13[%parallel_loop3A_307, %parallel_loop3A_308] {strides = array<i32>} : memref<128x128xf32, #tpu.memory_space<vmem>>, vector<16xf32>,
        %parallel_loop3A_310 = arith.mulf %parallel_loop3A_309, %parallel_loop3A_271 : vector<16xf32>
        %parallel_loop3A_311 = arith.index_cast %parallel_loop3A_266 : i32 to index
        %parallel_loop3A_312 = arith.constant 80 : index
        %parallel_loop3A_313 = tpu.vector_load %arg15[%parallel_loop3A_311, %parallel_loop3A_312] {strides = array<i32>} : memref<128x128xf32, #tpu.memory_space<vmem>>, vector<16xf32>,
        tpu.vector_store %arg15[%parallel_loop3A_311, %parallel_loop3A_312], %parallel_loop3A_310 {strides = array<i32>} : memref<128x128xf32, #tpu.memory_space<vmem>>, vector<16xf32>,
        %parallel_loop3A_314 = arith.index_cast %parallel_loop3A_266 : i32 to index
        %parallel_loop3A_315 = arith.constant 96 : index
        %parallel_loop3A_316 = tpu.vector_load %arg13[%parallel_loop3A_314, %parallel_loop3A_315] {strides = array<i32>} : memref<128x128xf32, #tpu.memory_space<vmem>>, vector<16xf32>,
        %parallel_loop3A_317 = arith.mulf %parallel_loop3A_316, %parallel_loop3A_271 : vector<16xf32>
        %parallel_loop3A_318 = arith.index_cast %parallel_loop3A_266 : i32 to index
        %parallel_loop3A_319 = arith.constant 96 : index
        %parallel_loop3A_320 = tpu.vector_load %arg15[%parallel_loop3A_318, %parallel_loop3A_319] {strides = array<i32>} : memref<128x128xf32, #tpu.memory_space<vmem>>, vector<16xf32>,
        tpu.vector_store %arg15[%parallel_loop3A_318, %parallel_loop3A_319], %parallel_loop3A_317 {strides = array<i32>} : memref<128x128xf32, #tpu.memory_space<vmem>>, vector<16xf32>,
        %parallel_loop3A_321 = arith.index_cast %parallel_loop3A_266 : i32 to index
        %parallel_loop3A_322 = arith.constant 112 : index
        %parallel_loop3A_323 = tpu.vector_load %arg13[%parallel_loop3A_321, %parallel_loop3A_322] {strides = array<i32>} : memref<128x128xf32, #tpu.memory_space<vmem>>, vector<16xf32>,
        %parallel_loop3A_324 = arith.mulf %parallel_loop3A_323, %parallel_loop3A_271 : vector<16xf32>
        %parallel_loop3A_325 = arith.index_cast %parallel_loop3A_266 : i32 to index
        %parallel_loop3A_326 = arith.constant 112 : index
        %parallel_loop3A_327 = tpu.vector_load %arg15[%parallel_loop3A_325, %parallel_loop3A_326] {strides = array<i32>} : memref<128x128xf32, #tpu.memory_space<vmem>>, vector<16xf32>,
        tpu.vector_store %arg15[%parallel_loop3A_325, %parallel_loop3A_326], %parallel_loop3A_324 {strides = array<i32>} : memref<128x128xf32, #tpu.memory_space<vmem>>, vector<16xf32>,
        %parallel_loop3A_328 = arith.constant 8 : i32
        %parallel_loop3A_329 = arith.muli %parallel_loop3A_132, %parallel_loop3A_328 : i32
        %parallel_loop3A_330 = arith.constant 3 : i32
        %parallel_loop3A_331 = arith.addi %parallel_loop3A_329, %parallel_loop3A_330 : i32
        %parallel_loop3A_332 = arith.constant 0 : i32
        %parallel_loop3A_333 = arith.index_cast %parallel_loop3A_332 : i32 to index
        %parallel_loop3A_334 = arith.index_cast %parallel_loop3A_132 : i32 to index
        %parallel_loop3A_335 = arith.constant 48 : index
        %parallel_loop3A_336 = tpu.vector_load %arg11[%parallel_loop3A_333, %parallel_loop3A_334, %parallel_loop3A_335] {strides = array<i32>} : memref<1x16x128xf32, #tpu.memory_space<vmem>>, vector<16xf32>,
        %parallel_loop3A_337 = arith.index_cast %parallel_loop3A_331 : i32 to index
        %parallel_loop3A_338 = arith.constant 0 : index
        %parallel_loop3A_339 = tpu.vector_load %arg13[%parallel_loop3A_337, %parallel_loop3A_338] {strides = array<i32>} : memref<128x128xf32, #tpu.memory_space<vmem>>, vector<16xf32>,
        %parallel_loop3A_340 = arith.mulf %parallel_loop3A_339, %parallel_loop3A_336 : vector<16xf32>
        %parallel_loop3A_341 = arith.index_cast %parallel_loop3A_331 : i32 to index
        %parallel_loop3A_342 = arith.constant 0 : index
        %parallel_loop3A_343 = tpu.vector_load %arg15[%parallel_loop3A_341, %parallel_loop3A_342] {strides = array<i32>} : memref<128x128xf32, #tpu.memory_space<vmem>>, vector<16xf32>,
        tpu.vector_store %arg15[%parallel_loop3A_341, %parallel_loop3A_342], %parallel_loop3A_340 {strides = array<i32>} : memref<128x128xf32, #tpu.memory_space<vmem>>, vector<16xf32>,
        %parallel_loop3A_344 = arith.index_cast %parallel_loop3A_331 : i32 to index
        %parallel_loop3A_345 = arith.constant 16 : index
        %parallel_loop3A_346 = tpu.vector_load %arg13[%parallel_loop3A_344, %parallel_loop3A_345] {strides = array<i32>} : memref<128x128xf32, #tpu.memory_space<vmem>>, vector<16xf32>,
        %parallel_loop3A_347 = arith.mulf %parallel_loop3A_346, %parallel_loop3A_336 : vector<16xf32>
        %parallel_loop3A_348 = arith.index_cast %parallel_loop3A_331 : i32 to index
        %parallel_loop3A_349 = arith.constant 16 : index
        %parallel_loop3A_350 = tpu.vector_load %arg15[%parallel_loop3A_348, %parallel_loop3A_349] {strides = array<i32>} : memref<128x128xf32, #tpu.memory_space<vmem>>, vector<16xf32>,
        tpu.vector_store %arg15[%parallel_loop3A_348, %parallel_loop3A_349], %parallel_loop3A_347 {strides = array<i32>} : memref<128x128xf32, #tpu.memory_space<vmem>>, vector<16xf32>,
        %parallel_loop3A_351 = arith.index_cast %parallel_loop3A_331 : i32 to index
        %parallel_loop3A_352 = arith.constant 32 : index
        %parallel_loop3A_353 = tpu.vector_load %arg13[%parallel_loop3A_351, %parallel_loop3A_352] {strides = array<i32>} : memref<128x128xf32, #tpu.memory_space<vmem>>, vector<16xf32>,
        %parallel_loop3A_354 = arith.mulf %parallel_loop3A_353, %parallel_loop3A_336 : vector<16xf32>
        %parallel_loop3A_355 = arith.index_cast %parallel_loop3A_331 : i32 to index
        %parallel_loop3A_356 = arith.constant 32 : index
        %parallel_loop3A_357 = tpu.vector_load %arg15[%parallel_loop3A_355, %parallel_loop3A_356] {strides = array<i32>} : memref<128x128xf32, #tpu.memory_space<vmem>>, vector<16xf32>,
        tpu.vector_store %arg15[%parallel_loop3A_355, %parallel_loop3A_356], %parallel_loop3A_354 {strides = array<i32>} : memref<128x128xf32, #tpu.memory_space<vmem>>, vector<16xf32>,
        %parallel_loop3A_358 = arith.index_cast %parallel_loop3A_331 : i32 to index
        %parallel_loop3A_359 = arith.constant 48 : index
        %parallel_loop3A_360 = tpu.vector_load %arg13[%parallel_loop3A_358, %parallel_loop3A_359] {strides = array<i32>} : memref<128x128xf32, #tpu.memory_space<vmem>>, vector<16xf32>,
        %parallel_loop3A_361 = arith.mulf %parallel_loop3A_360, %parallel_loop3A_336 : vector<16xf32>
        %parallel_loop3A_362 = arith.index_cast %parallel_loop3A_331 : i32 to index
        %parallel_loop3A_363 = arith.constant 48 : index
        %parallel_loop3A_364 = tpu.vector_load %arg15[%parallel_loop3A_362, %parallel_loop3A_363] {strides = array<i32>} : memref<128x128xf32, #tpu.memory_space<vmem>>, vector<16xf32>,
        tpu.vector_store %arg15[%parallel_loop3A_362, %parallel_loop3A_363], %parallel_loop3A_361 {strides = array<i32>} : memref<128x128xf32, #tpu.memory_space<vmem>>, vector<16xf32>,
        %parallel_loop3A_365 = arith.index_cast %parallel_loop3A_331 : i32 to index
        %parallel_loop3A_366 = arith.constant 64 : index
        %parallel_loop3A_367 = tpu.vector_load %arg13[%parallel_loop3A_365, %parallel_loop3A_366] {strides = array<i32>} : memref<128x128xf32, #tpu.memory_space<vmem>>, vector<16xf32>,
        %parallel_loop3A_368 = arith.mulf %parallel_loop3A_367, %parallel_loop3A_336 : vector<16xf32>
        %parallel_loop3A_369 = arith.index_cast %parallel_loop3A_331 : i32 to index
        %parallel_loop3A_370 = arith.constant 64 : index
        %parallel_loop3A_371 = tpu.vector_load %arg15[%parallel_loop3A_369, %parallel_loop3A_370] {strides = array<i32>} : memref<128x128xf32, #tpu.memory_space<vmem>>, vector<16xf32>,
        tpu.vector_store %arg15[%parallel_loop3A_369, %parallel_loop3A_370], %parallel_loop3A_368 {strides = array<i32>} : memref<128x128xf32, #tpu.memory_space<vmem>>, vector<16xf32>,
        %parallel_loop3A_372 = arith.index_cast %parallel_loop3A_331 : i32 to index
        %parallel_loop3A_373 = arith.constant 80 : index
        %parallel_loop3A_374 = tpu.vector_load %arg13[%parallel_loop3A_372, %parallel_loop3A_373] {strides = array<i32>} : memref<128x128xf32, #tpu.memory_space<vmem>>, vector<16xf32>,
        %parallel_loop3A_375 = arith.mulf %parallel_loop3A_374, %parallel_loop3A_336 : vector<16xf32>
        %parallel_loop3A_376 = arith.index_cast %parallel_loop3A_331 : i32 to index
        %parallel_loop3A_377 = arith.constant 80 : index
        %parallel_loop3A_378 = tpu.vector_load %arg15[%parallel_loop3A_376, %parallel_loop3A_377] {strides = array<i32>} : memref<128x128xf32, #tpu.memory_space<vmem>>, vector<16xf32>,
        tpu.vector_store %arg15[%parallel_loop3A_376, %parallel_loop3A_377], %parallel_loop3A_375 {strides = array<i32>} : memref<128x128xf32, #tpu.memory_space<vmem>>, vector<16xf32>,
        %parallel_loop3A_379 = arith.index_cast %parallel_loop3A_331 : i32 to index
        %parallel_loop3A_380 = arith.constant 96 : index
        %parallel_loop3A_381 = tpu.vector_load %arg13[%parallel_loop3A_379, %parallel_loop3A_380] {strides = array<i32>} : memref<128x128xf32, #tpu.memory_space<vmem>>, vector<16xf32>,
        %parallel_loop3A_382 = arith.mulf %parallel_loop3A_381, %parallel_loop3A_336 : vector<16xf32>
        %parallel_loop3A_383 = arith.index_cast %parallel_loop3A_331 : i32 to index
        %parallel_loop3A_384 = arith.constant 96 : index
        %parallel_loop3A_385 = tpu.vector_load %arg15[%parallel_loop3A_383, %parallel_loop3A_384] {strides = array<i32>} : memref<128x128xf32, #tpu.memory_space<vmem>>, vector<16xf32>,
        tpu.vector_store %arg15[%parallel_loop3A_383, %parallel_loop3A_384], %parallel_loop3A_382 {strides = array<i32>} : memref<128x128xf32, #tpu.memory_space<vmem>>, vector<16xf32>,
        %parallel_loop3A_386 = arith.index_cast %parallel_loop3A_331 : i32 to index
        %parallel_loop3A_387 = arith.constant 112 : index
        %parallel_loop3A_388 = tpu.vector_load %arg13[%parallel_loop3A_386, %parallel_loop3A_387] {strides = array<i32>} : memref<128x128xf32, #tpu.memory_space<vmem>>, vector<16xf32>,
        %parallel_loop3A_389 = arith.mulf %parallel_loop3A_388, %parallel_loop3A_336 : vector<16xf32>
        %parallel_loop3A_390 = arith.index_cast %parallel_loop3A_331 : i32 to index
        %parallel_loop3A_391 = arith.constant 112 : index
        %parallel_loop3A_392 = tpu.vector_load %arg15[%parallel_loop3A_390, %parallel_loop3A_391] {strides = array<i32>} : memref<128x128xf32, #tpu.memory_space<vmem>>, vector<16xf32>,
        tpu.vector_store %arg15[%parallel_loop3A_390, %parallel_loop3A_391], %parallel_loop3A_389 {strides = array<i32>} : memref<128x128xf32, #tpu.memory_space<vmem>>, vector<16xf32>,
        %parallel_loop3A_393 = arith.constant 8 : i32
        %parallel_loop3A_394 = arith.muli %parallel_loop3A_132, %parallel_loop3A_393 : i32
        %parallel_loop3A_395 = arith.constant 4 : i32
        %parallel_loop3A_396 = arith.addi %parallel_loop3A_394, %parallel_loop3A_395 : i32
        %parallel_loop3A_397 = arith.constant 0 : i32
        %parallel_loop3A_398 = arith.index_cast %parallel_loop3A_397 : i32 to index
        %parallel_loop3A_399 = arith.index_cast %parallel_loop3A_132 : i32 to index
        %parallel_loop3A_400 = arith.constant 64 : index
        %parallel_loop3A_401 = tpu.vector_load %arg11[%parallel_loop3A_398, %parallel_loop3A_399, %parallel_loop3A_400] {strides = array<i32>} : memref<1x16x128xf32, #tpu.memory_space<vmem>>, vector<16xf32>,
        %parallel_loop3A_402 = arith.index_cast %parallel_loop3A_396 : i32 to index
        %parallel_loop3A_403 = arith.constant 0 : index
        %parallel_loop3A_404 = tpu.vector_load %arg13[%parallel_loop3A_402, %parallel_loop3A_403] {strides = array<i32>} : memref<128x128xf32, #tpu.memory_space<vmem>>, vector<16xf32>,
        %parallel_loop3A_405 = arith.mulf %parallel_loop3A_404, %parallel_loop3A_401 : vector<16xf32>
        %parallel_loop3A_406 = arith.index_cast %parallel_loop3A_396 : i32 to index
        %parallel_loop3A_407 = arith.constant 0 : index
        %parallel_loop3A_408 = tpu.vector_load %arg15[%parallel_loop3A_406, %parallel_loop3A_407] {strides = array<i32>} : memref<128x128xf32, #tpu.memory_space<vmem>>, vector<16xf32>,
        tpu.vector_store %arg15[%parallel_loop3A_406, %parallel_loop3A_407], %parallel_loop3A_405 {strides = array<i32>} : memref<128x128xf32, #tpu.memory_space<vmem>>, vector<16xf32>,
        %parallel_loop3A_409 = arith.index_cast %parallel_loop3A_396 : i32 to index
        %parallel_loop3A_410 = arith.constant 16 : index
        %parallel_loop3A_411 = tpu.vector_load %arg13[%parallel_loop3A_409, %parallel_loop3A_410] {strides = array<i32>} : memref<128x128xf32, #tpu.memory_space<vmem>>, vector<16xf32>,
        %parallel_loop3A_412 = arith.mulf %parallel_loop3A_411, %parallel_loop3A_401 : vector<16xf32>
        %parallel_loop3A_413 = arith.index_cast %parallel_loop3A_396 : i32 to index
        %parallel_loop3A_414 = arith.constant 16 : index
        %parallel_loop3A_415 = tpu.vector_load %arg15[%parallel_loop3A_413, %parallel_loop3A_414] {strides = array<i32>} : memref<128x128xf32, #tpu.memory_space<vmem>>, vector<16xf32>,
        tpu.vector_store %arg15[%parallel_loop3A_413, %parallel_loop3A_414], %parallel_loop3A_412 {strides = array<i32>} : memref<128x128xf32, #tpu.memory_space<vmem>>, vector<16xf32>,
        %parallel_loop3A_416 = arith.index_cast %parallel_loop3A_396 : i32 to index
        %parallel_loop3A_417 = arith.constant 32 : index
        %parallel_loop3A_418 = tpu.vector_load %arg13[%parallel_loop3A_416, %parallel_loop3A_417] {strides = array<i32>} : memref<128x128xf32, #tpu.memory_space<vmem>>, vector<16xf32>,
        %parallel_loop3A_419 = arith.mulf %parallel_loop3A_418, %parallel_loop3A_401 : vector<16xf32>
        %parallel_loop3A_420 = arith.index_cast %parallel_loop3A_396 : i32 to index
        %parallel_loop3A_421 = arith.constant 32 : index
        %parallel_loop3A_422 = tpu.vector_load %arg15[%parallel_loop3A_420, %parallel_loop3A_421] {strides = array<i32>} : memref<128x128xf32, #tpu.memory_space<vmem>>, vector<16xf32>,
        tpu.vector_store %arg15[%parallel_loop3A_420, %parallel_loop3A_421], %parallel_loop3A_419 {strides = array<i32>} : memref<128x128xf32, #tpu.memory_space<vmem>>, vector<16xf32>,
        %parallel_loop3A_423 = arith.index_cast %parallel_loop3A_396 : i32 to index
        %parallel_loop3A_424 = arith.constant 48 : index
        %parallel_loop3A_425 = tpu.vector_load %arg13[%parallel_loop3A_423, %parallel_loop3A_424] {strides = array<i32>} : memref<128x128xf32, #tpu.memory_space<vmem>>, vector<16xf32>,
        %parallel_loop3A_426 = arith.mulf %parallel_loop3A_425, %parallel_loop3A_401 : vector<16xf32>
        %parallel_loop3A_427 = arith.index_cast %parallel_loop3A_396 : i32 to index
        %parallel_loop3A_428 = arith.constant 48 : index
        %parallel_loop3A_429 = tpu.vector_load %arg15[%parallel_loop3A_427, %parallel_loop3A_428] {strides = array<i32>} : memref<128x128xf32, #tpu.memory_space<vmem>>, vector<16xf32>,
        tpu.vector_store %arg15[%parallel_loop3A_427, %parallel_loop3A_428], %parallel_loop3A_426 {strides = array<i32>} : memref<128x128xf32, #tpu.memory_space<vmem>>, vector<16xf32>,
        %parallel_loop3A_430 = arith.index_cast %parallel_loop3A_396 : i32 to index
        %parallel_loop3A_431 = arith.constant 64 : index
        %parallel_loop3A_432 = tpu.vector_load %arg13[%parallel_loop3A_430, %parallel_loop3A_431] {strides = array<i32>} : memref<128x128xf32, #tpu.memory_space<vmem>>, vector<16xf32>,
        %parallel_loop3A_433 = arith.mulf %parallel_loop3A_432, %parallel_loop3A_401 : vector<16xf32>
        %parallel_loop3A_434 = arith.index_cast %parallel_loop3A_396 : i32 to index
        %parallel_loop3A_435 = arith.constant 64 : index
        %parallel_loop3A_436 = tpu.vector_load %arg15[%parallel_loop3A_434, %parallel_loop3A_435] {strides = array<i32>} : memref<128x128xf32, #tpu.memory_space<vmem>>, vector<16xf32>,
        tpu.vector_store %arg15[%parallel_loop3A_434, %parallel_loop3A_435], %parallel_loop3A_433 {strides = array<i32>} : memref<128x128xf32, #tpu.memory_space<vmem>>, vector<16xf32>,
        %parallel_loop3A_437 = arith.index_cast %parallel_loop3A_396 : i32 to index
        %parallel_loop3A_438 = arith.constant 80 : index
        %parallel_loop3A_439 = tpu.vector_load %arg13[%parallel_loop3A_437, %parallel_loop3A_438] {strides = array<i32>} : memref<128x128xf32, #tpu.memory_space<vmem>>, vector<16xf32>,
        %parallel_loop3A_440 = arith.mulf %parallel_loop3A_439, %parallel_loop3A_401 : vector<16xf32>
        %parallel_loop3A_441 = arith.index_cast %parallel_loop3A_396 : i32 to index
        %parallel_loop3A_442 = arith.constant 80 : index
        %parallel_loop3A_443 = tpu.vector_load %arg15[%parallel_loop3A_441, %parallel_loop3A_442] {strides = array<i32>} : memref<128x128xf32, #tpu.memory_space<vmem>>, vector<16xf32>,
        tpu.vector_store %arg15[%parallel_loop3A_441, %parallel_loop3A_442], %parallel_loop3A_440 {strides = array<i32>} : memref<128x128xf32, #tpu.memory_space<vmem>>, vector<16xf32>,
        %parallel_loop3A_444 = arith.index_cast %parallel_loop3A_396 : i32 to index
        %parallel_loop3A_445 = arith.constant 96 : index
        %parallel_loop3A_446 = tpu.vector_load %arg13[%parallel_loop3A_444, %parallel_loop3A_445] {strides = array<i32>} : memref<128x128xf32, #tpu.memory_space<vmem>>, vector<16xf32>,
        %parallel_loop3A_447 = arith.mulf %parallel_loop3A_446, %parallel_loop3A_401 : vector<16xf32>
        %parallel_loop3A_448 = arith.index_cast %parallel_loop3A_396 : i32 to index
        %parallel_loop3A_449 = arith.constant 96 : index
        %parallel_loop3A_450 = tpu.vector_load %arg15[%parallel_loop3A_448, %parallel_loop3A_449] {strides = array<i32>} : memref<128x128xf32, #tpu.memory_space<vmem>>, vector<16xf32>,
        tpu.vector_store %arg15[%parallel_loop3A_448, %parallel_loop3A_449], %parallel_loop3A_447 {strides = array<i32>} : memref<128x128xf32, #tpu.memory_space<vmem>>, vector<16xf32>,
        %parallel_loop3A_451 = arith.index_cast %parallel_loop3A_396 : i32 to index
        %parallel_loop3A_452 = arith.constant 112 : index
        %parallel_loop3A_453 = tpu.vector_load %arg13[%parallel_loop3A_451, %parallel_loop3A_452] {strides = array<i32>} : memref<128x128xf32, #tpu.memory_space<vmem>>, vector<16xf32>,
        %parallel_loop3A_454 = arith.mulf %parallel_loop3A_453, %parallel_loop3A_401 : vector<16xf32>
        %parallel_loop3A_455 = arith.index_cast %parallel_loop3A_396 : i32 to index
        %parallel_loop3A_456 = arith.constant 112 : index
        %parallel_loop3A_457 = tpu.vector_load %arg15[%parallel_loop3A_455, %parallel_loop3A_456] {strides = array<i32>} : memref<128x128xf32, #tpu.memory_space<vmem>>, vector<16xf32>,
        tpu.vector_store %arg15[%parallel_loop3A_455, %parallel_loop3A_456], %parallel_loop3A_454 {strides = array<i32>} : memref<128x128xf32, #tpu.memory_space<vmem>>, vector<16xf32>,
        %parallel_loop3A_458 = arith.constant 8 : i32
        %parallel_loop3A_459 = arith.muli %parallel_loop3A_132, %parallel_loop3A_458 : i32
        %parallel_loop3A_460 = arith.constant 5 : i32
        %parallel_loop3A_461 = arith.addi %parallel_loop3A_459, %parallel_loop3A_460 : i32
        %parallel_loop3A_462 = arith.constant 0 : i32
        %parallel_loop3A_463 = arith.index_cast %parallel_loop3A_462 : i32 to index
        %parallel_loop3A_464 = arith.index_cast %parallel_loop3A_132 : i32 to index
        %parallel_loop3A_465 = arith.constant 80 : index
        %parallel_loop3A_466 = tpu.vector_load %arg11[%parallel_loop3A_463, %parallel_loop3A_464, %parallel_loop3A_465] {strides = array<i32>} : memref<1x16x128xf32, #tpu.memory_space<vmem>>, vector<16xf32>,
        %parallel_loop3A_467 = arith.index_cast %parallel_loop3A_461 : i32 to index
        %parallel_loop3A_468 = arith.constant 0 : index
        %parallel_loop3A_469 = tpu.vector_load %arg13[%parallel_loop3A_467, %parallel_loop3A_468] {strides = array<i32>} : memref<128x128xf32, #tpu.memory_space<vmem>>, vector<16xf32>,
        %parallel_loop3A_470 = arith.mulf %parallel_loop3A_469, %parallel_loop3A_466 : vector<16xf32>
        %parallel_loop3A_471 = arith.index_cast %parallel_loop3A_461 : i32 to index
        %parallel_loop3A_472 = arith.constant 0 : index
        %parallel_loop3A_473 = tpu.vector_load %arg15[%parallel_loop3A_471, %parallel_loop3A_472] {strides = array<i32>} : memref<128x128xf32, #tpu.memory_space<vmem>>, vector<16xf32>,
        tpu.vector_store %arg15[%parallel_loop3A_471, %parallel_loop3A_472], %parallel_loop3A_470 {strides = array<i32>} : memref<128x128xf32, #tpu.memory_space<vmem>>, vector<16xf32>,
        %parallel_loop3A_474 = arith.index_cast %parallel_loop3A_461 : i32 to index
        %parallel_loop3A_475 = arith.constant 16 : index
        %parallel_loop3A_476 = tpu.vector_load %arg13[%parallel_loop3A_474, %parallel_loop3A_475] {strides = array<i32>} : memref<128x128xf32, #tpu.memory_space<vmem>>, vector<16xf32>,
        %parallel_loop3A_477 = arith.mulf %parallel_loop3A_476, %parallel_loop3A_466 : vector<16xf32>
        %parallel_loop3A_478 = arith.index_cast %parallel_loop3A_461 : i32 to index
        %parallel_loop3A_479 = arith.constant 16 : index
        %parallel_loop3A_480 = tpu.vector_load %arg15[%parallel_loop3A_478, %parallel_loop3A_479] {strides = array<i32>} : memref<128x128xf32, #tpu.memory_space<vmem>>, vector<16xf32>,
        tpu.vector_store %arg15[%parallel_loop3A_478, %parallel_loop3A_479], %parallel_loop3A_477 {strides = array<i32>} : memref<128x128xf32, #tpu.memory_space<vmem>>, vector<16xf32>,
        %parallel_loop3A_481 = arith.index_cast %parallel_loop3A_461 : i32 to index
        %parallel_loop3A_482 = arith.constant 32 : index
        %parallel_loop3A_483 = tpu.vector_load %arg13[%parallel_loop3A_481, %parallel_loop3A_482] {strides = array<i32>} : memref<128x128xf32, #tpu.memory_space<vmem>>, vector<16xf32>,
        %parallel_loop3A_484 = arith.mulf %parallel_loop3A_483, %parallel_loop3A_466 : vector<16xf32>
        %parallel_loop3A_485 = arith.index_cast %parallel_loop3A_461 : i32 to index
        %parallel_loop3A_486 = arith.constant 32 : index
        %parallel_loop3A_487 = tpu.vector_load %arg15[%parallel_loop3A_485, %parallel_loop3A_486] {strides = array<i32>} : memref<128x128xf32, #tpu.memory_space<vmem>>, vector<16xf32>,
        tpu.vector_store %arg15[%parallel_loop3A_485, %parallel_loop3A_486], %parallel_loop3A_484 {strides = array<i32>} : memref<128x128xf32, #tpu.memory_space<vmem>>, vector<16xf32>,
        %parallel_loop3A_488 = arith.index_cast %parallel_loop3A_461 : i32 to index
        %parallel_loop3A_489 = arith.constant 48 : index
        %parallel_loop3A_490 = tpu.vector_load %arg13[%parallel_loop3A_488, %parallel_loop3A_489] {strides = array<i32>} : memref<128x128xf32, #tpu.memory_space<vmem>>, vector<16xf32>,
        %parallel_loop3A_491 = arith.mulf %parallel_loop3A_490, %parallel_loop3A_466 : vector<16xf32>
        %parallel_loop3A_492 = arith.index_cast %parallel_loop3A_461 : i32 to index
        %parallel_loop3A_493 = arith.constant 48 : index
        %parallel_loop3A_494 = tpu.vector_load %arg15[%parallel_loop3A_492, %parallel_loop3A_493] {strides = array<i32>} : memref<128x128xf32, #tpu.memory_space<vmem>>, vector<16xf32>,
        tpu.vector_store %arg15[%parallel_loop3A_492, %parallel_loop3A_493], %parallel_loop3A_491 {strides = array<i32>} : memref<128x128xf32, #tpu.memory_space<vmem>>, vector<16xf32>,
        %parallel_loop3A_495 = arith.index_cast %parallel_loop3A_461 : i32 to index
        %parallel_loop3A_496 = arith.constant 64 : index
        %parallel_loop3A_497 = tpu.vector_load %arg13[%parallel_loop3A_495, %parallel_loop3A_496] {strides = array<i32>} : memref<128x128xf32, #tpu.memory_space<vmem>>, vector<16xf32>,
        %parallel_loop3A_498 = arith.mulf %parallel_loop3A_497, %parallel_loop3A_466 : vector<16xf32>
        %parallel_loop3A_499 = arith.index_cast %parallel_loop3A_461 : i32 to index
        %parallel_loop3A_500 = arith.constant 64 : index
        %parallel_loop3A_501 = tpu.vector_load %arg15[%parallel_loop3A_499, %parallel_loop3A_500] {strides = array<i32>} : memref<128x128xf32, #tpu.memory_space<vmem>>, vector<16xf32>,
        tpu.vector_store %arg15[%parallel_loop3A_499, %parallel_loop3A_500], %parallel_loop3A_498 {strides = array<i32>} : memref<128x128xf32, #tpu.memory_space<vmem>>, vector<16xf32>,
        %parallel_loop3A_502 = arith.index_cast %parallel_loop3A_461 : i32 to index
        %parallel_loop3A_503 = arith.constant 80 : index
        %parallel_loop3A_504 = tpu.vector_load %arg13[%parallel_loop3A_502, %parallel_loop3A_503] {strides = array<i32>} : memref<128x128xf32, #tpu.memory_space<vmem>>, vector<16xf32>,
        %parallel_loop3A_505 = arith.mulf %parallel_loop3A_504, %parallel_loop3A_466 : vector<16xf32>
        %parallel_loop3A_506 = arith.index_cast %parallel_loop3A_461 : i32 to index
        %parallel_loop3A_507 = arith.constant 80 : index
        %parallel_loop3A_508 = tpu.vector_load %arg15[%parallel_loop3A_506, %parallel_loop3A_507] {strides = array<i32>} : memref<128x128xf32, #tpu.memory_space<vmem>>, vector<16xf32>,
        tpu.vector_store %arg15[%parallel_loop3A_506, %parallel_loop3A_507], %parallel_loop3A_505 {strides = array<i32>} : memref<128x128xf32, #tpu.memory_space<vmem>>, vector<16xf32>,
        %parallel_loop3A_509 = arith.index_cast %parallel_loop3A_461 : i32 to index
        %parallel_loop3A_510 = arith.constant 96 : index
        %parallel_loop3A_511 = tpu.vector_load %arg13[%parallel_loop3A_509, %parallel_loop3A_510] {strides = array<i32>} : memref<128x128xf32, #tpu.memory_space<vmem>>, vector<16xf32>,
        %parallel_loop3A_512 = arith.mulf %parallel_loop3A_511, %parallel_loop3A_466 : vector<16xf32>
        %parallel_loop3A_513 = arith.index_cast %parallel_loop3A_461 : i32 to index
        %parallel_loop3A_514 = arith.constant 96 : index
        %parallel_loop3A_515 = tpu.vector_load %arg15[%parallel_loop3A_513, %parallel_loop3A_514] {strides = array<i32>} : memref<128x128xf32, #tpu.memory_space<vmem>>, vector<16xf32>,
        tpu.vector_store %arg15[%parallel_loop3A_513, %parallel_loop3A_514], %parallel_loop3A_512 {strides = array<i32>} : memref<128x128xf32, #tpu.memory_space<vmem>>, vector<16xf32>,
        %parallel_loop3A_516 = arith.index_cast %parallel_loop3A_461 : i32 to index
        %parallel_loop3A_517 = arith.constant 112 : index
        %parallel_loop3A_518 = tpu.vector_load %arg13[%parallel_loop3A_516, %parallel_loop3A_517] {strides = array<i32>} : memref<128x128xf32, #tpu.memory_space<vmem>>, vector<16xf32>,
        %parallel_loop3A_519 = arith.mulf %parallel_loop3A_518, %parallel_loop3A_466 : vector<16xf32>
        %parallel_loop3A_520 = arith.index_cast %parallel_loop3A_461 : i32 to index
        %parallel_loop3A_521 = arith.constant 112 : index
        %parallel_loop3A_522 = tpu.vector_load %arg15[%parallel_loop3A_520, %parallel_loop3A_521] {strides = array<i32>} : memref<128x128xf32, #tpu.memory_space<vmem>>, vector<16xf32>,
        tpu.vector_store %arg15[%parallel_loop3A_520, %parallel_loop3A_521], %parallel_loop3A_519 {strides = array<i32>} : memref<128x128xf32, #tpu.memory_space<vmem>>, vector<16xf32>,
        %parallel_loop3A_523 = arith.constant 8 : i32
        %parallel_loop3A_524 = arith.muli %parallel_loop3A_132, %parallel_loop3A_523 : i32
        %parallel_loop3A_525 = arith.constant 6 : i32
        %parallel_loop3A_526 = arith.addi %parallel_loop3A_524, %parallel_loop3A_525 : i32
        %parallel_loop3A_527 = arith.constant 0 : i32
        %parallel_loop3A_528 = arith.index_cast %parallel_loop3A_527 : i32 to index
        %parallel_loop3A_529 = arith.index_cast %parallel_loop3A_132 : i32 to index
        %parallel_loop3A_530 = arith.constant 96 : index
        %parallel_loop3A_531 = tpu.vector_load %arg11[%parallel_loop3A_528, %parallel_loop3A_529, %parallel_loop3A_530] {strides = array<i32>} : memref<1x16x128xf32, #tpu.memory_space<vmem>>, vector<16xf32>,
        %parallel_loop3A_532 = arith.index_cast %parallel_loop3A_526 : i32 to index
        %parallel_loop3A_533 = arith.constant 0 : index
        %parallel_loop3A_534 = tpu.vector_load %arg13[%parallel_loop3A_532, %parallel_loop3A_533] {strides = array<i32>} : memref<128x128xf32, #tpu.memory_space<vmem>>, vector<16xf32>,
        %parallel_loop3A_535 = arith.mulf %parallel_loop3A_534, %parallel_loop3A_531 : vector<16xf32>
        %parallel_loop3A_536 = arith.index_cast %parallel_loop3A_526 : i32 to index
        %parallel_loop3A_537 = arith.constant 0 : index
        %parallel_loop3A_538 = tpu.vector_load %arg15[%parallel_loop3A_536, %parallel_loop3A_537] {strides = array<i32>} : memref<128x128xf32, #tpu.memory_space<vmem>>, vector<16xf32>,
        tpu.vector_store %arg15[%parallel_loop3A_536, %parallel_loop3A_537], %parallel_loop3A_535 {strides = array<i32>} : memref<128x128xf32, #tpu.memory_space<vmem>>, vector<16xf32>,
        %parallel_loop3A_539 = arith.index_cast %parallel_loop3A_526 : i32 to index
        %parallel_loop3A_540 = arith.constant 16 : index
        %parallel_loop3A_541 = tpu.vector_load %arg13[%parallel_loop3A_539, %parallel_loop3A_540] {strides = array<i32>} : memref<128x128xf32, #tpu.memory_space<vmem>>, vector<16xf32>,
        %parallel_loop3A_542 = arith.mulf %parallel_loop3A_541, %parallel_loop3A_531 : vector<16xf32>
        %parallel_loop3A_543 = arith.index_cast %parallel_loop3A_526 : i32 to index
        %parallel_loop3A_544 = arith.constant 16 : index
        %parallel_loop3A_545 = tpu.vector_load %arg15[%parallel_loop3A_543, %parallel_loop3A_544] {strides = array<i32>} : memref<128x128xf32, #tpu.memory_space<vmem>>, vector<16xf32>,
        tpu.vector_store %arg15[%parallel_loop3A_543, %parallel_loop3A_544], %parallel_loop3A_542 {strides = array<i32>} : memref<128x128xf32, #tpu.memory_space<vmem>>, vector<16xf32>,
        %parallel_loop3A_546 = arith.index_cast %parallel_loop3A_526 : i32 to index
        %parallel_loop3A_547 = arith.constant 32 : index
        %parallel_loop3A_548 = tpu.vector_load %arg13[%parallel_loop3A_546, %parallel_loop3A_547] {strides = array<i32>} : memref<128x128xf32, #tpu.memory_space<vmem>>, vector<16xf32>,
        %parallel_loop3A_549 = arith.mulf %parallel_loop3A_548, %parallel_loop3A_531 : vector<16xf32>
        %parallel_loop3A_550 = arith.index_cast %parallel_loop3A_526 : i32 to index
        %parallel_loop3A_551 = arith.constant 32 : index
        %parallel_loop3A_552 = tpu.vector_load %arg15[%parallel_loop3A_550, %parallel_loop3A_551] {strides = array<i32>} : memref<128x128xf32, #tpu.memory_space<vmem>>, vector<16xf32>,
        tpu.vector_store %arg15[%parallel_loop3A_550, %parallel_loop3A_551], %parallel_loop3A_549 {strides = array<i32>} : memref<128x128xf32, #tpu.memory_space<vmem>>, vector<16xf32>,
        %parallel_loop3A_553 = arith.index_cast %parallel_loop3A_526 : i32 to index
        %parallel_loop3A_554 = arith.constant 48 : index
        %parallel_loop3A_555 = tpu.vector_load %arg13[%parallel_loop3A_553, %parallel_loop3A_554] {strides = array<i32>} : memref<128x128xf32, #tpu.memory_space<vmem>>, vector<16xf32>,
        %parallel_loop3A_556 = arith.mulf %parallel_loop3A_555, %parallel_loop3A_531 : vector<16xf32>
        %parallel_loop3A_557 = arith.index_cast %parallel_loop3A_526 : i32 to index
        %parallel_loop3A_558 = arith.constant 48 : index
        %parallel_loop3A_559 = tpu.vector_load %arg15[%parallel_loop3A_557, %parallel_loop3A_558] {strides = array<i32>} : memref<128x128xf32, #tpu.memory_space<vmem>>, vector<16xf32>,
        tpu.vector_store %arg15[%parallel_loop3A_557, %parallel_loop3A_558], %parallel_loop3A_556 {strides = array<i32>} : memref<128x128xf32, #tpu.memory_space<vmem>>, vector<16xf32>,
        %parallel_loop3A_560 = arith.index_cast %parallel_loop3A_526 : i32 to index
        %parallel_loop3A_561 = arith.constant 64 : index
        %parallel_loop3A_562 = tpu.vector_load %arg13[%parallel_loop3A_560, %parallel_loop3A_561] {strides = array<i32>} : memref<128x128xf32, #tpu.memory_space<vmem>>, vector<16xf32>,
        %parallel_loop3A_563 = arith.mulf %parallel_loop3A_562, %parallel_loop3A_531 : vector<16xf32>
        %parallel_loop3A_564 = arith.index_cast %parallel_loop3A_526 : i32 to index
        %parallel_loop3A_565 = arith.constant 64 : index
        %parallel_loop3A_566 = tpu.vector_load %arg15[%parallel_loop3A_564, %parallel_loop3A_565] {strides = array<i32>} : memref<128x128xf32, #tpu.memory_space<vmem>>, vector<16xf32>,
        tpu.vector_store %arg15[%parallel_loop3A_564, %parallel_loop3A_565], %parallel_loop3A_563 {strides = array<i32>} : memref<128x128xf32, #tpu.memory_space<vmem>>, vector<16xf32>,
        %parallel_loop3A_567 = arith.index_cast %parallel_loop3A_526 : i32 to index
        %parallel_loop3A_568 = arith.constant 80 : index
        %parallel_loop3A_569 = tpu.vector_load %arg13[%parallel_loop3A_567, %parallel_loop3A_568] {strides = array<i32>} : memref<128x128xf32, #tpu.memory_space<vmem>>, vector<16xf32>,
        %parallel_loop3A_570 = arith.mulf %parallel_loop3A_569, %parallel_loop3A_531 : vector<16xf32>
        %parallel_loop3A_571 = arith.index_cast %parallel_loop3A_526 : i32 to index
        %parallel_loop3A_572 = arith.constant 80 : index
        %parallel_loop3A_573 = tpu.vector_load %arg15[%parallel_loop3A_571, %parallel_loop3A_572] {strides = array<i32>} : memref<128x128xf32, #tpu.memory_space<vmem>>, vector<16xf32>,
        tpu.vector_store %arg15[%parallel_loop3A_571, %parallel_loop3A_572], %parallel_loop3A_570 {strides = array<i32>} : memref<128x128xf32, #tpu.memory_space<vmem>>, vector<16xf32>,
        %parallel_loop3A_574 = arith.index_cast %parallel_loop3A_526 : i32 to index
        %parallel_loop3A_575 = arith.constant 96 : index
        %parallel_loop3A_576 = tpu.vector_load %arg13[%parallel_loop3A_574, %parallel_loop3A_575] {strides = array<i32>} : memref<128x128xf32, #tpu.memory_space<vmem>>, vector<16xf32>,
        %parallel_loop3A_577 = arith.mulf %parallel_loop3A_576, %parallel_loop3A_531 : vector<16xf32>
        %parallel_loop3A_578 = arith.index_cast %parallel_loop3A_526 : i32 to index
        %parallel_loop3A_579 = arith.constant 96 : index
        %parallel_loop3A_580 = tpu.vector_load %arg15[%parallel_loop3A_578, %parallel_loop3A_579] {strides = array<i32>} : memref<128x128xf32, #tpu.memory_space<vmem>>, vector<16xf32>,
        tpu.vector_store %arg15[%parallel_loop3A_578, %parallel_loop3A_579], %parallel_loop3A_577 {strides = array<i32>} : memref<128x128xf32, #tpu.memory_space<vmem>>, vector<16xf32>,
        %parallel_loop3A_581 = arith.index_cast %parallel_loop3A_526 : i32 to index
        %parallel_loop3A_582 = arith.constant 112 : index
        %parallel_loop3A_583 = tpu.vector_load %arg13[%parallel_loop3A_581, %parallel_loop3A_582] {strides = array<i32>} : memref<128x128xf32, #tpu.memory_space<vmem>>, vector<16xf32>,
        %parallel_loop3A_584 = arith.mulf %parallel_loop3A_583, %parallel_loop3A_531 : vector<16xf32>
        %parallel_loop3A_585 = arith.index_cast %parallel_loop3A_526 : i32 to index
        %parallel_loop3A_586 = arith.constant 112 : index
        %parallel_loop3A_587 = tpu.vector_load %arg15[%parallel_loop3A_585, %parallel_loop3A_586] {strides = array<i32>} : memref<128x128xf32, #tpu.memory_space<vmem>>, vector<16xf32>,
        tpu.vector_store %arg15[%parallel_loop3A_585, %parallel_loop3A_586], %parallel_loop3A_584 {strides = array<i32>} : memref<128x128xf32, #tpu.memory_space<vmem>>, vector<16xf32>,
        %parallel_loop3A_588 = arith.constant 8 : i32
        %parallel_loop3A_589 = arith.muli %parallel_loop3A_132, %parallel_loop3A_588 : i32
        %parallel_loop3A_590 = arith.constant 7 : i32
        %parallel_loop3A_591 = arith.addi %parallel_loop3A_589, %parallel_loop3A_590 : i32
        %parallel_loop3A_592 = arith.constant 0 : i32
        %parallel_loop3A_593 = arith.index_cast %parallel_loop3A_592 : i32 to index
        %parallel_loop3A_594 = arith.index_cast %parallel_loop3A_132 : i32 to index
        %parallel_loop3A_595 = arith.constant 112 : index
        %parallel_loop3A_596 = tpu.vector_load %arg11[%parallel_loop3A_593, %parallel_loop3A_594, %parallel_loop3A_595] {strides = array<i32>} : memref<1x16x128xf32, #tpu.memory_space<vmem>>, vector<16xf32>,
        %parallel_loop3A_597 = arith.index_cast %parallel_loop3A_591 : i32 to index
        %parallel_loop3A_598 = arith.constant 0 : index
        %parallel_loop3A_599 = tpu.vector_load %arg13[%parallel_loop3A_597, %parallel_loop3A_598] {strides = array<i32>} : memref<128x128xf32, #tpu.memory_space<vmem>>, vector<16xf32>,
        %parallel_loop3A_600 = arith.mulf %parallel_loop3A_599, %parallel_loop3A_596 : vector<16xf32>
        %parallel_loop3A_601 = arith.index_cast %parallel_loop3A_591 : i32 to index
        %parallel_loop3A_602 = arith.constant 0 : index
        %parallel_loop3A_603 = tpu.vector_load %arg15[%parallel_loop3A_601, %parallel_loop3A_602] {strides = array<i32>} : memref<128x128xf32, #tpu.memory_space<vmem>>, vector<16xf32>,
        tpu.vector_store %arg15[%parallel_loop3A_601, %parallel_loop3A_602], %parallel_loop3A_600 {strides = array<i32>} : memref<128x128xf32, #tpu.memory_space<vmem>>, vector<16xf32>,
        %parallel_loop3A_604 = arith.index_cast %parallel_loop3A_591 : i32 to index
        %parallel_loop3A_605 = arith.constant 16 : index
        %parallel_loop3A_606 = tpu.vector_load %arg13[%parallel_loop3A_604, %parallel_loop3A_605] {strides = array<i32>} : memref<128x128xf32, #tpu.memory_space<vmem>>, vector<16xf32>,
        %parallel_loop3A_607 = arith.mulf %parallel_loop3A_606, %parallel_loop3A_596 : vector<16xf32>
        %parallel_loop3A_608 = arith.index_cast %parallel_loop3A_591 : i32 to index
        %parallel_loop3A_609 = arith.constant 16 : index
        %parallel_loop3A_610 = tpu.vector_load %arg15[%parallel_loop3A_608, %parallel_loop3A_609] {strides = array<i32>} : memref<128x128xf32, #tpu.memory_space<vmem>>, vector<16xf32>,
        tpu.vector_store %arg15[%parallel_loop3A_608, %parallel_loop3A_609], %parallel_loop3A_607 {strides = array<i32>} : memref<128x128xf32, #tpu.memory_space<vmem>>, vector<16xf32>,
        %parallel_loop3A_611 = arith.index_cast %parallel_loop3A_591 : i32 to index
        %parallel_loop3A_612 = arith.constant 32 : index
        %parallel_loop3A_613 = tpu.vector_load %arg13[%parallel_loop3A_611, %parallel_loop3A_612] {strides = array<i32>} : memref<128x128xf32, #tpu.memory_space<vmem>>, vector<16xf32>,
        %parallel_loop3A_614 = arith.mulf %parallel_loop3A_613, %parallel_loop3A_596 : vector<16xf32>
        %parallel_loop3A_615 = arith.index_cast %parallel_loop3A_591 : i32 to index
        %parallel_loop3A_616 = arith.constant 32 : index
        %parallel_loop3A_617 = tpu.vector_load %arg15[%parallel_loop3A_615, %parallel_loop3A_616] {strides = array<i32>} : memref<128x128xf32, #tpu.memory_space<vmem>>, vector<16xf32>,
        tpu.vector_store %arg15[%parallel_loop3A_615, %parallel_loop3A_616], %parallel_loop3A_614 {strides = array<i32>} : memref<128x128xf32, #tpu.memory_space<vmem>>, vector<16xf32>,
        %parallel_loop3A_618 = arith.index_cast %parallel_loop3A_591 : i32 to index
        %parallel_loop3A_619 = arith.constant 48 : index
        %parallel_loop3A_620 = tpu.vector_load %arg13[%parallel_loop3A_618, %parallel_loop3A_619] {strides = array<i32>} : memref<128x128xf32, #tpu.memory_space<vmem>>, vector<16xf32>,
        %parallel_loop3A_621 = arith.mulf %parallel_loop3A_620, %parallel_loop3A_596 : vector<16xf32>
        %parallel_loop3A_622 = arith.index_cast %parallel_loop3A_591 : i32 to index
        %parallel_loop3A_623 = arith.constant 48 : index
        %parallel_loop3A_624 = tpu.vector_load %arg15[%parallel_loop3A_622, %parallel_loop3A_623] {strides = array<i32>} : memref<128x128xf32, #tpu.memory_space<vmem>>, vector<16xf32>,
        tpu.vector_store %arg15[%parallel_loop3A_622, %parallel_loop3A_623], %parallel_loop3A_621 {strides = array<i32>} : memref<128x128xf32, #tpu.memory_space<vmem>>, vector<16xf32>,
        %parallel_loop3A_625 = arith.index_cast %parallel_loop3A_591 : i32 to index
        %parallel_loop3A_626 = arith.constant 64 : index
        %parallel_loop3A_627 = tpu.vector_load %arg13[%parallel_loop3A_625, %parallel_loop3A_626] {strides = array<i32>} : memref<128x128xf32, #tpu.memory_space<vmem>>, vector<16xf32>,
        %parallel_loop3A_628 = arith.mulf %parallel_loop3A_627, %parallel_loop3A_596 : vector<16xf32>
        %parallel_loop3A_629 = arith.index_cast %parallel_loop3A_591 : i32 to index
        %parallel_loop3A_630 = arith.constant 64 : index
        %parallel_loop3A_631 = tpu.vector_load %arg15[%parallel_loop3A_629, %parallel_loop3A_630] {strides = array<i32>} : memref<128x128xf32, #tpu.memory_space<vmem>>, vector<16xf32>,
        tpu.vector_store %arg15[%parallel_loop3A_629, %parallel_loop3A_630], %parallel_loop3A_628 {strides = array<i32>} : memref<128x128xf32, #tpu.memory_space<vmem>>, vector<16xf32>,
        %parallel_loop3A_632 = arith.index_cast %parallel_loop3A_591 : i32 to index
        %parallel_loop3A_633 = arith.constant 80 : index
        %parallel_loop3A_634 = tpu.vector_load %arg13[%parallel_loop3A_632, %parallel_loop3A_633] {strides = array<i32>} : memref<128x128xf32, #tpu.memory_space<vmem>>, vector<16xf32>,
        %parallel_loop3A_635 = arith.mulf %parallel_loop3A_634, %parallel_loop3A_596 : vector<16xf32>
        %parallel_loop3A_636 = arith.index_cast %parallel_loop3A_591 : i32 to index
        %parallel_loop3A_637 = arith.constant 80 : index
        %parallel_loop3A_638 = tpu.vector_load %arg15[%parallel_loop3A_636, %parallel_loop3A_637] {strides = array<i32>} : memref<128x128xf32, #tpu.memory_space<vmem>>, vector<16xf32>,
        tpu.vector_store %arg15[%parallel_loop3A_636, %parallel_loop3A_637], %parallel_loop3A_635 {strides = array<i32>} : memref<128x128xf32, #tpu.memory_space<vmem>>, vector<16xf32>,
        %parallel_loop3A_639 = arith.index_cast %parallel_loop3A_591 : i32 to index
        %parallel_loop3A_640 = arith.constant 96 : index
        %parallel_loop3A_641 = tpu.vector_load %arg13[%parallel_loop3A_639, %parallel_loop3A_640] {strides = array<i32>} : memref<128x128xf32, #tpu.memory_space<vmem>>, vector<16xf32>,
        %parallel_loop3A_642 = arith.mulf %parallel_loop3A_641, %parallel_loop3A_596 : vector<16xf32>
        %parallel_loop3A_643 = arith.index_cast %parallel_loop3A_591 : i32 to index
        %parallel_loop3A_644 = arith.constant 96 : index
        %parallel_loop3A_645 = tpu.vector_load %arg15[%parallel_loop3A_643, %parallel_loop3A_644] {strides = array<i32>} : memref<128x128xf32, #tpu.memory_space<vmem>>, vector<16xf32>,
        tpu.vector_store %arg15[%parallel_loop3A_643, %parallel_loop3A_644], %parallel_loop3A_642 {strides = array<i32>} : memref<128x128xf32, #tpu.memory_space<vmem>>, vector<16xf32>,
        %parallel_loop3A_646 = arith.index_cast %parallel_loop3A_591 : i32 to index
        %parallel_loop3A_647 = arith.constant 112 : index
        %parallel_loop3A_648 = tpu.vector_load %arg13[%parallel_loop3A_646, %parallel_loop3A_647] {strides = array<i32>} : memref<128x128xf32, #tpu.memory_space<vmem>>, vector<16xf32>,
        %parallel_loop3A_649 = arith.mulf %parallel_loop3A_648, %parallel_loop3A_596 : vector<16xf32>
        %parallel_loop3A_650 = arith.index_cast %parallel_loop3A_591 : i32 to index
        %parallel_loop3A_651 = arith.constant 112 : index
        %parallel_loop3A_652 = tpu.vector_load %arg15[%parallel_loop3A_650, %parallel_loop3A_651] {strides = array<i32>} : memref<128x128xf32, #tpu.memory_space<vmem>>, vector<16xf32>,
        tpu.vector_store %arg15[%parallel_loop3A_650, %parallel_loop3A_651], %parallel_loop3A_649 {strides = array<i32>} : memref<128x128xf32, #tpu.memory_space<vmem>>, vector<16xf32>,
      } {sc.loop_unroll_factor = 4 : i64, sc.parallel_access}
      %dma_start3A_92 = arith.constant 0 : i32
      %dma_start3A_93 = tpu.memref_slice %arg8[%mul3A_54, %dma_start3A_92] : memref<32x128xi32, #tpu.memory_space<vmem>> -> memref<1x128xi32, #tpu.memory_space<vmem>>
      %dma_start3A_94 = tpu.memref_squeeze %dma_start3A_93 : memref<1x128xi32, #tpu.memory_space<vmem>> -> memref<128xi32, #tpu.memory_space<vmem>>
      %dma_start3A_95 = arith.constant 0 : i32
      %dma_start3A_96 = arith.constant 0 : i32
      %dma_start3A_97 = tpu.memref_slice %arg17[%dma_start3A_95, %dma_start3A_96] : memref<4096x128xf32, #tpu.memory_space<vmem_shared>> -> memref<4096x128xf32, #tpu.memory_space<vmem_shared>>
      tpu.enqueue_indirect_dma source(%arg15 : memref<128x128xf32, #tpu.memory_space<vmem>>) target(%dma_start3A_97 : memref<4096x128xf32, #tpu.memory_space<vmem_shared>>) offsets(%dma_start3A_94 : memref<128xi32, #tpu.memory_space<vmem>>) semaphore(%arg21 : memref<!tpu.dma_semaphore, #tpu.memory_space<semaphore_mem>>) {add = true}
      %dma_wait3A_98 = arith.constant 0 : i32
      %dma_wait3A_99 = tpu.memref_slice %arg9[%add3A_56, %dma_wait3A_98] : memref<32x128xi32, #tpu.memory_space<vmem>> -> memref<1x128xi32, #tpu.memory_space<vmem>>
      %dma_wait3A_100 = tpu.memref_squeeze %dma_wait3A_99 : memref<1x128xi32, #tpu.memory_space<vmem>> -> memref<128xi32, #tpu.memory_space<vmem>>
      %dma_wait3A_101 = arith.constant 0 : i32
      %dma_wait3A_102 = arith.constant 0 : i32
      %dma_wait3A_103 = tpu.memref_slice %arg6[%dma_wait3A_101, %dma_wait3A_102] : memref<4096x128xf32, #tpu.memory_space<hbm>> -> memref<4096x128xf32, #tpu.memory_space<hbm>>
      tpu.wait_indirect_dma semaphore(%arg20 : memref<!tpu.dma_semaphore, #tpu.memory_space<semaphore_mem>>) src(%dma_wait3A_103 : memref<4096x128xf32, #tpu.memory_space<hbm>>) dst(%arg14 : memref<128x128xf32, #tpu.memory_space<vmem>>)
      %mul3A_104 = arith.constant 32 : i32
      %mul3A_105 = arith.muli %add3A, %mul3A_104 : i32
      %add3A_106 = arith.addi %mul3A_105, %add3A_56 : i32
      %dma_wait3A_107 = arith.constant 0 : i32
      %dma_wait3A_108 = arith.constant 0 : i32
      %dma_wait3A_109 = tpu.memref_slice %arg5[%add3A_106, %dma_wait3A_107, %dma_wait3A_108] : memref<1024x16x128xf32, #tpu.memory_space<hbm>> -> memref<1x16x128xf32, #tpu.memory_space<hbm>>
      %dma_wait3A_110 = arith.constant 0 : i32
      %dma_wait3A_111 = arith.constant 0 : i32
      %dma_wait3A_112 = tpu.memref_slice %arg5[%add3A_106, %dma_wait3A_110, %dma_wait3A_111] : memref<1024x16x128xf32, #tpu.memory_space<hbm>> -> memref<1x16x128xf32, #tpu.memory_space<hbm>>
      tpu.wait_dma2 semaphore(%arg20 : memref<!tpu.dma_semaphore, #tpu.memory_space<semaphore_mem>>) src(%dma_wait3A_112 : memref<1x16x128xf32, #tpu.memory_space<hbm>>) dst(%arg12 : memref<1x16x128xf32, #tpu.memory_space<vmem>>)
      %parallel_loop3A_113 = arith.constant 0 : i32
      %parallel_loop3A_114 = arith.constant 16 : i32
      %parallel_loop3A_115 = arith.constant 1 : i32
      scf.for %parallel_loop3A_132 = %parallel_loop3A_113 to %parallel_loop3A_114 step %parallel_loop3A_115  : i32 {
        %parallel_loop3A_133 = arith.constant 8 : i32
        %parallel_loop3A_134 = arith.muli %parallel_loop3A_132, %parallel_loop3A_133 : i32
        %parallel_loop3A_135 = arith.constant 0 : i32
        %parallel_loop3A_136 = arith.addi %parallel_loop3A_134, %parallel_loop3A_135 : i32
        %parallel_loop3A_137 = arith.constant 0 : i32
        %parallel_loop3A_138 = arith.index_cast %parallel_loop3A_137 : i32 to index
        %parallel_loop3A_139 = arith.index_cast %parallel_loop3A_132 : i32 to index
        %parallel_loop3A_140 = arith.constant 0 : index
        %parallel_loop3A_141 = tpu.vector_load %arg12[%parallel_loop3A_138, %parallel_loop3A_139, %parallel_loop3A_140] {strides = array<i32>} : memref<1x16x128xf32, #tpu.memory_space<vmem>>, vector<16xf32>,
        %parallel_loop3A_142 = arith.index_cast %parallel_loop3A_136 : i32 to index
        %parallel_loop3A_143 = arith.constant 0 : index
        %parallel_loop3A_144 = tpu.vector_load %arg14[%parallel_loop3A_142, %parallel_loop3A_143] {strides = array<i32>} : memref<128x128xf32, #tpu.memory_space<vmem>>, vector<16xf32>,
        %parallel_loop3A_145 = arith.mulf %parallel_loop3A_144, %parallel_loop3A_141 : vector<16xf32>
        %parallel_loop3A_146 = arith.index_cast %parallel_loop3A_136 : i32 to index
        %parallel_loop3A_147 = arith.constant 0 : index
        %parallel_loop3A_148 = tpu.vector_load %arg16[%parallel_loop3A_146, %parallel_loop3A_147] {strides = array<i32>} : memref<128x128xf32, #tpu.memory_space<vmem>>, vector<16xf32>,
        tpu.vector_store %arg16[%parallel_loop3A_146, %parallel_loop3A_147], %parallel_loop3A_145 {strides = array<i32>} : memref<128x128xf32, #tpu.memory_space<vmem>>, vector<16xf32>,
        %parallel_loop3A_149 = arith.index_cast %parallel_loop3A_136 : i32 to index
        %parallel_loop3A_150 = arith.constant 16 : index
        %parallel_loop3A_151 = tpu.vector_load %arg14[%parallel_loop3A_149, %parallel_loop3A_150] {strides = array<i32>} : memref<128x128xf32, #tpu.memory_space<vmem>>, vector<16xf32>,
        %parallel_loop3A_152 = arith.mulf %parallel_loop3A_151, %parallel_loop3A_141 : vector<16xf32>
        %parallel_loop3A_153 = arith.index_cast %parallel_loop3A_136 : i32 to index
        %parallel_loop3A_154 = arith.constant 16 : index
        %parallel_loop3A_155 = tpu.vector_load %arg16[%parallel_loop3A_153, %parallel_loop3A_154] {strides = array<i32>} : memref<128x128xf32, #tpu.memory_space<vmem>>, vector<16xf32>,
        tpu.vector_store %arg16[%parallel_loop3A_153, %parallel_loop3A_154], %parallel_loop3A_152 {strides = array<i32>} : memref<128x128xf32, #tpu.memory_space<vmem>>, vector<16xf32>,
        %parallel_loop3A_156 = arith.index_cast %parallel_loop3A_136 : i32 to index
        %parallel_loop3A_157 = arith.constant 32 : index
        %parallel_loop3A_158 = tpu.vector_load %arg14[%parallel_loop3A_156, %parallel_loop3A_157] {strides = array<i32>} : memref<128x128xf32, #tpu.memory_space<vmem>>, vector<16xf32>,
        %parallel_loop3A_159 = arith.mulf %parallel_loop3A_158, %parallel_loop3A_141 : vector<16xf32>
        %parallel_loop3A_160 = arith.index_cast %parallel_loop3A_136 : i32 to index
        %parallel_loop3A_161 = arith.constant 32 : index
        %parallel_loop3A_162 = tpu.vector_load %arg16[%parallel_loop3A_160, %parallel_loop3A_161] {strides = array<i32>} : memref<128x128xf32, #tpu.memory_space<vmem>>, vector<16xf32>,
        tpu.vector_store %arg16[%parallel_loop3A_160, %parallel_loop3A_161], %parallel_loop3A_159 {strides = array<i32>} : memref<128x128xf32, #tpu.memory_space<vmem>>, vector<16xf32>,
        %parallel_loop3A_163 = arith.index_cast %parallel_loop3A_136 : i32 to index
        %parallel_loop3A_164 = arith.constant 48 : index
        %parallel_loop3A_165 = tpu.vector_load %arg14[%parallel_loop3A_163, %parallel_loop3A_164] {strides = array<i32>} : memref<128x128xf32, #tpu.memory_space<vmem>>, vector<16xf32>,
        %parallel_loop3A_166 = arith.mulf %parallel_loop3A_165, %parallel_loop3A_141 : vector<16xf32>
        %parallel_loop3A_167 = arith.index_cast %parallel_loop3A_136 : i32 to index
        %parallel_loop3A_168 = arith.constant 48 : index
        %parallel_loop3A_169 = tpu.vector_load %arg16[%parallel_loop3A_167, %parallel_loop3A_168] {strides = array<i32>} : memref<128x128xf32, #tpu.memory_space<vmem>>, vector<16xf32>,
        tpu.vector_store %arg16[%parallel_loop3A_167, %parallel_loop3A_168], %parallel_loop3A_166 {strides = array<i32>} : memref<128x128xf32, #tpu.memory_space<vmem>>, vector<16xf32>,
        %parallel_loop3A_170 = arith.index_cast %parallel_loop3A_136 : i32 to index
        %parallel_loop3A_171 = arith.constant 64 : index
        %parallel_loop3A_172 = tpu.vector_load %arg14[%parallel_loop3A_170, %parallel_loop3A_171] {strides = array<i32>} : memref<128x128xf32, #tpu.memory_space<vmem>>, vector<16xf32>,
        %parallel_loop3A_173 = arith.mulf %parallel_loop3A_172, %parallel_loop3A_141 : vector<16xf32>
        %parallel_loop3A_174 = arith.index_cast %parallel_loop3A_136 : i32 to index
        %parallel_loop3A_175 = arith.constant 64 : index
        %parallel_loop3A_176 = tpu.vector_load %arg16[%parallel_loop3A_174, %parallel_loop3A_175] {strides = array<i32>} : memref<128x128xf32, #tpu.memory_space<vmem>>, vector<16xf32>,
        tpu.vector_store %arg16[%parallel_loop3A_174, %parallel_loop3A_175], %parallel_loop3A_173 {strides = array<i32>} : memref<128x128xf32, #tpu.memory_space<vmem>>, vector<16xf32>,
        %parallel_loop3A_177 = arith.index_cast %parallel_loop3A_136 : i32 to index
        %parallel_loop3A_178 = arith.constant 80 : index
        %parallel_loop3A_179 = tpu.vector_load %arg14[%parallel_loop3A_177, %parallel_loop3A_178] {strides = array<i32>} : memref<128x128xf32, #tpu.memory_space<vmem>>, vector<16xf32>,
        %parallel_loop3A_180 = arith.mulf %parallel_loop3A_179, %parallel_loop3A_141 : vector<16xf32>
        %parallel_loop3A_181 = arith.index_cast %parallel_loop3A_136 : i32 to index
        %parallel_loop3A_182 = arith.constant 80 : index
        %parallel_loop3A_183 = tpu.vector_load %arg16[%parallel_loop3A_181, %parallel_loop3A_182] {strides = array<i32>} : memref<128x128xf32, #tpu.memory_space<vmem>>, vector<16xf32>,
        tpu.vector_store %arg16[%parallel_loop3A_181, %parallel_loop3A_182], %parallel_loop3A_180 {strides = array<i32>} : memref<128x128xf32, #tpu.memory_space<vmem>>, vector<16xf32>,
        %parallel_loop3A_184 = arith.index_cast %parallel_loop3A_136 : i32 to index
        %parallel_loop3A_185 = arith.constant 96 : index
        %parallel_loop3A_186 = tpu.vector_load %arg14[%parallel_loop3A_184, %parallel_loop3A_185] {strides = array<i32>} : memref<128x128xf32, #tpu.memory_space<vmem>>, vector<16xf32>,
        %parallel_loop3A_187 = arith.mulf %parallel_loop3A_186, %parallel_loop3A_141 : vector<16xf32>
        %parallel_loop3A_188 = arith.index_cast %parallel_loop3A_136 : i32 to index
        %parallel_loop3A_189 = arith.constant 96 : index
        %parallel_loop3A_190 = tpu.vector_load %arg16[%parallel_loop3A_188, %parallel_loop3A_189] {strides = array<i32>} : memref<128x128xf32, #tpu.memory_space<vmem>>, vector<16xf32>,
        tpu.vector_store %arg16[%parallel_loop3A_188, %parallel_loop3A_189], %parallel_loop3A_187 {strides = array<i32>} : memref<128x128xf32, #tpu.memory_space<vmem>>, vector<16xf32>,
        %parallel_loop3A_191 = arith.index_cast %parallel_loop3A_136 : i32 to index
        %parallel_loop3A_192 = arith.constant 112 : index
        %parallel_loop3A_193 = tpu.vector_load %arg14[%parallel_loop3A_191, %parallel_loop3A_192] {strides = array<i32>} : memref<128x128xf32, #tpu.memory_space<vmem>>, vector<16xf32>,
        %parallel_loop3A_194 = arith.mulf %parallel_loop3A_193, %parallel_loop3A_141 : vector<16xf32>
        %parallel_loop3A_195 = arith.index_cast %parallel_loop3A_136 : i32 to index
        %parallel_loop3A_196 = arith.constant 112 : index
        %parallel_loop3A_197 = tpu.vector_load %arg16[%parallel_loop3A_195, %parallel_loop3A_196] {strides = array<i32>} : memref<128x128xf32, #tpu.memory_space<vmem>>, vector<16xf32>,
        tpu.vector_store %arg16[%parallel_loop3A_195, %parallel_loop3A_196], %parallel_loop3A_194 {strides = array<i32>} : memref<128x128xf32, #tpu.memory_space<vmem>>, vector<16xf32>,
        %parallel_loop3A_198 = arith.constant 8 : i32
        %parallel_loop3A_199 = arith.muli %parallel_loop3A_132, %parallel_loop3A_198 : i32
        %parallel_loop3A_200 = arith.constant 1 : i32
        %parallel_loop3A_201 = arith.addi %parallel_loop3A_199, %parallel_loop3A_200 : i32
        %parallel_loop3A_202 = arith.constant 0 : i32
        %parallel_loop3A_203 = arith.index_cast %parallel_loop3A_202 : i32 to index
        %parallel_loop3A_204 = arith.index_cast %parallel_loop3A_132 : i32 to index
        %parallel_loop3A_205 = arith.constant 16 : index
        %parallel_loop3A_206 = tpu.vector_load %arg12[%parallel_loop3A_203, %parallel_loop3A_204, %parallel_loop3A_205] {strides = array<i32>} : memref<1x16x128xf32, #tpu.memory_space<vmem>>, vector<16xf32>,
        %parallel_loop3A_207 = arith.index_cast %parallel_loop3A_201 : i32 to index
        %parallel_loop3A_208 = arith.constant 0 : index
        %parallel_loop3A_209 = tpu.vector_load %arg14[%parallel_loop3A_207, %parallel_loop3A_208] {strides = array<i32>} : memref<128x128xf32, #tpu.memory_space<vmem>>, vector<16xf32>,
        %parallel_loop3A_210 = arith.mulf %parallel_loop3A_209, %parallel_loop3A_206 : vector<16xf32>
        %parallel_loop3A_211 = arith.index_cast %parallel_loop3A_201 : i32 to index
        %parallel_loop3A_212 = arith.constant 0 : index
        %parallel_loop3A_213 = tpu.vector_load %arg16[%parallel_loop3A_211, %parallel_loop3A_212] {strides = array<i32>} : memref<128x128xf32, #tpu.memory_space<vmem>>, vector<16xf32>,
        tpu.vector_store %arg16[%parallel_loop3A_211, %parallel_loop3A_212], %parallel_loop3A_210 {strides = array<i32>} : memref<128x128xf32, #tpu.memory_space<vmem>>, vector<16xf32>,
        %parallel_loop3A_214 = arith.index_cast %parallel_loop3A_201 : i32 to index
        %parallel_loop3A_215 = arith.constant 16 : index
        %parallel_loop3A_216 = tpu.vector_load %arg14[%parallel_loop3A_214, %parallel_loop3A_215] {strides = array<i32>} : memref<128x128xf32, #tpu.memory_space<vmem>>, vector<16xf32>,
        %parallel_loop3A_217 = arith.mulf %parallel_loop3A_216, %parallel_loop3A_206 : vector<16xf32>
        %parallel_loop3A_218 = arith.index_cast %parallel_loop3A_201 : i32 to index
        %parallel_loop3A_219 = arith.constant 16 : index
        %parallel_loop3A_220 = tpu.vector_load %arg16[%parallel_loop3A_218, %parallel_loop3A_219] {strides = array<i32>} : memref<128x128xf32, #tpu.memory_space<vmem>>, vector<16xf32>,
        tpu.vector_store %arg16[%parallel_loop3A_218, %parallel_loop3A_219], %parallel_loop3A_217 {strides = array<i32>} : memref<128x128xf32, #tpu.memory_space<vmem>>, vector<16xf32>,
        %parallel_loop3A_221 = arith.index_cast %parallel_loop3A_201 : i32 to index
        %parallel_loop3A_222 = arith.constant 32 : index
        %parallel_loop3A_223 = tpu.vector_load %arg14[%parallel_loop3A_221, %parallel_loop3A_222] {strides = array<i32>} : memref<128x128xf32, #tpu.memory_space<vmem>>, vector<16xf32>,
        %parallel_loop3A_224 = arith.mulf %parallel_loop3A_223, %parallel_loop3A_206 : vector<16xf32>
        %parallel_loop3A_225 = arith.index_cast %parallel_loop3A_201 : i32 to index
        %parallel_loop3A_226 = arith.constant 32 : index
        %parallel_loop3A_227 = tpu.vector_load %arg16[%parallel_loop3A_225, %parallel_loop3A_226] {strides = array<i32>} : memref<128x128xf32, #tpu.memory_space<vmem>>, vector<16xf32>,
        tpu.vector_store %arg16[%parallel_loop3A_225, %parallel_loop3A_226], %parallel_loop3A_224 {strides = array<i32>} : memref<128x128xf32, #tpu.memory_space<vmem>>, vector<16xf32>,
        %parallel_loop3A_228 = arith.index_cast %parallel_loop3A_201 : i32 to index
        %parallel_loop3A_229 = arith.constant 48 : index
        %parallel_loop3A_230 = tpu.vector_load %arg14[%parallel_loop3A_228, %parallel_loop3A_229] {strides = array<i32>} : memref<128x128xf32, #tpu.memory_space<vmem>>, vector<16xf32>,
        %parallel_loop3A_231 = arith.mulf %parallel_loop3A_230, %parallel_loop3A_206 : vector<16xf32>
        %parallel_loop3A_232 = arith.index_cast %parallel_loop3A_201 : i32 to index
        %parallel_loop3A_233 = arith.constant 48 : index
        %parallel_loop3A_234 = tpu.vector_load %arg16[%parallel_loop3A_232, %parallel_loop3A_233] {strides = array<i32>} : memref<128x128xf32, #tpu.memory_space<vmem>>, vector<16xf32>,
        tpu.vector_store %arg16[%parallel_loop3A_232, %parallel_loop3A_233], %parallel_loop3A_231 {strides = array<i32>} : memref<128x128xf32, #tpu.memory_space<vmem>>, vector<16xf32>,
        %parallel_loop3A_235 = arith.index_cast %parallel_loop3A_201 : i32 to index
        %parallel_loop3A_236 = arith.constant 64 : index
        %parallel_loop3A_237 = tpu.vector_load %arg14[%parallel_loop3A_235, %parallel_loop3A_236] {strides = array<i32>} : memref<128x128xf32, #tpu.memory_space<vmem>>, vector<16xf32>,
        %parallel_loop3A_238 = arith.mulf %parallel_loop3A_237, %parallel_loop3A_206 : vector<16xf32>
        %parallel_loop3A_239 = arith.index_cast %parallel_loop3A_201 : i32 to index
        %parallel_loop3A_240 = arith.constant 64 : index
        %parallel_loop3A_241 = tpu.vector_load %arg16[%parallel_loop3A_239, %parallel_loop3A_240] {strides = array<i32>} : memref<128x128xf32, #tpu.memory_space<vmem>>, vector<16xf32>,
        tpu.vector_store %arg16[%parallel_loop3A_239, %parallel_loop3A_240], %parallel_loop3A_238 {strides = array<i32>} : memref<128x128xf32, #tpu.memory_space<vmem>>, vector<16xf32>,
        %parallel_loop3A_242 = arith.index_cast %parallel_loop3A_201 : i32 to index
        %parallel_loop3A_243 = arith.constant 80 : index
        %parallel_loop3A_244 = tpu.vector_load %arg14[%parallel_loop3A_242, %parallel_loop3A_243] {strides = array<i32>} : memref<128x128xf32, #tpu.memory_space<vmem>>, vector<16xf32>,
        %parallel_loop3A_245 = arith.mulf %parallel_loop3A_244, %parallel_loop3A_206 : vector<16xf32>
        %parallel_loop3A_246 = arith.index_cast %parallel_loop3A_201 : i32 to index
        %parallel_loop3A_247 = arith.constant 80 : index
        %parallel_loop3A_248 = tpu.vector_load %arg16[%parallel_loop3A_246, %parallel_loop3A_247] {strides = array<i32>} : memref<128x128xf32, #tpu.memory_space<vmem>>, vector<16xf32>,
        tpu.vector_store %arg16[%parallel_loop3A_246, %parallel_loop3A_247], %parallel_loop3A_245 {strides = array<i32>} : memref<128x128xf32, #tpu.memory_space<vmem>>, vector<16xf32>,
        %parallel_loop3A_249 = arith.index_cast %parallel_loop3A_201 : i32 to index
        %parallel_loop3A_250 = arith.constant 96 : index
        %parallel_loop3A_251 = tpu.vector_load %arg14[%parallel_loop3A_249, %parallel_loop3A_250] {strides = array<i32>} : memref<128x128xf32, #tpu.memory_space<vmem>>, vector<16xf32>,
        %parallel_loop3A_252 = arith.mulf %parallel_loop3A_251, %parallel_loop3A_206 : vector<16xf32>
        %parallel_loop3A_253 = arith.index_cast %parallel_loop3A_201 : i32 to index
        %parallel_loop3A_254 = arith.constant 96 : index
        %parallel_loop3A_255 = tpu.vector_load %arg16[%parallel_loop3A_253, %parallel_loop3A_254] {strides = array<i32>} : memref<128x128xf32, #tpu.memory_space<vmem>>, vector<16xf32>,
        tpu.vector_store %arg16[%parallel_loop3A_253, %parallel_loop3A_254], %parallel_loop3A_252 {strides = array<i32>} : memref<128x128xf32, #tpu.memory_space<vmem>>, vector<16xf32>,
        %parallel_loop3A_256 = arith.index_cast %parallel_loop3A_201 : i32 to index
        %parallel_loop3A_257 = arith.constant 112 : index
        %parallel_loop3A_258 = tpu.vector_load %arg14[%parallel_loop3A_256, %parallel_loop3A_257] {strides = array<i32>} : memref<128x128xf32, #tpu.memory_space<vmem>>, vector<16xf32>,
        %parallel_loop3A_259 = arith.mulf %parallel_loop3A_258, %parallel_loop3A_206 : vector<16xf32>
        %parallel_loop3A_260 = arith.index_cast %parallel_loop3A_201 : i32 to index
        %parallel_loop3A_261 = arith.constant 112 : index
        %parallel_loop3A_262 = tpu.vector_load %arg16[%parallel_loop3A_260, %parallel_loop3A_261] {strides = array<i32>} : memref<128x128xf32, #tpu.memory_space<vmem>>, vector<16xf32>,
        tpu.vector_store %arg16[%parallel_loop3A_260, %parallel_loop3A_261], %parallel_loop3A_259 {strides = array<i32>} : memref<128x128xf32, #tpu.memory_space<vmem>>, vector<16xf32>,
        %parallel_loop3A_263 = arith.constant 8 : i32
        %parallel_loop3A_264 = arith.muli %parallel_loop3A_132, %parallel_loop3A_263 : i32
        %parallel_loop3A_265 = arith.constant 2 : i32
        %parallel_loop3A_266 = arith.addi %parallel_loop3A_264, %parallel_loop3A_265 : i32
        %parallel_loop3A_267 = arith.constant 0 : i32
        %parallel_loop3A_268 = arith.index_cast %parallel_loop3A_267 : i32 to index
        %parallel_loop3A_269 = arith.index_cast %parallel_loop3A_132 : i32 to index
        %parallel_loop3A_270 = arith.constant 32 : index
        %parallel_loop3A_271 = tpu.vector_load %arg12[%parallel_loop3A_268, %parallel_loop3A_269, %parallel_loop3A_270] {strides = array<i32>} : memref<1x16x128xf32, #tpu.memory_space<vmem>>, vector<16xf32>,
        %parallel_loop3A_272 = arith.index_cast %parallel_loop3A_266 : i32 to index
        %parallel_loop3A_273 = arith.constant 0 : index
        %parallel_loop3A_274 = tpu.vector_load %arg14[%parallel_loop3A_272, %parallel_loop3A_273] {strides = array<i32>} : memref<128x128xf32, #tpu.memory_space<vmem>>, vector<16xf32>,
        %parallel_loop3A_275 = arith.mulf %parallel_loop3A_274, %parallel_loop3A_271 : vector<16xf32>
        %parallel_loop3A_276 = arith.index_cast %parallel_loop3A_266 : i32 to index
        %parallel_loop3A_277 = arith.constant 0 : index
        %parallel_loop3A_278 = tpu.vector_load %arg16[%parallel_loop3A_276, %parallel_loop3A_277] {strides = array<i32>} : memref<128x128xf32, #tpu.memory_space<vmem>>, vector<16xf32>,
        tpu.vector_store %arg16[%parallel_loop3A_276, %parallel_loop3A_277], %parallel_loop3A_275 {strides = array<i32>} : memref<128x128xf32, #tpu.memory_space<vmem>>, vector<16xf32>,
        %parallel_loop3A_279 = arith.index_cast %parallel_loop3A_266 : i32 to index
        %parallel_loop3A_280 = arith.constant 16 : index
        %parallel_loop3A_281 = tpu.vector_load %arg14[%parallel_loop3A_279, %parallel_loop3A_280] {strides = array<i32>} : memref<128x128xf32, #tpu.memory_space<vmem>>, vector<16xf32>,
        %parallel_loop3A_282 = arith.mulf %parallel_loop3A_281, %parallel_loop3A_271 : vector<16xf32>
        %parallel_loop3A_283 = arith.index_cast %parallel_loop3A_266 : i32 to index
        %parallel_loop3A_284 = arith.constant 16 : index
        %parallel_loop3A_285 = tpu.vector_load %arg16[%parallel_loop3A_283, %parallel_loop3A_284] {strides = array<i32>} : memref<128x128xf32, #tpu.memory_space<vmem>>, vector<16xf32>,
        tpu.vector_store %arg16[%parallel_loop3A_283, %parallel_loop3A_284], %parallel_loop3A_282 {strides = array<i32>} : memref<128x128xf32, #tpu.memory_space<vmem>>, vector<16xf32>,
        %parallel_loop3A_286 = arith.index_cast %parallel_loop3A_266 : i32 to index
        %parallel_loop3A_287 = arith.constant 32 : index
        %parallel_loop3A_288 = tpu.vector_load %arg14[%parallel_loop3A_286, %parallel_loop3A_287] {strides = array<i32>} : memref<128x128xf32, #tpu.memory_space<vmem>>, vector<16xf32>,
        %parallel_loop3A_289 = arith.mulf %parallel_loop3A_288, %parallel_loop3A_271 : vector<16xf32>
        %parallel_loop3A_290 = arith.index_cast %parallel_loop3A_266 : i32 to index
        %parallel_loop3A_291 = arith.constant 32 : index
        %parallel_loop3A_292 = tpu.vector_load %arg16[%parallel_loop3A_290, %parallel_loop3A_291] {strides = array<i32>} : memref<128x128xf32, #tpu.memory_space<vmem>>, vector<16xf32>,
        tpu.vector_store %arg16[%parallel_loop3A_290, %parallel_loop3A_291], %parallel_loop3A_289 {strides = array<i32>} : memref<128x128xf32, #tpu.memory_space<vmem>>, vector<16xf32>,
        %parallel_loop3A_293 = arith.index_cast %parallel_loop3A_266 : i32 to index
        %parallel_loop3A_294 = arith.constant 48 : index
        %parallel_loop3A_295 = tpu.vector_load %arg14[%parallel_loop3A_293, %parallel_loop3A_294] {strides = array<i32>} : memref<128x128xf32, #tpu.memory_space<vmem>>, vector<16xf32>,
        %parallel_loop3A_296 = arith.mulf %parallel_loop3A_295, %parallel_loop3A_271 : vector<16xf32>
        %parallel_loop3A_297 = arith.index_cast %parallel_loop3A_266 : i32 to index
        %parallel_loop3A_298 = arith.constant 48 : index
        %parallel_loop3A_299 = tpu.vector_load %arg16[%parallel_loop3A_297, %parallel_loop3A_298] {strides = array<i32>} : memref<128x128xf32, #tpu.memory_space<vmem>>, vector<16xf32>,
        tpu.vector_store %arg16[%parallel_loop3A_297, %parallel_loop3A_298], %parallel_loop3A_296 {strides = array<i32>} : memref<128x128xf32, #tpu.memory_space<vmem>>, vector<16xf32>,
        %parallel_loop3A_300 = arith.index_cast %parallel_loop3A_266 : i32 to index
        %parallel_loop3A_301 = arith.constant 64 : index
        %parallel_loop3A_302 = tpu.vector_load %arg14[%parallel_loop3A_300, %parallel_loop3A_301] {strides = array<i32>} : memref<128x128xf32, #tpu.memory_space<vmem>>, vector<16xf32>,
        %parallel_loop3A_303 = arith.mulf %parallel_loop3A_302, %parallel_loop3A_271 : vector<16xf32>
        %parallel_loop3A_304 = arith.index_cast %parallel_loop3A_266 : i32 to index
        %parallel_loop3A_305 = arith.constant 64 : index
        %parallel_loop3A_306 = tpu.vector_load %arg16[%parallel_loop3A_304, %parallel_loop3A_305] {strides = array<i32>} : memref<128x128xf32, #tpu.memory_space<vmem>>, vector<16xf32>,
        tpu.vector_store %arg16[%parallel_loop3A_304, %parallel_loop3A_305], %parallel_loop3A_303 {strides = array<i32>} : memref<128x128xf32, #tpu.memory_space<vmem>>, vector<16xf32>,
        %parallel_loop3A_307 = arith.index_cast %parallel_loop3A_266 : i32 to index
        %parallel_loop3A_308 = arith.constant 80 : index
        %parallel_loop3A_309 = tpu.vector_load %arg14[%parallel_loop3A_307, %parallel_loop3A_308] {strides = array<i32>} : memref<128x128xf32, #tpu.memory_space<vmem>>, vector<16xf32>,
        %parallel_loop3A_310 = arith.mulf %parallel_loop3A_309, %parallel_loop3A_271 : vector<16xf32>
        %parallel_loop3A_311 = arith.index_cast %parallel_loop3A_266 : i32 to index
        %parallel_loop3A_312 = arith.constant 80 : index
        %parallel_loop3A_313 = tpu.vector_load %arg16[%parallel_loop3A_311, %parallel_loop3A_312] {strides = array<i32>} : memref<128x128xf32, #tpu.memory_space<vmem>>, vector<16xf32>,
        tpu.vector_store %arg16[%parallel_loop3A_311, %parallel_loop3A_312], %parallel_loop3A_310 {strides = array<i32>} : memref<128x128xf32, #tpu.memory_space<vmem>>, vector<16xf32>,
        %parallel_loop3A_314 = arith.index_cast %parallel_loop3A_266 : i32 to index
        %parallel_loop3A_315 = arith.constant 96 : index
        %parallel_loop3A_316 = tpu.vector_load %arg14[%parallel_loop3A_314, %parallel_loop3A_315] {strides = array<i32>} : memref<128x128xf32, #tpu.memory_space<vmem>>, vector<16xf32>,
        %parallel_loop3A_317 = arith.mulf %parallel_loop3A_316, %parallel_loop3A_271 : vector<16xf32>
        %parallel_loop3A_318 = arith.index_cast %parallel_loop3A_266 : i32 to index
        %parallel_loop3A_319 = arith.constant 96 : index
        %parallel_loop3A_320 = tpu.vector_load %arg16[%parallel_loop3A_318, %parallel_loop3A_319] {strides = array<i32>} : memref<128x128xf32, #tpu.memory_space<vmem>>, vector<16xf32>,
        tpu.vector_store %arg16[%parallel_loop3A_318, %parallel_loop3A_319], %parallel_loop3A_317 {strides = array<i32>} : memref<128x128xf32, #tpu.memory_space<vmem>>, vector<16xf32>,
        %parallel_loop3A_321 = arith.index_cast %parallel_loop3A_266 : i32 to index
        %parallel_loop3A_322 = arith.constant 112 : index
        %parallel_loop3A_323 = tpu.vector_load %arg14[%parallel_loop3A_321, %parallel_loop3A_322] {strides = array<i32>} : memref<128x128xf32, #tpu.memory_space<vmem>>, vector<16xf32>,
        %parallel_loop3A_324 = arith.mulf %parallel_loop3A_323, %parallel_loop3A_271 : vector<16xf32>
        %parallel_loop3A_325 = arith.index_cast %parallel_loop3A_266 : i32 to index
        %parallel_loop3A_326 = arith.constant 112 : index
        %parallel_loop3A_327 = tpu.vector_load %arg16[%parallel_loop3A_325, %parallel_loop3A_326] {strides = array<i32>} : memref<128x128xf32, #tpu.memory_space<vmem>>, vector<16xf32>,
        tpu.vector_store %arg16[%parallel_loop3A_325, %parallel_loop3A_326], %parallel_loop3A_324 {strides = array<i32>} : memref<128x128xf32, #tpu.memory_space<vmem>>, vector<16xf32>,
        %parallel_loop3A_328 = arith.constant 8 : i32
        %parallel_loop3A_329 = arith.muli %parallel_loop3A_132, %parallel_loop3A_328 : i32
        %parallel_loop3A_330 = arith.constant 3 : i32
        %parallel_loop3A_331 = arith.addi %parallel_loop3A_329, %parallel_loop3A_330 : i32
        %parallel_loop3A_332 = arith.constant 0 : i32
        %parallel_loop3A_333 = arith.index_cast %parallel_loop3A_332 : i32 to index
        %parallel_loop3A_334 = arith.index_cast %parallel_loop3A_132 : i32 to index
        %parallel_loop3A_335 = arith.constant 48 : index
        %parallel_loop3A_336 = tpu.vector_load %arg12[%parallel_loop3A_333, %parallel_loop3A_334, %parallel_loop3A_335] {strides = array<i32>} : memref<1x16x128xf32, #tpu.memory_space<vmem>>, vector<16xf32>,
        %parallel_loop3A_337 = arith.index_cast %parallel_loop3A_331 : i32 to index
        %parallel_loop3A_338 = arith.constant 0 : index
        %parallel_loop3A_339 = tpu.vector_load %arg14[%parallel_loop3A_337, %parallel_loop3A_338] {strides = array<i32>} : memref<128x128xf32, #tpu.memory_space<vmem>>, vector<16xf32>,
        %parallel_loop3A_340 = arith.mulf %parallel_loop3A_339, %parallel_loop3A_336 : vector<16xf32>
        %parallel_loop3A_341 = arith.index_cast %parallel_loop3A_331 : i32 to index
        %parallel_loop3A_342 = arith.constant 0 : index
        %parallel_loop3A_343 = tpu.vector_load %arg16[%parallel_loop3A_341, %parallel_loop3A_342] {strides = array<i32>} : memref<128x128xf32, #tpu.memory_space<vmem>>, vector<16xf32>,
        tpu.vector_store %arg16[%parallel_loop3A_341, %parallel_loop3A_342], %parallel_loop3A_340 {strides = array<i32>} : memref<128x128xf32, #tpu.memory_space<vmem>>, vector<16xf32>,
        %parallel_loop3A_344 = arith.index_cast %parallel_loop3A_331 : i32 to index
        %parallel_loop3A_345 = arith.constant 16 : index
        %parallel_loop3A_346 = tpu.vector_load %arg14[%parallel_loop3A_344, %parallel_loop3A_345] {strides = array<i32>} : memref<128x128xf32, #tpu.memory_space<vmem>>, vector<16xf32>,
        %parallel_loop3A_347 = arith.mulf %parallel_loop3A_346, %parallel_loop3A_336 : vector<16xf32>
        %parallel_loop3A_348 = arith.index_cast %parallel_loop3A_331 : i32 to index
        %parallel_loop3A_349 = arith.constant 16 : index
        %parallel_loop3A_350 = tpu.vector_load %arg16[%parallel_loop3A_348, %parallel_loop3A_349] {strides = array<i32>} : memref<128x128xf32, #tpu.memory_space<vmem>>, vector<16xf32>,
        tpu.vector_store %arg16[%parallel_loop3A_348, %parallel_loop3A_349], %parallel_loop3A_347 {strides = array<i32>} : memref<128x128xf32, #tpu.memory_space<vmem>>, vector<16xf32>,
        %parallel_loop3A_351 = arith.index_cast %parallel_loop3A_331 : i32 to index
        %parallel_loop3A_352 = arith.constant 32 : index
        %parallel_loop3A_353 = tpu.vector_load %arg14[%parallel_loop3A_351, %parallel_loop3A_352] {strides = array<i32>} : memref<128x128xf32, #tpu.memory_space<vmem>>, vector<16xf32>,
        %parallel_loop3A_354 = arith.mulf %parallel_loop3A_353, %parallel_loop3A_336 : vector<16xf32>
        %parallel_loop3A_355 = arith.index_cast %parallel_loop3A_331 : i32 to index
        %parallel_loop3A_356 = arith.constant 32 : index
        %parallel_loop3A_357 = tpu.vector_load %arg16[%parallel_loop3A_355, %parallel_loop3A_356] {strides = array<i32>} : memref<128x128xf32, #tpu.memory_space<vmem>>, vector<16xf32>,
        tpu.vector_store %arg16[%parallel_loop3A_355, %parallel_loop3A_356], %parallel_loop3A_354 {strides = array<i32>} : memref<128x128xf32, #tpu.memory_space<vmem>>, vector<16xf32>,
        %parallel_loop3A_358 = arith.index_cast %parallel_loop3A_331 : i32 to index
        %parallel_loop3A_359 = arith.constant 48 : index
        %parallel_loop3A_360 = tpu.vector_load %arg14[%parallel_loop3A_358, %parallel_loop3A_359] {strides = array<i32>} : memref<128x128xf32, #tpu.memory_space<vmem>>, vector<16xf32>,
        %parallel_loop3A_361 = arith.mulf %parallel_loop3A_360, %parallel_loop3A_336 : vector<16xf32>
        %parallel_loop3A_362 = arith.index_cast %parallel_loop3A_331 : i32 to index
        %parallel_loop3A_363 = arith.constant 48 : index
        %parallel_loop3A_364 = tpu.vector_load %arg16[%parallel_loop3A_362, %parallel_loop3A_363] {strides = array<i32>} : memref<128x128xf32, #tpu.memory_space<vmem>>, vector<16xf32>,
        tpu.vector_store %arg16[%parallel_loop3A_362, %parallel_loop3A_363], %parallel_loop3A_361 {strides = array<i32>} : memref<128x128xf32, #tpu.memory_space<vmem>>, vector<16xf32>,
        %parallel_loop3A_365 = arith.index_cast %parallel_loop3A_331 : i32 to index
        %parallel_loop3A_366 = arith.constant 64 : index
        %parallel_loop3A_367 = tpu.vector_load %arg14[%parallel_loop3A_365, %parallel_loop3A_366] {strides = array<i32>} : memref<128x128xf32, #tpu.memory_space<vmem>>, vector<16xf32>,
        %parallel_loop3A_368 = arith.mulf %parallel_loop3A_367, %parallel_loop3A_336 : vector<16xf32>
        %parallel_loop3A_369 = arith.index_cast %parallel_loop3A_331 : i32 to index
        %parallel_loop3A_370 = arith.constant 64 : index
        %parallel_loop3A_371 = tpu.vector_load %arg16[%parallel_loop3A_369, %parallel_loop3A_370] {strides = array<i32>} : memref<128x128xf32, #tpu.memory_space<vmem>>, vector<16xf32>,
        tpu.vector_store %arg16[%parallel_loop3A_369, %parallel_loop3A_370], %parallel_loop3A_368 {strides = array<i32>} : memref<128x128xf32, #tpu.memory_space<vmem>>, vector<16xf32>,
        %parallel_loop3A_372 = arith.index_cast %parallel_loop3A_331 : i32 to index
        %parallel_loop3A_373 = arith.constant 80 : index
        %parallel_loop3A_374 = tpu.vector_load %arg14[%parallel_loop3A_372, %parallel_loop3A_373] {strides = array<i32>} : memref<128x128xf32, #tpu.memory_space<vmem>>, vector<16xf32>,
        %parallel_loop3A_375 = arith.mulf %parallel_loop3A_374, %parallel_loop3A_336 : vector<16xf32>
        %parallel_loop3A_376 = arith.index_cast %parallel_loop3A_331 : i32 to index
        %parallel_loop3A_377 = arith.constant 80 : index
        %parallel_loop3A_378 = tpu.vector_load %arg16[%parallel_loop3A_376, %parallel_loop3A_377] {strides = array<i32>} : memref<128x128xf32, #tpu.memory_space<vmem>>, vector<16xf32>,
        tpu.vector_store %arg16[%parallel_loop3A_376, %parallel_loop3A_377], %parallel_loop3A_375 {strides = array<i32>} : memref<128x128xf32, #tpu.memory_space<vmem>>, vector<16xf32>,
        %parallel_loop3A_379 = arith.index_cast %parallel_loop3A_331 : i32 to index
        %parallel_loop3A_380 = arith.constant 96 : index
        %parallel_loop3A_381 = tpu.vector_load %arg14[%parallel_loop3A_379, %parallel_loop3A_380] {strides = array<i32>} : memref<128x128xf32, #tpu.memory_space<vmem>>, vector<16xf32>,
        %parallel_loop3A_382 = arith.mulf %parallel_loop3A_381, %parallel_loop3A_336 : vector<16xf32>
        %parallel_loop3A_383 = arith.index_cast %parallel_loop3A_331 : i32 to index
        %parallel_loop3A_384 = arith.constant 96 : index
        %parallel_loop3A_385 = tpu.vector_load %arg16[%parallel_loop3A_383, %parallel_loop3A_384] {strides = array<i32>} : memref<128x128xf32, #tpu.memory_space<vmem>>, vector<16xf32>,
        tpu.vector_store %arg16[%parallel_loop3A_383, %parallel_loop3A_384], %parallel_loop3A_382 {strides = array<i32>} : memref<128x128xf32, #tpu.memory_space<vmem>>, vector<16xf32>,
        %parallel_loop3A_386 = arith.index_cast %parallel_loop3A_331 : i32 to index
        %parallel_loop3A_387 = arith.constant 112 : index
        %parallel_loop3A_388 = tpu.vector_load %arg14[%parallel_loop3A_386, %parallel_loop3A_387] {strides = array<i32>} : memref<128x128xf32, #tpu.memory_space<vmem>>, vector<16xf32>,
        %parallel_loop3A_389 = arith.mulf %parallel_loop3A_388, %parallel_loop3A_336 : vector<16xf32>
        %parallel_loop3A_390 = arith.index_cast %parallel_loop3A_331 : i32 to index
        %parallel_loop3A_391 = arith.constant 112 : index
        %parallel_loop3A_392 = tpu.vector_load %arg16[%parallel_loop3A_390, %parallel_loop3A_391] {strides = array<i32>} : memref<128x128xf32, #tpu.memory_space<vmem>>, vector<16xf32>,
        tpu.vector_store %arg16[%parallel_loop3A_390, %parallel_loop3A_391], %parallel_loop3A_389 {strides = array<i32>} : memref<128x128xf32, #tpu.memory_space<vmem>>, vector<16xf32>,
        %parallel_loop3A_393 = arith.constant 8 : i32
        %parallel_loop3A_394 = arith.muli %parallel_loop3A_132, %parallel_loop3A_393 : i32
        %parallel_loop3A_395 = arith.constant 4 : i32
        %parallel_loop3A_396 = arith.addi %parallel_loop3A_394, %parallel_loop3A_395 : i32
        %parallel_loop3A_397 = arith.constant 0 : i32
        %parallel_loop3A_398 = arith.index_cast %parallel_loop3A_397 : i32 to index
        %parallel_loop3A_399 = arith.index_cast %parallel_loop3A_132 : i32 to index
        %parallel_loop3A_400 = arith.constant 64 : index
        %parallel_loop3A_401 = tpu.vector_load %arg12[%parallel_loop3A_398, %parallel_loop3A_399, %parallel_loop3A_400] {strides = array<i32>} : memref<1x16x128xf32, #tpu.memory_space<vmem>>, vector<16xf32>,
        %parallel_loop3A_402 = arith.index_cast %parallel_loop3A_396 : i32 to index
        %parallel_loop3A_403 = arith.constant 0 : index
        %parallel_loop3A_404 = tpu.vector_load %arg14[%parallel_loop3A_402, %parallel_loop3A_403] {strides = array<i32>} : memref<128x128xf32, #tpu.memory_space<vmem>>, vector<16xf32>,
        %parallel_loop3A_405 = arith.mulf %parallel_loop3A_404, %parallel_loop3A_401 : vector<16xf32>
        %parallel_loop3A_406 = arith.index_cast %parallel_loop3A_396 : i32 to index
        %parallel_loop3A_407 = arith.constant 0 : index
        %parallel_loop3A_408 = tpu.vector_load %arg16[%parallel_loop3A_406, %parallel_loop3A_407] {strides = array<i32>} : memref<128x128xf32, #tpu.memory_space<vmem>>, vector<16xf32>,
        tpu.vector_store %arg16[%parallel_loop3A_406, %parallel_loop3A_407], %parallel_loop3A_405 {strides = array<i32>} : memref<128x128xf32, #tpu.memory_space<vmem>>, vector<16xf32>,
        %parallel_loop3A_409 = arith.index_cast %parallel_loop3A_396 : i32 to index
        %parallel_loop3A_410 = arith.constant 16 : index
        %parallel_loop3A_411 = tpu.vector_load %arg14[%parallel_loop3A_409, %parallel_loop3A_410] {strides = array<i32>} : memref<128x128xf32, #tpu.memory_space<vmem>>, vector<16xf32>,
        %parallel_loop3A_412 = arith.mulf %parallel_loop3A_411, %parallel_loop3A_401 : vector<16xf32>
        %parallel_loop3A_413 = arith.index_cast %parallel_loop3A_396 : i32 to index
        %parallel_loop3A_414 = arith.constant 16 : index
        %parallel_loop3A_415 = tpu.vector_load %arg16[%parallel_loop3A_413, %parallel_loop3A_414] {strides = array<i32>} : memref<128x128xf32, #tpu.memory_space<vmem>>, vector<16xf32>,
        tpu.vector_store %arg16[%parallel_loop3A_413, %parallel_loop3A_414], %parallel_loop3A_412 {strides = array<i32>} : memref<128x128xf32, #tpu.memory_space<vmem>>, vector<16xf32>,
        %parallel_loop3A_416 = arith.index_cast %parallel_loop3A_396 : i32 to index
        %parallel_loop3A_417 = arith.constant 32 : index
        %parallel_loop3A_418 = tpu.vector_load %arg14[%parallel_loop3A_416, %parallel_loop3A_417] {strides = array<i32>} : memref<128x128xf32, #tpu.memory_space<vmem>>, vector<16xf32>,
        %parallel_loop3A_419 = arith.mulf %parallel_loop3A_418, %parallel_loop3A_401 : vector<16xf32>
        %parallel_loop3A_420 = arith.index_cast %parallel_loop3A_396 : i32 to index
        %parallel_loop3A_421 = arith.constant 32 : index
        %parallel_loop3A_422 = tpu.vector_load %arg16[%parallel_loop3A_420, %parallel_loop3A_421] {strides = array<i32>} : memref<128x128xf32, #tpu.memory_space<vmem>>, vector<16xf32>,
        tpu.vector_store %arg16[%parallel_loop3A_420, %parallel_loop3A_421], %parallel_loop3A_419 {strides = array<i32>} : memref<128x128xf32, #tpu.memory_space<vmem>>, vector<16xf32>,
        %parallel_loop3A_423 = arith.index_cast %parallel_loop3A_396 : i32 to index
        %parallel_loop3A_424 = arith.constant 48 : index
        %parallel_loop3A_425 = tpu.vector_load %arg14[%parallel_loop3A_423, %parallel_loop3A_424] {strides = array<i32>} : memref<128x128xf32, #tpu.memory_space<vmem>>, vector<16xf32>,
        %parallel_loop3A_426 = arith.mulf %parallel_loop3A_425, %parallel_loop3A_401 : vector<16xf32>
        %parallel_loop3A_427 = arith.index_cast %parallel_loop3A_396 : i32 to index
        %parallel_loop3A_428 = arith.constant 48 : index
        %parallel_loop3A_429 = tpu.vector_load %arg16[%parallel_loop3A_427, %parallel_loop3A_428] {strides = array<i32>} : memref<128x128xf32, #tpu.memory_space<vmem>>, vector<16xf32>,
        tpu.vector_store %arg16[%parallel_loop3A_427, %parallel_loop3A_428], %parallel_loop3A_426 {strides = array<i32>} : memref<128x128xf32, #tpu.memory_space<vmem>>, vector<16xf32>,
        %parallel_loop3A_430 = arith.index_cast %parallel_loop3A_396 : i32 to index
        %parallel_loop3A_431 = arith.constant 64 : index
        %parallel_loop3A_432 = tpu.vector_load %arg14[%parallel_loop3A_430, %parallel_loop3A_431] {strides = array<i32>} : memref<128x128xf32, #tpu.memory_space<vmem>>, vector<16xf32>,
        %parallel_loop3A_433 = arith.mulf %parallel_loop3A_432, %parallel_loop3A_401 : vector<16xf32>
        %parallel_loop3A_434 = arith.index_cast %parallel_loop3A_396 : i32 to index
        %parallel_loop3A_435 = arith.constant 64 : index
        %parallel_loop3A_436 = tpu.vector_load %arg16[%parallel_loop3A_434, %parallel_loop3A_435] {strides = array<i32>} : memref<128x128xf32, #tpu.memory_space<vmem>>, vector<16xf32>,
        tpu.vector_store %arg16[%parallel_loop3A_434, %parallel_loop3A_435], %parallel_loop3A_433 {strides = array<i32>} : memref<128x128xf32, #tpu.memory_space<vmem>>, vector<16xf32>,
        %parallel_loop3A_437 = arith.index_cast %parallel_loop3A_396 : i32 to index
        %parallel_loop3A_438 = arith.constant 80 : index
        %parallel_loop3A_439 = tpu.vector_load %arg14[%parallel_loop3A_437, %parallel_loop3A_438] {strides = array<i32>} : memref<128x128xf32, #tpu.memory_space<vmem>>, vector<16xf32>,
        %parallel_loop3A_440 = arith.mulf %parallel_loop3A_439, %parallel_loop3A_401 : vector<16xf32>
        %parallel_loop3A_441 = arith.index_cast %parallel_loop3A_396 : i32 to index
        %parallel_loop3A_442 = arith.constant 80 : index
        %parallel_loop3A_443 = tpu.vector_load %arg16[%parallel_loop3A_441, %parallel_loop3A_442] {strides = array<i32>} : memref<128x128xf32, #tpu.memory_space<vmem>>, vector<16xf32>,
        tpu.vector_store %arg16[%parallel_loop3A_441, %parallel_loop3A_442], %parallel_loop3A_440 {strides = array<i32>} : memref<128x128xf32, #tpu.memory_space<vmem>>, vector<16xf32>,
        %parallel_loop3A_444 = arith.index_cast %parallel_loop3A_396 : i32 to index
        %parallel_loop3A_445 = arith.constant 96 : index
        %parallel_loop3A_446 = tpu.vector_load %arg14[%parallel_loop3A_444, %parallel_loop3A_445] {strides = array<i32>} : memref<128x128xf32, #tpu.memory_space<vmem>>, vector<16xf32>,
        %parallel_loop3A_447 = arith.mulf %parallel_loop3A_446, %parallel_loop3A_401 : vector<16xf32>
        %parallel_loop3A_448 = arith.index_cast %parallel_loop3A_396 : i32 to index
        %parallel_loop3A_449 = arith.constant 96 : index
        %parallel_loop3A_450 = tpu.vector_load %arg16[%parallel_loop3A_448, %parallel_loop3A_449] {strides = array<i32>} : memref<128x128xf32, #tpu.memory_space<vmem>>, vector<16xf32>,
        tpu.vector_store %arg16[%parallel_loop3A_448, %parallel_loop3A_449], %parallel_loop3A_447 {strides = array<i32>} : memref<128x128xf32, #tpu.memory_space<vmem>>, vector<16xf32>,
        %parallel_loop3A_451 = arith.index_cast %parallel_loop3A_396 : i32 to index
        %parallel_loop3A_452 = arith.constant 112 : index
        %parallel_loop3A_453 = tpu.vector_load %arg14[%parallel_loop3A_451, %parallel_loop3A_452] {strides = array<i32>} : memref<128x128xf32, #tpu.memory_space<vmem>>, vector<16xf32>,
        %parallel_loop3A_454 = arith.mulf %parallel_loop3A_453, %parallel_loop3A_401 : vector<16xf32>
        %parallel_loop3A_455 = arith.index_cast %parallel_loop3A_396 : i32 to index
        %parallel_loop3A_456 = arith.constant 112 : index
        %parallel_loop3A_457 = tpu.vector_load %arg16[%parallel_loop3A_455, %parallel_loop3A_456] {strides = array<i32>} : memref<128x128xf32, #tpu.memory_space<vmem>>, vector<16xf32>,
        tpu.vector_store %arg16[%parallel_loop3A_455, %parallel_loop3A_456], %parallel_loop3A_454 {strides = array<i32>} : memref<128x128xf32, #tpu.memory_space<vmem>>, vector<16xf32>,
        %parallel_loop3A_458 = arith.constant 8 : i32
        %parallel_loop3A_459 = arith.muli %parallel_loop3A_132, %parallel_loop3A_458 : i32
        %parallel_loop3A_460 = arith.constant 5 : i32
        %parallel_loop3A_461 = arith.addi %parallel_loop3A_459, %parallel_loop3A_460 : i32
        %parallel_loop3A_462 = arith.constant 0 : i32
        %parallel_loop3A_463 = arith.index_cast %parallel_loop3A_462 : i32 to index
        %parallel_loop3A_464 = arith.index_cast %parallel_loop3A_132 : i32 to index
        %parallel_loop3A_465 = arith.constant 80 : index
        %parallel_loop3A_466 = tpu.vector_load %arg12[%parallel_loop3A_463, %parallel_loop3A_464, %parallel_loop3A_465] {strides = array<i32>} : memref<1x16x128xf32, #tpu.memory_space<vmem>>, vector<16xf32>,
        %parallel_loop3A_467 = arith.index_cast %parallel_loop3A_461 : i32 to index
        %parallel_loop3A_468 = arith.constant 0 : index
        %parallel_loop3A_469 = tpu.vector_load %arg14[%parallel_loop3A_467, %parallel_loop3A_468] {strides = array<i32>} : memref<128x128xf32, #tpu.memory_space<vmem>>, vector<16xf32>,
        %parallel_loop3A_470 = arith.mulf %parallel_loop3A_469, %parallel_loop3A_466 : vector<16xf32>
        %parallel_loop3A_471 = arith.index_cast %parallel_loop3A_461 : i32 to index
        %parallel_loop3A_472 = arith.constant 0 : index
        %parallel_loop3A_473 = tpu.vector_load %arg16[%parallel_loop3A_471, %parallel_loop3A_472] {strides = array<i32>} : memref<128x128xf32, #tpu.memory_space<vmem>>, vector<16xf32>,
        tpu.vector_store %arg16[%parallel_loop3A_471, %parallel_loop3A_472], %parallel_loop3A_470 {strides = array<i32>} : memref<128x128xf32, #tpu.memory_space<vmem>>, vector<16xf32>,
        %parallel_loop3A_474 = arith.index_cast %parallel_loop3A_461 : i32 to index
        %parallel_loop3A_475 = arith.constant 16 : index
        %parallel_loop3A_476 = tpu.vector_load %arg14[%parallel_loop3A_474, %parallel_loop3A_475] {strides = array<i32>} : memref<128x128xf32, #tpu.memory_space<vmem>>, vector<16xf32>,
        %parallel_loop3A_477 = arith.mulf %parallel_loop3A_476, %parallel_loop3A_466 : vector<16xf32>
        %parallel_loop3A_478 = arith.index_cast %parallel_loop3A_461 : i32 to index
        %parallel_loop3A_479 = arith.constant 16 : index
        %parallel_loop3A_480 = tpu.vector_load %arg16[%parallel_loop3A_478, %parallel_loop3A_479] {strides = array<i32>} : memref<128x128xf32, #tpu.memory_space<vmem>>, vector<16xf32>,
        tpu.vector_store %arg16[%parallel_loop3A_478, %parallel_loop3A_479], %parallel_loop3A_477 {strides = array<i32>} : memref<128x128xf32, #tpu.memory_space<vmem>>, vector<16xf32>,
        %parallel_loop3A_481 = arith.index_cast %parallel_loop3A_461 : i32 to index
        %parallel_loop3A_482 = arith.constant 32 : index
        %parallel_loop3A_483 = tpu.vector_load %arg14[%parallel_loop3A_481, %parallel_loop3A_482] {strides = array<i32>} : memref<128x128xf32, #tpu.memory_space<vmem>>, vector<16xf32>,
        %parallel_loop3A_484 = arith.mulf %parallel_loop3A_483, %parallel_loop3A_466 : vector<16xf32>
        %parallel_loop3A_485 = arith.index_cast %parallel_loop3A_461 : i32 to index
        %parallel_loop3A_486 = arith.constant 32 : index
        %parallel_loop3A_487 = tpu.vector_load %arg16[%parallel_loop3A_485, %parallel_loop3A_486] {strides = array<i32>} : memref<128x128xf32, #tpu.memory_space<vmem>>, vector<16xf32>,
        tpu.vector_store %arg16[%parallel_loop3A_485, %parallel_loop3A_486], %parallel_loop3A_484 {strides = array<i32>} : memref<128x128xf32, #tpu.memory_space<vmem>>, vector<16xf32>,
        %parallel_loop3A_488 = arith.index_cast %parallel_loop3A_461 : i32 to index
        %parallel_loop3A_489 = arith.constant 48 : index
        %parallel_loop3A_490 = tpu.vector_load %arg14[%parallel_loop3A_488, %parallel_loop3A_489] {strides = array<i32>} : memref<128x128xf32, #tpu.memory_space<vmem>>, vector<16xf32>,
        %parallel_loop3A_491 = arith.mulf %parallel_loop3A_490, %parallel_loop3A_466 : vector<16xf32>
        %parallel_loop3A_492 = arith.index_cast %parallel_loop3A_461 : i32 to index
        %parallel_loop3A_493 = arith.constant 48 : index
        %parallel_loop3A_494 = tpu.vector_load %arg16[%parallel_loop3A_492, %parallel_loop3A_493] {strides = array<i32>} : memref<128x128xf32, #tpu.memory_space<vmem>>, vector<16xf32>,
        tpu.vector_store %arg16[%parallel_loop3A_492, %parallel_loop3A_493], %parallel_loop3A_491 {strides = array<i32>} : memref<128x128xf32, #tpu.memory_space<vmem>>, vector<16xf32>,
        %parallel_loop3A_495 = arith.index_cast %parallel_loop3A_461 : i32 to index
        %parallel_loop3A_496 = arith.constant 64 : index
        %parallel_loop3A_497 = tpu.vector_load %arg14[%parallel_loop3A_495, %parallel_loop3A_496] {strides = array<i32>} : memref<128x128xf32, #tpu.memory_space<vmem>>, vector<16xf32>,
        %parallel_loop3A_498 = arith.mulf %parallel_loop3A_497, %parallel_loop3A_466 : vector<16xf32>
        %parallel_loop3A_499 = arith.index_cast %parallel_loop3A_461 : i32 to index
        %parallel_loop3A_500 = arith.constant 64 : index
        %parallel_loop3A_501 = tpu.vector_load %arg16[%parallel_loop3A_499, %parallel_loop3A_500] {strides = array<i32>} : memref<128x128xf32, #tpu.memory_space<vmem>>, vector<16xf32>,
        tpu.vector_store %arg16[%parallel_loop3A_499, %parallel_loop3A_500], %parallel_loop3A_498 {strides = array<i32>} : memref<128x128xf32, #tpu.memory_space<vmem>>, vector<16xf32>,
        %parallel_loop3A_502 = arith.index_cast %parallel_loop3A_461 : i32 to index
        %parallel_loop3A_503 = arith.constant 80 : index
        %parallel_loop3A_504 = tpu.vector_load %arg14[%parallel_loop3A_502, %parallel_loop3A_503] {strides = array<i32>} : memref<128x128xf32, #tpu.memory_space<vmem>>, vector<16xf32>,
        %parallel_loop3A_505 = arith.mulf %parallel_loop3A_504, %parallel_loop3A_466 : vector<16xf32>
        %parallel_loop3A_506 = arith.index_cast %parallel_loop3A_461 : i32 to index
        %parallel_loop3A_507 = arith.constant 80 : index
        %parallel_loop3A_508 = tpu.vector_load %arg16[%parallel_loop3A_506, %parallel_loop3A_507] {strides = array<i32>} : memref<128x128xf32, #tpu.memory_space<vmem>>, vector<16xf32>,
        tpu.vector_store %arg16[%parallel_loop3A_506, %parallel_loop3A_507], %parallel_loop3A_505 {strides = array<i32>} : memref<128x128xf32, #tpu.memory_space<vmem>>, vector<16xf32>,
        %parallel_loop3A_509 = arith.index_cast %parallel_loop3A_461 : i32 to index
        %parallel_loop3A_510 = arith.constant 96 : index
        %parallel_loop3A_511 = tpu.vector_load %arg14[%parallel_loop3A_509, %parallel_loop3A_510] {strides = array<i32>} : memref<128x128xf32, #tpu.memory_space<vmem>>, vector<16xf32>,
        %parallel_loop3A_512 = arith.mulf %parallel_loop3A_511, %parallel_loop3A_466 : vector<16xf32>
        %parallel_loop3A_513 = arith.index_cast %parallel_loop3A_461 : i32 to index
        %parallel_loop3A_514 = arith.constant 96 : index
        %parallel_loop3A_515 = tpu.vector_load %arg16[%parallel_loop3A_513, %parallel_loop3A_514] {strides = array<i32>} : memref<128x128xf32, #tpu.memory_space<vmem>>, vector<16xf32>,
        tpu.vector_store %arg16[%parallel_loop3A_513, %parallel_loop3A_514], %parallel_loop3A_512 {strides = array<i32>} : memref<128x128xf32, #tpu.memory_space<vmem>>, vector<16xf32>,
        %parallel_loop3A_516 = arith.index_cast %parallel_loop3A_461 : i32 to index
        %parallel_loop3A_517 = arith.constant 112 : index
        %parallel_loop3A_518 = tpu.vector_load %arg14[%parallel_loop3A_516, %parallel_loop3A_517] {strides = array<i32>} : memref<128x128xf32, #tpu.memory_space<vmem>>, vector<16xf32>,
        %parallel_loop3A_519 = arith.mulf %parallel_loop3A_518, %parallel_loop3A_466 : vector<16xf32>
        %parallel_loop3A_520 = arith.index_cast %parallel_loop3A_461 : i32 to index
        %parallel_loop3A_521 = arith.constant 112 : index
        %parallel_loop3A_522 = tpu.vector_load %arg16[%parallel_loop3A_520, %parallel_loop3A_521] {strides = array<i32>} : memref<128x128xf32, #tpu.memory_space<vmem>>, vector<16xf32>,
        tpu.vector_store %arg16[%parallel_loop3A_520, %parallel_loop3A_521], %parallel_loop3A_519 {strides = array<i32>} : memref<128x128xf32, #tpu.memory_space<vmem>>, vector<16xf32>,
        %parallel_loop3A_523 = arith.constant 8 : i32
        %parallel_loop3A_524 = arith.muli %parallel_loop3A_132, %parallel_loop3A_523 : i32
        %parallel_loop3A_525 = arith.constant 6 : i32
        %parallel_loop3A_526 = arith.addi %parallel_loop3A_524, %parallel_loop3A_525 : i32
        %parallel_loop3A_527 = arith.constant 0 : i32
        %parallel_loop3A_528 = arith.index_cast %parallel_loop3A_527 : i32 to index
        %parallel_loop3A_529 = arith.index_cast %parallel_loop3A_132 : i32 to index
        %parallel_loop3A_530 = arith.constant 96 : index
        %parallel_loop3A_531 = tpu.vector_load %arg12[%parallel_loop3A_528, %parallel_loop3A_529, %parallel_loop3A_530] {strides = array<i32>} : memref<1x16x128xf32, #tpu.memory_space<vmem>>, vector<16xf32>,
        %parallel_loop3A_532 = arith.index_cast %parallel_loop3A_526 : i32 to index
        %parallel_loop3A_533 = arith.constant 0 : index
        %parallel_loop3A_534 = tpu.vector_load %arg14[%parallel_loop3A_532, %parallel_loop3A_533] {strides = array<i32>} : memref<128x128xf32, #tpu.memory_space<vmem>>, vector<16xf32>,
        %parallel_loop3A_535 = arith.mulf %parallel_loop3A_534, %parallel_loop3A_531 : vector<16xf32>
        %parallel_loop3A_536 = arith.index_cast %parallel_loop3A_526 : i32 to index
        %parallel_loop3A_537 = arith.constant 0 : index
        %parallel_loop3A_538 = tpu.vector_load %arg16[%parallel_loop3A_536, %parallel_loop3A_537] {strides = array<i32>} : memref<128x128xf32, #tpu.memory_space<vmem>>, vector<16xf32>,
        tpu.vector_store %arg16[%parallel_loop3A_536, %parallel_loop3A_537], %parallel_loop3A_535 {strides = array<i32>} : memref<128x128xf32, #tpu.memory_space<vmem>>, vector<16xf32>,
        %parallel_loop3A_539 = arith.index_cast %parallel_loop3A_526 : i32 to index
        %parallel_loop3A_540 = arith.constant 16 : index
        %parallel_loop3A_541 = tpu.vector_load %arg14[%parallel_loop3A_539, %parallel_loop3A_540] {strides = array<i32>} : memref<128x128xf32, #tpu.memory_space<vmem>>, vector<16xf32>,
        %parallel_loop3A_542 = arith.mulf %parallel_loop3A_541, %parallel_loop3A_531 : vector<16xf32>
        %parallel_loop3A_543 = arith.index_cast %parallel_loop3A_526 : i32 to index
        %parallel_loop3A_544 = arith.constant 16 : index
        %parallel_loop3A_545 = tpu.vector_load %arg16[%parallel_loop3A_543, %parallel_loop3A_544] {strides = array<i32>} : memref<128x128xf32, #tpu.memory_space<vmem>>, vector<16xf32>,
        tpu.vector_store %arg16[%parallel_loop3A_543, %parallel_loop3A_544], %parallel_loop3A_542 {strides = array<i32>} : memref<128x128xf32, #tpu.memory_space<vmem>>, vector<16xf32>,
        %parallel_loop3A_546 = arith.index_cast %parallel_loop3A_526 : i32 to index
        %parallel_loop3A_547 = arith.constant 32 : index
        %parallel_loop3A_548 = tpu.vector_load %arg14[%parallel_loop3A_546, %parallel_loop3A_547] {strides = array<i32>} : memref<128x128xf32, #tpu.memory_space<vmem>>, vector<16xf32>,
        %parallel_loop3A_549 = arith.mulf %parallel_loop3A_548, %parallel_loop3A_531 : vector<16xf32>
        %parallel_loop3A_550 = arith.index_cast %parallel_loop3A_526 : i32 to index
        %parallel_loop3A_551 = arith.constant 32 : index
        %parallel_loop3A_552 = tpu.vector_load %arg16[%parallel_loop3A_550, %parallel_loop3A_551] {strides = array<i32>} : memref<128x128xf32, #tpu.memory_space<vmem>>, vector<16xf32>,
        tpu.vector_store %arg16[%parallel_loop3A_550, %parallel_loop3A_551], %parallel_loop3A_549 {strides = array<i32>} : memref<128x128xf32, #tpu.memory_space<vmem>>, vector<16xf32>,
        %parallel_loop3A_553 = arith.index_cast %parallel_loop3A_526 : i32 to index
        %parallel_loop3A_554 = arith.constant 48 : index
        %parallel_loop3A_555 = tpu.vector_load %arg14[%parallel_loop3A_553, %parallel_loop3A_554] {strides = array<i32>} : memref<128x128xf32, #tpu.memory_space<vmem>>, vector<16xf32>,
        %parallel_loop3A_556 = arith.mulf %parallel_loop3A_555, %parallel_loop3A_531 : vector<16xf32>
        %parallel_loop3A_557 = arith.index_cast %parallel_loop3A_526 : i32 to index
        %parallel_loop3A_558 = arith.constant 48 : index
        %parallel_loop3A_559 = tpu.vector_load %arg16[%parallel_loop3A_557, %parallel_loop3A_558] {strides = array<i32>} : memref<128x128xf32, #tpu.memory_space<vmem>>, vector<16xf32>,
        tpu.vector_store %arg16[%parallel_loop3A_557, %parallel_loop3A_558], %parallel_loop3A_556 {strides = array<i32>} : memref<128x128xf32, #tpu.memory_space<vmem>>, vector<16xf32>,
        %parallel_loop3A_560 = arith.index_cast %parallel_loop3A_526 : i32 to index
        %parallel_loop3A_561 = arith.constant 64 : index
        %parallel_loop3A_562 = tpu.vector_load %arg14[%parallel_loop3A_560, %parallel_loop3A_561] {strides = array<i32>} : memref<128x128xf32, #tpu.memory_space<vmem>>, vector<16xf32>,
        %parallel_loop3A_563 = arith.mulf %parallel_loop3A_562, %parallel_loop3A_531 : vector<16xf32>
        %parallel_loop3A_564 = arith.index_cast %parallel_loop3A_526 : i32 to index
        %parallel_loop3A_565 = arith.constant 64 : index
        %parallel_loop3A_566 = tpu.vector_load %arg16[%parallel_loop3A_564, %parallel_loop3A_565] {strides = array<i32>} : memref<128x128xf32, #tpu.memory_space<vmem>>, vector<16xf32>,
        tpu.vector_store %arg16[%parallel_loop3A_564, %parallel_loop3A_565], %parallel_loop3A_563 {strides = array<i32>} : memref<128x128xf32, #tpu.memory_space<vmem>>, vector<16xf32>,
        %parallel_loop3A_567 = arith.index_cast %parallel_loop3A_526 : i32 to index
        %parallel_loop3A_568 = arith.constant 80 : index
        %parallel_loop3A_569 = tpu.vector_load %arg14[%parallel_loop3A_567, %parallel_loop3A_568] {strides = array<i32>} : memref<128x128xf32, #tpu.memory_space<vmem>>, vector<16xf32>,
        %parallel_loop3A_570 = arith.mulf %parallel_loop3A_569, %parallel_loop3A_531 : vector<16xf32>
        %parallel_loop3A_571 = arith.index_cast %parallel_loop3A_526 : i32 to index
        %parallel_loop3A_572 = arith.constant 80 : index
        %parallel_loop3A_573 = tpu.vector_load %arg16[%parallel_loop3A_571, %parallel_loop3A_572] {strides = array<i32>} : memref<128x128xf32, #tpu.memory_space<vmem>>, vector<16xf32>,
        tpu.vector_store %arg16[%parallel_loop3A_571, %parallel_loop3A_572], %parallel_loop3A_570 {strides = array<i32>} : memref<128x128xf32, #tpu.memory_space<vmem>>, vector<16xf32>,
        %parallel_loop3A_574 = arith.index_cast %parallel_loop3A_526 : i32 to index
        %parallel_loop3A_575 = arith.constant 96 : index
        %parallel_loop3A_576 = tpu.vector_load %arg14[%parallel_loop3A_574, %parallel_loop3A_575] {strides = array<i32>} : memref<128x128xf32, #tpu.memory_space<vmem>>, vector<16xf32>,
        %parallel_loop3A_577 = arith.mulf %parallel_loop3A_576, %parallel_loop3A_531 : vector<16xf32>
        %parallel_loop3A_578 = arith.index_cast %parallel_loop3A_526 : i32 to index
        %parallel_loop3A_579 = arith.constant 96 : index
        %parallel_loop3A_580 = tpu.vector_load %arg16[%parallel_loop3A_578, %parallel_loop3A_579] {strides = array<i32>} : memref<128x128xf32, #tpu.memory_space<vmem>>, vector<16xf32>,
        tpu.vector_store %arg16[%parallel_loop3A_578, %parallel_loop3A_579], %parallel_loop3A_577 {strides = array<i32>} : memref<128x128xf32, #tpu.memory_space<vmem>>, vector<16xf32>,
        %parallel_loop3A_581 = arith.index_cast %parallel_loop3A_526 : i32 to index
        %parallel_loop3A_582 = arith.constant 112 : index
        %parallel_loop3A_583 = tpu.vector_load %arg14[%parallel_loop3A_581, %parallel_loop3A_582] {strides = array<i32>} : memref<128x128xf32, #tpu.memory_space<vmem>>, vector<16xf32>,
        %parallel_loop3A_584 = arith.mulf %parallel_loop3A_583, %parallel_loop3A_531 : vector<16xf32>
        %parallel_loop3A_585 = arith.index_cast %parallel_loop3A_526 : i32 to index
        %parallel_loop3A_586 = arith.constant 112 : index
        %parallel_loop3A_587 = tpu.vector_load %arg16[%parallel_loop3A_585, %parallel_loop3A_586] {strides = array<i32>} : memref<128x128xf32, #tpu.memory_space<vmem>>, vector<16xf32>,
        tpu.vector_store %arg16[%parallel_loop3A_585, %parallel_loop3A_586], %parallel_loop3A_584 {strides = array<i32>} : memref<128x128xf32, #tpu.memory_space<vmem>>, vector<16xf32>,
        %parallel_loop3A_588 = arith.constant 8 : i32
        %parallel_loop3A_589 = arith.muli %parallel_loop3A_132, %parallel_loop3A_588 : i32
        %parallel_loop3A_590 = arith.constant 7 : i32
        %parallel_loop3A_591 = arith.addi %parallel_loop3A_589, %parallel_loop3A_590 : i32
        %parallel_loop3A_592 = arith.constant 0 : i32
        %parallel_loop3A_593 = arith.index_cast %parallel_loop3A_592 : i32 to index
        %parallel_loop3A_594 = arith.index_cast %parallel_loop3A_132 : i32 to index
        %parallel_loop3A_595 = arith.constant 112 : index
        %parallel_loop3A_596 = tpu.vector_load %arg12[%parallel_loop3A_593, %parallel_loop3A_594, %parallel_loop3A_595] {strides = array<i32>} : memref<1x16x128xf32, #tpu.memory_space<vmem>>, vector<16xf32>,
        %parallel_loop3A_597 = arith.index_cast %parallel_loop3A_591 : i32 to index
        %parallel_loop3A_598 = arith.constant 0 : index
        %parallel_loop3A_599 = tpu.vector_load %arg14[%parallel_loop3A_597, %parallel_loop3A_598] {strides = array<i32>} : memref<128x128xf32, #tpu.memory_space<vmem>>, vector<16xf32>,
        %parallel_loop3A_600 = arith.mulf %parallel_loop3A_599, %parallel_loop3A_596 : vector<16xf32>
        %parallel_loop3A_601 = arith.index_cast %parallel_loop3A_591 : i32 to index
        %parallel_loop3A_602 = arith.constant 0 : index
        %parallel_loop3A_603 = tpu.vector_load %arg16[%parallel_loop3A_601, %parallel_loop3A_602] {strides = array<i32>} : memref<128x128xf32, #tpu.memory_space<vmem>>, vector<16xf32>,
        tpu.vector_store %arg16[%parallel_loop3A_601, %parallel_loop3A_602], %parallel_loop3A_600 {strides = array<i32>} : memref<128x128xf32, #tpu.memory_space<vmem>>, vector<16xf32>,
        %parallel_loop3A_604 = arith.index_cast %parallel_loop3A_591 : i32 to index
        %parallel_loop3A_605 = arith.constant 16 : index
        %parallel_loop3A_606 = tpu.vector_load %arg14[%parallel_loop3A_604, %parallel_loop3A_605] {strides = array<i32>} : memref<128x128xf32, #tpu.memory_space<vmem>>, vector<16xf32>,
        %parallel_loop3A_607 = arith.mulf %parallel_loop3A_606, %parallel_loop3A_596 : vector<16xf32>
        %parallel_loop3A_608 = arith.index_cast %parallel_loop3A_591 : i32 to index
        %parallel_loop3A_609 = arith.constant 16 : index
        %parallel_loop3A_610 = tpu.vector_load %arg16[%parallel_loop3A_608, %parallel_loop3A_609] {strides = array<i32>} : memref<128x128xf32, #tpu.memory_space<vmem>>, vector<16xf32>,
        tpu.vector_store %arg16[%parallel_loop3A_608, %parallel_loop3A_609], %parallel_loop3A_607 {strides = array<i32>} : memref<128x128xf32, #tpu.memory_space<vmem>>, vector<16xf32>,
        %parallel_loop3A_611 = arith.index_cast %parallel_loop3A_591 : i32 to index
        %parallel_loop3A_612 = arith.constant 32 : index
        %parallel_loop3A_613 = tpu.vector_load %arg14[%parallel_loop3A_611, %parallel_loop3A_612] {strides = array<i32>} : memref<128x128xf32, #tpu.memory_space<vmem>>, vector<16xf32>,
        %parallel_loop3A_614 = arith.mulf %parallel_loop3A_613, %parallel_loop3A_596 : vector<16xf32>
        %parallel_loop3A_615 = arith.index_cast %parallel_loop3A_591 : i32 to index
        %parallel_loop3A_616 = arith.constant 32 : index
        %parallel_loop3A_617 = tpu.vector_load %arg16[%parallel_loop3A_615, %parallel_loop3A_616] {strides = array<i32>} : memref<128x128xf32, #tpu.memory_space<vmem>>, vector<16xf32>,
        tpu.vector_store %arg16[%parallel_loop3A_615, %parallel_loop3A_616], %parallel_loop3A_614 {strides = array<i32>} : memref<128x128xf32, #tpu.memory_space<vmem>>, vector<16xf32>,
        %parallel_loop3A_618 = arith.index_cast %parallel_loop3A_591 : i32 to index
        %parallel_loop3A_619 = arith.constant 48 : index
        %parallel_loop3A_620 = tpu.vector_load %arg14[%parallel_loop3A_618, %parallel_loop3A_619] {strides = array<i32>} : memref<128x128xf32, #tpu.memory_space<vmem>>, vector<16xf32>,
        %parallel_loop3A_621 = arith.mulf %parallel_loop3A_620, %parallel_loop3A_596 : vector<16xf32>
        %parallel_loop3A_622 = arith.index_cast %parallel_loop3A_591 : i32 to index
        %parallel_loop3A_623 = arith.constant 48 : index
        %parallel_loop3A_624 = tpu.vector_load %arg16[%parallel_loop3A_622, %parallel_loop3A_623] {strides = array<i32>} : memref<128x128xf32, #tpu.memory_space<vmem>>, vector<16xf32>,
        tpu.vector_store %arg16[%parallel_loop3A_622, %parallel_loop3A_623], %parallel_loop3A_621 {strides = array<i32>} : memref<128x128xf32, #tpu.memory_space<vmem>>, vector<16xf32>,
        %parallel_loop3A_625 = arith.index_cast %parallel_loop3A_591 : i32 to index
        %parallel_loop3A_626 = arith.constant 64 : index
        %parallel_loop3A_627 = tpu.vector_load %arg14[%parallel_loop3A_625, %parallel_loop3A_626] {strides = array<i32>} : memref<128x128xf32, #tpu.memory_space<vmem>>, vector<16xf32>,
        %parallel_loop3A_628 = arith.mulf %parallel_loop3A_627, %parallel_loop3A_596 : vector<16xf32>
        %parallel_loop3A_629 = arith.index_cast %parallel_loop3A_591 : i32 to index
        %parallel_loop3A_630 = arith.constant 64 : index
        %parallel_loop3A_631 = tpu.vector_load %arg16[%parallel_loop3A_629, %parallel_loop3A_630] {strides = array<i32>} : memref<128x128xf32, #tpu.memory_space<vmem>>, vector<16xf32>,
        tpu.vector_store %arg16[%parallel_loop3A_629, %parallel_loop3A_630], %parallel_loop3A_628 {strides = array<i32>} : memref<128x128xf32, #tpu.memory_space<vmem>>, vector<16xf32>,
        %parallel_loop3A_632 = arith.index_cast %parallel_loop3A_591 : i32 to index
        %parallel_loop3A_633 = arith.constant 80 : index
        %parallel_loop3A_634 = tpu.vector_load %arg14[%parallel_loop3A_632, %parallel_loop3A_633] {strides = array<i32>} : memref<128x128xf32, #tpu.memory_space<vmem>>, vector<16xf32>,
        %parallel_loop3A_635 = arith.mulf %parallel_loop3A_634, %parallel_loop3A_596 : vector<16xf32>
        %parallel_loop3A_636 = arith.index_cast %parallel_loop3A_591 : i32 to index
        %parallel_loop3A_637 = arith.constant 80 : index
        %parallel_loop3A_638 = tpu.vector_load %arg16[%parallel_loop3A_636, %parallel_loop3A_637] {strides = array<i32>} : memref<128x128xf32, #tpu.memory_space<vmem>>, vector<16xf32>,
        tpu.vector_store %arg16[%parallel_loop3A_636, %parallel_loop3A_637], %parallel_loop3A_635 {strides = array<i32>} : memref<128x128xf32, #tpu.memory_space<vmem>>, vector<16xf32>,
        %parallel_loop3A_639 = arith.index_cast %parallel_loop3A_591 : i32 to index
        %parallel_loop3A_640 = arith.constant 96 : index
        %parallel_loop3A_641 = tpu.vector_load %arg14[%parallel_loop3A_639, %parallel_loop3A_640] {strides = array<i32>} : memref<128x128xf32, #tpu.memory_space<vmem>>, vector<16xf32>,
        %parallel_loop3A_642 = arith.mulf %parallel_loop3A_641, %parallel_loop3A_596 : vector<16xf32>
        %parallel_loop3A_643 = arith.index_cast %parallel_loop3A_591 : i32 to index
        %parallel_loop3A_644 = arith.constant 96 : index
        %parallel_loop3A_645 = tpu.vector_load %arg16[%parallel_loop3A_643, %parallel_loop3A_644] {strides = array<i32>} : memref<128x128xf32, #tpu.memory_space<vmem>>, vector<16xf32>,
        tpu.vector_store %arg16[%parallel_loop3A_643, %parallel_loop3A_644], %parallel_loop3A_642 {strides = array<i32>} : memref<128x128xf32, #tpu.memory_space<vmem>>, vector<16xf32>,
        %parallel_loop3A_646 = arith.index_cast %parallel_loop3A_591 : i32 to index
        %parallel_loop3A_647 = arith.constant 112 : index
        %parallel_loop3A_648 = tpu.vector_load %arg14[%parallel_loop3A_646, %parallel_loop3A_647] {strides = array<i32>} : memref<128x128xf32, #tpu.memory_space<vmem>>, vector<16xf32>,
        %parallel_loop3A_649 = arith.mulf %parallel_loop3A_648, %parallel_loop3A_596 : vector<16xf32>
        %parallel_loop3A_650 = arith.index_cast %parallel_loop3A_591 : i32 to index
        %parallel_loop3A_651 = arith.constant 112 : index
        %parallel_loop3A_652 = tpu.vector_load %arg16[%parallel_loop3A_650, %parallel_loop3A_651] {strides = array<i32>} : memref<128x128xf32, #tpu.memory_space<vmem>>, vector<16xf32>,
        tpu.vector_store %arg16[%parallel_loop3A_650, %parallel_loop3A_651], %parallel_loop3A_649 {strides = array<i32>} : memref<128x128xf32, #tpu.memory_space<vmem>>, vector<16xf32>,
      } {sc.loop_unroll_factor = 4 : i64, sc.parallel_access}
      %dma_wait3A_116 = arith.constant 0 : i32
      %dma_wait3A_117 = tpu.memref_slice %arg8[%mul3A_54, %dma_wait3A_116] : memref<32x128xi32, #tpu.memory_space<vmem>> -> memref<1x128xi32, #tpu.memory_space<vmem>>
      %dma_wait3A_118 = tpu.memref_squeeze %dma_wait3A_117 : memref<1x128xi32, #tpu.memory_space<vmem>> -> memref<128xi32, #tpu.memory_space<vmem>>
      %dma_wait3A_119 = arith.constant 0 : i32
      %dma_wait3A_120 = arith.constant 0 : i32
      %dma_wait3A_121 = tpu.memref_slice %arg17[%dma_wait3A_119, %dma_wait3A_120] : memref<4096x128xf32, #tpu.memory_space<vmem_shared>> -> memref<4096x128xf32, #tpu.memory_space<vmem_shared>>
      tpu.wait_indirect_dma semaphore(%arg21 : memref<!tpu.dma_semaphore, #tpu.memory_space<semaphore_mem>>) src(%arg15 : memref<128x128xf32, #tpu.memory_space<vmem>>) dst(%dma_wait3A_121 : memref<4096x128xf32, #tpu.memory_space<vmem_shared>>)
      %lt3A = arith.constant 15 : i32
      %lt3A_122 = arith.cmpi slt, %add3A_52, %lt3A : i32
      %convert_element_type3A_123 = arith.extui %lt3A_122 : i1 to i32
      %cond3A_124 = arith.constant 0 : i32
      %cond3A_125 = arith.cmpi ne, %convert_element_type3A_123, %cond3A_124 : i32
      scf.if %cond3A_125 {
        %add3A_132 = arith.constant 2 : i32
        %add3A_133 = arith.addi %mul3A_54, %add3A_132 : i32
        %dma_start3A_134 = arith.constant 0 : i32
        %dma_start3A_135 = tpu.memref_slice %arg9[%add3A_133, %dma_start3A_134] : memref<32x128xi32, #tpu.memory_space<vmem>> -> memref<1x128xi32, #tpu.memory_space<vmem>>
        %dma_start3A_136 = tpu.memref_squeeze %dma_start3A_135 : memref<1x128xi32, #tpu.memory_space<vmem>> -> memref<128xi32, #tpu.memory_space<vmem>>
        %dma_start3A_137 = arith.constant 0 : i32
        %dma_start3A_138 = arith.constant 0 : i32
        %dma_start3A_139 = tpu.memref_slice %arg6[%dma_start3A_137, %dma_start3A_138] : memref<4096x128xf32, #tpu.memory_space<hbm>> -> memref<4096x128xf32, #tpu.memory_space<hbm>>
        tpu.enqueue_indirect_dma source(%dma_start3A_139 : memref<4096x128xf32, #tpu.memory_space<hbm>>) target(%arg13 : memref<128x128xf32, #tpu.memory_space<vmem>>) offsets(%dma_start3A_136 : memref<128xi32, #tpu.memory_space<vmem>>) semaphore(%arg19 : memref<!tpu.dma_semaphore, #tpu.memory_space<semaphore_mem>>)
        %mul3A_140 = arith.constant 32 : i32
        %mul3A_141 = arith.muli %add3A, %mul3A_140 : i32
        %add3A_142 = arith.addi %mul3A_141, %add3A_133 : i32
        %dma_start3A_143 = arith.constant 0 : i32
        %dma_start3A_144 = arith.constant 0 : i32
        %dma_start3A_145 = tpu.memref_slice %arg5[%add3A_142, %dma_start3A_143, %dma_start3A_144] : memref<1024x16x128xf32, #tpu.memory_space<hbm>> -> memref<1x16x128xf32, #tpu.memory_space<hbm>>
        %dma_start3A_146 = arith.constant 0 : i32
        %dma_start3A_147 = arith.constant 0 : i32
        %dma_start3A_148 = tpu.memref_slice %arg5[%add3A_142, %dma_start3A_146, %dma_start3A_147] : memref<1024x16x128xf32, #tpu.memory_space<hbm>> -> memref<1x16x128xf32, #tpu.memory_space<hbm>>
        tpu.enqueue_dma source(%dma_start3A_148 : memref<1x16x128xf32, #tpu.memory_space<hbm>>) target(%arg11 : memref<1x16x128xf32, #tpu.memory_space<vmem>>) target_semaphore(%arg19 : memref<!tpu.dma_semaphore, #tpu.memory_space<semaphore_mem>>)
      } else {
      }
      %dma_start3A_126 = arith.constant 0 : i32
      %dma_start3A_127 = tpu.memref_slice %arg8[%add3A_56, %dma_start3A_126] : memref<32x128xi32, #tpu.memory_space<vmem>> -> memref<1x128xi32, #tpu.memory_space<vmem>>
      %dma_start3A_128 = tpu.memref_squeeze %dma_start3A_127 : memref<1x128xi32, #tpu.memory_space<vmem>> -> memref<128xi32, #tpu.memory_space<vmem>>
      %dma_start3A_129 = arith.constant 0 : i32
      %dma_start3A_130 = arith.constant 0 : i32
      %dma_start3A_131 = tpu.memref_slice %arg17[%dma_start3A_129, %dma_start3A_130] : memref<4096x128xf32, #tpu.memory_space<vmem_shared>> -> memref<4096x128xf32, #tpu.memory_space<vmem_shared>>
      tpu.enqueue_indirect_dma source(%arg16 : memref<128x128xf32, #tpu.memory_space<vmem>>) target(%dma_start3A_131 : memref<4096x128xf32, #tpu.memory_space<vmem_shared>>) offsets(%dma_start3A_128 : memref<128xi32, #tpu.memory_space<vmem>>) semaphore(%arg22 : memref<!tpu.dma_semaphore, #tpu.memory_space<semaphore_mem>>) {add = true}
    }
    %scan3A_36 = arith.constant 16 : i32
    %dma_wait3A = arith.constant 31 : i32
    %dma_wait3A_37 = arith.constant 0 : i32
    %dma_wait3A_38 = tpu.memref_slice %arg8[%dma_wait3A, %dma_wait3A_37] : memref<32x128xi32, #tpu.memory_space<vmem>> -> memref<1x128xi32, #tpu.memory_space<vmem>>
    %dma_wait3A_39 = tpu.memref_squeeze %dma_wait3A_38 : memref<1x128xi32, #tpu.memory_space<vmem>> -> memref<128xi32, #tpu.memory_space<vmem>>
    %dma_wait3A_40 = arith.constant 0 : i32
    %dma_wait3A_41 = arith.constant 0 : i32
    %dma_wait3A_42 = tpu.memref_slice %arg17[%dma_wait3A_40, %dma_wait3A_41] : memref<4096x128xf32, #tpu.memory_space<vmem_shared>> -> memref<4096x128xf32, #tpu.memory_space<vmem_shared>>
    tpu.wait_indirect_dma semaphore(%arg22 : memref<!tpu.dma_semaphore, #tpu.memory_space<semaphore_mem>>) src(%arg16 : memref<128x128xf32, #tpu.memory_space<vmem>>) dst(%dma_wait3A_42 : memref<4096x128xf32, #tpu.memory_space<vmem_shared>>)
    %barrier3A_43 = arith.constant 0 : index
    tpu.barrier barrier_id(%barrier3A_43)
    %mul3A_44 = arith.constant 256 : i32
    %mul3A_45 = arith.muli %arg1, %mul3A_44 : i32
    %mul3A_46 = arith.constant 256 : i32
    %mul3A_47 = arith.muli %arg1, %mul3A_46 : i32
    "tpu.region"() ({
      %run_scoped3A = tpu.sem_alloc : memref<!tpu.dma_semaphore, #tpu.memory_space<semaphore_mem>>
      %dma_start3A_48 = arith.constant 0 : i32
      %dma_start3A_49 = tpu.memref_slice %arg7[%arg0, %mul3A_47, %dma_start3A_48] : memref<2x4096x128xf32, #tpu.memory_space<hbm>> -> memref<1x256x128xf32, #tpu.memory_space<hbm>>
      %dma_start3A_50 = tpu.memref_squeeze %dma_start3A_49 : memref<1x256x128xf32, #tpu.memory_space<hbm>> -> memref<256x128xf32, #tpu.memory_space<hbm>>
      %dma_start3A_51 = arith.constant 0 : i32
      %dma_start3A_52 = tpu.memref_slice %arg17[%mul3A_45, %dma_start3A_51] : memref<4096x128xf32, #tpu.memory_space<vmem_shared>> -> memref<256x128xf32, #tpu.memory_space<vmem_shared>>
      tpu.enqueue_dma source(%dma_start3A_52 : memref<256x128xf32, #tpu.memory_space<vmem_shared>>) target(%dma_start3A_50 : memref<256x128xf32, #tpu.memory_space<hbm>>) target_semaphore(%run_scoped3A : memref<!tpu.dma_semaphore, #tpu.memory_space<semaphore_mem>>)
      %dma_wait3A_53 = arith.constant 0 : i32
      %dma_wait3A_54 = tpu.memref_slice %arg7[%arg0, %mul3A_47, %dma_wait3A_53] : memref<2x4096x128xf32, #tpu.memory_space<hbm>> -> memref<1x256x128xf32, #tpu.memory_space<hbm>>
      %dma_wait3A_55 = tpu.memref_squeeze %dma_wait3A_54 : memref<1x256x128xf32, #tpu.memory_space<hbm>> -> memref<256x128xf32, #tpu.memory_space<hbm>>
      %dma_wait3A_56 = arith.constant 0 : i32
      %dma_wait3A_57 = tpu.memref_slice %arg17[%mul3A_45, %dma_wait3A_56] : memref<4096x128xf32, #tpu.memory_space<vmem_shared>> -> memref<256x128xf32, #tpu.memory_space<vmem_shared>>
      tpu.wait_dma2 semaphore(%run_scoped3A : memref<!tpu.dma_semaphore, #tpu.memory_space<semaphore_mem>>) src(%dma_wait3A_57 : memref<256x128xf32, #tpu.memory_space<vmem_shared>>) dst(%dma_wait3A_55 : memref<256x128xf32, #tpu.memory_space<hbm>>)
      tpu.yield
    }) : () -> ()
    return
  }
}

module attributes {stable_mosaic.version = 14 : i64} {
  func.func @body(%arg0: memref<4096x128xf32, #tpu.memory_space<vmem>>, %arg1: memref<128x128xf32, #tpu.memory_space<vmem>>, %arg2: memref<4096x128xf32, #tpu.memory_space<vmem>>) attributes {dimension_semantics = [], scalar_prefetch = 0 : i64, scratch_operands = 0 : i64, tpu.core_type = #tpu.core_type<tc>} {
    %get3A = arith.constant 0 : index
    %get3A_0 = arith.constant 0 : index
    %get3A_1 = vector.load %arg0[%get3A, %get3A_0] : memref<4096x128xf32, #tpu.memory_space<vmem>>, vector<4096x128xf32>
    %get3A_2 = arith.constant 0 : index
    %get3A_3 = arith.constant 0 : index
    %get3A_4 = vector.load %arg1[%get3A_2, %get3A_3] : memref<128x128xf32, #tpu.memory_space<vmem>>, vector<128x128xf32>
    %dot_general3A = arith.constant dense<0.000000e+00> : vector<4096x128xf32>
    %dot_general3A_5 = tpu.matmul %get3A_1, %get3A_4, %dot_general3A {dimension_numbers = #tpu.dot_dimension_numbers<[1], [0], [0], [1], [0, 0, 1, 1], [], []>, transpose_lhs_hint = false} : vector<4096x128xf32>, vector<128x128xf32>, vector<4096x128xf32> -> vector<4096x128xf32>
    %swap3A = arith.constant 0 : index
    %swap3A_6 = arith.constant 0 : index
    %swap3A_7 = vector.load %arg2[%swap3A, %swap3A_6] : memref<4096x128xf32, #tpu.memory_space<vmem>>, vector<4096x128xf32>
    tpu.vector_store %arg2[%swap3A, %swap3A_6], %dot_general3A_5 {strides = array<i32>} : memref<4096x128xf32, #tpu.memory_space<vmem>>, vector<4096x128xf32>,
    return
  }
}

module attributes {stable_mosaic.version = 14 : i64} {
  func.func @body(%arg0: memref<2x4096x128xf32, #tpu.memory_space<vmem>>, %arg1: memref<4096x32xf32, #tpu.memory_space<vmem>>, %arg2: memref<128xf32, #tpu.memory_space<vmem>>, %arg3: memref<128x128xf32, #tpu.memory_space<vmem>>, %arg4: memref<4096x128xf32, #tpu.memory_space<vmem>>, %arg5: memref<4096x1xf32, #tpu.memory_space<vmem>>) attributes {dimension_semantics = [], scalar_prefetch = 0 : i64, scratch_operands = 0 : i64, tpu.core_type = #tpu.core_type<tc>} {
    %get3A = arith.constant 0 : index
    %get3A_0 = arith.constant 0 : index
    %get3A_1 = vector.load %arg1[%get3A, %get3A_0] : memref<4096x32xf32, #tpu.memory_space<vmem>>, vector<4096x32xf32>
    %reduce_sum3A = arith.constant dense<0.000000e+00> : vector<4096xf32>
    %reduce_sum3A_2 = vector.multi_reduction <add>, %get3A_1, %reduce_sum3A [1] : vector<4096x32xf32> to vector<4096xf32>
    %broadcast_in_dim3A = vector.shape_cast %reduce_sum3A_2 : vector<4096xf32> to vector<4096x1xf32>
    %div3A = arith.constant 1.000000e+00 : f32
    %div3A_3 = vector.broadcast %div3A : f32 to vector<4096x1xf32>
    %div3A_4 = arith.divf %div3A_3, %broadcast_in_dim3A : vector<4096x1xf32>
    %swap3A = arith.constant 0 : index
    %swap3A_5 = arith.constant 0 : index
    %swap3A_6 = vector.load %arg5[%swap3A, %swap3A_5] : memref<4096x1xf32, #tpu.memory_space<vmem>>, vector<4096x1xf32>
    tpu.vector_store %arg5[%swap3A, %swap3A_5], %div3A_4 {strides = array<i32>} : memref<4096x1xf32, #tpu.memory_space<vmem>>, vector<4096x1xf32>,
    %get3A_7 = arith.constant 0 : index
    %get3A_8 = arith.constant 0 : index
    %get3A_9 = arith.constant 0 : index
    %get3A_10 = vector.load %arg0[%get3A_7, %get3A_8, %get3A_9] : memref<2x4096x128xf32, #tpu.memory_space<vmem>>, vector<1x4096x128xf32>
    %get3A_11 = vector.shape_cast %get3A_10 : vector<1x4096x128xf32> to vector<4096x128xf32>
    %get3A_12 = arith.constant 1 : index
    %get3A_13 = arith.constant 0 : index
    %get3A_14 = arith.constant 0 : index
    %get3A_15 = vector.load %arg0[%get3A_12, %get3A_13, %get3A_14] : memref<2x4096x128xf32, #tpu.memory_space<vmem>>, vector<1x4096x128xf32>
    %get3A_16 = vector.shape_cast %get3A_15 : vector<1x4096x128xf32> to vector<4096x128xf32>
    %add3A = arith.addf %get3A_11, %get3A_16 : vector<4096x128xf32>
    %mul3A = vector.broadcast %div3A_4 : vector<4096x1xf32> to vector<4096x128xf32>
    %mul3A_17 = arith.mulf %add3A, %mul3A : vector<4096x128xf32>
    %get3A_18 = arith.constant 0 : index
    %get3A_19 = vector.load %arg2[%get3A_18] : memref<128xf32, #tpu.memory_space<vmem>>, vector<128xf32>
    %broadcast_in_dim3A_20 = vector.shape_cast %get3A_19 : vector<128xf32> to vector<1x128xf32>
    %add3A_21 = vector.broadcast %broadcast_in_dim3A_20 : vector<1x128xf32> to vector<4096x128xf32>
    %add3A_22 = arith.addf %mul3A_17, %add3A_21 : vector<4096x128xf32>
    %max3A = arith.constant 0.000000e+00 : f32
    %max3A_23 = vector.broadcast %max3A : f32 to vector<4096x128xf32>
    %max3A_24 = arith.maximumf %add3A_22, %max3A_23 : vector<4096x128xf32>
    %get3A_25 = arith.constant 0 : index
    %get3A_26 = arith.constant 0 : index
    %get3A_27 = vector.load %arg3[%get3A_25, %get3A_26] : memref<128x128xf32, #tpu.memory_space<vmem>>, vector<128x128xf32>
    %dot_general3A = arith.constant dense<0.000000e+00> : vector<4096x128xf32>
    %dot_general3A_28 = tpu.matmul %max3A_24, %get3A_27, %dot_general3A {dimension_numbers = #tpu.dot_dimension_numbers<[1], [0], [0], [1], [0, 0, 1, 1], [], []>, transpose_lhs_hint = false} : vector<4096x128xf32>, vector<128x128xf32>, vector<4096x128xf32> -> vector<4096x128xf32>
    %swap3A_29 = arith.constant 0 : index
    %swap3A_30 = arith.constant 0 : index
    %swap3A_31 = vector.load %arg4[%swap3A_29, %swap3A_30] : memref<4096x128xf32, #tpu.memory_space<vmem>>, vector<4096x128xf32>
    tpu.vector_store %arg4[%swap3A_29, %swap3A_30], %dot_general3A_28 {strides = array<i32>} : memref<4096x128xf32, #tpu.memory_space<vmem>>, vector<4096x128xf32>,
    return
  }
}

module attributes {stable_mosaic.version = 14 : i64} {
  func.func @body(%arg0: memref<2x4096x128xf32, #tpu.memory_space<vmem>>, %arg1: memref<4096x1xf32, #tpu.memory_space<vmem>>, %arg2: memref<64xf32, #tpu.memory_space<vmem>>, %arg3: memref<4096x64xf32, #tpu.memory_space<vmem>>) attributes {dimension_semantics = [], scalar_prefetch = 0 : i64, scratch_operands = 0 : i64, tpu.core_type = #tpu.core_type<tc>} {
    %get3A = arith.constant 0 : index
    %get3A_0 = arith.constant 0 : index
    %get3A_1 = arith.constant 0 : index
    %get3A_2 = vector.load %arg0[%get3A, %get3A_0, %get3A_1] : memref<2x4096x128xf32, #tpu.memory_space<vmem>>, vector<1x4096x128xf32>
    %get3A_3 = vector.shape_cast %get3A_2 : vector<1x4096x128xf32> to vector<4096x128xf32>
    %slice3A = vector.extract_strided_slice %get3A_3 {offsets = [0, 0], sizes = [4096, 64], strides = [1, 1]} : vector<4096x128xf32> to vector<4096x64xf32>
    %get3A_4 = arith.constant 1 : index
    %get3A_5 = arith.constant 0 : index
    %get3A_6 = arith.constant 0 : index
    %get3A_7 = vector.load %arg0[%get3A_4, %get3A_5, %get3A_6] : memref<2x4096x128xf32, #tpu.memory_space<vmem>>, vector<1x4096x128xf32>
    %get3A_8 = vector.shape_cast %get3A_7 : vector<1x4096x128xf32> to vector<4096x128xf32>
    %slice3A_9 = vector.extract_strided_slice %get3A_8 {offsets = [0, 0], sizes = [4096, 64], strides = [1, 1]} : vector<4096x128xf32> to vector<4096x64xf32>
    %add3A = arith.addf %slice3A, %slice3A_9 : vector<4096x64xf32>
    %get3A_10 = arith.constant 0 : index
    %get3A_11 = arith.constant 0 : index
    %get3A_12 = vector.load %arg1[%get3A_10, %get3A_11] : memref<4096x1xf32, #tpu.memory_space<vmem>>, vector<4096x1xf32>
    %mul3A = vector.broadcast %get3A_12 : vector<4096x1xf32> to vector<4096x64xf32>
    %mul3A_13 = arith.mulf %add3A, %mul3A : vector<4096x64xf32>
    %get3A_14 = arith.constant 0 : index
    %get3A_15 = vector.load %arg2[%get3A_14] : memref<64xf32, #tpu.memory_space<vmem>>, vector<64xf32>
    %broadcast_in_dim3A = vector.shape_cast %get3A_15 : vector<64xf32> to vector<1x64xf32>
    %add3A_16 = vector.broadcast %broadcast_in_dim3A : vector<1x64xf32> to vector<4096x64xf32>
    %add3A_17 = arith.addf %mul3A_13, %add3A_16 : vector<4096x64xf32>
    %reduce_max3A = arith.constant dense<0xFF800000> : vector<4096xf32>
    %reduce_max3A_18 = vector.multi_reduction <maximumf>, %add3A_17, %reduce_max3A [1] : vector<4096x64xf32> to vector<4096xf32>
    %broadcast_in_dim3A_19 = vector.shape_cast %reduce_max3A_18 : vector<4096xf32> to vector<4096x1xf32>
    %sub3A = vector.broadcast %broadcast_in_dim3A_19 : vector<4096x1xf32> to vector<4096x64xf32>
    %sub3A_20 = arith.subf %add3A_17, %sub3A : vector<4096x64xf32>
    %exp3A = math.exp %sub3A_20 : vector<4096x64xf32>
    %reduce_sum3A = arith.constant dense<0.000000e+00> : vector<4096xf32>
    %reduce_sum3A_21 = vector.multi_reduction <add>, %exp3A, %reduce_sum3A [1] : vector<4096x64xf32> to vector<4096xf32>
    %broadcast_in_dim3A_22 = vector.shape_cast %reduce_sum3A_21 : vector<4096xf32> to vector<4096x1xf32>
    %log3A = math.log %broadcast_in_dim3A_22 : vector<4096x1xf32>
    %add3A_23 = arith.addf %broadcast_in_dim3A_19, %log3A : vector<4096x1xf32>
    %sub3A_24 = vector.broadcast %add3A_23 : vector<4096x1xf32> to vector<4096x64xf32>
    %sub3A_25 = arith.subf %add3A_17, %sub3A_24 : vector<4096x64xf32>
    %swap3A = arith.constant 0 : index
    %swap3A_26 = arith.constant 0 : index
    %swap3A_27 = vector.load %arg3[%swap3A, %swap3A_26] : memref<4096x64xf32, #tpu.memory_space<vmem>>, vector<4096x64xf32>
    tpu.vector_store %arg3[%swap3A, %swap3A_26], %sub3A_25 {strides = array<i32>} : memref<4096x64xf32, #tpu.memory_space<vmem>>, vector<4096x64xf32>,
    return
  }
}

</mosaic_0001>

<sc_bundles>
// kernel: kernel.10.cloned.1.call-start
scs
__scs_entry_jumppad:
0x0: {  	(pc) =	sbr.rel $0x88, $3  }
0x1: {  	(tag) =	ssettag $0x0;
	lr =	simm.s32 $0x1  }
0x2: {  	[smem:$0x3F9A] =	sst lr;
	_ =	strace $0xD0000000  }
0x3: {  	_ = 	snop  }
0x4: {  	_ = 	snop  }
0x5: {  	_ = 	snop  }
0x6: {  	_ = 	snop  }
0x7: {  	_ = 	snop  }
__scs_overlays_trampoline_lowered:
0x8: {  	[smem:$0x3FA9] =	sst s0  }
0x9: {  	[smem:$0x3FAA] =	sst s1  }
0xa: {  	[smem:$0x3FAB] =	sst s2  }
0xb: {  	[smem:$0x3FAC] =	sst s3  }
0xc: {  	[smem:$0x3FAD] =	sst s4  }
0xd: {  	[smem:$0x3FAE] =	sst s5  }
0xe: {  	[smem:$0x3FAF] =	sst s6  }
0xf: {  	[smem:$0x3FB0] =	sst s7  }
0x10: {  	[smem:$0x3FB1] =	sst s8  }
0x11: {  	[smem:$0x3FB2] =	sst s9;
	s0 =	simm.s32 @!p0 $0x0  }
0x12: {  	s1 =	sld [smem:$0x3F98];
	s0 =	simm.s32 @p0 $0x1  }
0x13: {  	[smem:$0x3FB3] =	sst s0;
	s0 =	simm.s32 @!p1 $0x0  }
0x14: {  	s2 =	sld [smem:$0x3F97];
	s0 =	simm.s32 @p1 $0x1  }
0x15: {  	[smem:$0x3FB4] =	sst s0;
	s0 =	simm.s32 @!p2 $0x0  }
0x16: {  	s3 =	sld [smem:$0x3FDB];
	s0 =	simm.s32 @p2 $0x1  }
0x17: {  	s4 =	simm.s32 $0x1BF5;
	[smem:$0x3FB6] =	sst s0  }
0x18: {  	s0 =	sld [smem:$0x3F99];
	_ =	swait.ge [sflag:s4], $0x0  }
0x19: {  	s7 =	sld [smem:$0x3F9A]  }
0x1a: {  	s8 =	sadd.s32 $0xFFFFE003, lr  }
0x1b: {  	s9 =	sadd.s32 $0xFFFFFEF7, lr;
	s5 =	simm.s32 $0xFFFFFFFF;
	p2 =	slt.u32 s8, $0xFFFFF086  }
0x1c: {  	p1 =	slt.u32 s9, $0xF7A;
	s5 =	simm.s32 @!p2 $0x0  }
0x1d: {  	s5 =	simm.s32 @p1 $0x1;
	p0 =	seq.s32 s7, s2  }
0x1e: {  	s7 =	smul.u32 @!p0 $0xF7A, s2;
	p2 =	seq.s32 @!p0 s5, $0x0  }
0x1f: {  	s9 =	smul.u32 $0xF7A, s1;
	s8 =	simm.s32 @!p0 $0x1BF5;
	p2 =	por !p2, p0  }
0x20: {  	[sflag:s8] =	ssyncset.s32 @!p0 $0xFFFFF086;
	s6 =	sadd.s32 @!p0 s3, s7;
	s7 =	simm.s32 @!p0 $0x108  }
0x21: {  	s3 =	sadd.s32 s3, s9;
	s6 =	sadd.s32 @!p0 $0x88, s6;
	s7 =	simm.s32 @p2 $0x1082  }
0x22: {  	[simem:s7], [sflag:s8] =	dma.local @!p0 [hbm:s6], $0xF7A  }
0x23: {  	s9 =	sor.u32 $0xD0000000, s2;
	s6 =	simm.s32 $0x108;
	_ =	swait.ge @!p0 [sflag:s8], $0x0  }
0x24: {  	s3 =	sadd.s32 $0x88, s3;
	s6 =	simm.s32 @!p1 $0x1082;
	[sflag:s4] =	ssyncset.s32 $0xFFFFF086  }
0x25: {  	[simem:s6], [sflag:s4] =	dma.local [hbm:s3], $0xF7A  }
0x26: {  	[smem:$0x3F9A] =	sst s1;
	(tag) =	ssettag s2;
	_ =	strace s9  }
0x27: {  	s1 =	sld [smem:$0x3FAA]  }
0x28: {  	s2 =	sld [smem:$0x3FAB]  }
0x29: {  	s4 =	sld [smem:$0x3FAD]  }
0x2a: {  	p0 =	seq.s32 s5, $0x0;
	s5 =	sld [smem:$0x3FAE]  }
0x2b: {  	s6 =	sld [smem:$0x3FAF]  }
0x2c: {  	s7 =	sld [smem:$0x3FB0]  }
0x2d: {  	s3 =	simm.s32 $0x108;
	s8 =	sld [smem:$0x3FB1]  }
0x2e: {  	s3 =	simm.s32 @!p0 $0x1082;
	s9 =	sld [smem:$0x3FB2]  }
0x2f: {  	lr =	sadd.s32 s0, s3;
	s0 =	sld [smem:$0x3FA9]  }
0x30: {  	s3 =	sld [smem:$0x3FAC]  }
0x31: {  	[smem:$0x3FB5] =	sst s10  }
0x32: {  	s10 =	sld [smem:$0x3FB3];
	_ =	sdelay $0x3  }
0x33: {  	p0 =	seq.s32 s10, $0x1;
	s10 =	sld [smem:$0x3FB5];
	_ =	sdelay $0x3  }
0x34: {  	[smem:$0x3FB5] =	sst s10  }
0x35: {  	s10 =	sld [smem:$0x3FB4];
	_ =	sdelay $0x3  }
0x36: {  	p1 =	seq.s32 s10, $0x1;
	s10 =	sld [smem:$0x3FB5];
	_ =	sdelay $0x3  }
0x37: {  	[smem:$0x3FB5] =	sst s10  }
0x38: {  	s10 =	sld [smem:$0x3FB6]  }
0x39: {  	_ = 	snop;
	(pc) =	sbr.ind lr, $3  }
0x3a: {  	_ = 	snop  }
0x3b: {  	_ = 	snop  }
0x3c: {  	p2 =	seq.s32 s10, $0x1;
	s10 =	sld [smem:$0x3FB5]  }
0x3d: {  	_ =	shalt  }
0x3e: {  	_ =	shalt  }
0x3f: {  	_ =	shalt  }
0x40: {  	_ =	shalt  }
0x41: {  	_ =	shalt  }
0x42: {  	_ =	shalt  }
0x43: {  	_ =	shalt  }
0x44: {  	_ =	shalt  }
0x45: {  	_ =	shalt  }
0x46: {  	_ =	shalt  }
0x47: {  	_ =	shalt  }
0x48: {  	_ =	shalt  }
0x49: {  	_ =	shalt  }
0x4a: {  	_ =	shalt  }
0x4b: {  	_ =	shalt  }
0x4c: {  	_ =	shalt  }
0x4d: {  	_ =	shalt  }
0x4e: {  	_ =	shalt  }
0x4f: {  	_ =	shalt  }
0x50: {  	_ =	shalt  }
0x51: {  	_ =	shalt  }
0x52: {  	_ =	shalt  }
0x53: {  	_ =	shalt  }
0x54: {  	_ =	shalt  }
0x55: {  	_ =	shalt  }
0x56: {  	_ =	shalt  }
0x57: {  	_ =	shalt  }
0x58: {  	_ =	shalt  }
0x59: {  	_ =	shalt  }
0x5a: {  	_ =	shalt  }
0x5b: {  	_ =	shalt  }
0x5c: {  	_ =	shalt  }
0x5d: {  	_ =	shalt  }
0x5e: {  	_ =	shalt  }
0x5f: {  	_ =	shalt  }
0x60: {  	_ =	shalt  }
0x61: {  	_ =	shalt  }
0x62: {  	_ =	shalt  }
0x63: {  	_ =	shalt  }
0x64: {  	_ =	shalt  }
0x65: {  	_ =	shalt  }
0x66: {  	_ =	shalt  }
0x67: {  	_ =	shalt  }
0x68: {  	_ =	shalt  }
0x69: {  	_ =	shalt  }
0x6a: {  	_ =	shalt  }
0x6b: {  	_ =	shalt  }
0x6c: {  	_ =	shalt  }
0x6d: {  	_ =	shalt  }
0x6e: {  	_ =	shalt  }
0x6f: {  	_ =	shalt  }
0x70: {  	_ =	shalt  }
0x71: {  	_ =	shalt  }
0x72: {  	_ =	shalt  }
0x73: {  	_ =	shalt  }
0x74: {  	_ =	shalt  }
0x75: {  	_ =	shalt  }
0x76: {  	_ =	shalt  }
0x77: {  	_ =	shalt  }
0x78: {  	_ =	shalt  }
0x79: {  	_ =	shalt  }
0x7a: {  	_ =	shalt  }
0x7b: {  	_ =	shalt  }
0x7c: {  	_ =	shalt  }
0x7d: {  	_ =	shalt  }
0x7e: {  	_ =	shalt  }
0x7f: {  	_ =	shalt  }
0x80: {  	_ =	shalt  }
0x81: {  	_ =	shalt  }
0x82: {  	_ =	shalt  }
0x83: {  	_ =	shalt  }
0x84: {  	_ =	shalt  }
0x85: {  	_ =	shalt  }
0x86: {  	_ =	shalt  }
0x87: {  	_ =	shalt  }
.Lfunc_end0:
.L_simem_size_0:
called_computation.1_lowered:
.L_overlay_start_0:
0x88: {  	s2 =	sld [smem:$0x3FD9]  }
0x89: {  	s3 =	sld [smem:$0x3FFE];
	_ =	sdelay $0x1  }
0x8a: {  	s1 =	srdreg.scid  }
0x8b: {  	s0 =	sand.u32 $0x1, s1  }
0x8c: {  	s17 =	sshll.u32 s0, $0xA;
	s2 =	sadd.s32 s3, s2  }
0x8d: {  	s2 =	sadd.s32 s2, s17  }
0x8e: {  	[smem:$0x3FC1] =	sst s2  }
0x8f: {  	_ = 	snop  }
0x90: {  	s2 =	sld [smem:$0x3FC7]  }
0x91: {  	s18 =	sld [smem:$0x3FD0];
	(tm) =	ssettm $0x1  }
0x92: {  	s4 =	sld [smem:$0x3FFB];
	_ =	sdelay $0x3  }
0x93: {  	_ =	strace s4  }
0x94: {  	s4 =	sld [smem:$0x3FFC];
	_ =	sdelay $0x3  }
0x95: {  	_ =	strace s4  }
0x96: {  	s4 =	sld [smem:$0x3FFD];
	_ =	sdelay $0x3  }
0x97: {  	_ =	strace s4  }
0x98: {  	_ =	strace $0x8FFFFFFF  }
0x99: {  	s19 =	sld [smem:$0x3FDB];
	_ =	sdelay $0x1  }
0x9a: {  	s5 =	simm.s32 $_scs_section_size  }
0x9b: {  	s6 =	simm.s32 $_size__tile_overlayer_lowered;
	s7 =	simm.s32 $_tile_overlayer_lowered  }
0x9c: {  	s22 =	simm.s32 $0x1BFF;
	s21 =	sshll.u32 s7, $0x1;
	s4 =	sadd.s32 s5, s19  }
0x9d: {  	s8 =	simm.s32 $0x0;
	s20 =	sshll.u32 s6, $0x1;
	s6 =	sadd.s32 s21, s4  }
0x9e: {  	[timem:s8], [sflag:s22] =	dma.local [hbm:s6], s20  }
0x9f: {  	_ =	swait.ge [sflag:s22], s20  }
0xa0: {  	s5 =	ssub.s32 $0x0, s20;
	[sflag:s22] =	ssyncset.done $0x0  }
0xa1: {  	[sflag:s22] =	ssyncadd.s32 s5;
	_ =	sdelay $0x1  }
0xa2: {  	s23 =	simm.s32 $0x1B8B  }
0xa3: {  	_ =	swait.ge [sflag:s23], $0x1  }
0xa4: {  	[sflag:s23] =	ssyncset.done $0x0  }
0xa5: {  	s25 =	simm.s32 $0x1B8E;
	s24 =	sld [smem:$0x3FFE];
	[sflag:s23] =	ssyncadd.s32 $0xFFFFFFFF  }
0xa6: {  	s26 =	simm.s32 $execute0_lowered;
	[smem:$0x3FD2] =	sst s25  }
0xa7: {  	s6 =	sshll.u32 s26, $0x1;
	_ =	strace $0x80000049;
	[dreg:$0x1] =	wrdreg $0xFFFFFFFF  }
0xa8: {  	s28 =	simm.s32 $_size_execute0_lowered;
	s4 =	sadd.s32 s4, s6;
	[dreg:$0x0] =	wrdreg $0x0  }
0xa9: {  	s6 =	sshll.u32 s28, $0x1;
	[dreg:$0x2] =	wrdreg s4  }
0xaa: {  	[dreg:$0x3] =	wrdreg s6  }
0xab: {  	[dreg:$0x4] =	wrdreg $0xC0  }
0xac: {  	_ =	task [dreg:s8], $0x5FFFF  }
0xad: {  	[dreg:$0x1] =	wrdreg $0xFFFFFFFF  }
0xae: {  	[dreg:$0x0] =	wrdreg $0x60  }
0xaf: {  	[dreg:$0x2] =	wrdreg s24  }
0xb0: {  	[dreg:$0x3] =	wrdreg s18  }
0xb1: {  	[dreg:$0x4] =	wrdreg s2  }
0xb2: {  	[dreg:$0x5] =	wrdreg $0x140000  }
0xb3: {  	[dreg:$0x6] =	wrdreg $0x9  }
0xb4: {  	_ =	task.clear_ibuf [dreg:s8], $0x7FFFF;
	_ =	strace $0x90000049  }
0xb5: {  	s29 =	simm.s32 $0x9;
	_ =	strace $0x8000004B  }
0xb6: {  	_ =	swait.ge [sflag:s29], $0x1  }
0xb7: {  	[sflag:s29] =	ssyncadd.s32 $0xFFFFFFFF  }
0xb8: {  	_ =	strace $0x9000004B  }
0xb9: {  	_ =	sfence  }
0xba: {  	s30 =	sld [smem:$0x0];
	_ =	sdelay $0x2  }
0xbb: {  	s31 =	sshll.u32 s1, $0xD;
	s1 =	sshrl.u32 s1, $0x2  }
0xbc: {  	s3 =	sand.u32 $0x4000, s31;
	s1 =	sadd.s32 s1, s30  }
0xbd: {  	s0 =	sor.u32 s3, s0;
	s1 =	sshll.u32 s1, $0x11  }
0xbe: {  	s0 =	sor.u32 s1, s0  }
0xbf: {  	s0 =	sadd.s32 $0x8F2B, s0  }
0xc0: {  	[sflag:s0] =	ssyncadd.remote.s32 $0x1  }
0xc1: {  	_ =	sfence.sel $0xFFFF  }
0xc2: {  	[dreg:$0x0] =	wrdreg $0xFFFFFFFF;
	(pc) =	sbr.abs _section_cstart, $3  }
0xc3: {  	[dreg:$0x1] =	wrdreg $0xFFFFFFFF  }
0xc4: {  	_ =	task.clear_ibuf [dreg:s8], $0x2FFFF;
	_ =	strace $0x9FFFFFFF  }
0xc5: {  	(tm) =	ssettm $0x7FFFFFFF  }
tec
execute0_lowered:
.L_overlay_start_1:
0x0: {  	(tag) =	ssettag $0x1  }
0x1: {  	s0 =	rddreg [dreg:$0x0]  }
0x2: {  	s1 =	rddreg [dreg:$0x1]  }
0x3: {  	s2 =	srdreg.scid;
	s3 =	rddreg [dreg:$0x2]  }
0x4: {  	s13 =	stileid.u32;
	s4 =	simm.s32 $0x0;
	s16 =	simm.s32 $0xC000  }
0x5: {  	s17 =	simm.s32 $0x5;
	s20 =	simm.s32 $0x80;
	s21 =	simm.s32 $0x4000  }
0x6: {  	s22 =	simm.s32 $0x3000;
	s28 =	simm.s32 $0x3;
	s29 =	simm.s32 $0x10000  }
0x7: {  	s31 =	simm.s32 $0x0;
	s9 =	sand.u32 $0x1, s2;
	s2 =	rddreg [dreg:$0x3]  }
0x8: {  	s6 =	sshll.u32 s13, $0x6;
	[smem:$0x7FF] =	sst s4;
	s7 =	sadd.s32 $0x46400, s0  }
0x9: {  	s8 =	sshll.u32 s13, $0xF;
	s13 =	sshll.u32 s13, $0xC;
	s5 =	sshll.u32 s9, $0x5  }
0xa: {  	[dreg:$0x5] =	wrdreg s6;
	s12 =	ssub.s32 $0x2, s9;
	s8 =	sadd.s32 s8, s2  }
0xb: {  	s24 =	sshll.u32 s9, $0x10;
	s5 =	sor.u32 s5, s6;
	_ =	strace $0x8000004A  }
0xc: {  	s6 =	sadd.s32 $0x6400, s0;
	s14 =	sshrl.u32 s12, $0x1;
	s23 =	sadd.s32 $0x4000, s8  }
0xd: {  	s10 =	sshll.u32 s5, $0x4;
	s12 =	ssub.s32 s12, s14;
	[dreg:$0x6] =	wrdreg s23  }
0xe: {  	s25 =	sshll.u32 s5, $0x8;
	s23 =	simm.s32 $0x8000;
	s1 =	sadd.s32 s1, s10  }
0xf: {  	s11 =	sadd.s32 s10, s0;
	s3 =	sadd.s32 s3, s10;
	[dreg:$0x8] =	wrdreg s1  }
.Ltmp0:
0x10: {  	s26 =	sadd.s32 s6, s25;
	[dreg:$0x9] =	wrdreg s3;
	(pc) =	sbr.rel .LBB2_1-.Ltmp0, $4  }
0x11: {  	s0 =	sadd.s32 s13, s0;
	s30 =	smax.u32 s12, $0x1;
	[dreg:$0xa] =	wrdreg s26  }
0x12: {  	s11 =	sadd.s32 $0x2400, s11;
	s0 =	sadd.s32 s24, s0;
	[dreg:$0xc] =	wrdreg s30  }
0x13: {  	s25 =	simm.s32 $0x1;
	[dreg:$0x7] =	wrdreg s11;
	s0 =	sadd.s32 $0x56400, s0  }
0x14: {  	v0 =	vimm.f32 $0.0e+00;
	s24 =	simm.s32 $0x3800;
	s26 =	simm.s32 $0x2;
	[dreg:$0xb] =	wrdreg s0  }
.LBB2_10:
0x15: {  	[spmem:s2] =	stream.indirect.scatter.add.f32 [tilespmem:s29], [sflag:$0x4], $0x80, s19, s20, $0xb8;
	[tilespmem:$0x1C000] =	vst v63  }
0x16: {  	s0 =	simm.s32 $0x4  }
0x17: {  	_ =	swait.ge [sflag:s0], $0x4000  }
0x18: {  	[sflag:s0] =	ssyncset.done $0x0  }
0x19: {  	[sflag:s0] =	ssyncadd.s32 $0xFFFFC000  }
0x1a: {  	[bflag:$0x0] =	sbarrier.arrive $0xFFFF  }
0x1b: {  	s19 =	rddreg [dreg:$0x5]  }
0x1c: {  	s1 =	sshrl.u32 s8, $0x3;
	s3 =	rddreg [dreg:$0xb];
	s0 =	sor.u32 $0x1C05, s19  }
0x1d: {  	[hbm:s3], [sflag:s0] =	dma.local [spmem:s1], $0x1000  }
0x1e: {  	_ =	swait.ge [sflag:s17], $0x1000  }
0x1f: {  	s31 =	sadd.s32 $0x1, s31;
	s30 =	rddreg [dreg:$0xc]  }
0x20: {  	p0 =	sne.s32 s31, s30  }
.Ltmp1:
0x21: {  	_ = 	snop;
	(pc) =	sbr.rel @!p0 .LBB2_11-.Ltmp1, $3  }
0x22: {  	_ =	sdelay $0x1  }
0x23: {  	[sflag:s17] =	ssyncset.done $0x0  }
0x24: {  	[sflag:s17] =	ssyncadd.s32 $0xFFFFF000  }
.LBB2_1:
0x25: {  	s0 =	simm.s32 $0xC100  }
0x26: {  	[tilespmem:s0+$0xFFFFFF00] =	vst v0  }
0x27: {  	[tilespmem:s0+$0xF0] =	vst v0  }
0x28: {  	[tilespmem:s0+$0xE0] =	vst v0  }
0x29: {  	[tilespmem:s0+$0xD0] =	vst v0  }
0x2a: {  	[tilespmem:s0+$0xC0] =	vst v0  }
0x2b: {  	[tilespmem:s0+$0xB0] =	vst v0  }
0x2c: {  	[tilespmem:s0+$0xA0] =	vst v0  }
0x2d: {  	[tilespmem:s0+$0x90] =	vst v0  }
0x2e: {  	[tilespmem:s0+$0x80] =	vst v0  }
0x2f: {  	[tilespmem:s0+$0x70] =	vst v0  }
0x30: {  	[tilespmem:s0+$0x60] =	vst v0  }
0x31: {  	[tilespmem:s0+$0x50] =	vst v0  }
0x32: {  	[tilespmem:s0+$0x40] =	vst v0  }
0x33: {  	[tilespmem:s0+$0x30] =	vst v0  }
0x34: {  	[tilespmem:s0+$0x20] =	vst v0  }
0x35: {  	[tilespmem:s0+$0x10] =	vst v0  }
0x36: {  	[tilespmem:s0+$0x0] =	vst v0  }
0x37: {  	[tilespmem:s0+$0xFFFFFFF0] =	vst v0  }
0x38: {  	[tilespmem:s0+$0xFFFFFFE0] =	vst v0  }
0x39: {  	[tilespmem:s0+$0xFFFFFFD0] =	vst v0  }
0x3a: {  	[tilespmem:s0+$0xFFFFFFC0] =	vst v0  }
0x3b: {  	[tilespmem:s0+$0xFFFFFFB0] =	vst v0  }
0x3c: {  	[tilespmem:s0+$0xFFFFFFA0] =	vst v0  }
0x3d: {  	[tilespmem:s0+$0xFFFFFF90] =	vst v0  }
0x3e: {  	[tilespmem:s0+$0xFFFFFF80] =	vst v0  }
0x3f: {  	[tilespmem:s0+$0xFFFFFF70] =	vst v0  }
0x40: {  	[tilespmem:s0+$0xFFFFFF60] =	vst v0  }
0x41: {  	[tilespmem:s0+$0xFFFFFF50] =	vst v0  }
0x42: {  	[tilespmem:s0+$0xFFFFFF40] =	vst v0  }
0x43: {  	[tilespmem:s0+$0xFFFFFF30] =	vst v0  }
0x44: {  	s1 =	simm.s32 $0x0;
	[tilespmem:s0+$0xFFFFFF20] =	vst v0  }
.LBB2_2:
0x45: {  	s1 =	sadd.s32 $0x4, s1;
	[tilespmem:s0+$0xFFFFFF10] =	vst v0;
	s0 =	sadd.s32 $0x200, s0  }
0x46: {  	[tilespmem:s0+$0xFFFFFF00] =	vst v0;
	p0 =	slt.u32 s1, $0x7C  }
0x47: {  	[tilespmem:s0+$0xF0] =	vst v0  }
0x48: {  	[tilespmem:s0+$0xE0] =	vst v0  }
0x49: {  	[tilespmem:s0+$0xD0] =	vst v0  }
0x4a: {  	[tilespmem:s0+$0xC0] =	vst v0  }
0x4b: {  	[tilespmem:s0+$0xB0] =	vst v0  }
0x4c: {  	[tilespmem:s0+$0xA0] =	vst v0  }
0x4d: {  	[tilespmem:s0+$0x90] =	vst v0  }
0x4e: {  	[tilespmem:s0+$0x80] =	vst v0  }
0x4f: {  	[tilespmem:s0+$0x70] =	vst v0  }
0x50: {  	[tilespmem:s0+$0x60] =	vst v0  }
0x51: {  	[tilespmem:s0+$0x50] =	vst v0  }
0x52: {  	[tilespmem:s0+$0x40] =	vst v0  }
0x53: {  	[tilespmem:s0+$0x30] =	vst v0  }
0x54: {  	[tilespmem:s0+$0x20] =	vst v0  }
0x55: {  	[tilespmem:s0+$0x10] =	vst v0  }
0x56: {  	[tilespmem:s0+$0x0] =	vst v0  }
0x57: {  	[tilespmem:s0+$0xFFFFFFF0] =	vst v0  }
0x58: {  	[tilespmem:s0+$0xFFFFFFE0] =	vst v0  }
0x59: {  	[tilespmem:s0+$0xFFFFFFD0] =	vst v0  }
0x5a: {  	[tilespmem:s0+$0xFFFFFFC0] =	vst v0  }
0x5b: {  	[tilespmem:s0+$0xFFFFFFB0] =	vst v0  }
0x5c: {  	[tilespmem:s0+$0xFFFFFFA0] =	vst v0  }
0x5d: {  	[tilespmem:s0+$0xFFFFFF90] =	vst v0  }
0x5e: {  	[tilespmem:s0+$0xFFFFFF80] =	vst v0  }
0x5f: {  	[tilespmem:s0+$0xFFFFFF70] =	vst v0  }
.Ltmp2:
0x60: {  	[tilespmem:s0+$0xFFFFFF60] =	vst v0;
	(pc) =	sbr.rel @p0 .LBB2_2-.Ltmp2, $4  }
0x61: {  	[tilespmem:s0+$0xFFFFFF50] =	vst v0  }
0x62: {  	[tilespmem:s0+$0xFFFFFF40] =	vst v0  }
0x63: {  	[tilespmem:s0+$0xFFFFFF30] =	vst v0  }
0x64: {  	[tilespmem:s0+$0xFFFFFF20] =	vst v0  }
0x65: {  	[tilespmem:s0+$0xFFFFFF10] =	vst v0  }
0x66: {  	[spmem:s8] =	stream.linear.scatter [tilespmem:s16], [sflag:$0x5], $0x4000, $0x38;
	[tilespmem:$0x1C000] =	vst v63  }
0x67: {  	_ =	swait.ge [sflag:s17], $0x4000  }
0x68: {  	[sflag:s17] =	ssyncset.done $0x0  }
0x69: {  	s14 =	rddreg [dreg:$0x6];
	[sflag:s17] =	ssyncadd.s32 $0xFFFFC000  }
0x6a: {  	[spmem:s14] =	stream.linear.scatter [tilespmem:s16], [sflag:$0x5], $0x4000, $0x38;
	[tilespmem:$0x1C000] =	vst v63  }
0x6b: {  	_ =	swait.ge [sflag:s17], $0x4000  }
0x6c: {  	[sflag:s17] =	ssyncset.done $0x0  }
0x6d: {  	s1 =	simm.s32 $0x0;
	s15 =	rddreg [dreg:$0x7];
	[sflag:s17] =	ssyncadd.s32 $0xFFFFC000  }
0x6e: {  	[tilespmem:s1], [sflag:$0x5] =	stream.linear.gather [hbm4b:s15+s1], $0x1000, $0x38;
	[tilespmem:$0x1C000] =	vst v63  }
0x6f: {  	_ =	swait.ge [sflag:s17], $0x1000  }
0x70: {  	[sflag:s17] =	ssyncset.done $0x0  }
0x71: {  	s3 =	simm.s32 $0x1000;
	s18 =	rddreg [dreg:$0x8];
	[sflag:s17] =	ssyncadd.s32 $0xFFFFF000  }
0x72: {  	[tilespmem:s3], [sflag:$0x5] =	stream.linear.gather [hbm4b:s18+s1], $0x1000, $0x38;
	[tilespmem:$0x1C000] =	vst v63  }
0x73: {  	_ =	swait.ge [sflag:s17], $0x1000  }
0x74: {  	[sflag:s17] =	ssyncset.done $0x0  }
0x75: {  	s9 =	simm.s32 $0x2000;
	s19 =	rddreg [dreg:$0x9];
	[sflag:s17] =	ssyncadd.s32 $0xFFFFF000  }
0x76: {  	[tilespmem:s9], [sflag:$0x5] =	stream.linear.gather [hbm4b:s19+s1], $0x1000, $0x38;
	[tilespmem:$0x1C000] =	vst v63  }
0x77: {  	_ =	swait.ge [sflag:s17], $0x1000  }
0x78: {  	[sflag:s17] =	ssyncset.done $0x0  }
0x79: {  	[sflag:s17] =	ssyncadd.s32 $0xFFFFF000  }
0x7a: {  	[bflag:$0x0] =	sbarrier.arrive $0xFFFF  }
0x7b: {  	[tilespmem:s21], [sflag:$0x1] =	stream.indirect.gather [hbm4b:s7+s20], $0x80, s3, s20, $0xb8;
	[tilespmem:$0x1C000] =	vst v63  }
0x7c: {  	s0 =	simm.s32 $0x0;
	s30 =	rddreg [dreg:$0xa]  }
0x7d: {  	[tilespmem:s22], [sflag:$0x1] =	stream.linear.gather [hbm4b:s30+s1], $0x800, $0x38;
	[tilespmem:$0x1C000] =	vst v63  }
.LBB2_4:
0x7e: {  	p0 =	seq.s32 s0, $0x0  }
0x7f: {  	s3 =	simm.s32 @!p0 $0x4  }
0x80: {  	s9 =	sshllo.u32 s0, $0x1;
	_ =	swait.ge @!p0 [sflag:s3], $0x4000  }
0x81: {  	s19 =	sshll.u32 s9, $0x7;
	s30 =	sadd.s32 s5, s9;
	[sflag:s3] =	ssyncset.done @!p0 $0x0  }
0x82: {  	s18 =	sadd.s32 $0x1000, s19;
	[sflag:s3] =	ssyncadd.s32 @!p0 $0xFFFFC000;
	s3 =	sshll.u32 s30, $0x8  }
0x83: {  	[tilespmem:s23], [sflag:$0x2] =	stream.indirect.gather [hbm4b:s7+s20], $0x80, s18, s20, $0xb8;
	[tilespmem:$0x1C000] =	vst v63  }
0x84: {  	s3 =	sadd.s32 s6, s3  }
0x85: {  	[tilespmem:s24], [sflag:$0x2] =	stream.linear.gather [hbm4b:s3+s1], $0x800, $0x38;
	[tilespmem:$0x1C000] =	vst v63  }
0x86: {  	_ =	swait.ge [sflag:s25], $0x4000  }
0x87: {  	[sflag:s25] =	ssyncset.done $0x0  }
0x88: {  	[sflag:s25] =	ssyncadd.s32 $0xFFFFC000  }
0x89: {  	_ =	swait.ge [sflag:s25], $0x800  }
0x8a: {  	[sflag:s25] =	ssyncset.done $0x0  }
0x8b: {  	s9 =	simm.s32 $0x0;
	s18 =	sshll.u32 s0, $0x1;
	[sflag:s25] =	ssyncadd.s32 $0xFFFFF800  }
.LBB2_5:
0x8c: {  	s3 =	sshll.u32 s9, $0x7;
	s10 =	sshll.u32 s9, $0xA  }
0x8d: {  	s11 =	sand.u32 $0x3FFFFF80, s3;
	v2 =	vld [tilespmem:s10+$0x4000]  }
0x8e: {  	v1 =	vld [tilespmem:s11+$0x3000]  }
0x8f: {  	v3 =	vld [tilespmem:s10+$0x4010]  }
0x90: {  	v4 =	vld [tilespmem:s10+$0x4020]  }
0x91: {  	v5 =	vld [tilespmem:s10+$0x4030]  }
0x92: {  	v6 =	vld [tilespmem:s10+$0x4040]  }
0x93: {  	v7 =	vld [tilespmem:s10+$0x4050];
	v2 =	vmul.f32 v2, v1  }
0x94: {  	v8 =	vld [tilespmem:s10+$0x4060];
	v3 =	vmul.f32 v3, v1  }
0x95: {  	v61 =	vld [tilespmem:s10+$0x4070];
	[tilespmem:s10+$0xC000] =	vst v2;
	v2 =	vmul.f32 v4, v1  }
0x96: {  	[tilespmem:s10+$0xC010] =	vst v3;
	v3 =	vmul.f32 v5, v1  }
0x97: {  	[tilespmem:s10+$0xC020] =	vst v2;
	v2 =	vmul.f32 v6, v1  }
0x98: {  	[tilespmem:s10+$0xC030] =	vst v3;
	v3 =	vmul.f32 v7, v1  }
0x99: {  	[tilespmem:s10+$0xC040] =	vst v2;
	v2 =	vmul.f32 v8, v1  }
0x9a: {  	[tilespmem:s10+$0xC050] =	vst v3;
	v1 =	vmul.f32 v61, v1  }
0x9b: {  	[tilespmem:s10+$0xC060] =	vst v2  }
0x9c: {  	[tilespmem:s10+$0xC070] =	vst v1;
	v2 =	vld [tilespmem:s10+$0x4080]  }
0x9d: {  	v1 =	vld [tilespmem:s11+$0x3010]  }
0x9e: {  	v3 =	vld [tilespmem:s10+$0x4090]  }
0x9f: {  	v62 =	vld [tilespmem:s10+$0x40A0]  }
0xa0: {  	v63 =	vld [tilespmem:s10+$0x40B0]  }
0xa1: {  	v12 =	vld [tilespmem:s10+$0x40C0]  }
0xa2: {  	v13 =	vld [tilespmem:s10+$0x40D0];
	v2 =	vmul.f32 v2, v1  }
0xa3: {  	v14 =	vld [tilespmem:s10+$0x40E0];
	v3 =	vmul.f32 v3, v1  }
0xa4: {  	v15 =	vld [tilespmem:s10+$0x40F0];
	[tilespmem:s10+$0xC080] =	vst v2;
	v2 =	vmul.f32 v62, v1  }
0xa5: {  	[tilespmem:s10+$0xC090] =	vst v3;
	v3 =	vmul.f32 v63, v1  }
0xa6: {  	[tilespmem:s10+$0xC0A0] =	vst v2;
	v2 =	vmul.f32 v12, v1  }
0xa7: {  	[tilespmem:s10+$0xC0B0] =	vst v3;
	v3 =	vmul.f32 v13, v1  }
0xa8: {  	[tilespmem:s10+$0xC0C0] =	vst v2;
	v2 =	vmul.f32 v14, v1  }
0xa9: {  	[tilespmem:s10+$0xC0D0] =	vst v3;
	v1 =	vmul.f32 v15, v1  }
0xaa: {  	[tilespmem:s10+$0xC0E0] =	vst v2  }
0xab: {  	[tilespmem:s10+$0xC0F0] =	vst v1;
	v2 =	vld [tilespmem:s10+$0x4100]  }
0xac: {  	v1 =	vld [tilespmem:s11+$0x3020]  }
0xad: {  	v3 =	vld [tilespmem:s10+$0x4110]  }
0xae: {  	v16 =	vld [tilespmem:s10+$0x4120]  }
0xaf: {  	v17 =	vld [tilespmem:s10+$0x4130]  }
0xb0: {  	v18 =	vld [tilespmem:s10+$0x4140]  }
0xb1: {  	v2 =	vmul.f32 v2, v1  }
0xb2: {  	v3 =	vmul.f32 v3, v1  }
0xb3: {  	[tilespmem:s10+$0xC100] =	vst v2;
	v2 =	vmul.f32 v16, v1  }
0xb4: {  	[tilespmem:s10+$0xC110] =	vst v3;
	v3 =	vmul.f32 v17, v1  }
0xb5: {  	[tilespmem:s10+$0xC120] =	vst v2;
	v2 =	vmul.f32 v18, v1  }
0xb6: {  	[tilespmem:s10+$0xC130] =	vst v3  }
0xb7: {  	[tilespmem:s10+$0xC140] =	vst v2  }
0xb8: {  	v2 =	vld [tilespmem:s10+$0x4150]  }
0xb9: {  	v3 =	vld [tilespmem:s10+$0x4160]  }
0xba: {  	v19 =	vld [tilespmem:s10+$0x4170]  }
0xbb: {  	v20 =	vld [tilespmem:s10+$0x41A0]  }
0xbc: {  	v21 =	vld [tilespmem:s10+$0x41B0]  }
0xbd: {  	v22 =	vld [tilespmem:s10+$0x41C0]  }
0xbe: {  	s15 =	sor.u32 $0x1, s9;
	v23 =	vld [tilespmem:s10+$0x41D0]  }
0xbf: {  	s12 =	sshll.u32 s15, $0x7;
	v24 =	vld [tilespmem:s10+$0x41E0]  }
0xc0: {  	s13 =	sand.u32 $0x3FFFFF80, s12;
	s12 =	sshll.u32 s15, $0xA;
	v25 =	vld [tilespmem:s10+$0x41F0]  }
0xc1: {  	v26 =	vld [tilespmem:s12+$0x4000]  }
0xc2: {  	v27 =	vld [tilespmem:s12+$0x4010]  }
0xc3: {  	v28 =	vld [tilespmem:s12+$0x4020]  }
0xc4: {  	v29 =	vld [tilespmem:s12+$0x4030]  }
0xc5: {  	v30 =	vld [tilespmem:s12+$0x4040]  }
0xc6: {  	v9 =	vld [tilespmem:s12+$0x4050]  }
0xc7: {  	v10 =	vld [tilespmem:s12+$0x4060]  }
0xc8: {  	v32 =	vld [tilespmem:s12+$0x4070]  }
0xc9: {  	v11 =	vld [tilespmem:s10+$0x4210]  }
0xca: {  	v34 =	vld [tilespmem:s10+$0x4220]  }
0xcb: {  	v36 =	vld [tilespmem:s10+$0x4230]  }
0xcc: {  	v38 =	vld [tilespmem:s10+$0x4240]  }
0xcd: {  	v40 =	vld [tilespmem:s10+$0x4250];
	v2 =	vmul.f32 v2, v1  }
0xce: {  	v41 =	vld [tilespmem:s10+$0x4260];
	v3 =	vmul.f32 v3, v1  }
0xcf: {  	v43 =	vld [tilespmem:s10+$0x4270];
	v1 =	vmul.f32 v19, v1;
	[tilespmem:s10+$0xC150] =	vst v2  }
0xd0: {  	v45 =	vld [tilespmem:s12+$0x4080];
	[tilespmem:s10+$0xC160] =	vst v3  }
0xd1: {  	[tilespmem:s10+$0xC170] =	vst v1;
	v3 =	vld [tilespmem:s10+$0x4190]  }
0xd2: {  	v1 =	vld [tilespmem:s11+$0x3030]  }
0xd3: {  	v46 =	vld [tilespmem:s12+$0x4090]  }
0xd4: {  	v48 =	vld [tilespmem:s12+$0x40A0]  }
0xd5: {  	v2 =	vld [tilespmem:s10+$0x4180]  }
0xd6: {  	v49 =	vld [tilespmem:s12+$0x40B0]  }
0xd7: {  	v50 =	vld [tilespmem:s12+$0x40C0];
	v3 =	vmul.f32 v3, v1  }
0xd8: {  	v51 =	vld [tilespmem:s12+$0x40D0]  }
0xd9: {  	v52 =	vld [tilespmem:s12+$0x40E0];
	[tilespmem:s10+$0xC190] =	vst v3;
	v3 =	vmul.f32 v21, v1  }
0xda: {  	v53 =	vld [tilespmem:s12+$0x40F0];
	v2 =	vmul.f32 v2, v1  }
0xdb: {  	v54 =	vld [tilespmem:s12+$0x4100];
	[tilespmem:s10+$0xC1B0] =	vst v3;
	v3 =	vmul.f32 v23, v1  }
0xdc: {  	v55 =	vld [tilespmem:s12+$0x4110];
	[tilespmem:s10+$0xC180] =	vst v2;
	v2 =	vmul.f32 v20, v1  }
0xdd: {  	[tilespmem:s10+$0xC1D0] =	vst v3;
	v3 =	vld [tilespmem:s13+$0x3000]  }
0xde: {  	v56 =	vld [tilespmem:s12+$0x4120];
	[tilespmem:s10+$0xC1A0] =	vst v2;
	v2 =	vmul.f32 v22, v1  }
0xdf: {  	v57 =	vld [tilespmem:s12+$0x4130]  }
0xe0: {  	v58 =	vld [tilespmem:s12+$0x4140];
	[tilespmem:s10+$0xC1C0] =	vst v2;
	v2 =	vmul.f32 v24, v1  }
0xe1: {  	v59 =	vld [tilespmem:s12+$0x4150];
	v1 =	vmul.f32 v25, v1  }
0xe2: {  	v60 =	vld [tilespmem:s12+$0x4160];
	[tilespmem:s10+$0xC1E0] =	vst v2;
	v4 =	vmul.f32 v26, v3  }
0xe3: {  	v62 =	vld [tilespmem:s12+$0x4170];
	[tilespmem:s10+$0xC1F0] =	vst v1;
	v5 =	vmul.f32 v27, v3  }
0xe4: {  	v2 =	vld [tilespmem:s10+$0x4200];
	v31 =	vmul.f32 v28, v3;
	[tilespmem:s12+$0xC000] =	vst v4  }
0xe5: {  	v1 =	vld [tilespmem:s11+$0x3040];
	v33 =	vmul.f32 v29, v3;
	[tilespmem:s12+$0xC010] =	vst v5  }
0xe6: {  	v63 =	vld [tilespmem:s10+$0x4290];
	v35 =	vmul.f32 v30, v3;
	[tilespmem:s12+$0xC020] =	vst v31  }
0xe7: {  	v13 =	vld [tilespmem:s10+$0x42A0];
	v37 =	vmul.f32 v9, v3;
	[tilespmem:s12+$0xC030] =	vst v33  }
0xe8: {  	v15 =	vld [tilespmem:s10+$0x42B0];
	v39 =	vmul.f32 v10, v3;
	[tilespmem:s12+$0xC040] =	vst v35  }
0xe9: {  	v17 =	vld [tilespmem:s10+$0x42C0];
	v3 =	vmul.f32 v32, v3;
	[tilespmem:s12+$0xC050] =	vst v37  }
0xea: {  	v19 =	vld [tilespmem:s10+$0x42D0];
	[tilespmem:s12+$0xC060] =	vst v39;
	v2 =	vmul.f32 v2, v1  }
0xeb: {  	v20 =	vld [tilespmem:s10+$0x42E0];
	[tilespmem:s12+$0xC070] =	vst v3;
	v42 =	vmul.f32 v11, v1  }
0xec: {  	v21 =	vld [tilespmem:s10+$0x42F0];
	[tilespmem:s10+$0xC200] =	vst v2;
	v2 =	vmul.f32 v34, v1  }
0xed: {  	v3 =	vld [tilespmem:s13+$0x3010];
	v44 =	vmul.f32 v36, v1;
	[tilespmem:s10+$0xC210] =	vst v42  }
0xee: {  	v23 =	vld [tilespmem:s12+$0x4180];
	[tilespmem:s10+$0xC220] =	vst v2;
	v2 =	vmul.f32 v38, v1  }
0xef: {  	v24 =	vld [tilespmem:s12+$0x4190];
	v47 =	vmul.f32 v40, v1;
	[tilespmem:s10+$0xC230] =	vst v44  }
0xf0: {  	v25 =	vld [tilespmem:s12+$0x41A0];
	[tilespmem:s10+$0xC240] =	vst v2;
	v2 =	vmul.f32 v41, v1  }
0xf1: {  	v8 =	vld [tilespmem:s10+$0x4360];
	[tilespmem:s10+$0xC250] =	vst v47;
	v1 =	vmul.f32 v43, v1  }
0xf2: {  	v26 =	vld [tilespmem:s12+$0x41B0];
	[tilespmem:s10+$0xC260] =	vst v2;
	v2 =	vmul.f32 v45, v3  }
0xf3: {  	s30 =	sor.u32 $0x2, s9;
	v27 =	vld [tilespmem:s12+$0x41C0];
	[tilespmem:s10+$0xC270] =	vst v1;
	v1 =	vmul.f32 v46, v3  }
0xf4: {  	s14 =	sshll.u32 s30, $0x7;
	v28 =	vld [tilespmem:s12+$0x41E0];
	[tilespmem:s12+$0xC080] =	vst v2;
	v2 =	vmul.f32 v48, v3  }
0xf5: {  	s15 =	sand.u32 $0x3FFFFF80, s14;
	v29 =	vld [tilespmem:s12+$0x41F0];
	[tilespmem:s12+$0xC090] =	vst v1;
	v1 =	vmul.f32 v49, v3  }
0xf6: {  	s14 =	sshll.u32 s30, $0xA;
	v30 =	vld [tilespmem:s15+$0x3000];
	[tilespmem:s12+$0xC0A0] =	vst v2;
	v2 =	vmul.f32 v50, v3  }
0xf7: {  	v32 =	vld [tilespmem:s14+$0x4010];
	[tilespmem:s12+$0xC0B0] =	vst v1;
	v1 =	vmul.f32 v51, v3  }
0xf8: {  	v35 =	vld [tilespmem:s14+$0x4050];
	[tilespmem:s12+$0xC0C0] =	vst v2;
	v2 =	vmul.f32 v52, v3  }
0xf9: {  	v36 =	vld [tilespmem:s14+$0x4060];
	[tilespmem:s12+$0xC0D0] =	vst v1;
	v1 =	vmul.f32 v53, v3  }
0xfa: {  	v3 =	vld [tilespmem:s11+$0x3050];
	[tilespmem:s12+$0xC0E0] =	vst v2  }
0xfb: {  	v2 =	vld [tilespmem:s10+$0x4280];
	[tilespmem:s12+$0xC0F0] =	vst v1  }
0xfc: {  	v1 =	vld [tilespmem:s13+$0x3020]  }
0xfd: {  	v31 =	vld [tilespmem:s14+$0x4000]  }
0xfe: {  	v33 =	vld [tilespmem:s14+$0x4030];
	v7 =	vmul.f32 v35, v30  }
0xff: {  	v37 =	vld [tilespmem:s14+$0x4070];
	v38 =	vmul.f32 v36, v30  }
0x100: {  	v34 =	vld [tilespmem:s14+$0x4040];
	[tilespmem:s14+$0xC050] =	vst v7;
	v2 =	vmul.f32 v2, v3  }
0x101: {  	v42 =	vld [tilespmem:s14+$0x4080];
	[tilespmem:s14+$0xC060] =	vst v38;
	v4 =	vmul.f32 v54, v1  }
0x102: {  	v44 =	vld [tilespmem:s14+$0x40A0];
	v5 =	vmul.f32 v55, v1;
	[tilespmem:s10+$0xC280] =	vst v2  }
0x103: {  	v35 =	vld [tilespmem:s14+$0x4190];
	v61 =	vmul.f32 v56, v1;
	[tilespmem:s12+$0xC100] =	vst v4  }
0x104: {  	v36 =	vld [tilespmem:s14+$0x41A0];
	v12 =	vmul.f32 v57, v1;
	[tilespmem:s12+$0xC110] =	vst v5  }
0x105: {  	s3 =	sor.u32 $0x3, s9;
	v41 =	vld [tilespmem:s12+$0x4200];
	v14 =	vmul.f32 v58, v1;
	[tilespmem:s12+$0xC120] =	vst v61  }
0x106: {  	s30 =	sshll.u32 s3, $0x7;
	v43 =	vld [tilespmem:s14+$0x4090];
	v6 =	vmul.f32 v34, v30;
	v16 =	vmul.f32 v59, v1;
	[tilespmem:s12+$0xC130] =	vst v12  }
0x107: {  	s30 =	sand.u32 $0x3FFFFF80, s30;
	v34 =	vld [tilespmem:s14+$0x4180];
	v18 =	vmul.f32 v60, v1;
	v1 =	vmul.f32 v62, v1;
	[tilespmem:s12+$0xC140] =	vst v14  }
0x108: {  	v38 =	vld [tilespmem:s30+$0x3000];
	[tilespmem:s12+$0xC150] =	vst v16  }
0x109: {  	v46 =	vld [tilespmem:s14+$0x40F0];
	[tilespmem:s12+$0xC170] =	vst v1;
	v1 =	vmul.f32 v63, v3  }
0x10a: {  	v48 =	vld [tilespmem:s12+$0x4220];
	v2 =	vmul.f32 v13, v3;
	[tilespmem:s12+$0xC160] =	vst v18  }
0x10b: {  	v50 =	vld [tilespmem:s12+$0x4230];
	[tilespmem:s10+$0xC290] =	vst v1;
	v1 =	vmul.f32 v15, v3  }
0x10c: {  	v5 =	vmul.f32 v32, v30;
	v22 =	vld [tilespmem:s13+$0x3030];
	[tilespmem:s10+$0xC2A0] =	vst v2  }
0x10d: {  	v52 =	vld [tilespmem:s12+$0x4240];
	[tilespmem:s10+$0xC2B0] =	vst v1;
	v1 =	vmul.f32 v19, v3  }
0x10e: {  	v54 =	vld [tilespmem:s12+$0x4250];
	v2 =	vmul.f32 v17, v3;
	[tilespmem:s14+$0xC010] =	vst v5  }
0x10f: {  	v55 =	vld [tilespmem:s12+$0x4260];
	[tilespmem:s10+$0xC2D0] =	vst v1;
	v1 =	vmul.f32 v21, v3  }
0x110: {  	[tilespmem:s10+$0xC2C0] =	vst v2;
	v2 =	vmul.f32 v20, v3;
	v3 =	vld [tilespmem:s12+$0x41D0]  }
0x111: {  	v57 =	vld [tilespmem:s12+$0x4270];
	[tilespmem:s10+$0xC2F0] =	vst v1;
	v1 =	vmul.f32 v24, v22  }
0x112: {  	v13 =	vld [tilespmem:s14+$0x40C0];
	[tilespmem:s10+$0xC2E0] =	vst v2;
	v2 =	vmul.f32 v23, v22  }
0x113: {  	v4 =	vld [tilespmem:s10+$0x4300];
	[tilespmem:s12+$0xC190] =	vst v1;
	v1 =	vmul.f32 v26, v22  }
0x114: {  	v12 =	vld [tilespmem:s14+$0x40B0];
	[tilespmem:s12+$0xC180] =	vst v2;
	v2 =	vmul.f32 v25, v22  }
0x115: {  	v14 =	vld [tilespmem:s14+$0x40D0];
	[tilespmem:s12+$0xC1B0] =	vst v1;
	v1 =	vmul.f32 v3, v22  }
0x116: {  	v16 =	vld [tilespmem:s12+$0x4210];
	[tilespmem:s12+$0xC1A0] =	vst v2;
	v2 =	vmul.f32 v27, v22  }
0x117: {  	v3 =	vld [tilespmem:s14+$0x4020];
	[tilespmem:s12+$0xC1D0] =	vst v1;
	v1 =	vmul.f32 v29, v22  }
0x118: {  	v61 =	vld [tilespmem:s14+$0x4100];
	[tilespmem:s12+$0xC1C0] =	vst v2;
	v2 =	vmul.f32 v28, v22  }
0x119: {  	v39 =	vmul.f32 v37, v30;
	[tilespmem:s12+$0xC1F0] =	vst v1;
	v1 =	vld [tilespmem:s11+$0x3060]  }
0x11a: {  	v5 =	vld [tilespmem:s10+$0x4310];
	[tilespmem:s12+$0xC1E0] =	vst v2;
	v2 =	vmul.f32 v31, v30  }
0x11b: {  	[tilespmem:s14+$0xC070] =	vst v39;
	v40 =	vld [tilespmem:s13+$0x3040]  }
0x11c: {  	v63 =	vld [tilespmem:s14+$0x4110];
	[tilespmem:s14+$0xC000] =	vst v2;
	v2 =	vmul.f32 v3, v30  }
0x11d: {  	[tilespmem:s14+$0xC040] =	vst v6;
	v32 =	vld [tilespmem:s12+$0x4290];
	v3 =	vmul.f32 v33, v30  }
0x11e: {  	v17 =	vld [tilespmem:s14+$0x4120];
	[tilespmem:s14+$0xC020] =	vst v2;
	v4 =	vmul.f32 v4, v1  }
0x11f: {  	v15 =	vld [tilespmem:s14+$0x40E0];
	[tilespmem:s14+$0xC030] =	vst v3;
	v5 =	vmul.f32 v5, v1  }
0x120: {  	v19 =	vld [tilespmem:s14+$0x4130];
	v6 =	vmul.f32 v41, v40;
	[tilespmem:s10+$0xC300] =	vst v4  }
0x121: {  	v7 =	vld [tilespmem:s15+$0x3010];
	v56 =	vmul.f32 v16, v40;
	[tilespmem:s10+$0xC310] =	vst v5  }
0x122: {  	v21 =	vld [tilespmem:s14+$0x4140];
	v58 =	vmul.f32 v48, v40;
	[tilespmem:s12+$0xC200] =	vst v6  }
0x123: {  	v23 =	vld [tilespmem:s14+$0x4150];
	v60 =	vmul.f32 v50, v40;
	[tilespmem:s12+$0xC210] =	vst v56  }
0x124: {  	v25 =	vld [tilespmem:s14+$0x4160];
	v62 =	vmul.f32 v52, v40;
	[tilespmem:s12+$0xC220] =	vst v58  }
0x125: {  	v27 =	vld [tilespmem:s14+$0x4170];
	v16 =	vmul.f32 v54, v40;
	[tilespmem:s12+$0xC230] =	vst v60  }
0x126: {  	v30 =	vld [tilespmem:s12+$0x4280];
	[tilespmem:s12+$0xC240] =	vst v62;
	v9 =	vmul.f32 v42, v7  }
0x127: {  	v33 =	vld [tilespmem:s12+$0x42A0];
	[tilespmem:s12+$0xC250] =	vst v16;
	v10 =	vmul.f32 v43, v7  }
0x128: {  	v2 =	vld [tilespmem:s10+$0x4320];
	v45 =	vmul.f32 v44, v7;
	[tilespmem:s14+$0xC080] =	vst v9  }
0x129: {  	s3 =	sshll.u32 s3, $0xA;
	v3 =	vld [tilespmem:s10+$0x4330];
	v18 =	vmul.f32 v55, v40;
	v47 =	vmul.f32 v12, v7;
	[tilespmem:s14+$0xC090] =	vst v10  }
0x12a: {  	v20 =	vmul.f32 v57, v40;
	v40 =	vld [tilespmem:s3+$0x4000];
	v49 =	vmul.f32 v13, v7;
	[tilespmem:s14+$0xC0A0] =	vst v45  }
0x12b: {  	v54 =	vld [tilespmem:s12+$0x42B0];
	v51 =	vmul.f32 v14, v7;
	[tilespmem:s14+$0xC0B0] =	vst v47  }
0x12c: {  	v55 =	vld [tilespmem:s12+$0x42C0];
	v53 =	vmul.f32 v15, v7;
	[tilespmem:s14+$0xC0C0] =	vst v49  }
0x12d: {  	v57 =	vld [tilespmem:s12+$0x42E0];
	v7 =	vmul.f32 v46, v7;
	[tilespmem:s14+$0xC0D0] =	vst v51  }
0x12e: {  	v42 =	vld [tilespmem:s3+$0x4010];
	[tilespmem:s14+$0xC0E0] =	vst v53  }
0x12f: {  	v44 =	vld [tilespmem:s3+$0x4020];
	[tilespmem:s14+$0xC0F0] =	vst v7  }
0x130: {  	[tilespmem:s12+$0xC260] =	vst v18;
	v2 =	vmul.f32 v2, v1;
	v59 =	vld [tilespmem:s15+$0x3020]  }
0x131: {  	[tilespmem:s12+$0xC270] =	vst v20;
	v6 =	vld [tilespmem:s10+$0x4340];
	v3 =	vmul.f32 v3, v1  }
0x132: {  	v18 =	vld [tilespmem:s14+$0x41C0];
	[tilespmem:s10+$0xC320] =	vst v2;
	v48 =	vmul.f32 v40, v38  }
0x133: {  	v20 =	vld [tilespmem:s14+$0x41E0];
	[tilespmem:s10+$0xC330] =	vst v3;
	v50 =	vmul.f32 v42, v38  }
0x134: {  	v56 =	vld [tilespmem:s12+$0x42D0];
	[tilespmem:s3+$0xC000] =	vst v48;
	v52 =	vmul.f32 v44, v38  }
0x135: {  	v58 =	vld [tilespmem:s12+$0x42F0];
	[tilespmem:s3+$0xC010] =	vst v50;
	v22 =	vmul.f32 v61, v59  }
0x136: {  	v60 =	vld [tilespmem:s14+$0x4200];
	[tilespmem:s3+$0xC020] =	vst v52;
	v24 =	vmul.f32 v63, v59  }
0x137: {  	v62 =	vld [tilespmem:s3+$0x4080];
	v26 =	vmul.f32 v17, v59;
	[tilespmem:s14+$0xC100] =	vst v22  }
0x138: {  	v29 =	vld [tilespmem:s13+$0x3050];
	v10 =	vmul.f32 v19, v59;
	[tilespmem:s14+$0xC110] =	vst v24  }
0x139: {  	v53 =	vld [tilespmem:s3+$0x4070];
	v28 =	vmul.f32 v21, v59;
	[tilespmem:s14+$0xC120] =	vst v26  }
0x13a: {  	v7 =	vld [tilespmem:s10+$0x4350];
	v9 =	vmul.f32 v23, v59;
	[tilespmem:s14+$0xC130] =	vst v10  }
0x13b: {  	v46 =	vld [tilespmem:s3+$0x4030];
	v11 =	vmul.f32 v25, v59;
	[tilespmem:s14+$0xC140] =	vst v28  }
0x13c: {  	v47 =	vld [tilespmem:s3+$0x4040];
	v31 =	vmul.f32 v27, v59;
	[tilespmem:s14+$0xC150] =	vst v9  }
0x13d: {  	v49 =	vld [tilespmem:s3+$0x4050];
	v12 =	vmul.f32 v32, v29;
	[tilespmem:s14+$0xC160] =	vst v11  }
0x13e: {  	v51 =	vld [tilespmem:s3+$0x4060];
	v16 =	vmul.f32 v53, v38;
	[tilespmem:s14+$0xC170] =	vst v31  }
0x13f: {  	[tilespmem:s12+$0xC290] =	vst v12;
	v3 =	vmul.f32 v7, v1;
	v9 =	vld [tilespmem:s15+$0x3030]  }
0x140: {  	v40 =	vld [tilespmem:s14+$0x4260];
	v63 =	vmul.f32 v55, v29;
	[tilespmem:s3+$0xC070] =	vst v16  }
0x141: {  	v17 =	vld [tilespmem:s14+$0x41B0];
	[tilespmem:s10+$0xC350] =	vst v3;
	v22 =	vmul.f32 v56, v29  }
0x142: {  	v44 =	vld [tilespmem:s3+$0x4100];
	[tilespmem:s12+$0xC2C0] =	vst v63;
	v24 =	vmul.f32 v57, v29  }
0x143: {  	v53 =	vld [tilespmem:s3+$0x4150];
	v26 =	vmul.f32 v58, v29;
	[tilespmem:s12+$0xC2D0] =	vst v22  }
0x144: {  	v19 =	vld [tilespmem:s14+$0x41D0];
	[tilespmem:s12+$0xC2E0] =	vst v24;
	v15 =	vmul.f32 v35, v9  }
0x145: {  	v21 =	vld [tilespmem:s14+$0x41F0];
	[tilespmem:s12+$0xC2F0] =	vst v26;
	v45 =	vmul.f32 v20, v9;
	v20 =	vmul.f32 v46, v38  }
0x146: {  	v23 =	vld [tilespmem:s3+$0x40A0];
	v39 =	vmul.f32 v17, v9;
	v17 =	vmul.f32 v49, v38;
	[tilespmem:s14+$0xC190] =	vst v15  }
0x147: {  	v25 =	vld [tilespmem:s3+$0x40B0];
	v41 =	vmul.f32 v18, v9;
	v18 =	vmul.f32 v51, v38;
	[tilespmem:s3+$0xC030] =	vst v20  }
0x148: {  	v27 =	vld [tilespmem:s3+$0x40C0];
	v15 =	vmul.f32 v47, v38;
	[tilespmem:s3+$0xC050] =	vst v17  }
0x149: {  	v55 =	vld [tilespmem:s3+$0x4160];
	v14 =	vmul.f32 v34, v9;
	[tilespmem:s3+$0xC060] =	vst v18  }
0x14a: {  	v3 =	vld [tilespmem:s3+$0x41C0];
	v37 =	vmul.f32 v36, v9;
	[tilespmem:s3+$0xC040] =	vst v15  }
0x14b: {  	[tilespmem:s14+$0xC180] =	vst v14;
	v61 =	vld [tilespmem:s30+$0x3010]  }
0x14c: {  	v43 =	vmul.f32 v19, v9;
	v9 =	vmul.f32 v21, v9;
	v21 =	vld [tilespmem:s3+$0x4090];
	[tilespmem:s14+$0xC1A0] =	vst v37  }
0x14d: {  	v31 =	vld [tilespmem:s3+$0x40E0];
	[tilespmem:s14+$0xC1B0] =	vst v39  }
0x14e: {  	v11 =	vmul.f32 v33, v29;
	v33 =	vld [tilespmem:s3+$0x40F0];
	[tilespmem:s14+$0xC1C0] =	vst v41  }
0x14f: {  	v13 =	vmul.f32 v30, v29;
	v57 =	vld [tilespmem:s3+$0x4170];
	[tilespmem:s14+$0xC1D0] =	vst v43  }
0x150: {  	[tilespmem:s14+$0xC1F0] =	vst v9;
	v9 =	vmul.f32 v54, v29;
	v29 =	vld [tilespmem:s3+$0x40D0];
	v28 =	vmul.f32 v62, v61  }
0x151: {  	v58 =	vld [tilespmem:s10+$0x4370];
	[tilespmem:s14+$0xC1E0] =	vst v45;
	v30 =	vmul.f32 v21, v61  }
0x152: {  	v63 =	vld [tilespmem:s12+$0x4310];
	v32 =	vmul.f32 v23, v61;
	[tilespmem:s3+$0xC080] =	vst v28  }
0x153: {  	v22 =	vld [tilespmem:s3+$0x4190];
	v15 =	vmul.f32 v25, v61;
	[tilespmem:s3+$0xC090] =	vst v30  }
0x154: {  	v24 =	vld [tilespmem:s3+$0x41B0];
	v10 =	vmul.f32 v27, v61;
	[tilespmem:s3+$0xC0A0] =	vst v32  }
0x155: {  	v26 =	vld [tilespmem:s3+$0x41E0];
	v12 =	vmul.f32 v29, v61;
	[tilespmem:s3+$0xC0B0] =	vst v15  }
0x156: {  	v34 =	vld [tilespmem:s14+$0x4210];
	v14 =	vmul.f32 v31, v61;
	[tilespmem:s3+$0xC0C0] =	vst v10  }
0x157: {  	v35 =	vld [tilespmem:s14+$0x4220];
	v38 =	vmul.f32 v33, v61;
	[tilespmem:s3+$0xC0D0] =	vst v12  }
0x158: {  	v2 =	vmul.f32 v6, v1;
	v36 =	vld [tilespmem:s14+$0x4230];
	[tilespmem:s3+$0xC0E0] =	vst v14  }
0x159: {  	v59 =	vld [tilespmem:s15+$0x3040];
	[tilespmem:s3+$0xC0F0] =	vst v38  }
0x15a: {  	[tilespmem:s10+$0xC340] =	vst v2;
	v2 =	vmul.f32 v8, v1;
	v42 =	vld [tilespmem:s30+$0x3020]  }
0x15b: {  	[tilespmem:s12+$0xC280] =	vst v13;
	v45 =	vld [tilespmem:s3+$0x4110]  }
0x15c: {  	[tilespmem:s10+$0xC360] =	vst v2;
	v1 =	vmul.f32 v58, v1;
	v47 =	vld [tilespmem:s3+$0x4120]  }
0x15d: {  	[tilespmem:s12+$0xC2A0] =	vst v11;
	v49 =	vld [tilespmem:s3+$0x4130]  }
0x15e: {  	v51 =	vld [tilespmem:s3+$0x4140];
	[tilespmem:s10+$0xC370] =	vst v1;
	v11 =	vmul.f32 v35, v59  }
0x15f: {  	v19 =	vld [tilespmem:s14+$0x4280];
	[tilespmem:s12+$0xC2B0] =	vst v9;
	v52 =	vmul.f32 v44, v42  }
0x160: {  	v37 =	vld [tilespmem:s14+$0x4240];
	[tilespmem:s14+$0xC220] =	vst v11;
	v54 =	vmul.f32 v45, v42  }
0x161: {  	v39 =	vld [tilespmem:s14+$0x4250];
	v56 =	vmul.f32 v47, v42;
	[tilespmem:s3+$0xC100] =	vst v52  }
0x162: {  	v41 =	vld [tilespmem:s14+$0x4270];
	v14 =	vmul.f32 v49, v42;
	[tilespmem:s3+$0xC110] =	vst v54  }
0x163: {  	v58 =	vld [tilespmem:s14+$0x4340];
	v16 =	vmul.f32 v60, v59;
	v60 =	vmul.f32 v51, v42;
	[tilespmem:s3+$0xC120] =	vst v56  }
0x164: {  	v17 =	vld [tilespmem:s3+$0x4370];
	v62 =	vmul.f32 v53, v42;
	[tilespmem:s3+$0xC130] =	vst v14  }
0x165: {  	v9 =	vmul.f32 v34, v59;
	v34 =	vld [tilespmem:s3+$0x4200];
	v11 =	vmul.f32 v55, v42;
	[tilespmem:s3+$0xC140] =	vst v60  }
0x166: {  	v35 =	vld [tilespmem:s3+$0x4220];
	v13 =	vmul.f32 v57, v42;
	[tilespmem:s3+$0xC150] =	vst v62  }
0x167: {  	v43 =	vmul.f32 v36, v59;
	v36 =	vld [tilespmem:s3+$0x4230];
	[tilespmem:s3+$0xC160] =	vst v11  }
0x168: {  	v21 =	vld [tilespmem:s3+$0x4180];
	[tilespmem:s3+$0xC170] =	vst v13  }
0x169: {  	[tilespmem:s14+$0xC200] =	vst v16;
	v20 =	vld [tilespmem:s30+$0x3030]  }
0x16a: {  	v46 =	vmul.f32 v39, v59;
	v39 =	vld [tilespmem:s3+$0x4270];
	[tilespmem:s14+$0xC210] =	vst v9  }
0x16b: {  	v48 =	vmul.f32 v40, v59;
	v40 =	vld [tilespmem:s12+$0x4350];
	[tilespmem:s14+$0xC230] =	vst v43  }
0x16c: {  	v50 =	vmul.f32 v41, v59;
	v41 =	vld [tilespmem:s12+$0x4360];
	[tilespmem:s14+$0xC250] =	vst v46  }
0x16d: {  	[tilespmem:s14+$0xC260] =	vst v48;
	v25 =	vld [tilespmem:s3+$0x41D0];
	v10 =	vmul.f32 v37, v59  }
0x16e: {  	[tilespmem:s14+$0xC270] =	vst v50;
	v61 =	vld [tilespmem:s12+$0x4300];
	v2 =	vmul.f32 v21, v20  }
0x16f: {  	v23 =	vld [tilespmem:s3+$0x41A0];
	[tilespmem:s14+$0xC240] =	vst v10;
	v1 =	vmul.f32 v22, v20  }
0x170: {  	v27 =	vld [tilespmem:s3+$0x41F0];
	v8 =	vmul.f32 v24, v20;
	[tilespmem:s3+$0xC180] =	vst v2  }
0x171: {  	v16 =	vld [tilespmem:s12+$0x4320];
	v3 =	vmul.f32 v3, v20;
	[tilespmem:s3+$0xC190] =	vst v1  }
0x172: {  	v59 =	vld [tilespmem:s13+$0x3060];
	v5 =	vmul.f32 v25, v20;
	[tilespmem:s3+$0xC1B0] =	vst v8  }
0x173: {  	v29 =	vld [tilespmem:s14+$0x42D0];
	v6 =	vmul.f32 v26, v20;
	[tilespmem:s3+$0xC1C0] =	vst v3  }
0x174: {  	v18 =	vld [tilespmem:s15+$0x3050];
	v2 =	vmul.f32 v23, v20;
	[tilespmem:s3+$0xC1D0] =	vst v5  }
0x175: {  	v4 =	vmul.f32 v27, v20;
	v1 =	vld [tilespmem:s14+$0x4290];
	[tilespmem:s3+$0xC1E0] =	vst v6  }
0x176: {  	[tilespmem:s3+$0xC1A0] =	vst v2;
	v2 =	vld [tilespmem:s14+$0x42A0]  }
0x177: {  	v28 =	vld [tilespmem:s14+$0x42B0];
	v43 =	vmul.f32 v61, v59;
	[tilespmem:s3+$0xC1F0] =	vst v4  }
0x178: {  	v10 =	vmul.f32 v63, v59;
	v33 =	vld [tilespmem:s30+$0x3040]  }
0x179: {  	[tilespmem:s12+$0xC300] =	vst v43;
	v30 =	vmul.f32 v19, v18;
	v3 =	vld [tilespmem:s14+$0x42C0]  }
0x17a: {  	v31 =	vld [tilespmem:s14+$0x42E0];
	[tilespmem:s12+$0xC310] =	vst v10;
	v1 =	vmul.f32 v1, v18  }
0x17b: {  	v48 =	vld [tilespmem:s3+$0x4290];
	[tilespmem:s14+$0xC280] =	vst v30;
	v2 =	vmul.f32 v2, v18  }
0x17c: {  	v32 =	vld [tilespmem:s14+$0x42F0];
	[tilespmem:s14+$0xC290] =	vst v1;
	v1 =	vmul.f32 v28, v18  }
0x17d: {  	v50 =	vld [tilespmem:s3+$0x42B0];
	v6 =	vmul.f32 v36, v33;
	[tilespmem:s14+$0xC2A0] =	vst v2  }
0x17e: {  	v2 =	vmul.f32 v3, v18;
	v3 =	vld [tilespmem:s3+$0x4210];
	[tilespmem:s14+$0xC2B0] =	vst v1  }
0x17f: {  	v37 =	vld [tilespmem:s3+$0x4240];
	v1 =	vmul.f32 v29, v18;
	[tilespmem:s3+$0xC230] =	vst v6  }
0x180: {  	v38 =	vld [tilespmem:s3+$0x4250];
	[tilespmem:s14+$0xC2C0] =	vst v2;
	v2 =	vmul.f32 v31, v18  }
0x181: {  	v12 =	vld [tilespmem:s3+$0x4310];
	[tilespmem:s14+$0xC2D0] =	vst v1;
	v1 =	vmul.f32 v32, v18  }
0x182: {  	v15 =	vld [tilespmem:s3+$0x4350];
	[tilespmem:s14+$0xC2E0] =	vst v2;
	v2 =	vmul.f32 v34, v33  }
0x183: {  	[tilespmem:s14+$0xC2F0] =	vst v1;
	v1 =	vmul.f32 v3, v33;
	v3 =	vld [tilespmem:s3+$0x4260]  }
0x184: {  	v61 =	vld [tilespmem:s14+$0x4370];
	[tilespmem:s3+$0xC200] =	vst v2;
	v2 =	vmul.f32 v35, v33  }
0x185: {  	v4 =	vmul.f32 v37, v33;
	[tilespmem:s3+$0xC210] =	vst v1;
	v1 =	vld [tilespmem:s12+$0x4330]  }
0x186: {  	v8 =	vmul.f32 v38, v33;
	[tilespmem:s3+$0xC220] =	vst v2;
	v2 =	vld [tilespmem:s12+$0x4340]  }
0x187: {  	v42 =	vld [tilespmem:s12+$0x4370];
	v5 =	vmul.f32 v39, v33;
	[tilespmem:s3+$0xC240] =	vst v4  }
0x188: {  	v44 =	vld [tilespmem:s14+$0x4300];
	[tilespmem:s3+$0xC250] =	vst v8;
	v3 =	vmul.f32 v3, v33  }
0x189: {  	v45 =	vmul.f32 v16, v59;
	v47 =	vld [tilespmem:s3+$0x4280];
	[tilespmem:s3+$0xC270] =	vst v5  }
0x18a: {  	[tilespmem:s3+$0xC260] =	vst v3;
	v3 =	vld [tilespmem:s15+$0x3060];
	v1 =	vmul.f32 v1, v59  }
0x18b: {  	[tilespmem:s12+$0xC320] =	vst v45;
	v46 =	vld [tilespmem:s30+$0x3050];
	v2 =	vmul.f32 v2, v59  }
0x18c: {  	v63 =	vld [tilespmem:s3+$0x4300];
	[tilespmem:s12+$0xC330] =	vst v1;
	v1 =	vmul.f32 v40, v59  }
0x18d: {  	v49 =	vld [tilespmem:s3+$0x42A0];
	[tilespmem:s12+$0xC340] =	vst v2;
	v2 =	vmul.f32 v41, v59  }
0x18e: {  	v51 =	vld [tilespmem:s3+$0x42C0];
	[tilespmem:s12+$0xC350] =	vst v1;
	v1 =	vmul.f32 v42, v59  }
0x18f: {  	v53 =	vld [tilespmem:s3+$0x42E0];
	[tilespmem:s12+$0xC360] =	vst v2;
	v5 =	vmul.f32 v44, v3  }
0x190: {  	v52 =	vld [tilespmem:s3+$0x42D0];
	v2 =	vmul.f32 v47, v46;
	[tilespmem:s12+$0xC370] =	vst v1  }
0x191: {  	v54 =	vld [tilespmem:s3+$0x42F0];
	v1 =	vmul.f32 v48, v46;
	[tilespmem:s14+$0xC300] =	vst v5  }
0x192: {  	v29 =	vld [tilespmem:s12+$0x4380];
	[tilespmem:s3+$0xC280] =	vst v2;
	v2 =	vmul.f32 v49, v46  }
0x193: {  	v18 =	vld [tilespmem:s13+$0x3070];
	[tilespmem:s3+$0xC290] =	vst v1;
	v1 =	vmul.f32 v50, v46  }
0x194: {  	v33 =	vld [tilespmem:s12+$0x43A0];
	[tilespmem:s3+$0xC2A0] =	vst v2;
	v2 =	vmul.f32 v51, v46  }
0x195: {  	v36 =	vld [tilespmem:s12+$0x43C0];
	[tilespmem:s3+$0xC2B0] =	vst v1;
	v1 =	vmul.f32 v52, v46  }
0x196: {  	v55 =	vld [tilespmem:s14+$0x4310];
	[tilespmem:s3+$0xC2C0] =	vst v2;
	v2 =	vmul.f32 v53, v46  }
0x197: {  	v56 =	vld [tilespmem:s14+$0x4320];
	[tilespmem:s3+$0xC2D0] =	vst v1;
	v1 =	vmul.f32 v54, v46  }
0x198: {  	v57 =	vld [tilespmem:s14+$0x4330];
	v37 =	vmul.f32 v29, v18;
	[tilespmem:s3+$0xC2E0] =	vst v2  }
0x199: {  	v16 =	vld [tilespmem:s3+$0x4360];
	v40 =	vmul.f32 v33, v18;
	[tilespmem:s3+$0xC2F0] =	vst v1  }
0x19a: {  	v59 =	vld [tilespmem:s14+$0x4350];
	v43 =	vmul.f32 v36, v18;
	[tilespmem:s12+$0xC380] =	vst v37  }
0x19b: {  	v60 =	vld [tilespmem:s14+$0x4360];
	v2 =	vmul.f32 v55, v3;
	[tilespmem:s12+$0xC3A0] =	vst v40  }
0x19c: {  	v13 =	vld [tilespmem:s3+$0x4320];
	v1 =	vmul.f32 v56, v3;
	[tilespmem:s12+$0xC3C0] =	vst v43  }
0x19d: {  	v62 =	vld [tilespmem:s30+$0x3060];
	[tilespmem:s14+$0xC310] =	vst v2;
	v2 =	vmul.f32 v57, v3  }
0x19e: {  	v14 =	vld [tilespmem:s3+$0x4330];
	[tilespmem:s14+$0xC320] =	vst v1;
	v1 =	vmul.f32 v58, v3  }
0x19f: {  	v19 =	vld [tilespmem:s10+$0x4380];
	[tilespmem:s14+$0xC330] =	vst v2;
	v2 =	vmul.f32 v59, v3  }
0x1a0: {  	v39 =	vld [tilespmem:s12+$0x43E0];
	[tilespmem:s14+$0xC340] =	vst v1;
	v1 =	vmul.f32 v60, v3  }
0x1a1: {  	[tilespmem:s14+$0xC350] =	vst v2;
	v2 =	vmul.f32 v61, v3;
	v3 =	vld [tilespmem:s3+$0x4340]  }
0x1a2: {  	v21 =	vld [tilespmem:s10+$0x43A0];
	[tilespmem:s14+$0xC360] =	vst v1;
	v1 =	vmul.f32 v63, v62  }
0x1a3: {  	v22 =	vld [tilespmem:s10+$0x43B0];
	[tilespmem:s14+$0xC370] =	vst v2;
	v2 =	vmul.f32 v12, v62  }
0x1a4: {  	v24 =	vld [tilespmem:s10+$0x43D0];
	[tilespmem:s3+$0xC300] =	vst v1;
	v1 =	vmul.f32 v13, v62  }
0x1a5: {  	v20 =	vld [tilespmem:s10+$0x4390];
	v46 =	vmul.f32 v39, v18;
	[tilespmem:s3+$0xC310] =	vst v2  }
0x1a6: {  	v2 =	vmul.f32 v14, v62;
	[tilespmem:s3+$0xC320] =	vst v1;
	v1 =	vmul.f32 v3, v62;
	v3 =	vld [tilespmem:s11+$0x3070]  }
0x1a7: {  	v25 =	vld [tilespmem:s10+$0x43E0];
	[tilespmem:s12+$0xC3E0] =	vst v46  }
0x1a8: {  	v23 =	vld [tilespmem:s10+$0x43C0];
	[tilespmem:s3+$0xC330] =	vst v2;
	v2 =	vmul.f32 v15, v62  }
0x1a9: {  	v27 =	vld [tilespmem:s10+$0x43F0];
	[tilespmem:s3+$0xC340] =	vst v1;
	v1 =	vmul.f32 v16, v62  }
0x1aa: {  	[tilespmem:s3+$0xC350] =	vst v2;
	v2 =	vmul.f32 v17, v62  }
0x1ab: {  	v31 =	vld [tilespmem:s12+$0x4390];
	[tilespmem:s3+$0xC360] =	vst v1;
	v5 =	vmul.f32 v19, v3;
	v6 =	vmul.f32 v20, v3  }
0x1ac: {  	[tilespmem:s3+$0xC370] =	vst v2;
	v26 =	vmul.f32 v21, v3;
	v28 =	vmul.f32 v22, v3  }
0x1ad: {  	v35 =	vld [tilespmem:s12+$0x43B0];
	v30 =	vmul.f32 v23, v3;
	v32 =	vmul.f32 v24, v3;
	[tilespmem:s10+$0xC380] =	vst v5  }
0x1ae: {  	v45 =	vld [tilespmem:s14+$0x43A0];
	v34 =	vmul.f32 v25, v3;
	v3 =	vmul.f32 v27, v3;
	[tilespmem:s10+$0xC390] =	vst v6  }
0x1af: {  	v38 =	vld [tilespmem:s12+$0x43D0];
	[tilespmem:s10+$0xC3A0] =	vst v26  }
0x1b0: {  	v41 =	vld [tilespmem:s12+$0x43F0];
	[tilespmem:s10+$0xC3F0] =	vst v3;
	v3 =	vmul.f32 v31, v18  }
0x1b1: {  	v42 =	vld [tilespmem:s14+$0x4380];
	[tilespmem:s10+$0xC3B0] =	vst v28  }
0x1b2: {  	v1 =	vld [tilespmem:s15+$0x3070];
	[tilespmem:s12+$0xC390] =	vst v3;
	v3 =	vmul.f32 v35, v18  }
0x1b3: {  	v44 =	vld [tilespmem:s14+$0x4390];
	[tilespmem:s10+$0xC3C0] =	vst v30  }
0x1b4: {  	v47 =	vld [tilespmem:s14+$0x43B0];
	[tilespmem:s12+$0xC3B0] =	vst v3;
	v3 =	vmul.f32 v38, v18  }
0x1b5: {  	v48 =	vld [tilespmem:s14+$0x43C0];
	[tilespmem:s10+$0xC3D0] =	vst v32  }
0x1b6: {  	v50 =	vld [tilespmem:s14+$0x43D0];
	[tilespmem:s12+$0xC3D0] =	vst v3;
	v3 =	vmul.f32 v41, v18  }
0x1b7: {  	v51 =	vld [tilespmem:s14+$0x43E0];
	[tilespmem:s10+$0xC3E0] =	vst v34;
	v49 =	vmul.f32 v42, v1  }
0x1b8: {  	v53 =	vld [tilespmem:s14+$0x43F0];
	[tilespmem:s12+$0xC3F0] =	vst v3;
	v3 =	vmul.f32 v44, v1  }
0x1b9: {  	v55 =	vld [tilespmem:s3+$0x4390];
	v52 =	vmul.f32 v45, v1;
	[tilespmem:s14+$0xC380] =	vst v49  }
0x1ba: {  	v2 =	vld [tilespmem:s30+$0x3070];
	[tilespmem:s14+$0xC390] =	vst v3;
	v3 =	vmul.f32 v47, v1  }
0x1bb: {  	v54 =	vld [tilespmem:s3+$0x4380];
	v4 =	vmul.f32 v48, v1;
	[tilespmem:s14+$0xC3A0] =	vst v52  }
0x1bc: {  	v58 =	vld [tilespmem:s3+$0x43B0];
	[tilespmem:s14+$0xC3B0] =	vst v3;
	v3 =	vmul.f32 v50, v1  }
0x1bd: {  	v56 =	vld [tilespmem:s3+$0x43A0];
	v57 =	vmul.f32 v51, v1;
	[tilespmem:s14+$0xC3C0] =	vst v4;
	v1 =	vmul.f32 v53, v1  }
0x1be: {  	v60 =	vld [tilespmem:s3+$0x43D0];
	[tilespmem:s14+$0xC3D0] =	vst v3  }
0x1bf: {  	v3 =	vld [tilespmem:s3+$0x43C0];
	[tilespmem:s14+$0xC3F0] =	vst v1;
	v1 =	vmul.f32 v55, v2  }
0x1c0: {  	v63 =	vld [tilespmem:s3+$0x43F0];
	[tilespmem:s14+$0xC3E0] =	vst v57;
	v59 =	vmul.f32 v54, v2  }
0x1c1: {  	v61 =	vld [tilespmem:s3+$0x43E0];
	[tilespmem:s3+$0xC390] =	vst v1;
	v1 =	vmul.f32 v58, v2  }
0x1c2: {  	v62 =	vmul.f32 v56, v2;
	[tilespmem:s3+$0xC380] =	vst v59  }
0x1c3: {  	p0 =	slt.u32 s9, $0xC;
	[tilespmem:s3+$0xC3B0] =	vst v1;
	v1 =	vmul.f32 v60, v2  }
.Ltmp3:
0x1c4: {  	[tilespmem:s3+$0xC3A0] =	vst v62;
	v3 =	vmul.f32 v3, v2;
	(pc) =	sbr.rel @p0 .LBB2_5-.Ltmp3, $4  }
0x1c5: {  	[tilespmem:s3+$0xC3D0] =	vst v1;
	v1 =	vmul.f32 v63, v2  }
0x1c6: {  	[tilespmem:s3+$0xC3C0] =	vst v3;
	v3 =	vmul.f32 v61, v2  }
0x1c7: {  	s30 =	sadd.s32 $0x4, s9;
	[tilespmem:s3+$0xC3F0] =	vst v1  }
0x1c8: {  	s9 =	smov.u32 s30;
	[tilespmem:s3+$0xC3E0] =	vst v3  }
0x1c9: {  	s3 =	sshll.u32 s0, $0x8  }
0x1ca: {  	s3 =	sand.u32 $0x3FFFFF00, s3  }
0x1cb: {  	[spmem:s2] =	stream.indirect.scatter.add.f32 [tilespmem:s16], [sflag:$0x3], $0x80, s3, s20, $0xb8;
	[tilespmem:$0x1C000] =	vst v63  }
0x1cc: {  	_ =	swait.ge [sflag:s26], $0x4000  }
0x1cd: {  	[sflag:s26] =	ssyncset.done $0x0  }
0x1ce: {  	[sflag:s26] =	ssyncadd.s32 $0xFFFFC000  }
0x1cf: {  	_ =	swait.ge [sflag:s26], $0x800  }
0x1d0: {  	[sflag:s26] =	ssyncset.done $0x0  }
0x1d1: {  	s9 =	simm.s32 $0x0;
	[sflag:s26] =	ssyncadd.s32 $0xFFFFF800  }
.LBB2_7:
0x1d2: {  	s3 =	sshll.u32 s9, $0x7;
	s10 =	sshll.u32 s9, $0xA  }
0x1d3: {  	s11 =	sand.u32 $0x3FFFFF80, s3;
	v2 =	vld [tilespmem:s10+$0x8000]  }
0x1d4: {  	v1 =	vld [tilespmem:s11+$0x3800]  }
0x1d5: {  	v3 =	vld [tilespmem:s10+$0x8010]  }
0x1d6: {  	v4 =	vld [tilespmem:s10+$0x8020]  }
0x1d7: {  	v5 =	vld [tilespmem:s10+$0x8030]  }
0x1d8: {  	v6 =	vld [tilespmem:s10+$0x8040]  }
0x1d9: {  	v7 =	vld [tilespmem:s10+$0x8050];
	v2 =	vmul.f32 v2, v1  }
0x1da: {  	v8 =	vld [tilespmem:s10+$0x8060];
	v3 =	vmul.f32 v3, v1  }
0x1db: {  	v61 =	vld [tilespmem:s10+$0x8070];
	[tilespmem:s10+$0x10000] =	vst v2;
	v2 =	vmul.f32 v4, v1  }
0x1dc: {  	[tilespmem:s10+$0x10010] =	vst v3;
	v3 =	vmul.f32 v5, v1  }
0x1dd: {  	[tilespmem:s10+$0x10020] =	vst v2;
	v2 =	vmul.f32 v6, v1  }
0x1de: {  	[tilespmem:s10+$0x10030] =	vst v3;
	v3 =	vmul.f32 v7, v1  }
0x1df: {  	[tilespmem:s10+$0x10040] =	vst v2;
	v2 =	vmul.f32 v8, v1  }
0x1e0: {  	[tilespmem:s10+$0x10050] =	vst v3;
	v1 =	vmul.f32 v61, v1  }
0x1e1: {  	[tilespmem:s10+$0x10060] =	vst v2  }
0x1e2: {  	[tilespmem:s10+$0x10070] =	vst v1;
	v2 =	vld [tilespmem:s10+$0x8080]  }
0x1e3: {  	v1 =	vld [tilespmem:s11+$0x3810]  }
0x1e4: {  	v3 =	vld [tilespmem:s10+$0x8090]  }
0x1e5: {  	v62 =	vld [tilespmem:s10+$0x80A0]  }
0x1e6: {  	v63 =	vld [tilespmem:s10+$0x80B0]  }
0x1e7: {  	v12 =	vld [tilespmem:s10+$0x80C0]  }
0x1e8: {  	v13 =	vld [tilespmem:s10+$0x80D0];
	v2 =	vmul.f32 v2, v1  }
0x1e9: {  	v14 =	vld [tilespmem:s10+$0x80E0];
	v3 =	vmul.f32 v3, v1  }
0x1ea: {  	v15 =	vld [tilespmem:s10+$0x80F0];
	[tilespmem:s10+$0x10080] =	vst v2;
	v2 =	vmul.f32 v62, v1  }
0x1eb: {  	[tilespmem:s10+$0x10090] =	vst v3;
	v3 =	vmul.f32 v63, v1  }
0x1ec: {  	[tilespmem:s10+$0x100A0] =	vst v2;
	v2 =	vmul.f32 v12, v1  }
0x1ed: {  	[tilespmem:s10+$0x100B0] =	vst v3;
	v3 =	vmul.f32 v13, v1  }
0x1ee: {  	[tilespmem:s10+$0x100C0] =	vst v2;
	v2 =	vmul.f32 v14, v1  }
0x1ef: {  	[tilespmem:s10+$0x100D0] =	vst v3;
	v1 =	vmul.f32 v15, v1  }
0x1f0: {  	[tilespmem:s10+$0x100E0] =	vst v2  }
0x1f1: {  	[tilespmem:s10+$0x100F0] =	vst v1;
	v2 =	vld [tilespmem:s10+$0x8100]  }
0x1f2: {  	v1 =	vld [tilespmem:s11+$0x3820]  }
0x1f3: {  	v3 =	vld [tilespmem:s10+$0x8110]  }
0x1f4: {  	v16 =	vld [tilespmem:s10+$0x8120]  }
0x1f5: {  	v17 =	vld [tilespmem:s10+$0x8130]  }
0x1f6: {  	v18 =	vld [tilespmem:s10+$0x8140]  }
0x1f7: {  	v2 =	vmul.f32 v2, v1  }
0x1f8: {  	v3 =	vmul.f32 v3, v1  }
0x1f9: {  	[tilespmem:s10+$0x10100] =	vst v2;
	v2 =	vmul.f32 v16, v1  }
0x1fa: {  	[tilespmem:s10+$0x10110] =	vst v3;
	v3 =	vmul.f32 v17, v1  }
0x1fb: {  	[tilespmem:s10+$0x10120] =	vst v2;
	v2 =	vmul.f32 v18, v1  }
0x1fc: {  	[tilespmem:s10+$0x10130] =	vst v3  }
0x1fd: {  	[tilespmem:s10+$0x10140] =	vst v2  }
0x1fe: {  	v2 =	vld [tilespmem:s10+$0x8150]  }
0x1ff: {  	v3 =	vld [tilespmem:s10+$0x8160]  }
0x200: {  	v19 =	vld [tilespmem:s10+$0x8170]  }
0x201: {  	v20 =	vld [tilespmem:s10+$0x81A0]  }
0x202: {  	v21 =	vld [tilespmem:s10+$0x81B0]  }
0x203: {  	v22 =	vld [tilespmem:s10+$0x81C0]  }
0x204: {  	s15 =	sor.u32 $0x1, s9;
	v23 =	vld [tilespmem:s10+$0x81D0]  }
0x205: {  	s12 =	sshll.u32 s15, $0x7;
	v24 =	vld [tilespmem:s10+$0x81E0]  }
0x206: {  	s13 =	sand.u32 $0x3FFFFF80, s12;
	s12 =	sshll.u32 s15, $0xA;
	v25 =	vld [tilespmem:s10+$0x81F0]  }
0x207: {  	v26 =	vld [tilespmem:s12+$0x8000]  }
0x208: {  	v27 =	vld [tilespmem:s12+$0x8010]  }
0x209: {  	v28 =	vld [tilespmem:s12+$0x8020]  }
0x20a: {  	v29 =	vld [tilespmem:s12+$0x8030]  }
0x20b: {  	v30 =	vld [tilespmem:s12+$0x8040]  }
0x20c: {  	v9 =	vld [tilespmem:s12+$0x8050]  }
0x20d: {  	v10 =	vld [tilespmem:s12+$0x8060]  }
0x20e: {  	v32 =	vld [tilespmem:s12+$0x8070]  }
0x20f: {  	v11 =	vld [tilespmem:s10+$0x8210]  }
0x210: {  	v34 =	vld [tilespmem:s10+$0x8220]  }
0x211: {  	v36 =	vld [tilespmem:s10+$0x8230]  }
0x212: {  	v38 =	vld [tilespmem:s10+$0x8240]  }
0x213: {  	v40 =	vld [tilespmem:s10+$0x8250];
	v2 =	vmul.f32 v2, v1  }
0x214: {  	v41 =	vld [tilespmem:s10+$0x8260];
	v3 =	vmul.f32 v3, v1  }
0x215: {  	v43 =	vld [tilespmem:s10+$0x8270];
	v1 =	vmul.f32 v19, v1;
	[tilespmem:s10+$0x10150] =	vst v2  }
0x216: {  	v45 =	vld [tilespmem:s12+$0x8080];
	[tilespmem:s10+$0x10160] =	vst v3  }
0x217: {  	[tilespmem:s10+$0x10170] =	vst v1;
	v3 =	vld [tilespmem:s10+$0x8190]  }
0x218: {  	v1 =	vld [tilespmem:s11+$0x3830]  }
0x219: {  	v46 =	vld [tilespmem:s12+$0x8090]  }
0x21a: {  	v48 =	vld [tilespmem:s12+$0x80A0]  }
0x21b: {  	v2 =	vld [tilespmem:s10+$0x8180]  }
0x21c: {  	v49 =	vld [tilespmem:s12+$0x80B0]  }
0x21d: {  	v50 =	vld [tilespmem:s12+$0x80C0];
	v3 =	vmul.f32 v3, v1  }
0x21e: {  	v51 =	vld [tilespmem:s12+$0x80D0]  }
0x21f: {  	v52 =	vld [tilespmem:s12+$0x80E0];
	[tilespmem:s10+$0x10190] =	vst v3;
	v3 =	vmul.f32 v21, v1  }
0x220: {  	v53 =	vld [tilespmem:s12+$0x80F0];
	v2 =	vmul.f32 v2, v1  }
0x221: {  	v54 =	vld [tilespmem:s12+$0x8100];
	[tilespmem:s10+$0x101B0] =	vst v3;
	v3 =	vmul.f32 v23, v1  }
0x222: {  	v55 =	vld [tilespmem:s12+$0x8110];
	[tilespmem:s10+$0x10180] =	vst v2;
	v2 =	vmul.f32 v20, v1  }
0x223: {  	[tilespmem:s10+$0x101D0] =	vst v3;
	v3 =	vld [tilespmem:s13+$0x3800]  }
0x224: {  	v56 =	vld [tilespmem:s12+$0x8120];
	[tilespmem:s10+$0x101A0] =	vst v2;
	v2 =	vmul.f32 v22, v1  }
0x225: {  	v57 =	vld [tilespmem:s12+$0x8130]  }
0x226: {  	v58 =	vld [tilespmem:s12+$0x8140];
	[tilespmem:s10+$0x101C0] =	vst v2;
	v2 =	vmul.f32 v24, v1  }
0x227: {  	v59 =	vld [tilespmem:s12+$0x8150];
	v1 =	vmul.f32 v25, v1  }
0x228: {  	v60 =	vld [tilespmem:s12+$0x8160];
	[tilespmem:s10+$0x101E0] =	vst v2;
	v4 =	vmul.f32 v26, v3  }
0x229: {  	v62 =	vld [tilespmem:s12+$0x8170];
	[tilespmem:s10+$0x101F0] =	vst v1;
	v5 =	vmul.f32 v27, v3  }
0x22a: {  	v2 =	vld [tilespmem:s10+$0x8200];
	v31 =	vmul.f32 v28, v3;
	[tilespmem:s12+$0x10000] =	vst v4  }
0x22b: {  	v1 =	vld [tilespmem:s11+$0x3840];
	v33 =	vmul.f32 v29, v3;
	[tilespmem:s12+$0x10010] =	vst v5  }
0x22c: {  	v63 =	vld [tilespmem:s10+$0x8290];
	v35 =	vmul.f32 v30, v3;
	[tilespmem:s12+$0x10020] =	vst v31  }
0x22d: {  	v13 =	vld [tilespmem:s10+$0x82A0];
	v37 =	vmul.f32 v9, v3;
	[tilespmem:s12+$0x10030] =	vst v33  }
0x22e: {  	v15 =	vld [tilespmem:s10+$0x82B0];
	v39 =	vmul.f32 v10, v3;
	[tilespmem:s12+$0x10040] =	vst v35  }
0x22f: {  	v17 =	vld [tilespmem:s10+$0x82C0];
	v3 =	vmul.f32 v32, v3;
	[tilespmem:s12+$0x10050] =	vst v37  }
0x230: {  	v19 =	vld [tilespmem:s10+$0x82D0];
	[tilespmem:s12+$0x10060] =	vst v39;
	v2 =	vmul.f32 v2, v1  }
0x231: {  	v20 =	vld [tilespmem:s10+$0x82E0];
	[tilespmem:s12+$0x10070] =	vst v3;
	v42 =	vmul.f32 v11, v1  }
0x232: {  	v21 =	vld [tilespmem:s10+$0x82F0];
	[tilespmem:s10+$0x10200] =	vst v2;
	v2 =	vmul.f32 v34, v1  }
0x233: {  	v3 =	vld [tilespmem:s13+$0x3810];
	v44 =	vmul.f32 v36, v1;
	[tilespmem:s10+$0x10210] =	vst v42  }
0x234: {  	v23 =	vld [tilespmem:s12+$0x8180];
	[tilespmem:s10+$0x10220] =	vst v2;
	v2 =	vmul.f32 v38, v1  }
0x235: {  	v24 =	vld [tilespmem:s12+$0x8190];
	v47 =	vmul.f32 v40, v1;
	[tilespmem:s10+$0x10230] =	vst v44  }
0x236: {  	v25 =	vld [tilespmem:s12+$0x81A0];
	[tilespmem:s10+$0x10240] =	vst v2;
	v2 =	vmul.f32 v41, v1  }
0x237: {  	v8 =	vld [tilespmem:s10+$0x8360];
	[tilespmem:s10+$0x10250] =	vst v47;
	v1 =	vmul.f32 v43, v1  }
0x238: {  	v26 =	vld [tilespmem:s12+$0x81B0];
	[tilespmem:s10+$0x10260] =	vst v2;
	v2 =	vmul.f32 v45, v3  }
0x239: {  	s30 =	sor.u32 $0x2, s9;
	v27 =	vld [tilespmem:s12+$0x81C0];
	[tilespmem:s10+$0x10270] =	vst v1;
	v1 =	vmul.f32 v46, v3  }
0x23a: {  	s14 =	sshll.u32 s30, $0x7;
	v28 =	vld [tilespmem:s12+$0x81E0];
	[tilespmem:s12+$0x10080] =	vst v2;
	v2 =	vmul.f32 v48, v3  }
0x23b: {  	s15 =	sand.u32 $0x3FFFFF80, s14;
	v29 =	vld [tilespmem:s12+$0x81F0];
	[tilespmem:s12+$0x10090] =	vst v1;
	v1 =	vmul.f32 v49, v3  }
0x23c: {  	s14 =	sshll.u32 s30, $0xA;
	v30 =	vld [tilespmem:s15+$0x3800];
	[tilespmem:s12+$0x100A0] =	vst v2;
	v2 =	vmul.f32 v50, v3  }
0x23d: {  	v32 =	vld [tilespmem:s14+$0x8010];
	[tilespmem:s12+$0x100B0] =	vst v1;
	v1 =	vmul.f32 v51, v3  }
0x23e: {  	v35 =	vld [tilespmem:s14+$0x8050];
	[tilespmem:s12+$0x100C0] =	vst v2;
	v2 =	vmul.f32 v52, v3  }
0x23f: {  	v36 =	vld [tilespmem:s14+$0x8060];
	[tilespmem:s12+$0x100D0] =	vst v1;
	v1 =	vmul.f32 v53, v3  }
0x240: {  	v3 =	vld [tilespmem:s11+$0x3850];
	[tilespmem:s12+$0x100E0] =	vst v2  }
0x241: {  	v2 =	vld [tilespmem:s10+$0x8280];
	[tilespmem:s12+$0x100F0] =	vst v1  }
0x242: {  	v1 =	vld [tilespmem:s13+$0x3820]  }
0x243: {  	v31 =	vld [tilespmem:s14+$0x8000]  }
0x244: {  	v33 =	vld [tilespmem:s14+$0x8030];
	v7 =	vmul.f32 v35, v30  }
0x245: {  	v37 =	vld [tilespmem:s14+$0x8070];
	v38 =	vmul.f32 v36, v30  }
0x246: {  	v34 =	vld [tilespmem:s14+$0x8040];
	[tilespmem:s14+$0x10050] =	vst v7;
	v2 =	vmul.f32 v2, v3  }
0x247: {  	v42 =	vld [tilespmem:s14+$0x8080];
	[tilespmem:s14+$0x10060] =	vst v38;
	v4 =	vmul.f32 v54, v1  }
0x248: {  	v44 =	vld [tilespmem:s14+$0x80A0];
	v5 =	vmul.f32 v55, v1;
	[tilespmem:s10+$0x10280] =	vst v2  }
0x249: {  	v35 =	vld [tilespmem:s14+$0x8190];
	v61 =	vmul.f32 v56, v1;
	[tilespmem:s12+$0x10100] =	vst v4  }
0x24a: {  	v36 =	vld [tilespmem:s14+$0x81A0];
	v12 =	vmul.f32 v57, v1;
	[tilespmem:s12+$0x10110] =	vst v5  }
0x24b: {  	s3 =	sor.u32 $0x3, s9;
	v41 =	vld [tilespmem:s12+$0x8200];
	v14 =	vmul.f32 v58, v1;
	[tilespmem:s12+$0x10120] =	vst v61  }
0x24c: {  	s30 =	sshll.u32 s3, $0x7;
	v43 =	vld [tilespmem:s14+$0x8090];
	v6 =	vmul.f32 v34, v30;
	v16 =	vmul.f32 v59, v1;
	[tilespmem:s12+$0x10130] =	vst v12  }
0x24d: {  	s30 =	sand.u32 $0x3FFFFF80, s30;
	v34 =	vld [tilespmem:s14+$0x8180];
	v18 =	vmul.f32 v60, v1;
	v1 =	vmul.f32 v62, v1;
	[tilespmem:s12+$0x10140] =	vst v14  }
0x24e: {  	v38 =	vld [tilespmem:s30+$0x3800];
	[tilespmem:s12+$0x10150] =	vst v16  }
0x24f: {  	v46 =	vld [tilespmem:s14+$0x80F0];
	[tilespmem:s12+$0x10170] =	vst v1;
	v1 =	vmul.f32 v63, v3  }
0x250: {  	v48 =	vld [tilespmem:s12+$0x8220];
	v2 =	vmul.f32 v13, v3;
	[tilespmem:s12+$0x10160] =	vst v18  }
0x251: {  	v50 =	vld [tilespmem:s12+$0x8230];
	[tilespmem:s10+$0x10290] =	vst v1;
	v1 =	vmul.f32 v15, v3  }
0x252: {  	v5 =	vmul.f32 v32, v30;
	v22 =	vld [tilespmem:s13+$0x3830];
	[tilespmem:s10+$0x102A0] =	vst v2  }
0x253: {  	v52 =	vld [tilespmem:s12+$0x8240];
	[tilespmem:s10+$0x102B0] =	vst v1;
	v1 =	vmul.f32 v19, v3  }
0x254: {  	v54 =	vld [tilespmem:s12+$0x8250];
	v2 =	vmul.f32 v17, v3;
	[tilespmem:s14+$0x10010] =	vst v5  }
0x255: {  	v55 =	vld [tilespmem:s12+$0x8260];
	[tilespmem:s10+$0x102D0] =	vst v1;
	v1 =	vmul.f32 v21, v3  }
0x256: {  	[tilespmem:s10+$0x102C0] =	vst v2;
	v2 =	vmul.f32 v20, v3;
	v3 =	vld [tilespmem:s12+$0x81D0]  }
0x257: {  	v57 =	vld [tilespmem:s12+$0x8270];
	[tilespmem:s10+$0x102F0] =	vst v1;
	v1 =	vmul.f32 v24, v22  }
0x258: {  	v13 =	vld [tilespmem:s14+$0x80C0];
	[tilespmem:s10+$0x102E0] =	vst v2;
	v2 =	vmul.f32 v23, v22  }
0x259: {  	v4 =	vld [tilespmem:s10+$0x8300];
	[tilespmem:s12+$0x10190] =	vst v1;
	v1 =	vmul.f32 v26, v22  }
0x25a: {  	v12 =	vld [tilespmem:s14+$0x80B0];
	[tilespmem:s12+$0x10180] =	vst v2;
	v2 =	vmul.f32 v25, v22  }
0x25b: {  	v14 =	vld [tilespmem:s14+$0x80D0];
	[tilespmem:s12+$0x101B0] =	vst v1;
	v1 =	vmul.f32 v3, v22  }
0x25c: {  	v16 =	vld [tilespmem:s12+$0x8210];
	[tilespmem:s12+$0x101A0] =	vst v2;
	v2 =	vmul.f32 v27, v22  }
0x25d: {  	v3 =	vld [tilespmem:s14+$0x8020];
	[tilespmem:s12+$0x101D0] =	vst v1;
	v1 =	vmul.f32 v29, v22  }
0x25e: {  	v61 =	vld [tilespmem:s14+$0x8100];
	[tilespmem:s12+$0x101C0] =	vst v2;
	v2 =	vmul.f32 v28, v22  }
0x25f: {  	v39 =	vmul.f32 v37, v30;
	[tilespmem:s12+$0x101F0] =	vst v1;
	v1 =	vld [tilespmem:s11+$0x3860]  }
0x260: {  	v5 =	vld [tilespmem:s10+$0x8310];
	[tilespmem:s12+$0x101E0] =	vst v2;
	v2 =	vmul.f32 v31, v30  }
0x261: {  	[tilespmem:s14+$0x10070] =	vst v39;
	v40 =	vld [tilespmem:s13+$0x3840]  }
0x262: {  	v63 =	vld [tilespmem:s14+$0x8110];
	[tilespmem:s14+$0x10000] =	vst v2;
	v2 =	vmul.f32 v3, v30  }
0x263: {  	[tilespmem:s14+$0x10040] =	vst v6;
	v32 =	vld [tilespmem:s12+$0x8290];
	v3 =	vmul.f32 v33, v30  }
0x264: {  	v17 =	vld [tilespmem:s14+$0x8120];
	[tilespmem:s14+$0x10020] =	vst v2;
	v4 =	vmul.f32 v4, v1  }
0x265: {  	v15 =	vld [tilespmem:s14+$0x80E0];
	[tilespmem:s14+$0x10030] =	vst v3;
	v5 =	vmul.f32 v5, v1  }
0x266: {  	v19 =	vld [tilespmem:s14+$0x8130];
	v6 =	vmul.f32 v41, v40;
	[tilespmem:s10+$0x10300] =	vst v4  }
0x267: {  	v7 =	vld [tilespmem:s15+$0x3810];
	v56 =	vmul.f32 v16, v40;
	[tilespmem:s10+$0x10310] =	vst v5  }
0x268: {  	v21 =	vld [tilespmem:s14+$0x8140];
	v58 =	vmul.f32 v48, v40;
	[tilespmem:s12+$0x10200] =	vst v6  }
0x269: {  	v23 =	vld [tilespmem:s14+$0x8150];
	v60 =	vmul.f32 v50, v40;
	[tilespmem:s12+$0x10210] =	vst v56  }
0x26a: {  	v25 =	vld [tilespmem:s14+$0x8160];
	v62 =	vmul.f32 v52, v40;
	[tilespmem:s12+$0x10220] =	vst v58  }
0x26b: {  	v27 =	vld [tilespmem:s14+$0x8170];
	v16 =	vmul.f32 v54, v40;
	[tilespmem:s12+$0x10230] =	vst v60  }
0x26c: {  	v30 =	vld [tilespmem:s12+$0x8280];
	[tilespmem:s12+$0x10240] =	vst v62;
	v9 =	vmul.f32 v42, v7  }
0x26d: {  	v33 =	vld [tilespmem:s12+$0x82A0];
	[tilespmem:s12+$0x10250] =	vst v16;
	v10 =	vmul.f32 v43, v7  }
0x26e: {  	v2 =	vld [tilespmem:s10+$0x8320];
	v45 =	vmul.f32 v44, v7;
	[tilespmem:s14+$0x10080] =	vst v9  }
0x26f: {  	s3 =	sshll.u32 s3, $0xA;
	v3 =	vld [tilespmem:s10+$0x8330];
	v18 =	vmul.f32 v55, v40;
	v47 =	vmul.f32 v12, v7;
	[tilespmem:s14+$0x10090] =	vst v10  }
0x270: {  	v20 =	vmul.f32 v57, v40;
	v40 =	vld [tilespmem:s3+$0x8000];
	v49 =	vmul.f32 v13, v7;
	[tilespmem:s14+$0x100A0] =	vst v45  }
0x271: {  	v54 =	vld [tilespmem:s12+$0x82B0];
	v51 =	vmul.f32 v14, v7;
	[tilespmem:s14+$0x100B0] =	vst v47  }
0x272: {  	v55 =	vld [tilespmem:s12+$0x82C0];
	v53 =	vmul.f32 v15, v7;
	[tilespmem:s14+$0x100C0] =	vst v49  }
0x273: {  	v57 =	vld [tilespmem:s12+$0x82E0];
	v7 =	vmul.f32 v46, v7;
	[tilespmem:s14+$0x100D0] =	vst v51  }
0x274: {  	v42 =	vld [tilespmem:s3+$0x8010];
	[tilespmem:s14+$0x100E0] =	vst v53  }
0x275: {  	v44 =	vld [tilespmem:s3+$0x8020];
	[tilespmem:s14+$0x100F0] =	vst v7  }
0x276: {  	[tilespmem:s12+$0x10260] =	vst v18;
	v2 =	vmul.f32 v2, v1;
	v59 =	vld [tilespmem:s15+$0x3820]  }
0x277: {  	[tilespmem:s12+$0x10270] =	vst v20;
	v6 =	vld [tilespmem:s10+$0x8340];
	v3 =	vmul.f32 v3, v1  }
0x278: {  	v18 =	vld [tilespmem:s14+$0x81C0];
	[tilespmem:s10+$0x10320] =	vst v2;
	v48 =	vmul.f32 v40, v38  }
0x279: {  	v20 =	vld [tilespmem:s14+$0x81E0];
	[tilespmem:s10+$0x10330] =	vst v3;
	v50 =	vmul.f32 v42, v38  }
0x27a: {  	v56 =	vld [tilespmem:s12+$0x82D0];
	[tilespmem:s3+$0x10000] =	vst v48;
	v52 =	vmul.f32 v44, v38  }
0x27b: {  	v58 =	vld [tilespmem:s12+$0x82F0];
	[tilespmem:s3+$0x10010] =	vst v50;
	v22 =	vmul.f32 v61, v59  }
0x27c: {  	v60 =	vld [tilespmem:s14+$0x8200];
	[tilespmem:s3+$0x10020] =	vst v52;
	v24 =	vmul.f32 v63, v59  }
0x27d: {  	v62 =	vld [tilespmem:s3+$0x8080];
	v26 =	vmul.f32 v17, v59;
	[tilespmem:s14+$0x10100] =	vst v22  }
0x27e: {  	v29 =	vld [tilespmem:s13+$0x3850];
	v10 =	vmul.f32 v19, v59;
	[tilespmem:s14+$0x10110] =	vst v24  }
0x27f: {  	v53 =	vld [tilespmem:s3+$0x8070];
	v28 =	vmul.f32 v21, v59;
	[tilespmem:s14+$0x10120] =	vst v26  }
0x280: {  	v7 =	vld [tilespmem:s10+$0x8350];
	v9 =	vmul.f32 v23, v59;
	[tilespmem:s14+$0x10130] =	vst v10  }
0x281: {  	v46 =	vld [tilespmem:s3+$0x8030];
	v11 =	vmul.f32 v25, v59;
	[tilespmem:s14+$0x10140] =	vst v28  }
0x282: {  	v47 =	vld [tilespmem:s3+$0x8040];
	v31 =	vmul.f32 v27, v59;
	[tilespmem:s14+$0x10150] =	vst v9  }
0x283: {  	v49 =	vld [tilespmem:s3+$0x8050];
	v12 =	vmul.f32 v32, v29;
	[tilespmem:s14+$0x10160] =	vst v11  }
0x284: {  	v51 =	vld [tilespmem:s3+$0x8060];
	v16 =	vmul.f32 v53, v38;
	[tilespmem:s14+$0x10170] =	vst v31  }
0x285: {  	[tilespmem:s12+$0x10290] =	vst v12;
	v3 =	vmul.f32 v7, v1;
	v9 =	vld [tilespmem:s15+$0x3830]  }
0x286: {  	v40 =	vld [tilespmem:s14+$0x8260];
	v63 =	vmul.f32 v55, v29;
	[tilespmem:s3+$0x10070] =	vst v16  }
0x287: {  	v17 =	vld [tilespmem:s14+$0x81B0];
	[tilespmem:s10+$0x10350] =	vst v3;
	v22 =	vmul.f32 v56, v29  }
0x288: {  	v44 =	vld [tilespmem:s3+$0x8100];
	[tilespmem:s12+$0x102C0] =	vst v63;
	v24 =	vmul.f32 v57, v29  }
0x289: {  	v53 =	vld [tilespmem:s3+$0x8150];
	v26 =	vmul.f32 v58, v29;
	[tilespmem:s12+$0x102D0] =	vst v22  }
0x28a: {  	v19 =	vld [tilespmem:s14+$0x81D0];
	[tilespmem:s12+$0x102E0] =	vst v24;
	v15 =	vmul.f32 v35, v9  }
0x28b: {  	v21 =	vld [tilespmem:s14+$0x81F0];
	[tilespmem:s12+$0x102F0] =	vst v26;
	v45 =	vmul.f32 v20, v9;
	v20 =	vmul.f32 v46, v38  }
0x28c: {  	v23 =	vld [tilespmem:s3+$0x80A0];
	v39 =	vmul.f32 v17, v9;
	v17 =	vmul.f32 v49, v38;
	[tilespmem:s14+$0x10190] =	vst v15  }
0x28d: {  	v25 =	vld [tilespmem:s3+$0x80B0];
	v41 =	vmul.f32 v18, v9;
	v18 =	vmul.f32 v51, v38;
	[tilespmem:s3+$0x10030] =	vst v20  }
0x28e: {  	v27 =	vld [tilespmem:s3+$0x80C0];
	v15 =	vmul.f32 v47, v38;
	[tilespmem:s3+$0x10050] =	vst v17  }
0x28f: {  	v55 =	vld [tilespmem:s3+$0x8160];
	v14 =	vmul.f32 v34, v9;
	[tilespmem:s3+$0x10060] =	vst v18  }
0x290: {  	v3 =	vld [tilespmem:s3+$0x81C0];
	v37 =	vmul.f32 v36, v9;
	[tilespmem:s3+$0x10040] =	vst v15  }
0x291: {  	[tilespmem:s14+$0x10180] =	vst v14;
	v61 =	vld [tilespmem:s30+$0x3810]  }
0x292: {  	v43 =	vmul.f32 v19, v9;
	v9 =	vmul.f32 v21, v9;
	v21 =	vld [tilespmem:s3+$0x8090];
	[tilespmem:s14+$0x101A0] =	vst v37  }
0x293: {  	v31 =	vld [tilespmem:s3+$0x80E0];
	[tilespmem:s14+$0x101B0] =	vst v39  }
0x294: {  	v11 =	vmul.f32 v33, v29;
	v33 =	vld [tilespmem:s3+$0x80F0];
	[tilespmem:s14+$0x101C0] =	vst v41  }
0x295: {  	v13 =	vmul.f32 v30, v29;
	v57 =	vld [tilespmem:s3+$0x8170];
	[tilespmem:s14+$0x101D0] =	vst v43  }
0x296: {  	[tilespmem:s14+$0x101F0] =	vst v9;
	v9 =	vmul.f32 v54, v29;
	v29 =	vld [tilespmem:s3+$0x80D0];
	v28 =	vmul.f32 v62, v61  }
0x297: {  	v58 =	vld [tilespmem:s10+$0x8370];
	[tilespmem:s14+$0x101E0] =	vst v45;
	v30 =	vmul.f32 v21, v61  }
0x298: {  	v63 =	vld [tilespmem:s12+$0x8310];
	v32 =	vmul.f32 v23, v61;
	[tilespmem:s3+$0x10080] =	vst v28  }
0x299: {  	v22 =	vld [tilespmem:s3+$0x8190];
	v15 =	vmul.f32 v25, v61;
	[tilespmem:s3+$0x10090] =	vst v30  }
0x29a: {  	v24 =	vld [tilespmem:s3+$0x81B0];
	v10 =	vmul.f32 v27, v61;
	[tilespmem:s3+$0x100A0] =	vst v32  }
0x29b: {  	v26 =	vld [tilespmem:s3+$0x81E0];
	v12 =	vmul.f32 v29, v61;
	[tilespmem:s3+$0x100B0] =	vst v15  }
0x29c: {  	v34 =	vld [tilespmem:s14+$0x8210];
	v14 =	vmul.f32 v31, v61;
	[tilespmem:s3+$0x100C0] =	vst v10  }
0x29d: {  	v35 =	vld [tilespmem:s14+$0x8220];
	v38 =	vmul.f32 v33, v61;
	[tilespmem:s3+$0x100D0] =	vst v12  }
0x29e: {  	v2 =	vmul.f32 v6, v1;
	v36 =	vld [tilespmem:s14+$0x8230];
	[tilespmem:s3+$0x100E0] =	vst v14  }
0x29f: {  	v59 =	vld [tilespmem:s15+$0x3840];
	[tilespmem:s3+$0x100F0] =	vst v38  }
0x2a0: {  	[tilespmem:s10+$0x10340] =	vst v2;
	v2 =	vmul.f32 v8, v1;
	v42 =	vld [tilespmem:s30+$0x3820]  }
0x2a1: {  	[tilespmem:s12+$0x10280] =	vst v13;
	v45 =	vld [tilespmem:s3+$0x8110]  }
0x2a2: {  	[tilespmem:s10+$0x10360] =	vst v2;
	v1 =	vmul.f32 v58, v1;
	v47 =	vld [tilespmem:s3+$0x8120]  }
0x2a3: {  	[tilespmem:s12+$0x102A0] =	vst v11;
	v49 =	vld [tilespmem:s3+$0x8130]  }
0x2a4: {  	v51 =	vld [tilespmem:s3+$0x8140];
	[tilespmem:s10+$0x10370] =	vst v1;
	v11 =	vmul.f32 v35, v59  }
0x2a5: {  	v19 =	vld [tilespmem:s14+$0x8280];
	[tilespmem:s12+$0x102B0] =	vst v9;
	v52 =	vmul.f32 v44, v42  }
0x2a6: {  	v37 =	vld [tilespmem:s14+$0x8240];
	[tilespmem:s14+$0x10220] =	vst v11;
	v54 =	vmul.f32 v45, v42  }
0x2a7: {  	v39 =	vld [tilespmem:s14+$0x8250];
	v56 =	vmul.f32 v47, v42;
	[tilespmem:s3+$0x10100] =	vst v52  }
0x2a8: {  	v41 =	vld [tilespmem:s14+$0x8270];
	v14 =	vmul.f32 v49, v42;
	[tilespmem:s3+$0x10110] =	vst v54  }
0x2a9: {  	v58 =	vld [tilespmem:s14+$0x8340];
	v16 =	vmul.f32 v60, v59;
	v60 =	vmul.f32 v51, v42;
	[tilespmem:s3+$0x10120] =	vst v56  }
0x2aa: {  	v17 =	vld [tilespmem:s3+$0x8370];
	v62 =	vmul.f32 v53, v42;
	[tilespmem:s3+$0x10130] =	vst v14  }
0x2ab: {  	v9 =	vmul.f32 v34, v59;
	v34 =	vld [tilespmem:s3+$0x8200];
	v11 =	vmul.f32 v55, v42;
	[tilespmem:s3+$0x10140] =	vst v60  }
0x2ac: {  	v35 =	vld [tilespmem:s3+$0x8220];
	v13 =	vmul.f32 v57, v42;
	[tilespmem:s3+$0x10150] =	vst v62  }
0x2ad: {  	v43 =	vmul.f32 v36, v59;
	v36 =	vld [tilespmem:s3+$0x8230];
	[tilespmem:s3+$0x10160] =	vst v11  }
0x2ae: {  	v21 =	vld [tilespmem:s3+$0x8180];
	[tilespmem:s3+$0x10170] =	vst v13  }
0x2af: {  	[tilespmem:s14+$0x10200] =	vst v16;
	v20 =	vld [tilespmem:s30+$0x3830]  }
0x2b0: {  	v46 =	vmul.f32 v39, v59;
	v39 =	vld [tilespmem:s3+$0x8270];
	[tilespmem:s14+$0x10210] =	vst v9  }
0x2b1: {  	v48 =	vmul.f32 v40, v59;
	v40 =	vld [tilespmem:s12+$0x8350];
	[tilespmem:s14+$0x10230] =	vst v43  }
0x2b2: {  	v50 =	vmul.f32 v41, v59;
	v41 =	vld [tilespmem:s12+$0x8360];
	[tilespmem:s14+$0x10250] =	vst v46  }
0x2b3: {  	[tilespmem:s14+$0x10260] =	vst v48;
	v25 =	vld [tilespmem:s3+$0x81D0];
	v10 =	vmul.f32 v37, v59  }
0x2b4: {  	[tilespmem:s14+$0x10270] =	vst v50;
	v61 =	vld [tilespmem:s12+$0x8300];
	v2 =	vmul.f32 v21, v20  }
0x2b5: {  	v23 =	vld [tilespmem:s3+$0x81A0];
	[tilespmem:s14+$0x10240] =	vst v10;
	v1 =	vmul.f32 v22, v20  }
0x2b6: {  	v27 =	vld [tilespmem:s3+$0x81F0];
	v8 =	vmul.f32 v24, v20;
	[tilespmem:s3+$0x10180] =	vst v2  }
0x2b7: {  	v16 =	vld [tilespmem:s12+$0x8320];
	v3 =	vmul.f32 v3, v20;
	[tilespmem:s3+$0x10190] =	vst v1  }
0x2b8: {  	v59 =	vld [tilespmem:s13+$0x3860];
	v5 =	vmul.f32 v25, v20;
	[tilespmem:s3+$0x101B0] =	vst v8  }
0x2b9: {  	v29 =	vld [tilespmem:s14+$0x82D0];
	v6 =	vmul.f32 v26, v20;
	[tilespmem:s3+$0x101C0] =	vst v3  }
0x2ba: {  	v18 =	vld [tilespmem:s15+$0x3850];
	v2 =	vmul.f32 v23, v20;
	[tilespmem:s3+$0x101D0] =	vst v5  }
0x2bb: {  	v4 =	vmul.f32 v27, v20;
	v1 =	vld [tilespmem:s14+$0x8290];
	[tilespmem:s3+$0x101E0] =	vst v6  }
0x2bc: {  	[tilespmem:s3+$0x101A0] =	vst v2;
	v2 =	vld [tilespmem:s14+$0x82A0]  }
0x2bd: {  	v28 =	vld [tilespmem:s14+$0x82B0];
	v43 =	vmul.f32 v61, v59;
	[tilespmem:s3+$0x101F0] =	vst v4  }
0x2be: {  	v10 =	vmul.f32 v63, v59;
	v33 =	vld [tilespmem:s30+$0x3840]  }
0x2bf: {  	[tilespmem:s12+$0x10300] =	vst v43;
	v30 =	vmul.f32 v19, v18;
	v3 =	vld [tilespmem:s14+$0x82C0]  }
0x2c0: {  	v31 =	vld [tilespmem:s14+$0x82E0];
	[tilespmem:s12+$0x10310] =	vst v10;
	v1 =	vmul.f32 v1, v18  }
0x2c1: {  	v48 =	vld [tilespmem:s3+$0x8290];
	[tilespmem:s14+$0x10280] =	vst v30;
	v2 =	vmul.f32 v2, v18  }
0x2c2: {  	v32 =	vld [tilespmem:s14+$0x82F0];
	[tilespmem:s14+$0x10290] =	vst v1;
	v1 =	vmul.f32 v28, v18  }
0x2c3: {  	v50 =	vld [tilespmem:s3+$0x82B0];
	v6 =	vmul.f32 v36, v33;
	[tilespmem:s14+$0x102A0] =	vst v2  }
0x2c4: {  	v2 =	vmul.f32 v3, v18;
	v3 =	vld [tilespmem:s3+$0x8210];
	[tilespmem:s14+$0x102B0] =	vst v1  }
0x2c5: {  	v37 =	vld [tilespmem:s3+$0x8240];
	v1 =	vmul.f32 v29, v18;
	[tilespmem:s3+$0x10230] =	vst v6  }
0x2c6: {  	v38 =	vld [tilespmem:s3+$0x8250];
	[tilespmem:s14+$0x102C0] =	vst v2;
	v2 =	vmul.f32 v31, v18  }
0x2c7: {  	v12 =	vld [tilespmem:s3+$0x8310];
	[tilespmem:s14+$0x102D0] =	vst v1;
	v1 =	vmul.f32 v32, v18  }
0x2c8: {  	v15 =	vld [tilespmem:s3+$0x8350];
	[tilespmem:s14+$0x102E0] =	vst v2;
	v2 =	vmul.f32 v34, v33  }
0x2c9: {  	[tilespmem:s14+$0x102F0] =	vst v1;
	v1 =	vmul.f32 v3, v33;
	v3 =	vld [tilespmem:s3+$0x8260]  }
0x2ca: {  	v61 =	vld [tilespmem:s14+$0x8370];
	[tilespmem:s3+$0x10200] =	vst v2;
	v2 =	vmul.f32 v35, v33  }
0x2cb: {  	v4 =	vmul.f32 v37, v33;
	[tilespmem:s3+$0x10210] =	vst v1;
	v1 =	vld [tilespmem:s12+$0x8330]  }
0x2cc: {  	v8 =	vmul.f32 v38, v33;
	[tilespmem:s3+$0x10220] =	vst v2;
	v2 =	vld [tilespmem:s12+$0x8340]  }
0x2cd: {  	v42 =	vld [tilespmem:s12+$0x8370];
	v5 =	vmul.f32 v39, v33;
	[tilespmem:s3+$0x10240] =	vst v4  }
0x2ce: {  	v44 =	vld [tilespmem:s14+$0x8300];
	[tilespmem:s3+$0x10250] =	vst v8;
	v3 =	vmul.f32 v3, v33  }
0x2cf: {  	v45 =	vmul.f32 v16, v59;
	v47 =	vld [tilespmem:s3+$0x8280];
	[tilespmem:s3+$0x10270] =	vst v5  }
0x2d0: {  	[tilespmem:s3+$0x10260] =	vst v3;
	v3 =	vld [tilespmem:s15+$0x3860];
	v1 =	vmul.f32 v1, v59  }
0x2d1: {  	[tilespmem:s12+$0x10320] =	vst v45;
	v46 =	vld [tilespmem:s30+$0x3850];
	v2 =	vmul.f32 v2, v59  }
0x2d2: {  	v63 =	vld [tilespmem:s3+$0x8300];
	[tilespmem:s12+$0x10330] =	vst v1;
	v1 =	vmul.f32 v40, v59  }
0x2d3: {  	v49 =	vld [tilespmem:s3+$0x82A0];
	[tilespmem:s12+$0x10340] =	vst v2;
	v2 =	vmul.f32 v41, v59  }
0x2d4: {  	v51 =	vld [tilespmem:s3+$0x82C0];
	[tilespmem:s12+$0x10350] =	vst v1;
	v1 =	vmul.f32 v42, v59  }
0x2d5: {  	v53 =	vld [tilespmem:s3+$0x82E0];
	[tilespmem:s12+$0x10360] =	vst v2;
	v5 =	vmul.f32 v44, v3  }
0x2d6: {  	v52 =	vld [tilespmem:s3+$0x82D0];
	v2 =	vmul.f32 v47, v46;
	[tilespmem:s12+$0x10370] =	vst v1  }
0x2d7: {  	v54 =	vld [tilespmem:s3+$0x82F0];
	v1 =	vmul.f32 v48, v46;
	[tilespmem:s14+$0x10300] =	vst v5  }
0x2d8: {  	v29 =	vld [tilespmem:s12+$0x8380];
	[tilespmem:s3+$0x10280] =	vst v2;
	v2 =	vmul.f32 v49, v46  }
0x2d9: {  	v18 =	vld [tilespmem:s13+$0x3870];
	[tilespmem:s3+$0x10290] =	vst v1;
	v1 =	vmul.f32 v50, v46  }
0x2da: {  	v33 =	vld [tilespmem:s12+$0x83A0];
	[tilespmem:s3+$0x102A0] =	vst v2;
	v2 =	vmul.f32 v51, v46  }
0x2db: {  	v36 =	vld [tilespmem:s12+$0x83C0];
	[tilespmem:s3+$0x102B0] =	vst v1;
	v1 =	vmul.f32 v52, v46  }
0x2dc: {  	v55 =	vld [tilespmem:s14+$0x8310];
	[tilespmem:s3+$0x102C0] =	vst v2;
	v2 =	vmul.f32 v53, v46  }
0x2dd: {  	v56 =	vld [tilespmem:s14+$0x8320];
	[tilespmem:s3+$0x102D0] =	vst v1;
	v1 =	vmul.f32 v54, v46  }
0x2de: {  	v57 =	vld [tilespmem:s14+$0x8330];
	v37 =	vmul.f32 v29, v18;
	[tilespmem:s3+$0x102E0] =	vst v2  }
0x2df: {  	v16 =	vld [tilespmem:s3+$0x8360];
	v40 =	vmul.f32 v33, v18;
	[tilespmem:s3+$0x102F0] =	vst v1  }
0x2e0: {  	v59 =	vld [tilespmem:s14+$0x8350];
	v43 =	vmul.f32 v36, v18;
	[tilespmem:s12+$0x10380] =	vst v37  }
0x2e1: {  	v60 =	vld [tilespmem:s14+$0x8360];
	v2 =	vmul.f32 v55, v3;
	[tilespmem:s12+$0x103A0] =	vst v40  }
0x2e2: {  	v13 =	vld [tilespmem:s3+$0x8320];
	v1 =	vmul.f32 v56, v3;
	[tilespmem:s12+$0x103C0] =	vst v43  }
0x2e3: {  	v62 =	vld [tilespmem:s30+$0x3860];
	[tilespmem:s14+$0x10310] =	vst v2;
	v2 =	vmul.f32 v57, v3  }
0x2e4: {  	v14 =	vld [tilespmem:s3+$0x8330];
	[tilespmem:s14+$0x10320] =	vst v1;
	v1 =	vmul.f32 v58, v3  }
0x2e5: {  	v19 =	vld [tilespmem:s10+$0x8380];
	[tilespmem:s14+$0x10330] =	vst v2;
	v2 =	vmul.f32 v59, v3  }
0x2e6: {  	v39 =	vld [tilespmem:s12+$0x83E0];
	[tilespmem:s14+$0x10340] =	vst v1;
	v1 =	vmul.f32 v60, v3  }
0x2e7: {  	[tilespmem:s14+$0x10350] =	vst v2;
	v2 =	vmul.f32 v61, v3;
	v3 =	vld [tilespmem:s3+$0x8340]  }
0x2e8: {  	v21 =	vld [tilespmem:s10+$0x83A0];
	[tilespmem:s14+$0x10360] =	vst v1;
	v1 =	vmul.f32 v63, v62  }
0x2e9: {  	v22 =	vld [tilespmem:s10+$0x83B0];
	[tilespmem:s14+$0x10370] =	vst v2;
	v2 =	vmul.f32 v12, v62  }
0x2ea: {  	v24 =	vld [tilespmem:s10+$0x83D0];
	[tilespmem:s3+$0x10300] =	vst v1;
	v1 =	vmul.f32 v13, v62  }
0x2eb: {  	v20 =	vld [tilespmem:s10+$0x8390];
	v46 =	vmul.f32 v39, v18;
	[tilespmem:s3+$0x10310] =	vst v2  }
0x2ec: {  	v2 =	vmul.f32 v14, v62;
	[tilespmem:s3+$0x10320] =	vst v1;
	v1 =	vmul.f32 v3, v62;
	v3 =	vld [tilespmem:s11+$0x3870]  }
0x2ed: {  	v25 =	vld [tilespmem:s10+$0x83E0];
	[tilespmem:s12+$0x103E0] =	vst v46  }
0x2ee: {  	v23 =	vld [tilespmem:s10+$0x83C0];
	[tilespmem:s3+$0x10330] =	vst v2;
	v2 =	vmul.f32 v15, v62  }
0x2ef: {  	v27 =	vld [tilespmem:s10+$0x83F0];
	[tilespmem:s3+$0x10340] =	vst v1;
	v1 =	vmul.f32 v16, v62  }
0x2f0: {  	[tilespmem:s3+$0x10350] =	vst v2;
	v2 =	vmul.f32 v17, v62  }
0x2f1: {  	v31 =	vld [tilespmem:s12+$0x8390];
	[tilespmem:s3+$0x10360] =	vst v1;
	v5 =	vmul.f32 v19, v3;
	v6 =	vmul.f32 v20, v3  }
0x2f2: {  	[tilespmem:s3+$0x10370] =	vst v2;
	v26 =	vmul.f32 v21, v3;
	v28 =	vmul.f32 v22, v3  }
0x2f3: {  	v35 =	vld [tilespmem:s12+$0x83B0];
	v30 =	vmul.f32 v23, v3;
	v32 =	vmul.f32 v24, v3;
	[tilespmem:s10+$0x10380] =	vst v5  }
0x2f4: {  	v45 =	vld [tilespmem:s14+$0x83A0];
	v34 =	vmul.f32 v25, v3;
	v3 =	vmul.f32 v27, v3;
	[tilespmem:s10+$0x10390] =	vst v6  }
0x2f5: {  	v38 =	vld [tilespmem:s12+$0x83D0];
	[tilespmem:s10+$0x103A0] =	vst v26  }
0x2f6: {  	v41 =	vld [tilespmem:s12+$0x83F0];
	[tilespmem:s10+$0x103F0] =	vst v3;
	v3 =	vmul.f32 v31, v18  }
0x2f7: {  	v42 =	vld [tilespmem:s14+$0x8380];
	[tilespmem:s10+$0x103B0] =	vst v28  }
0x2f8: {  	v1 =	vld [tilespmem:s15+$0x3870];
	[tilespmem:s12+$0x10390] =	vst v3;
	v3 =	vmul.f32 v35, v18  }
0x2f9: {  	v44 =	vld [tilespmem:s14+$0x8390];
	[tilespmem:s10+$0x103C0] =	vst v30  }
0x2fa: {  	v47 =	vld [tilespmem:s14+$0x83B0];
	[tilespmem:s12+$0x103B0] =	vst v3;
	v3 =	vmul.f32 v38, v18  }
0x2fb: {  	v48 =	vld [tilespmem:s14+$0x83C0];
	[tilespmem:s10+$0x103D0] =	vst v32  }
0x2fc: {  	v50 =	vld [tilespmem:s14+$0x83D0];
	[tilespmem:s12+$0x103D0] =	vst v3;
	v3 =	vmul.f32 v41, v18  }
0x2fd: {  	v51 =	vld [tilespmem:s14+$0x83E0];
	[tilespmem:s10+$0x103E0] =	vst v34;
	v49 =	vmul.f32 v42, v1  }
0x2fe: {  	v53 =	vld [tilespmem:s14+$0x83F0];
	[tilespmem:s12+$0x103F0] =	vst v3;
	v3 =	vmul.f32 v44, v1  }
0x2ff: {  	v55 =	vld [tilespmem:s3+$0x8390];
	v52 =	vmul.f32 v45, v1;
	[tilespmem:s14+$0x10380] =	vst v49  }
0x300: {  	v2 =	vld [tilespmem:s30+$0x3870];
	[tilespmem:s14+$0x10390] =	vst v3;
	v3 =	vmul.f32 v47, v1  }
0x301: {  	v54 =	vld [tilespmem:s3+$0x8380];
	v4 =	vmul.f32 v48, v1;
	[tilespmem:s14+$0x103A0] =	vst v52  }
0x302: {  	v58 =	vld [tilespmem:s3+$0x83B0];
	[tilespmem:s14+$0x103B0] =	vst v3;
	v3 =	vmul.f32 v50, v1  }
0x303: {  	v56 =	vld [tilespmem:s3+$0x83A0];
	v57 =	vmul.f32 v51, v1;
	[tilespmem:s14+$0x103C0] =	vst v4;
	v1 =	vmul.f32 v53, v1  }
0x304: {  	v60 =	vld [tilespmem:s3+$0x83D0];
	[tilespmem:s14+$0x103D0] =	vst v3  }
0x305: {  	v3 =	vld [tilespmem:s3+$0x83C0];
	[tilespmem:s14+$0x103F0] =	vst v1;
	v1 =	vmul.f32 v55, v2  }
0x306: {  	v63 =	vld [tilespmem:s3+$0x83F0];
	[tilespmem:s14+$0x103E0] =	vst v57;
	v59 =	vmul.f32 v54, v2  }
0x307: {  	v61 =	vld [tilespmem:s3+$0x83E0];
	[tilespmem:s3+$0x10390] =	vst v1;
	v1 =	vmul.f32 v58, v2  }
0x308: {  	v62 =	vmul.f32 v56, v2;
	[tilespmem:s3+$0x10380] =	vst v59  }
0x309: {  	p0 =	slt.u32 s9, $0xC;
	[tilespmem:s3+$0x103B0] =	vst v1;
	v1 =	vmul.f32 v60, v2  }
.Ltmp4:
0x30a: {  	[tilespmem:s3+$0x103A0] =	vst v62;
	v3 =	vmul.f32 v3, v2;
	(pc) =	sbr.rel @p0 .LBB2_7-.Ltmp4, $4  }
0x30b: {  	[tilespmem:s3+$0x103D0] =	vst v1;
	v1 =	vmul.f32 v63, v2  }
0x30c: {  	[tilespmem:s3+$0x103C0] =	vst v3;
	v3 =	vmul.f32 v61, v2  }
0x30d: {  	s30 =	sadd.s32 $0x4, s9;
	[tilespmem:s3+$0x103F0] =	vst v1  }
0x30e: {  	s9 =	smov.u32 s30;
	[tilespmem:s3+$0x103E0] =	vst v3  }
0x30f: {  	p0 =	seq.s32 s0, $0xF  }
.Ltmp5:
0x310: {  	_ = 	snop;
	(pc) =	sbr.rel @p0 .LBB2_10-.Ltmp5, $4  }
0x311: {  	_ = 	snop  }
0x312: {  	_ =	swait.ge [sflag:s28], $0x4000  }
0x313: {  	[sflag:s28] =	ssyncset.done $0x0  }
0x314: {  	[sflag:s28] =	ssyncadd.s32 $0xFFFFC000  }
0x315: {  	s3 =	sadd.s32 $0x2, s18  }
0x316: {  	s9 =	sshll.u32 s3, $0x7  }
0x317: {  	s9 =	sand.u32 $0x3FFFFF80, s9  }
0x318: {  	s3 =	sadd.s32 s5, s3;
	s9 =	sadd.s32 $0x1000, s9  }
0x319: {  	[tilespmem:s21], [sflag:$0x1] =	stream.indirect.gather [hbm4b:s7+s20], $0x80, s9, s20, $0xb8;
	[tilespmem:$0x1C000] =	vst v63  }
.Ltmp6:
0x31a: {  	s3 =	sshll.u32 s3, $0x8;
	(pc) =	sbr.rel .LBB2_4-.Ltmp6, $4  }
0x31b: {  	s3 =	sadd.s32 s6, s3  }
0x31c: {  	[tilespmem:s22], [sflag:$0x1] =	stream.linear.gather [hbm4b:s3+s4], $0x800, $0x38;
	[tilespmem:$0x1C000] =	vst v63  }
0x31d: {  	s0 =	sadd.s32 $0x1, s0  }
0x31e: {  	[spmem:s2] =	stream.indirect.scatter.add.f32 [tilespmem:s29], [sflag:$0x4], $0x80, s19, s20, $0xb8;
	[tilespmem:$0x1C000] =	vst v63  }
.LBB2_11:
0x31f: {  	_ =	sfence.sel $0x180000  }
0x320: {  	[bflag:$0x0] =	sbarrier.arrive $0xFFFF  }
0x321: {  	_ =	strace $0x9000004A  }
0x322: {  	s0 =	stileid.u32;
	[bflag:$0x2] =	sbarrier.arrive $0xFFFF  }
0x323: {  	p0 =	sne.s32 s0, $0x0;
	s0 =	rddreg [dreg:$0x4]  }
0x324: {  	s0 =	sadd.s32 @!p0 $0x100000, s0  }
0x325: {  	[sflag:s0] =	ssyncadd.tile.s32 @!p0 $0x1;
	_ =	shalt  }
.Lfunc_end2:
_tile_overlayer_lowered:
.L_overlay_start_2:
0x326: {  	(tag) =	ssettag $0x2  }
0x327: {  	s0 =	rddreg [dreg:$0x0];
	s2 =	stileid.u32  }
0x328: {  	s1 =	rddreg [dreg:$0x1];
	p0 =	sne.s32 s2, $0x0  }
0x329: {  	s3 =	rddreg [dreg:$0x2];
	[bflag:$0x3] =	sbarrier.arrive $0xFFFF;
	s2 =	simm.s32 @!p0 $0x1C05  }
0x32a: {  	[timem:s3], [sflag:s2] =	dma.local @!p0 [hbm:s0], s1  }
0x32b: {  	s0 =	simm.s32 @!p0 $0x5  }
0x32c: {  	_ =	swait.ge @!p0 [sflag:s0], s1  }
0x32d: {  	s1 =	ssub.s32 @!p0 $0x0, s1;
	[sflag:s0] =	ssyncset.done @!p0 $0x0  }
0x32e: {  	[sflag:s0] =	ssyncadd.s32 @!p0 s1  }
0x32f: {  	[bflag:$0x3] =	sbarrier.arrive $0xFFFF  }
0x330: {  	_ =	shalt  }

// kernel: kernel.7.cloned.1.call-start
scs
__scs_entry_jumppad:
0x0: {  	(pc) =	sbr.rel $0x88, $3  }
0x1: {  	(tag) =	ssettag $0x0;
	lr =	simm.s32 $0x1  }
0x2: {  	[smem:$0x3F9A] =	sst lr;
	_ =	strace $0xD0000000  }
0x3: {  	_ = 	snop  }
0x4: {  	_ = 	snop  }
0x5: {  	_ = 	snop  }
0x6: {  	_ = 	snop  }
0x7: {  	_ = 	snop  }
__scs_overlays_trampoline_lowered:
0x8: {  	[smem:$0x3FA9] =	sst s0  }
0x9: {  	[smem:$0x3FAA] =	sst s1  }
0xa: {  	[smem:$0x3FAB] =	sst s2  }
0xb: {  	[smem:$0x3FAC] =	sst s3  }
0xc: {  	[smem:$0x3FAD] =	sst s4  }
0xd: {  	[smem:$0x3FAE] =	sst s5  }
0xe: {  	[smem:$0x3FAF] =	sst s6  }
0xf: {  	[smem:$0x3FB0] =	sst s7  }
0x10: {  	[smem:$0x3FB1] =	sst s8  }
0x11: {  	[smem:$0x3FB2] =	sst s9;
	s0 =	simm.s32 @!p0 $0x0  }
0x12: {  	s1 =	sld [smem:$0x3F98];
	s0 =	simm.s32 @p0 $0x1  }
0x13: {  	[smem:$0x3FB3] =	sst s0;
	s0 =	simm.s32 @!p1 $0x0  }
0x14: {  	s2 =	sld [smem:$0x3F97];
	s0 =	simm.s32 @p1 $0x1  }
0x15: {  	[smem:$0x3FB4] =	sst s0;
	s0 =	simm.s32 @!p2 $0x0  }
0x16: {  	s3 =	sld [smem:$0x3FDB];
	s0 =	simm.s32 @p2 $0x1  }
0x17: {  	s4 =	simm.s32 $0x1BF5;
	[smem:$0x3FB6] =	sst s0  }
0x18: {  	s0 =	sld [smem:$0x3F99];
	_ =	swait.ge [sflag:s4], $0x0  }
0x19: {  	s7 =	sld [smem:$0x3F9A]  }
0x1a: {  	s8 =	sadd.s32 $0xFFFFE003, lr  }
0x1b: {  	s9 =	sadd.s32 $0xFFFFFEF7, lr;
	s5 =	simm.s32 $0xFFFFFFFF;
	p2 =	slt.u32 s8, $0xFFFFF086  }
0x1c: {  	p1 =	slt.u32 s9, $0xF7A;
	s5 =	simm.s32 @!p2 $0x0  }
0x1d: {  	s5 =	simm.s32 @p1 $0x1;
	p0 =	seq.s32 s7, s2  }
0x1e: {  	s7 =	smul.u32 @!p0 $0xF7A, s2;
	p2 =	seq.s32 @!p0 s5, $0x0  }
0x1f: {  	s9 =	smul.u32 $0xF7A, s1;
	s8 =	simm.s32 @!p0 $0x1BF5;
	p2 =	por !p2, p0  }
0x20: {  	[sflag:s8] =	ssyncset.s32 @!p0 $0xFFFFF086;
	s6 =	sadd.s32 @!p0 s3, s7;
	s7 =	simm.s32 @!p0 $0x108  }
0x21: {  	s3 =	sadd.s32 s3, s9;
	s6 =	sadd.s32 @!p0 $0x88, s6;
	s7 =	simm.s32 @p2 $0x1082  }
0x22: {  	[simem:s7], [sflag:s8] =	dma.local @!p0 [hbm:s6], $0xF7A  }
0x23: {  	s9 =	sor.u32 $0xD0000000, s2;
	s6 =	simm.s32 $0x108;
	_ =	swait.ge @!p0 [sflag:s8], $0x0  }
0x24: {  	s3 =	sadd.s32 $0x88, s3;
	s6 =	simm.s32 @!p1 $0x1082;
	[sflag:s4] =	ssyncset.s32 $0xFFFFF086  }
0x25: {  	[simem:s6], [sflag:s4] =	dma.local [hbm:s3], $0xF7A  }
0x26: {  	[smem:$0x3F9A] =	sst s1;
	(tag) =	ssettag s2;
	_ =	strace s9  }
0x27: {  	s1 =	sld [smem:$0x3FAA]  }
0x28: {  	s2 =	sld [smem:$0x3FAB]  }
0x29: {  	s4 =	sld [smem:$0x3FAD]  }
0x2a: {  	p0 =	seq.s32 s5, $0x0;
	s5 =	sld [smem:$0x3FAE]  }
0x2b: {  	s6 =	sld [smem:$0x3FAF]  }
0x2c: {  	s7 =	sld [smem:$0x3FB0]  }
0x2d: {  	s3 =	simm.s32 $0x108;
	s8 =	sld [smem:$0x3FB1]  }
0x2e: {  	s3 =	simm.s32 @!p0 $0x1082;
	s9 =	sld [smem:$0x3FB2]  }
0x2f: {  	lr =	sadd.s32 s0, s3;
	s0 =	sld [smem:$0x3FA9]  }
0x30: {  	s3 =	sld [smem:$0x3FAC]  }
0x31: {  	[smem:$0x3FB5] =	sst s10  }
0x32: {  	s10 =	sld [smem:$0x3FB3];
	_ =	sdelay $0x3  }
0x33: {  	p0 =	seq.s32 s10, $0x1;
	s10 =	sld [smem:$0x3FB5];
	_ =	sdelay $0x3  }
0x34: {  	[smem:$0x3FB5] =	sst s10  }
0x35: {  	s10 =	sld [smem:$0x3FB4];
	_ =	sdelay $0x3  }
0x36: {  	p1 =	seq.s32 s10, $0x1;
	s10 =	sld [smem:$0x3FB5];
	_ =	sdelay $0x3  }
0x37: {  	[smem:$0x3FB5] =	sst s10  }
0x38: {  	s10 =	sld [smem:$0x3FB6]  }
0x39: {  	_ = 	snop;
	(pc) =	sbr.ind lr, $3  }
0x3a: {  	_ = 	snop  }
0x3b: {  	_ = 	snop  }
0x3c: {  	p2 =	seq.s32 s10, $0x1;
	s10 =	sld [smem:$0x3FB5]  }
0x3d: {  	_ =	shalt  }
0x3e: {  	_ =	shalt  }
0x3f: {  	_ =	shalt  }
0x40: {  	_ =	shalt  }
0x41: {  	_ =	shalt  }
0x42: {  	_ =	shalt  }
0x43: {  	_ =	shalt  }
0x44: {  	_ =	shalt  }
0x45: {  	_ =	shalt  }
0x46: {  	_ =	shalt  }
0x47: {  	_ =	shalt  }
0x48: {  	_ =	shalt  }
0x49: {  	_ =	shalt  }
0x4a: {  	_ =	shalt  }
0x4b: {  	_ =	shalt  }
0x4c: {  	_ =	shalt  }
0x4d: {  	_ =	shalt  }
0x4e: {  	_ =	shalt  }
0x4f: {  	_ =	shalt  }
0x50: {  	_ =	shalt  }
0x51: {  	_ =	shalt  }
0x52: {  	_ =	shalt  }
0x53: {  	_ =	shalt  }
0x54: {  	_ =	shalt  }
0x55: {  	_ =	shalt  }
0x56: {  	_ =	shalt  }
0x57: {  	_ =	shalt  }
0x58: {  	_ =	shalt  }
0x59: {  	_ =	shalt  }
0x5a: {  	_ =	shalt  }
0x5b: {  	_ =	shalt  }
0x5c: {  	_ =	shalt  }
0x5d: {  	_ =	shalt  }
0x5e: {  	_ =	shalt  }
0x5f: {  	_ =	shalt  }
0x60: {  	_ =	shalt  }
0x61: {  	_ =	shalt  }
0x62: {  	_ =	shalt  }
0x63: {  	_ =	shalt  }
0x64: {  	_ =	shalt  }
0x65: {  	_ =	shalt  }
0x66: {  	_ =	shalt  }
0x67: {  	_ =	shalt  }
0x68: {  	_ =	shalt  }
0x69: {  	_ =	shalt  }
0x6a: {  	_ =	shalt  }
0x6b: {  	_ =	shalt  }
0x6c: {  	_ =	shalt  }
0x6d: {  	_ =	shalt  }
0x6e: {  	_ =	shalt  }
0x6f: {  	_ =	shalt  }
0x70: {  	_ =	shalt  }
0x71: {  	_ =	shalt  }
0x72: {  	_ =	shalt  }
0x73: {  	_ =	shalt  }
0x74: {  	_ =	shalt  }
0x75: {  	_ =	shalt  }
0x76: {  	_ =	shalt  }
0x77: {  	_ =	shalt  }
0x78: {  	_ =	shalt  }
0x79: {  	_ =	shalt  }
0x7a: {  	_ =	shalt  }
0x7b: {  	_ =	shalt  }
0x7c: {  	_ =	shalt  }
0x7d: {  	_ =	shalt  }
0x7e: {  	_ =	shalt  }
0x7f: {  	_ =	shalt  }
0x80: {  	_ =	shalt  }
0x81: {  	_ =	shalt  }
0x82: {  	_ =	shalt  }
0x83: {  	_ =	shalt  }
0x84: {  	_ =	shalt  }
0x85: {  	_ =	shalt  }
0x86: {  	_ =	shalt  }
0x87: {  	_ =	shalt  }
.Lfunc_end0:
.L_simem_size_0:
called_computation_lowered:
.L_overlay_start_0:
0x88: {  	s2 =	sld [smem:$0x3FD9]  }
0x89: {  	s3 =	sld [smem:$0x3FFE];
	_ =	sdelay $0x1  }
0x8a: {  	s1 =	srdreg.scid  }
0x8b: {  	s0 =	sand.u32 $0x1, s1  }
0x8c: {  	s17 =	sshll.u32 s0, $0xA;
	s2 =	sadd.s32 s3, s2  }
0x8d: {  	s2 =	sadd.s32 s2, s17  }
0x8e: {  	[smem:$0x3FC1] =	sst s2  }
0x8f: {  	_ = 	snop  }
0x90: {  	s2 =	sld [smem:$0x3FC7]  }
0x91: {  	s18 =	sld [smem:$0x3FD0];
	(tm) =	ssettm $0x1  }
0x92: {  	s4 =	sld [smem:$0x3FFB];
	_ =	sdelay $0x3  }
0x93: {  	_ =	strace s4  }
0x94: {  	s4 =	sld [smem:$0x3FFC];
	_ =	sdelay $0x3  }
0x95: {  	_ =	strace s4  }
0x96: {  	s4 =	sld [smem:$0x3FFD];
	_ =	sdelay $0x3  }
0x97: {  	_ =	strace s4  }
0x98: {  	_ =	strace $0x8FFFFFFF  }
0x99: {  	s19 =	sld [smem:$0x3FDB];
	_ =	sdelay $0x1  }
0x9a: {  	s5 =	simm.s32 $_scs_section_size  }
0x9b: {  	s6 =	simm.s32 $_size__tile_overlayer_lowered;
	s7 =	simm.s32 $_tile_overlayer_lowered  }
0x9c: {  	s22 =	simm.s32 $0x1BFF;
	s21 =	sshll.u32 s7, $0x1;
	s4 =	sadd.s32 s5, s19  }
0x9d: {  	s8 =	simm.s32 $0x0;
	s20 =	sshll.u32 s6, $0x1;
	s6 =	sadd.s32 s21, s4  }
0x9e: {  	[timem:s8], [sflag:s22] =	dma.local [hbm:s6], s20  }
0x9f: {  	_ =	swait.ge [sflag:s22], s20  }
0xa0: {  	s5 =	ssub.s32 $0x0, s20;
	[sflag:s22] =	ssyncset.done $0x0  }
0xa1: {  	[sflag:s22] =	ssyncadd.s32 s5;
	_ =	sdelay $0x1  }
0xa2: {  	s23 =	simm.s32 $0x1B8B  }
0xa3: {  	_ =	swait.ge [sflag:s23], $0x1  }
0xa4: {  	[sflag:s23] =	ssyncset.done $0x0  }
0xa5: {  	s25 =	simm.s32 $0x1B8E;
	s24 =	sld [smem:$0x3FFE];
	[sflag:s23] =	ssyncadd.s32 $0xFFFFFFFF  }
0xa6: {  	s26 =	simm.s32 $execute0_lowered;
	[smem:$0x3FD2] =	sst s25  }
0xa7: {  	s6 =	sshll.u32 s26, $0x1;
	_ =	strace $0x80000046;
	[dreg:$0x1] =	wrdreg $0xFFFFFFFF  }
0xa8: {  	s28 =	simm.s32 $_size_execute0_lowered;
	s4 =	sadd.s32 s4, s6;
	[dreg:$0x0] =	wrdreg $0x0  }
0xa9: {  	s6 =	sshll.u32 s28, $0x1;
	[dreg:$0x2] =	wrdreg s4  }
0xaa: {  	[dreg:$0x3] =	wrdreg s6  }
0xab: {  	[dreg:$0x4] =	wrdreg $0xC0  }
0xac: {  	_ =	task [dreg:s8], $0x5FFFF  }
0xad: {  	[dreg:$0x1] =	wrdreg $0xFFFFFFFF  }
0xae: {  	[dreg:$0x0] =	wrdreg $0x60  }
0xaf: {  	[dreg:$0x2] =	wrdreg s24  }
0xb0: {  	[dreg:$0x3] =	wrdreg s18  }
0xb1: {  	[dreg:$0x4] =	wrdreg s2  }
0xb2: {  	[dreg:$0x5] =	wrdreg $0x140000  }
0xb3: {  	[dreg:$0x6] =	wrdreg $0x9  }
0xb4: {  	_ =	task.clear_ibuf [dreg:s8], $0x7FFFF;
	_ =	strace $0x90000046  }
0xb5: {  	s29 =	simm.s32 $0x9;
	_ =	strace $0x80000048  }
0xb6: {  	_ =	swait.ge [sflag:s29], $0x1  }
0xb7: {  	[sflag:s29] =	ssyncadd.s32 $0xFFFFFFFF  }
0xb8: {  	_ =	strace $0x90000048  }
0xb9: {  	_ =	sfence  }
0xba: {  	s30 =	sld [smem:$0x0];
	_ =	sdelay $0x2  }
0xbb: {  	s31 =	sshll.u32 s1, $0xD;
	s1 =	sshrl.u32 s1, $0x2  }
0xbc: {  	s3 =	sand.u32 $0x4000, s31;
	s1 =	sadd.s32 s1, s30  }
0xbd: {  	s0 =	sor.u32 s3, s0;
	s1 =	sshll.u32 s1, $0x11  }
0xbe: {  	s0 =	sor.u32 s1, s0  }
0xbf: {  	s0 =	sadd.s32 $0x8F2B, s0  }
0xc0: {  	[sflag:s0] =	ssyncadd.remote.s32 $0x1  }
0xc1: {  	_ =	sfence.sel $0xFFFF  }
0xc2: {  	[dreg:$0x0] =	wrdreg $0xFFFFFFFF;
	(pc) =	sbr.abs _section_cstart, $3  }
0xc3: {  	[dreg:$0x1] =	wrdreg $0xFFFFFFFF  }
0xc4: {  	_ =	task.clear_ibuf [dreg:s8], $0x2FFFF;
	_ =	strace $0x9FFFFFFF  }
0xc5: {  	(tm) =	ssettm $0x7FFFFFFF  }
tec
execute0_lowered:
.L_overlay_start_1:
0x0: {  	(tag) =	ssettag $0x1  }
0x1: {  	s0 =	rddreg [dreg:$0x0]  }
0x2: {  	s1 =	rddreg [dreg:$0x1]  }
0x3: {  	s9 =	rddreg [dreg:$0x2]  }
0x4: {  	s2 =	rddreg [dreg:$0x3]  }
0x5: {  	s3 =	srdreg.scid;
	s17 =	stileid.u32  }
0x6: {  	s28 =	simm.s32 $0x1C000;
	s29 =	simm.s32 $0x2;
	s30 =	simm.s32 $0x3  }
0x7: {  	s31 =	simm.s32 $0x10000;
	s10 =	sand.u32 $0x1, s3;
	s3 =	simm.s32 $0x0  }
0x8: {  	s4 =	sshll.u32 s17, $0x6;
	s6 =	sadd.s32 $0x6400, s0;
	s8 =	sshll.u32 s17, $0xC  }
0x9: {  	s7 =	sadd.s32 $0x46400, s0;
	s16 =	sshll.u32 s17, $0xF;
	s19 =	sshll.u32 s17, $0x9  }
0xa: {  	s21 =	sshll.u32 s17, $0x4;
	s17 =	simm.s32 $0xC000;
	s5 =	sshll.u32 s10, $0x5  }
0xb: {  	[smem:$0x7FF] =	sst s3;
	s13 =	sadd.s32 s8, s0;
	s25 =	ssub.s32 $0x2, s10  }
0xc: {  	s14 =	sshll.u32 s10, $0xD;
	s8 =	sadd.s32 s16, s2;
	s20 =	sand.u32 $0x1000, s19  }
0xd: {  	s22 =	sand.u32 $0x70, s21;
	s24 =	sshll.u32 s10, $0x10;
	s21 =	simm.s32 $0x80  }
0xe: {  	s5 =	sor.u32 s5, s4;
	_ =	strace $0x80000047;
	s15 =	sshrl.u32 s25, $0x1  }
0xf: {  	s18 =	sadd.s32 $0x4000, s8;
	s11 =	sshll.u32 s5, $0x4;
	s26 =	ssub.s32 s25, s15  }
0x10: {  	[dreg:$0x5] =	wrdreg s18;
	s23 =	sshll.u32 s5, $0x8;
	s25 =	sadd.s32 s24, s13  }
0x11: {  	s18 =	simm.s32 $0x5;
	s24 =	simm.s32 $0x8000;
	s1 =	sadd.s32 s1, s11  }
0x12: {  	s12 =	sadd.s32 s11, s0;
	s9 =	sadd.s32 s9, s11;
	[dreg:$0x7] =	wrdreg s1  }
0x13: {  	s0 =	sadd.s32 s14, s0;
	s26 =	smax.u32 s26, $0x1;
	[dreg:$0x8] =	wrdreg s9  }
0x14: {  	s12 =	sadd.s32 $0x2400, s12;
	s0 =	sadd.s32 s20, s0;
	[dreg:$0xc] =	wrdreg s26  }
0x15: {  	s1 =	sadd.s32 s6, s23;
	[dreg:$0x6] =	wrdreg s12;
	s0 =	sadd.s32 s22, s0  }
0x16: {  	s26 =	simm.s32 $0x1;
	[dreg:$0x9] =	wrdreg s1;
	s0 =	sadd.s32 $0x56400, s0  }
0x17: {  	s20 =	simm.s32 $0x0;
	[dreg:$0xa] =	wrdreg s0;
	s0 =	sadd.s32 $0x5A400, s25  }
0x18: {  	v0 =	vimm.f32 $0.0e+00;
	s25 =	simm.s32 $0x3800;
	[dreg:$0xb] =	wrdreg s0;
	s0 =	simm.s32 $0x4  }
.LBB2_1:
0x19: {  	s1 =	simm.s32 $0xC100  }
0x1a: {  	[tilespmem:s1+$0xFFFFFF00] =	vst v0  }
0x1b: {  	[tilespmem:s1+$0xF0] =	vst v0  }
0x1c: {  	[tilespmem:s1+$0xE0] =	vst v0  }
0x1d: {  	[tilespmem:s1+$0xD0] =	vst v0  }
0x1e: {  	[tilespmem:s1+$0xC0] =	vst v0  }
0x1f: {  	[tilespmem:s1+$0xB0] =	vst v0  }
0x20: {  	[tilespmem:s1+$0xA0] =	vst v0  }
0x21: {  	[tilespmem:s1+$0x90] =	vst v0  }
0x22: {  	[tilespmem:s1+$0x80] =	vst v0  }
0x23: {  	[tilespmem:s1+$0x70] =	vst v0  }
0x24: {  	[tilespmem:s1+$0x60] =	vst v0  }
0x25: {  	[tilespmem:s1+$0x50] =	vst v0  }
0x26: {  	[tilespmem:s1+$0x40] =	vst v0  }
0x27: {  	[tilespmem:s1+$0x30] =	vst v0  }
0x28: {  	[tilespmem:s1+$0x20] =	vst v0  }
0x29: {  	[tilespmem:s1+$0x10] =	vst v0  }
0x2a: {  	[tilespmem:s1+$0x0] =	vst v0  }
0x2b: {  	[tilespmem:s1+$0xFFFFFFF0] =	vst v0  }
0x2c: {  	[tilespmem:s1+$0xFFFFFFE0] =	vst v0  }
0x2d: {  	[tilespmem:s1+$0xFFFFFFD0] =	vst v0  }
0x2e: {  	[tilespmem:s1+$0xFFFFFFC0] =	vst v0  }
0x2f: {  	[tilespmem:s1+$0xFFFFFFB0] =	vst v0  }
0x30: {  	[tilespmem:s1+$0xFFFFFFA0] =	vst v0  }
0x31: {  	[tilespmem:s1+$0xFFFFFF90] =	vst v0  }
0x32: {  	[tilespmem:s1+$0xFFFFFF80] =	vst v0  }
0x33: {  	[tilespmem:s1+$0xFFFFFF70] =	vst v0  }
0x34: {  	[tilespmem:s1+$0xFFFFFF60] =	vst v0  }
0x35: {  	[tilespmem:s1+$0xFFFFFF50] =	vst v0  }
0x36: {  	[tilespmem:s1+$0xFFFFFF40] =	vst v0  }
0x37: {  	[tilespmem:s1+$0xFFFFFF30] =	vst v0  }
0x38: {  	s9 =	simm.s32 $0x0;
	[tilespmem:s1+$0xFFFFFF20] =	vst v0  }
.LBB2_2:
0x39: {  	s9 =	sadd.s32 $0x4, s9;
	[tilespmem:s1+$0xFFFFFF10] =	vst v0;
	s1 =	sadd.s32 $0x200, s1  }
0x3a: {  	[tilespmem:s1+$0xFFFFFF00] =	vst v0;
	p0 =	slt.u32 s9, $0x7C  }
0x3b: {  	[tilespmem:s1+$0xF0] =	vst v0  }
0x3c: {  	[tilespmem:s1+$0xE0] =	vst v0  }
0x3d: {  	[tilespmem:s1+$0xD0] =	vst v0  }
0x3e: {  	[tilespmem:s1+$0xC0] =	vst v0  }
0x3f: {  	[tilespmem:s1+$0xB0] =	vst v0  }
0x40: {  	[tilespmem:s1+$0xA0] =	vst v0  }
0x41: {  	[tilespmem:s1+$0x90] =	vst v0  }
0x42: {  	[tilespmem:s1+$0x80] =	vst v0  }
0x43: {  	[tilespmem:s1+$0x70] =	vst v0  }
0x44: {  	[tilespmem:s1+$0x60] =	vst v0  }
0x45: {  	[tilespmem:s1+$0x50] =	vst v0  }
0x46: {  	[tilespmem:s1+$0x40] =	vst v0  }
0x47: {  	[tilespmem:s1+$0x30] =	vst v0  }
0x48: {  	[tilespmem:s1+$0x20] =	vst v0  }
0x49: {  	[tilespmem:s1+$0x10] =	vst v0  }
0x4a: {  	[tilespmem:s1+$0x0] =	vst v0  }
0x4b: {  	[tilespmem:s1+$0xFFFFFFF0] =	vst v0  }
0x4c: {  	[tilespmem:s1+$0xFFFFFFE0] =	vst v0  }
0x4d: {  	[tilespmem:s1+$0xFFFFFFD0] =	vst v0  }
0x4e: {  	[tilespmem:s1+$0xFFFFFFC0] =	vst v0  }
0x4f: {  	[tilespmem:s1+$0xFFFFFFB0] =	vst v0  }
0x50: {  	[tilespmem:s1+$0xFFFFFFA0] =	vst v0  }
0x51: {  	[tilespmem:s1+$0xFFFFFF90] =	vst v0  }
0x52: {  	[tilespmem:s1+$0xFFFFFF80] =	vst v0  }
0x53: {  	[tilespmem:s1+$0xFFFFFF70] =	vst v0  }
.Ltmp0:
0x54: {  	[tilespmem:s1+$0xFFFFFF60] =	vst v0;
	(pc) =	sbr.rel @p0 .LBB2_2-.Ltmp0, $4  }
0x55: {  	[tilespmem:s1+$0xFFFFFF50] =	vst v0  }
0x56: {  	[tilespmem:s1+$0xFFFFFF40] =	vst v0  }
0x57: {  	[tilespmem:s1+$0xFFFFFF30] =	vst v0  }
0x58: {  	[tilespmem:s1+$0xFFFFFF20] =	vst v0  }
0x59: {  	[tilespmem:s1+$0xFFFFFF10] =	vst v0  }
0x5a: {  	[spmem:s8] =	stream.linear.scatter [tilespmem:s17], [sflag:$0x5], $0x4000, $0x38;
	[tilespmem:$0x1D000] =	vst v63  }
0x5b: {  	_ =	swait.ge [sflag:s18], $0x4000  }
0x5c: {  	[sflag:s18] =	ssyncset.done $0x0  }
0x5d: {  	s23 =	rddreg [dreg:$0x5];
	[sflag:s18] =	ssyncadd.s32 $0xFFFFC000  }
0x5e: {  	[spmem:s23] =	stream.linear.scatter [tilespmem:s17], [sflag:$0x5], $0x4000, $0x38;
	[tilespmem:$0x1D000] =	vst v63  }
0x5f: {  	_ =	swait.ge [sflag:s18], $0x4000  }
0x60: {  	[sflag:s18] =	ssyncset.done $0x0  }
0x61: {  	s1 =	simm.s32 $0x1C020;
	[sflag:s18] =	ssyncadd.s32 $0xFFFFC000  }
0x62: {  	[tilespmem:s1+$0xFFFFFFE0] =	vst v0  }
0x63: {  	[tilespmem:s1+$0x10] =	vst v0  }
0x64: {  	s9 =	simm.s32 $0x0;
	[tilespmem:s1+$0x0] =	vst v0  }
.LBB2_4:
0x65: {  	s9 =	sadd.s32 $0x4, s9  }
0x66: {  	[tilespmem:s1+$0xFFFFFFF0] =	vst v0;
	s1 =	sadd.s32 $0x40, s1;
	p0 =	slt.u32 s9, $0xFC  }
.Ltmp1:
0x67: {  	[tilespmem:s1+$0xFFFFFFE0] =	vst v0;
	(pc) =	sbr.rel @p0 .LBB2_4-.Ltmp1, $3  }
0x68: {  	_ =	sdelay $0x1  }
0x69: {  	[tilespmem:s1+$0x10] =	vst v0  }
0x6a: {  	[tilespmem:s1+$0x0] =	vst v0  }
0x6b: {  	[tilespmem:s1+$0xFFFFFFF0] =	vst v0  }
0x6c: {  	s1 =	rddreg [dreg:$0x6]  }
0x6d: {  	[tilespmem:s20], [sflag:$0x5] =	stream.linear.gather [hbm4b:s1+s20], $0x1000, $0x38;
	[tilespmem:$0x1D000] =	vst v63  }
0x6e: {  	_ =	swait.ge [sflag:s18], $0x1000  }
0x6f: {  	[sflag:s18] =	ssyncset.done $0x0  }
0x70: {  	s9 =	simm.s32 $0x1000;
	s15 =	rddreg [dreg:$0x7];
	[sflag:s18] =	ssyncadd.s32 $0xFFFFF000  }
0x71: {  	[tilespmem:s9], [sflag:$0x5] =	stream.linear.gather [hbm4b:s15+s20], $0x1000, $0x38;
	[tilespmem:$0x1D000] =	vst v63  }
0x72: {  	_ =	swait.ge [sflag:s18], $0x1000  }
0x73: {  	[sflag:s18] =	ssyncset.done $0x0  }
0x74: {  	s10 =	simm.s32 $0x2000;
	s16 =	rddreg [dreg:$0x8];
	[sflag:s18] =	ssyncadd.s32 $0xFFFFF000  }
0x75: {  	[tilespmem:s10], [sflag:$0x5] =	stream.linear.gather [hbm4b:s16+s20], $0x1000, $0x38;
	[tilespmem:$0x1D000] =	vst v63  }
0x76: {  	_ =	swait.ge [sflag:s18], $0x1000  }
0x77: {  	[sflag:s18] =	ssyncset.done $0x0  }
0x78: {  	[sflag:s18] =	ssyncadd.s32 $0xFFFFF000  }
0x79: {  	s19 =	simm.s32 $0x4000;
	[bflag:$0x0] =	sbarrier.arrive $0xFFFF  }
0x7a: {  	[tilespmem:s19], [sflag:$0x1] =	stream.indirect.gather [hbm4b:s7+s21], $0x80, s9, s21, $0xb8;
	[tilespmem:$0x1D000] =	vst v63  }
0x7b: {  	s23 =	simm.s32 $0x3000;
	s22 =	rddreg [dreg:$0x9]  }
0x7c: {  	[tilespmem:s23], [sflag:$0x1] =	stream.linear.gather [hbm4b:s22+s20], $0x800, $0x38;
	[tilespmem:$0x1D000] =	vst v63  }
0x7d: {  	s22 =	simm.s32 $0x0  }
.LBB2_6:
0x7e: {  	p0 =	seq.s32 s22, $0x0  }
0x7f: {  	s1 =	simm.s32 @!p0 $0x4  }
0x80: {  	s9 =	sshllo.u32 s22, $0x1;
	_ =	swait.ge @!p0 [sflag:s1], $0x4000  }
0x81: {  	s23 =	sshll.u32 s9, $0x7;
	s19 =	sadd.s32 s5, s9;
	[sflag:s1] =	ssyncset.done @!p0 $0x0  }
0x82: {  	s16 =	sadd.s32 $0x1000, s23;
	[sflag:s1] =	ssyncadd.s32 @!p0 $0xFFFFC000;
	s1 =	sshll.u32 s19, $0x8  }
0x83: {  	[tilespmem:s24], [sflag:$0x2] =	stream.indirect.gather [hbm4b:s7+s21], $0x80, s16, s21, $0xb8;
	[tilespmem:$0x1D000] =	vst v63  }
0x84: {  	s1 =	sadd.s32 s6, s1  }
0x85: {  	[tilespmem:s25], [sflag:$0x2] =	stream.linear.gather [hbm4b:s1+s20], $0x800, $0x38;
	[tilespmem:$0x1D000] =	vst v63  }
0x86: {  	_ =	swait.ge [sflag:s26], $0x4000  }
0x87: {  	[sflag:s26] =	ssyncset.done $0x0  }
0x88: {  	[sflag:s26] =	ssyncadd.s32 $0xFFFFC000  }
0x89: {  	_ =	swait.ge [sflag:s26], $0x800  }
0x8a: {  	[sflag:s26] =	ssyncset.done $0x0  }
0x8b: {  	s19 =	simm.s32 $0x0;
	s1 =	sshll.u32 s22, $0x1;
	[sflag:s26] =	ssyncadd.s32 $0xFFFFF800  }
.LBB2_7:
0x8c: {  	s9 =	sshll.u32 s19, $0x7  }
0x8d: {  	s10 =	sand.u32 $0x3FFFFF80, s9  }
0x8e: {  	s9 =	sshll.u32 s19, $0xA;
	v1 =	vld [tilespmem:s10+$0x3000]  }
0x8f: {  	v2 =	vld [tilespmem:s9+$0x4000]  }
0x90: {  	v3 =	vld [tilespmem:s9+$0x4010]  }
0x91: {  	v4 =	vld [tilespmem:s9+$0x4020]  }
0x92: {  	v5 =	vld [tilespmem:s9+$0x4030]  }
0x93: {  	v6 =	vld [tilespmem:s9+$0x4040]  }
0x94: {  	v7 =	vld [tilespmem:s9+$0x4050];
	v2 =	vmul.f32 v2, v1  }
0x95: {  	v8 =	vld [tilespmem:s9+$0x4060];
	v3 =	vmul.f32 v3, v1  }
0x96: {  	v61 =	vld [tilespmem:s9+$0x4070];
	[tilespmem:s9+$0xC000] =	vst v2;
	v2 =	vmul.f32 v4, v1  }
0x97: {  	[tilespmem:s9+$0xC010] =	vst v3;
	v3 =	vmul.f32 v5, v1  }
0x98: {  	[tilespmem:s9+$0xC020] =	vst v2;
	v2 =	vmul.f32 v6, v1  }
0x99: {  	[tilespmem:s9+$0xC030] =	vst v3;
	v3 =	vmul.f32 v7, v1  }
0x9a: {  	[tilespmem:s9+$0xC040] =	vst v2;
	v2 =	vmul.f32 v8, v1  }
0x9b: {  	[tilespmem:s9+$0xC050] =	vst v3;
	v1 =	vmul.f32 v61, v1  }
0x9c: {  	[tilespmem:s9+$0xC060] =	vst v2  }
0x9d: {  	[tilespmem:s9+$0xC070] =	vst v1;
	v2 =	vld [tilespmem:s9+$0x4080]  }
0x9e: {  	v1 =	vld [tilespmem:s10+$0x3010]  }
0x9f: {  	v3 =	vld [tilespmem:s9+$0x4090]  }
0xa0: {  	v62 =	vld [tilespmem:s9+$0x40A0]  }
0xa1: {  	v63 =	vld [tilespmem:s9+$0x40B0]  }
0xa2: {  	v12 =	vld [tilespmem:s9+$0x40C0]  }
0xa3: {  	v13 =	vld [tilespmem:s9+$0x40D0];
	v2 =	vmul.f32 v2, v1  }
0xa4: {  	v14 =	vld [tilespmem:s9+$0x40E0];
	v3 =	vmul.f32 v3, v1  }
0xa5: {  	v15 =	vld [tilespmem:s9+$0x40F0];
	[tilespmem:s9+$0xC080] =	vst v2;
	v2 =	vmul.f32 v62, v1  }
0xa6: {  	[tilespmem:s9+$0xC090] =	vst v3;
	v3 =	vmul.f32 v63, v1  }
0xa7: {  	[tilespmem:s9+$0xC0A0] =	vst v2;
	v2 =	vmul.f32 v12, v1  }
0xa8: {  	[tilespmem:s9+$0xC0B0] =	vst v3;
	v3 =	vmul.f32 v13, v1  }
0xa9: {  	[tilespmem:s9+$0xC0C0] =	vst v2;
	v2 =	vmul.f32 v14, v1  }
0xaa: {  	[tilespmem:s9+$0xC0D0] =	vst v3;
	v1 =	vmul.f32 v15, v1  }
0xab: {  	[tilespmem:s9+$0xC0E0] =	vst v2  }
0xac: {  	[tilespmem:s9+$0xC0F0] =	vst v1;
	v2 =	vld [tilespmem:s9+$0x4100]  }
0xad: {  	v1 =	vld [tilespmem:s10+$0x3020]  }
0xae: {  	v3 =	vld [tilespmem:s9+$0x4110]  }
0xaf: {  	v16 =	vld [tilespmem:s9+$0x4120]  }
0xb0: {  	v17 =	vld [tilespmem:s9+$0x4130]  }
0xb1: {  	v18 =	vld [tilespmem:s9+$0x4140]  }
0xb2: {  	v2 =	vmul.f32 v2, v1  }
0xb3: {  	v3 =	vmul.f32 v3, v1  }
0xb4: {  	[tilespmem:s9+$0xC100] =	vst v2;
	v2 =	vmul.f32 v16, v1  }
0xb5: {  	[tilespmem:s9+$0xC110] =	vst v3;
	v3 =	vmul.f32 v17, v1  }
0xb6: {  	[tilespmem:s9+$0xC120] =	vst v2;
	v2 =	vmul.f32 v18, v1  }
0xb7: {  	[tilespmem:s9+$0xC130] =	vst v3  }
0xb8: {  	[tilespmem:s9+$0xC140] =	vst v2  }
0xb9: {  	v2 =	vld [tilespmem:s9+$0x4150]  }
0xba: {  	v3 =	vld [tilespmem:s9+$0x4160]  }
0xbb: {  	v19 =	vld [tilespmem:s9+$0x4170]  }
0xbc: {  	v20 =	vld [tilespmem:s9+$0x41A0]  }
0xbd: {  	v21 =	vld [tilespmem:s9+$0x41B0]  }
0xbe: {  	v22 =	vld [tilespmem:s9+$0x41C0]  }
0xbf: {  	v23 =	vld [tilespmem:s9+$0x41D0]  }
0xc0: {  	s11 =	sor.u32 $0x1, s19;
	v24 =	vld [tilespmem:s9+$0x41E0]  }
0xc1: {  	s12 =	sshll.u32 s11, $0x7;
	s11 =	sshll.u32 s11, $0xA;
	v25 =	vld [tilespmem:s9+$0x41F0]  }
0xc2: {  	v26 =	vld [tilespmem:s11+$0x4000]  }
0xc3: {  	v27 =	vld [tilespmem:s11+$0x4010]  }
0xc4: {  	v28 =	vld [tilespmem:s11+$0x4020]  }
0xc5: {  	v29 =	vld [tilespmem:s11+$0x4030]  }
0xc6: {  	v30 =	vld [tilespmem:s11+$0x4040]  }
0xc7: {  	v9 =	vld [tilespmem:s11+$0x4050]  }
0xc8: {  	v10 =	vld [tilespmem:s11+$0x4060]  }
0xc9: {  	v32 =	vld [tilespmem:s11+$0x4070]  }
0xca: {  	v11 =	vld [tilespmem:s9+$0x4210]  }
0xcb: {  	v34 =	vld [tilespmem:s9+$0x4220]  }
0xcc: {  	v36 =	vld [tilespmem:s9+$0x4230]  }
0xcd: {  	v38 =	vld [tilespmem:s9+$0x4240]  }
0xce: {  	v40 =	vld [tilespmem:s9+$0x4250];
	v2 =	vmul.f32 v2, v1  }
0xcf: {  	v41 =	vld [tilespmem:s9+$0x4260];
	v3 =	vmul.f32 v3, v1  }
0xd0: {  	v43 =	vld [tilespmem:s9+$0x4270];
	v1 =	vmul.f32 v19, v1;
	[tilespmem:s9+$0xC150] =	vst v2  }
0xd1: {  	v45 =	vld [tilespmem:s11+$0x4080];
	[tilespmem:s9+$0xC160] =	vst v3  }
0xd2: {  	[tilespmem:s9+$0xC170] =	vst v1;
	v3 =	vld [tilespmem:s9+$0x4190]  }
0xd3: {  	v1 =	vld [tilespmem:s10+$0x3030]  }
0xd4: {  	v46 =	vld [tilespmem:s11+$0x4090]  }
0xd5: {  	v48 =	vld [tilespmem:s11+$0x40A0]  }
0xd6: {  	v2 =	vld [tilespmem:s9+$0x4180]  }
0xd7: {  	v49 =	vld [tilespmem:s11+$0x40B0]  }
0xd8: {  	v50 =	vld [tilespmem:s11+$0x40C0];
	v3 =	vmul.f32 v3, v1  }
0xd9: {  	v51 =	vld [tilespmem:s11+$0x40D0]  }
0xda: {  	v52 =	vld [tilespmem:s11+$0x40E0];
	[tilespmem:s9+$0xC190] =	vst v3;
	v3 =	vmul.f32 v21, v1  }
0xdb: {  	v53 =	vld [tilespmem:s11+$0x40F0];
	v2 =	vmul.f32 v2, v1  }
0xdc: {  	v54 =	vld [tilespmem:s11+$0x4100];
	[tilespmem:s9+$0xC1B0] =	vst v3;
	v3 =	vmul.f32 v23, v1  }
0xdd: {  	s12 =	sand.u32 $0x3FFFFF80, s12;
	v55 =	vld [tilespmem:s11+$0x4110];
	[tilespmem:s9+$0xC180] =	vst v2;
	v2 =	vmul.f32 v20, v1  }
0xde: {  	[tilespmem:s9+$0xC1D0] =	vst v3;
	v3 =	vld [tilespmem:s12+$0x3000]  }
0xdf: {  	v56 =	vld [tilespmem:s11+$0x4120];
	[tilespmem:s9+$0xC1A0] =	vst v2;
	v2 =	vmul.f32 v22, v1  }
0xe0: {  	v57 =	vld [tilespmem:s11+$0x4130]  }
0xe1: {  	v58 =	vld [tilespmem:s11+$0x4140];
	[tilespmem:s9+$0xC1C0] =	vst v2;
	v2 =	vmul.f32 v24, v1  }
0xe2: {  	v59 =	vld [tilespmem:s11+$0x4150];
	v1 =	vmul.f32 v25, v1  }
0xe3: {  	v60 =	vld [tilespmem:s11+$0x4160];
	[tilespmem:s9+$0xC1E0] =	vst v2;
	v4 =	vmul.f32 v26, v3  }
0xe4: {  	v62 =	vld [tilespmem:s11+$0x4170];
	[tilespmem:s9+$0xC1F0] =	vst v1;
	v5 =	vmul.f32 v27, v3  }
0xe5: {  	v2 =	vld [tilespmem:s9+$0x4200];
	v31 =	vmul.f32 v28, v3;
	[tilespmem:s11+$0xC000] =	vst v4  }
0xe6: {  	v1 =	vld [tilespmem:s10+$0x3040];
	v33 =	vmul.f32 v29, v3;
	[tilespmem:s11+$0xC010] =	vst v5  }
0xe7: {  	v63 =	vld [tilespmem:s9+$0x4290];
	v35 =	vmul.f32 v30, v3;
	[tilespmem:s11+$0xC020] =	vst v31  }
0xe8: {  	v13 =	vld [tilespmem:s9+$0x42A0];
	v37 =	vmul.f32 v9, v3;
	[tilespmem:s11+$0xC030] =	vst v33  }
0xe9: {  	v15 =	vld [tilespmem:s9+$0x42B0];
	v39 =	vmul.f32 v10, v3;
	[tilespmem:s11+$0xC040] =	vst v35  }
0xea: {  	v17 =	vld [tilespmem:s9+$0x42C0];
	v3 =	vmul.f32 v32, v3;
	[tilespmem:s11+$0xC050] =	vst v37  }
0xeb: {  	v19 =	vld [tilespmem:s9+$0x42D0];
	[tilespmem:s11+$0xC060] =	vst v39;
	v2 =	vmul.f32 v2, v1  }
0xec: {  	v20 =	vld [tilespmem:s9+$0x42E0];
	[tilespmem:s11+$0xC070] =	vst v3;
	v42 =	vmul.f32 v11, v1  }
0xed: {  	v21 =	vld [tilespmem:s9+$0x42F0];
	[tilespmem:s9+$0xC200] =	vst v2;
	v2 =	vmul.f32 v34, v1  }
0xee: {  	v3 =	vld [tilespmem:s12+$0x3010];
	v44 =	vmul.f32 v36, v1;
	[tilespmem:s9+$0xC210] =	vst v42  }
0xef: {  	v23 =	vld [tilespmem:s11+$0x4180];
	[tilespmem:s9+$0xC220] =	vst v2;
	v2 =	vmul.f32 v38, v1  }
0xf0: {  	v24 =	vld [tilespmem:s11+$0x4190];
	v47 =	vmul.f32 v40, v1;
	[tilespmem:s9+$0xC230] =	vst v44  }
0xf1: {  	v25 =	vld [tilespmem:s11+$0x41A0];
	[tilespmem:s9+$0xC240] =	vst v2;
	v2 =	vmul.f32 v41, v1  }
0xf2: {  	v8 =	vld [tilespmem:s9+$0x4360];
	[tilespmem:s9+$0xC250] =	vst v47;
	v1 =	vmul.f32 v43, v1  }
0xf3: {  	v26 =	vld [tilespmem:s11+$0x41B0];
	[tilespmem:s9+$0xC260] =	vst v2;
	v2 =	vmul.f32 v45, v3  }
0xf4: {  	s13 =	sor.u32 $0x2, s19;
	v27 =	vld [tilespmem:s11+$0x41C0];
	[tilespmem:s9+$0xC270] =	vst v1;
	v1 =	vmul.f32 v46, v3  }
0xf5: {  	s14 =	sshll.u32 s13, $0x7;
	v28 =	vld [tilespmem:s11+$0x41E0];
	[tilespmem:s11+$0xC080] =	vst v2;
	v2 =	vmul.f32 v48, v3  }
0xf6: {  	s14 =	sand.u32 $0x3FFFFF80, s14;
	v29 =	vld [tilespmem:s11+$0x41F0];
	[tilespmem:s11+$0xC090] =	vst v1;
	v1 =	vmul.f32 v49, v3  }
0xf7: {  	s13 =	sshll.u32 s13, $0xA;
	v30 =	vld [tilespmem:s14+$0x3000];
	[tilespmem:s11+$0xC0A0] =	vst v2;
	v2 =	vmul.f32 v50, v3  }
0xf8: {  	v32 =	vld [tilespmem:s13+$0x4010];
	[tilespmem:s11+$0xC0B0] =	vst v1;
	v1 =	vmul.f32 v51, v3  }
0xf9: {  	v35 =	vld [tilespmem:s13+$0x4050];
	[tilespmem:s11+$0xC0C0] =	vst v2;
	v2 =	vmul.f32 v52, v3  }
0xfa: {  	v36 =	vld [tilespmem:s13+$0x4060];
	[tilespmem:s11+$0xC0D0] =	vst v1;
	v1 =	vmul.f32 v53, v3  }
0xfb: {  	v3 =	vld [tilespmem:s10+$0x3050];
	[tilespmem:s11+$0xC0E0] =	vst v2  }
0xfc: {  	v2 =	vld [tilespmem:s9+$0x4280];
	[tilespmem:s11+$0xC0F0] =	vst v1  }
0xfd: {  	v1 =	vld [tilespmem:s12+$0x3020]  }
0xfe: {  	v31 =	vld [tilespmem:s13+$0x4000]  }
0xff: {  	v33 =	vld [tilespmem:s13+$0x4030];
	v7 =	vmul.f32 v35, v30  }
0x100: {  	v37 =	vld [tilespmem:s13+$0x4070];
	v38 =	vmul.f32 v36, v30  }
0x101: {  	v34 =	vld [tilespmem:s13+$0x4040];
	[tilespmem:s13+$0xC050] =	vst v7;
	v2 =	vmul.f32 v2, v3  }
0x102: {  	v42 =	vld [tilespmem:s13+$0x4080];
	[tilespmem:s13+$0xC060] =	vst v38;
	v4 =	vmul.f32 v54, v1  }
0x103: {  	v44 =	vld [tilespmem:s13+$0x40A0];
	v5 =	vmul.f32 v55, v1;
	[tilespmem:s9+$0xC280] =	vst v2  }
0x104: {  	v35 =	vld [tilespmem:s13+$0x4190];
	v61 =	vmul.f32 v56, v1;
	[tilespmem:s11+$0xC100] =	vst v4  }
0x105: {  	v36 =	vld [tilespmem:s13+$0x41A0];
	v12 =	vmul.f32 v57, v1;
	[tilespmem:s11+$0xC110] =	vst v5  }
0x106: {  	s15 =	sor.u32 $0x3, s19;
	v41 =	vld [tilespmem:s11+$0x4200];
	v14 =	vmul.f32 v58, v1;
	[tilespmem:s11+$0xC120] =	vst v61  }
0x107: {  	s16 =	sshll.u32 s15, $0x7;
	v43 =	vld [tilespmem:s13+$0x4090];
	v6 =	vmul.f32 v34, v30;
	v16 =	vmul.f32 v59, v1;
	[tilespmem:s11+$0xC130] =	vst v12  }
0x108: {  	s16 =	sand.u32 $0x3FFFFF80, s16;
	v34 =	vld [tilespmem:s13+$0x4180];
	v18 =	vmul.f32 v60, v1;
	v1 =	vmul.f32 v62, v1;
	[tilespmem:s11+$0xC140] =	vst v14  }
0x109: {  	v38 =	vld [tilespmem:s16+$0x3000];
	[tilespmem:s11+$0xC150] =	vst v16  }
0x10a: {  	v46 =	vld [tilespmem:s13+$0x40F0];
	[tilespmem:s11+$0xC170] =	vst v1;
	v1 =	vmul.f32 v63, v3  }
0x10b: {  	v48 =	vld [tilespmem:s11+$0x4220];
	v2 =	vmul.f32 v13, v3;
	[tilespmem:s11+$0xC160] =	vst v18  }
0x10c: {  	v50 =	vld [tilespmem:s11+$0x4230];
	[tilespmem:s9+$0xC290] =	vst v1;
	v1 =	vmul.f32 v15, v3  }
0x10d: {  	v5 =	vmul.f32 v32, v30;
	v22 =	vld [tilespmem:s12+$0x3030];
	[tilespmem:s9+$0xC2A0] =	vst v2  }
0x10e: {  	v52 =	vld [tilespmem:s11+$0x4240];
	[tilespmem:s9+$0xC2B0] =	vst v1;
	v1 =	vmul.f32 v19, v3  }
0x10f: {  	v54 =	vld [tilespmem:s11+$0x4250];
	v2 =	vmul.f32 v17, v3;
	[tilespmem:s13+$0xC010] =	vst v5  }
0x110: {  	v55 =	vld [tilespmem:s11+$0x4260];
	[tilespmem:s9+$0xC2D0] =	vst v1;
	v1 =	vmul.f32 v21, v3  }
0x111: {  	[tilespmem:s9+$0xC2C0] =	vst v2;
	v2 =	vmul.f32 v20, v3;
	v3 =	vld [tilespmem:s11+$0x41D0]  }
0x112: {  	v57 =	vld [tilespmem:s11+$0x4270];
	[tilespmem:s9+$0xC2F0] =	vst v1;
	v1 =	vmul.f32 v24, v22  }
0x113: {  	v13 =	vld [tilespmem:s13+$0x40C0];
	[tilespmem:s9+$0xC2E0] =	vst v2;
	v2 =	vmul.f32 v23, v22  }
0x114: {  	v4 =	vld [tilespmem:s9+$0x4300];
	[tilespmem:s11+$0xC190] =	vst v1;
	v1 =	vmul.f32 v26, v22  }
0x115: {  	v12 =	vld [tilespmem:s13+$0x40B0];
	[tilespmem:s11+$0xC180] =	vst v2;
	v2 =	vmul.f32 v25, v22  }
0x116: {  	v14 =	vld [tilespmem:s13+$0x40D0];
	[tilespmem:s11+$0xC1B0] =	vst v1;
	v1 =	vmul.f32 v3, v22  }
0x117: {  	v16 =	vld [tilespmem:s11+$0x4210];
	[tilespmem:s11+$0xC1A0] =	vst v2;
	v2 =	vmul.f32 v27, v22  }
0x118: {  	v3 =	vld [tilespmem:s13+$0x4020];
	[tilespmem:s11+$0xC1D0] =	vst v1;
	v1 =	vmul.f32 v29, v22  }
0x119: {  	v61 =	vld [tilespmem:s13+$0x4100];
	[tilespmem:s11+$0xC1C0] =	vst v2;
	v2 =	vmul.f32 v28, v22  }
0x11a: {  	v39 =	vmul.f32 v37, v30;
	[tilespmem:s11+$0xC1F0] =	vst v1;
	v1 =	vld [tilespmem:s10+$0x3060]  }
0x11b: {  	v5 =	vld [tilespmem:s9+$0x4310];
	[tilespmem:s11+$0xC1E0] =	vst v2;
	v2 =	vmul.f32 v31, v30  }
0x11c: {  	[tilespmem:s13+$0xC070] =	vst v39;
	v40 =	vld [tilespmem:s12+$0x3040]  }
0x11d: {  	v63 =	vld [tilespmem:s13+$0x4110];
	[tilespmem:s13+$0xC000] =	vst v2;
	v2 =	vmul.f32 v3, v30  }
0x11e: {  	[tilespmem:s13+$0xC040] =	vst v6;
	v32 =	vld [tilespmem:s11+$0x4290];
	v3 =	vmul.f32 v33, v30  }
0x11f: {  	v17 =	vld [tilespmem:s13+$0x4120];
	[tilespmem:s13+$0xC020] =	vst v2;
	v4 =	vmul.f32 v4, v1  }
0x120: {  	v15 =	vld [tilespmem:s13+$0x40E0];
	[tilespmem:s13+$0xC030] =	vst v3;
	v5 =	vmul.f32 v5, v1  }
0x121: {  	v19 =	vld [tilespmem:s13+$0x4130];
	v6 =	vmul.f32 v41, v40;
	[tilespmem:s9+$0xC300] =	vst v4  }
0x122: {  	v7 =	vld [tilespmem:s14+$0x3010];
	v56 =	vmul.f32 v16, v40;
	[tilespmem:s9+$0xC310] =	vst v5  }
0x123: {  	v21 =	vld [tilespmem:s13+$0x4140];
	v58 =	vmul.f32 v48, v40;
	[tilespmem:s11+$0xC200] =	vst v6  }
0x124: {  	v23 =	vld [tilespmem:s13+$0x4150];
	v60 =	vmul.f32 v50, v40;
	[tilespmem:s11+$0xC210] =	vst v56  }
0x125: {  	v25 =	vld [tilespmem:s13+$0x4160];
	v62 =	vmul.f32 v52, v40;
	[tilespmem:s11+$0xC220] =	vst v58  }
0x126: {  	v27 =	vld [tilespmem:s13+$0x4170];
	v16 =	vmul.f32 v54, v40;
	[tilespmem:s11+$0xC230] =	vst v60  }
0x127: {  	v30 =	vld [tilespmem:s11+$0x4280];
	[tilespmem:s11+$0xC240] =	vst v62;
	v9 =	vmul.f32 v42, v7  }
0x128: {  	v33 =	vld [tilespmem:s11+$0x42A0];
	[tilespmem:s11+$0xC250] =	vst v16;
	v10 =	vmul.f32 v43, v7  }
0x129: {  	v2 =	vld [tilespmem:s9+$0x4320];
	v45 =	vmul.f32 v44, v7;
	[tilespmem:s13+$0xC080] =	vst v9  }
0x12a: {  	s15 =	sshll.u32 s15, $0xA;
	v3 =	vld [tilespmem:s9+$0x4330];
	v18 =	vmul.f32 v55, v40;
	v47 =	vmul.f32 v12, v7;
	[tilespmem:s13+$0xC090] =	vst v10  }
0x12b: {  	v20 =	vmul.f32 v57, v40;
	v40 =	vld [tilespmem:s15+$0x4000];
	v49 =	vmul.f32 v13, v7;
	[tilespmem:s13+$0xC0A0] =	vst v45  }
0x12c: {  	v54 =	vld [tilespmem:s11+$0x42B0];
	v51 =	vmul.f32 v14, v7;
	[tilespmem:s13+$0xC0B0] =	vst v47  }
0x12d: {  	v55 =	vld [tilespmem:s11+$0x42C0];
	v53 =	vmul.f32 v15, v7;
	[tilespmem:s13+$0xC0C0] =	vst v49  }
0x12e: {  	v57 =	vld [tilespmem:s11+$0x42E0];
	v7 =	vmul.f32 v46, v7;
	[tilespmem:s13+$0xC0D0] =	vst v51  }
0x12f: {  	v42 =	vld [tilespmem:s15+$0x4010];
	[tilespmem:s13+$0xC0E0] =	vst v53  }
0x130: {  	v44 =	vld [tilespmem:s15+$0x4020];
	[tilespmem:s13+$0xC0F0] =	vst v7  }
0x131: {  	[tilespmem:s11+$0xC260] =	vst v18;
	v2 =	vmul.f32 v2, v1;
	v59 =	vld [tilespmem:s14+$0x3020]  }
0x132: {  	[tilespmem:s11+$0xC270] =	vst v20;
	v6 =	vld [tilespmem:s9+$0x4340];
	v3 =	vmul.f32 v3, v1  }
0x133: {  	v18 =	vld [tilespmem:s13+$0x41C0];
	[tilespmem:s9+$0xC320] =	vst v2;
	v48 =	vmul.f32 v40, v38  }
0x134: {  	v20 =	vld [tilespmem:s13+$0x41E0];
	[tilespmem:s9+$0xC330] =	vst v3;
	v50 =	vmul.f32 v42, v38  }
0x135: {  	v56 =	vld [tilespmem:s11+$0x42D0];
	[tilespmem:s15+$0xC000] =	vst v48;
	v52 =	vmul.f32 v44, v38  }
0x136: {  	v58 =	vld [tilespmem:s11+$0x42F0];
	[tilespmem:s15+$0xC010] =	vst v50;
	v22 =	vmul.f32 v61, v59  }
0x137: {  	v60 =	vld [tilespmem:s13+$0x4200];
	[tilespmem:s15+$0xC020] =	vst v52;
	v24 =	vmul.f32 v63, v59  }
0x138: {  	v62 =	vld [tilespmem:s15+$0x4080];
	v26 =	vmul.f32 v17, v59;
	[tilespmem:s13+$0xC100] =	vst v22  }
0x139: {  	v29 =	vld [tilespmem:s12+$0x3050];
	v10 =	vmul.f32 v19, v59;
	[tilespmem:s13+$0xC110] =	vst v24  }
0x13a: {  	v53 =	vld [tilespmem:s15+$0x4070];
	v28 =	vmul.f32 v21, v59;
	[tilespmem:s13+$0xC120] =	vst v26  }
0x13b: {  	v7 =	vld [tilespmem:s9+$0x4350];
	v9 =	vmul.f32 v23, v59;
	[tilespmem:s13+$0xC130] =	vst v10  }
0x13c: {  	v46 =	vld [tilespmem:s15+$0x4030];
	v11 =	vmul.f32 v25, v59;
	[tilespmem:s13+$0xC140] =	vst v28  }
0x13d: {  	v47 =	vld [tilespmem:s15+$0x4040];
	v31 =	vmul.f32 v27, v59;
	[tilespmem:s13+$0xC150] =	vst v9  }
0x13e: {  	v49 =	vld [tilespmem:s15+$0x4050];
	v12 =	vmul.f32 v32, v29;
	[tilespmem:s13+$0xC160] =	vst v11  }
0x13f: {  	v51 =	vld [tilespmem:s15+$0x4060];
	v16 =	vmul.f32 v53, v38;
	[tilespmem:s13+$0xC170] =	vst v31  }
0x140: {  	[tilespmem:s11+$0xC290] =	vst v12;
	v3 =	vmul.f32 v7, v1;
	v9 =	vld [tilespmem:s14+$0x3030]  }
0x141: {  	v40 =	vld [tilespmem:s13+$0x4260];
	v63 =	vmul.f32 v55, v29;
	[tilespmem:s15+$0xC070] =	vst v16  }
0x142: {  	v17 =	vld [tilespmem:s13+$0x41B0];
	[tilespmem:s9+$0xC350] =	vst v3;
	v22 =	vmul.f32 v56, v29  }
0x143: {  	v44 =	vld [tilespmem:s15+$0x4100];
	[tilespmem:s11+$0xC2C0] =	vst v63;
	v24 =	vmul.f32 v57, v29  }
0x144: {  	v53 =	vld [tilespmem:s15+$0x4150];
	v26 =	vmul.f32 v58, v29;
	[tilespmem:s11+$0xC2D0] =	vst v22  }
0x145: {  	v19 =	vld [tilespmem:s13+$0x41D0];
	[tilespmem:s11+$0xC2E0] =	vst v24;
	v15 =	vmul.f32 v35, v9  }
0x146: {  	v21 =	vld [tilespmem:s13+$0x41F0];
	[tilespmem:s11+$0xC2F0] =	vst v26;
	v45 =	vmul.f32 v20, v9;
	v20 =	vmul.f32 v46, v38  }
0x147: {  	v23 =	vld [tilespmem:s15+$0x40A0];
	v39 =	vmul.f32 v17, v9;
	v17 =	vmul.f32 v49, v38;
	[tilespmem:s13+$0xC190] =	vst v15  }
0x148: {  	v25 =	vld [tilespmem:s15+$0x40B0];
	v41 =	vmul.f32 v18, v9;
	v18 =	vmul.f32 v51, v38;
	[tilespmem:s15+$0xC030] =	vst v20  }
0x149: {  	v27 =	vld [tilespmem:s15+$0x40C0];
	v15 =	vmul.f32 v47, v38;
	[tilespmem:s15+$0xC050] =	vst v17  }
0x14a: {  	v55 =	vld [tilespmem:s15+$0x4160];
	v14 =	vmul.f32 v34, v9;
	[tilespmem:s15+$0xC060] =	vst v18  }
0x14b: {  	v3 =	vld [tilespmem:s15+$0x41C0];
	v37 =	vmul.f32 v36, v9;
	[tilespmem:s15+$0xC040] =	vst v15  }
0x14c: {  	[tilespmem:s13+$0xC180] =	vst v14;
	v61 =	vld [tilespmem:s16+$0x3010]  }
0x14d: {  	v43 =	vmul.f32 v19, v9;
	v9 =	vmul.f32 v21, v9;
	v21 =	vld [tilespmem:s15+$0x4090];
	[tilespmem:s13+$0xC1A0] =	vst v37  }
0x14e: {  	v31 =	vld [tilespmem:s15+$0x40E0];
	[tilespmem:s13+$0xC1B0] =	vst v39  }
0x14f: {  	v11 =	vmul.f32 v33, v29;
	v33 =	vld [tilespmem:s15+$0x40F0];
	[tilespmem:s13+$0xC1C0] =	vst v41  }
0x150: {  	v13 =	vmul.f32 v30, v29;
	v57 =	vld [tilespmem:s15+$0x4170];
	[tilespmem:s13+$0xC1D0] =	vst v43  }
0x151: {  	[tilespmem:s13+$0xC1F0] =	vst v9;
	v9 =	vmul.f32 v54, v29;
	v29 =	vld [tilespmem:s15+$0x40D0];
	v28 =	vmul.f32 v62, v61  }
0x152: {  	v58 =	vld [tilespmem:s9+$0x4370];
	[tilespmem:s13+$0xC1E0] =	vst v45;
	v30 =	vmul.f32 v21, v61  }
0x153: {  	v63 =	vld [tilespmem:s11+$0x4310];
	v32 =	vmul.f32 v23, v61;
	[tilespmem:s15+$0xC080] =	vst v28  }
0x154: {  	v22 =	vld [tilespmem:s15+$0x4190];
	v15 =	vmul.f32 v25, v61;
	[tilespmem:s15+$0xC090] =	vst v30  }
0x155: {  	v24 =	vld [tilespmem:s15+$0x41B0];
	v10 =	vmul.f32 v27, v61;
	[tilespmem:s15+$0xC0A0] =	vst v32  }
0x156: {  	v26 =	vld [tilespmem:s15+$0x41E0];
	v12 =	vmul.f32 v29, v61;
	[tilespmem:s15+$0xC0B0] =	vst v15  }
0x157: {  	v34 =	vld [tilespmem:s13+$0x4210];
	v14 =	vmul.f32 v31, v61;
	[tilespmem:s15+$0xC0C0] =	vst v10  }
0x158: {  	v35 =	vld [tilespmem:s13+$0x4220];
	v38 =	vmul.f32 v33, v61;
	[tilespmem:s15+$0xC0D0] =	vst v12  }
0x159: {  	v2 =	vmul.f32 v6, v1;
	v36 =	vld [tilespmem:s13+$0x4230];
	[tilespmem:s15+$0xC0E0] =	vst v14  }
0x15a: {  	v59 =	vld [tilespmem:s14+$0x3040];
	[tilespmem:s15+$0xC0F0] =	vst v38  }
0x15b: {  	[tilespmem:s9+$0xC340] =	vst v2;
	v2 =	vmul.f32 v8, v1;
	v42 =	vld [tilespmem:s16+$0x3020]  }
0x15c: {  	[tilespmem:s11+$0xC280] =	vst v13;
	v45 =	vld [tilespmem:s15+$0x4110]  }
0x15d: {  	[tilespmem:s9+$0xC360] =	vst v2;
	v1 =	vmul.f32 v58, v1;
	v47 =	vld [tilespmem:s15+$0x4120]  }
0x15e: {  	[tilespmem:s11+$0xC2A0] =	vst v11;
	v49 =	vld [tilespmem:s15+$0x4130]  }
0x15f: {  	v51 =	vld [tilespmem:s15+$0x4140];
	[tilespmem:s9+$0xC370] =	vst v1;
	v11 =	vmul.f32 v35, v59  }
0x160: {  	v19 =	vld [tilespmem:s13+$0x4280];
	[tilespmem:s11+$0xC2B0] =	vst v9;
	v52 =	vmul.f32 v44, v42  }
0x161: {  	v37 =	vld [tilespmem:s13+$0x4240];
	[tilespmem:s13+$0xC220] =	vst v11;
	v54 =	vmul.f32 v45, v42  }
0x162: {  	v39 =	vld [tilespmem:s13+$0x4250];
	v56 =	vmul.f32 v47, v42;
	[tilespmem:s15+$0xC100] =	vst v52  }
0x163: {  	v41 =	vld [tilespmem:s13+$0x4270];
	v14 =	vmul.f32 v49, v42;
	[tilespmem:s15+$0xC110] =	vst v54  }
0x164: {  	v58 =	vld [tilespmem:s13+$0x4340];
	v16 =	vmul.f32 v60, v59;
	v60 =	vmul.f32 v51, v42;
	[tilespmem:s15+$0xC120] =	vst v56  }
0x165: {  	v17 =	vld [tilespmem:s15+$0x4370];
	v62 =	vmul.f32 v53, v42;
	[tilespmem:s15+$0xC130] =	vst v14  }
0x166: {  	v9 =	vmul.f32 v34, v59;
	v34 =	vld [tilespmem:s15+$0x4200];
	v11 =	vmul.f32 v55, v42;
	[tilespmem:s15+$0xC140] =	vst v60  }
0x167: {  	v35 =	vld [tilespmem:s15+$0x4220];
	v13 =	vmul.f32 v57, v42;
	[tilespmem:s15+$0xC150] =	vst v62  }
0x168: {  	v43 =	vmul.f32 v36, v59;
	v36 =	vld [tilespmem:s15+$0x4230];
	[tilespmem:s15+$0xC160] =	vst v11  }
0x169: {  	v21 =	vld [tilespmem:s15+$0x4180];
	[tilespmem:s15+$0xC170] =	vst v13  }
0x16a: {  	[tilespmem:s13+$0xC200] =	vst v16;
	v20 =	vld [tilespmem:s16+$0x3030]  }
0x16b: {  	v46 =	vmul.f32 v39, v59;
	v39 =	vld [tilespmem:s15+$0x4270];
	[tilespmem:s13+$0xC210] =	vst v9  }
0x16c: {  	v48 =	vmul.f32 v40, v59;
	v40 =	vld [tilespmem:s11+$0x4350];
	[tilespmem:s13+$0xC230] =	vst v43  }
0x16d: {  	v50 =	vmul.f32 v41, v59;
	v41 =	vld [tilespmem:s11+$0x4360];
	[tilespmem:s13+$0xC250] =	vst v46  }
0x16e: {  	[tilespmem:s13+$0xC260] =	vst v48;
	v25 =	vld [tilespmem:s15+$0x41D0];
	v10 =	vmul.f32 v37, v59  }
0x16f: {  	[tilespmem:s13+$0xC270] =	vst v50;
	v61 =	vld [tilespmem:s11+$0x4300];
	v2 =	vmul.f32 v21, v20  }
0x170: {  	v23 =	vld [tilespmem:s15+$0x41A0];
	[tilespmem:s13+$0xC240] =	vst v10;
	v1 =	vmul.f32 v22, v20  }
0x171: {  	v27 =	vld [tilespmem:s15+$0x41F0];
	v8 =	vmul.f32 v24, v20;
	[tilespmem:s15+$0xC180] =	vst v2  }
0x172: {  	v16 =	vld [tilespmem:s11+$0x4320];
	v3 =	vmul.f32 v3, v20;
	[tilespmem:s15+$0xC190] =	vst v1  }
0x173: {  	v59 =	vld [tilespmem:s12+$0x3060];
	v5 =	vmul.f32 v25, v20;
	[tilespmem:s15+$0xC1B0] =	vst v8  }
0x174: {  	v29 =	vld [tilespmem:s13+$0x42D0];
	v6 =	vmul.f32 v26, v20;
	[tilespmem:s15+$0xC1C0] =	vst v3  }
0x175: {  	v18 =	vld [tilespmem:s14+$0x3050];
	v2 =	vmul.f32 v23, v20;
	[tilespmem:s15+$0xC1D0] =	vst v5  }
0x176: {  	v4 =	vmul.f32 v27, v20;
	v1 =	vld [tilespmem:s13+$0x4290];
	[tilespmem:s15+$0xC1E0] =	vst v6  }
0x177: {  	[tilespmem:s15+$0xC1A0] =	vst v2;
	v2 =	vld [tilespmem:s13+$0x42A0]  }
0x178: {  	v28 =	vld [tilespmem:s13+$0x42B0];
	v43 =	vmul.f32 v61, v59;
	[tilespmem:s15+$0xC1F0] =	vst v4  }
0x179: {  	v10 =	vmul.f32 v63, v59;
	v33 =	vld [tilespmem:s16+$0x3040]  }
0x17a: {  	[tilespmem:s11+$0xC300] =	vst v43;
	v30 =	vmul.f32 v19, v18;
	v3 =	vld [tilespmem:s13+$0x42C0]  }
0x17b: {  	v31 =	vld [tilespmem:s13+$0x42E0];
	[tilespmem:s11+$0xC310] =	vst v10;
	v1 =	vmul.f32 v1, v18  }
0x17c: {  	v48 =	vld [tilespmem:s15+$0x4290];
	[tilespmem:s13+$0xC280] =	vst v30;
	v2 =	vmul.f32 v2, v18  }
0x17d: {  	v32 =	vld [tilespmem:s13+$0x42F0];
	[tilespmem:s13+$0xC290] =	vst v1;
	v1 =	vmul.f32 v28, v18  }
0x17e: {  	v50 =	vld [tilespmem:s15+$0x42B0];
	v6 =	vmul.f32 v36, v33;
	[tilespmem:s13+$0xC2A0] =	vst v2  }
0x17f: {  	v2 =	vmul.f32 v3, v18;
	v3 =	vld [tilespmem:s15+$0x4210];
	[tilespmem:s13+$0xC2B0] =	vst v1  }
0x180: {  	v37 =	vld [tilespmem:s15+$0x4240];
	v1 =	vmul.f32 v29, v18;
	[tilespmem:s15+$0xC230] =	vst v6  }
0x181: {  	v38 =	vld [tilespmem:s15+$0x4250];
	[tilespmem:s13+$0xC2C0] =	vst v2;
	v2 =	vmul.f32 v31, v18  }
0x182: {  	v12 =	vld [tilespmem:s15+$0x4310];
	[tilespmem:s13+$0xC2D0] =	vst v1;
	v1 =	vmul.f32 v32, v18  }
0x183: {  	v15 =	vld [tilespmem:s15+$0x4350];
	[tilespmem:s13+$0xC2E0] =	vst v2;
	v2 =	vmul.f32 v34, v33  }
0x184: {  	[tilespmem:s13+$0xC2F0] =	vst v1;
	v1 =	vmul.f32 v3, v33;
	v3 =	vld [tilespmem:s15+$0x4260]  }
0x185: {  	v61 =	vld [tilespmem:s13+$0x4370];
	[tilespmem:s15+$0xC200] =	vst v2;
	v2 =	vmul.f32 v35, v33  }
0x186: {  	v4 =	vmul.f32 v37, v33;
	[tilespmem:s15+$0xC210] =	vst v1;
	v1 =	vld [tilespmem:s11+$0x4330]  }
0x187: {  	v8 =	vmul.f32 v38, v33;
	[tilespmem:s15+$0xC220] =	vst v2;
	v2 =	vld [tilespmem:s11+$0x4340]  }
0x188: {  	v42 =	vld [tilespmem:s11+$0x4370];
	v5 =	vmul.f32 v39, v33;
	[tilespmem:s15+$0xC240] =	vst v4  }
0x189: {  	v44 =	vld [tilespmem:s13+$0x4300];
	[tilespmem:s15+$0xC250] =	vst v8;
	v3 =	vmul.f32 v3, v33  }
0x18a: {  	v45 =	vmul.f32 v16, v59;
	v47 =	vld [tilespmem:s15+$0x4280];
	[tilespmem:s15+$0xC270] =	vst v5  }
0x18b: {  	[tilespmem:s15+$0xC260] =	vst v3;
	v3 =	vld [tilespmem:s14+$0x3060];
	v1 =	vmul.f32 v1, v59  }
0x18c: {  	[tilespmem:s11+$0xC320] =	vst v45;
	v46 =	vld [tilespmem:s16+$0x3050];
	v2 =	vmul.f32 v2, v59  }
0x18d: {  	v63 =	vld [tilespmem:s15+$0x4300];
	[tilespmem:s11+$0xC330] =	vst v1;
	v1 =	vmul.f32 v40, v59  }
0x18e: {  	v49 =	vld [tilespmem:s15+$0x42A0];
	[tilespmem:s11+$0xC340] =	vst v2;
	v2 =	vmul.f32 v41, v59  }
0x18f: {  	v51 =	vld [tilespmem:s15+$0x42C0];
	[tilespmem:s11+$0xC350] =	vst v1;
	v1 =	vmul.f32 v42, v59  }
0x190: {  	v53 =	vld [tilespmem:s15+$0x42E0];
	[tilespmem:s11+$0xC360] =	vst v2;
	v5 =	vmul.f32 v44, v3  }
0x191: {  	v52 =	vld [tilespmem:s15+$0x42D0];
	v2 =	vmul.f32 v47, v46;
	[tilespmem:s11+$0xC370] =	vst v1  }
0x192: {  	v54 =	vld [tilespmem:s15+$0x42F0];
	v1 =	vmul.f32 v48, v46;
	[tilespmem:s13+$0xC300] =	vst v5  }
0x193: {  	v29 =	vld [tilespmem:s11+$0x4380];
	[tilespmem:s15+$0xC280] =	vst v2;
	v2 =	vmul.f32 v49, v46  }
0x194: {  	v18 =	vld [tilespmem:s12+$0x3070];
	[tilespmem:s15+$0xC290] =	vst v1;
	v1 =	vmul.f32 v50, v46  }
0x195: {  	v33 =	vld [tilespmem:s11+$0x43A0];
	[tilespmem:s15+$0xC2A0] =	vst v2;
	v2 =	vmul.f32 v51, v46  }
0x196: {  	v36 =	vld [tilespmem:s11+$0x43C0];
	[tilespmem:s15+$0xC2B0] =	vst v1;
	v1 =	vmul.f32 v52, v46  }
0x197: {  	v55 =	vld [tilespmem:s13+$0x4310];
	[tilespmem:s15+$0xC2C0] =	vst v2;
	v2 =	vmul.f32 v53, v46  }
0x198: {  	v56 =	vld [tilespmem:s13+$0x4320];
	[tilespmem:s15+$0xC2D0] =	vst v1;
	v1 =	vmul.f32 v54, v46  }
0x199: {  	v57 =	vld [tilespmem:s13+$0x4330];
	v37 =	vmul.f32 v29, v18;
	[tilespmem:s15+$0xC2E0] =	vst v2  }
0x19a: {  	v16 =	vld [tilespmem:s15+$0x4360];
	v40 =	vmul.f32 v33, v18;
	[tilespmem:s15+$0xC2F0] =	vst v1  }
0x19b: {  	v59 =	vld [tilespmem:s13+$0x4350];
	v43 =	vmul.f32 v36, v18;
	[tilespmem:s11+$0xC380] =	vst v37  }
0x19c: {  	v60 =	vld [tilespmem:s13+$0x4360];
	v2 =	vmul.f32 v55, v3;
	[tilespmem:s11+$0xC3A0] =	vst v40  }
0x19d: {  	v13 =	vld [tilespmem:s15+$0x4320];
	v1 =	vmul.f32 v56, v3;
	[tilespmem:s11+$0xC3C0] =	vst v43  }
0x19e: {  	v62 =	vld [tilespmem:s16+$0x3060];
	[tilespmem:s13+$0xC310] =	vst v2;
	v2 =	vmul.f32 v57, v3  }
0x19f: {  	v14 =	vld [tilespmem:s15+$0x4330];
	[tilespmem:s13+$0xC320] =	vst v1;
	v1 =	vmul.f32 v58, v3  }
0x1a0: {  	v19 =	vld [tilespmem:s9+$0x4380];
	[tilespmem:s13+$0xC330] =	vst v2;
	v2 =	vmul.f32 v59, v3  }
0x1a1: {  	v39 =	vld [tilespmem:s11+$0x43E0];
	[tilespmem:s13+$0xC340] =	vst v1;
	v1 =	vmul.f32 v60, v3  }
0x1a2: {  	[tilespmem:s13+$0xC350] =	vst v2;
	v2 =	vmul.f32 v61, v3;
	v3 =	vld [tilespmem:s15+$0x4340]  }
0x1a3: {  	v21 =	vld [tilespmem:s9+$0x43A0];
	[tilespmem:s13+$0xC360] =	vst v1;
	v1 =	vmul.f32 v63, v62  }
0x1a4: {  	v22 =	vld [tilespmem:s9+$0x43B0];
	[tilespmem:s13+$0xC370] =	vst v2;
	v2 =	vmul.f32 v12, v62  }
0x1a5: {  	v24 =	vld [tilespmem:s9+$0x43D0];
	[tilespmem:s15+$0xC300] =	vst v1;
	v1 =	vmul.f32 v13, v62  }
0x1a6: {  	v20 =	vld [tilespmem:s9+$0x4390];
	v46 =	vmul.f32 v39, v18;
	[tilespmem:s15+$0xC310] =	vst v2  }
0x1a7: {  	v2 =	vmul.f32 v14, v62;
	[tilespmem:s15+$0xC320] =	vst v1;
	v1 =	vmul.f32 v3, v62;
	v3 =	vld [tilespmem:s10+$0x3070]  }
0x1a8: {  	v25 =	vld [tilespmem:s9+$0x43E0];
	[tilespmem:s11+$0xC3E0] =	vst v46  }
0x1a9: {  	v23 =	vld [tilespmem:s9+$0x43C0];
	[tilespmem:s15+$0xC330] =	vst v2;
	v2 =	vmul.f32 v15, v62  }
0x1aa: {  	v27 =	vld [tilespmem:s9+$0x43F0];
	[tilespmem:s15+$0xC340] =	vst v1;
	v1 =	vmul.f32 v16, v62  }
0x1ab: {  	[tilespmem:s15+$0xC350] =	vst v2;
	v2 =	vmul.f32 v17, v62  }
0x1ac: {  	v31 =	vld [tilespmem:s11+$0x4390];
	[tilespmem:s15+$0xC360] =	vst v1;
	v5 =	vmul.f32 v19, v3;
	v6 =	vmul.f32 v20, v3  }
0x1ad: {  	[tilespmem:s15+$0xC370] =	vst v2;
	v26 =	vmul.f32 v21, v3;
	v28 =	vmul.f32 v22, v3  }
0x1ae: {  	v35 =	vld [tilespmem:s11+$0x43B0];
	v30 =	vmul.f32 v23, v3;
	v32 =	vmul.f32 v24, v3;
	[tilespmem:s9+$0xC380] =	vst v5  }
0x1af: {  	v45 =	vld [tilespmem:s13+$0x43A0];
	v34 =	vmul.f32 v25, v3;
	v3 =	vmul.f32 v27, v3;
	[tilespmem:s9+$0xC390] =	vst v6  }
0x1b0: {  	v38 =	vld [tilespmem:s11+$0x43D0];
	[tilespmem:s9+$0xC3A0] =	vst v26  }
0x1b1: {  	v41 =	vld [tilespmem:s11+$0x43F0];
	[tilespmem:s9+$0xC3F0] =	vst v3;
	v3 =	vmul.f32 v31, v18  }
0x1b2: {  	v42 =	vld [tilespmem:s13+$0x4380];
	[tilespmem:s9+$0xC3B0] =	vst v28  }
0x1b3: {  	v1 =	vld [tilespmem:s14+$0x3070];
	[tilespmem:s11+$0xC390] =	vst v3;
	v3 =	vmul.f32 v35, v18  }
0x1b4: {  	v44 =	vld [tilespmem:s13+$0x4390];
	[tilespmem:s9+$0xC3C0] =	vst v30  }
0x1b5: {  	v47 =	vld [tilespmem:s13+$0x43B0];
	[tilespmem:s11+$0xC3B0] =	vst v3;
	v3 =	vmul.f32 v38, v18  }
0x1b6: {  	v48 =	vld [tilespmem:s13+$0x43C0];
	[tilespmem:s9+$0xC3D0] =	vst v32  }
0x1b7: {  	v50 =	vld [tilespmem:s13+$0x43D0];
	[tilespmem:s11+$0xC3D0] =	vst v3;
	v3 =	vmul.f32 v41, v18  }
0x1b8: {  	v51 =	vld [tilespmem:s13+$0x43E0];
	[tilespmem:s9+$0xC3E0] =	vst v34;
	v49 =	vmul.f32 v42, v1  }
0x1b9: {  	v53 =	vld [tilespmem:s13+$0x43F0];
	[tilespmem:s11+$0xC3F0] =	vst v3;
	v3 =	vmul.f32 v44, v1  }
0x1ba: {  	v55 =	vld [tilespmem:s15+$0x4390];
	v52 =	vmul.f32 v45, v1;
	[tilespmem:s13+$0xC380] =	vst v49  }
0x1bb: {  	v2 =	vld [tilespmem:s16+$0x3070];
	[tilespmem:s13+$0xC390] =	vst v3;
	v3 =	vmul.f32 v47, v1  }
0x1bc: {  	v54 =	vld [tilespmem:s15+$0x4380];
	v4 =	vmul.f32 v48, v1;
	[tilespmem:s13+$0xC3A0] =	vst v52  }
0x1bd: {  	v58 =	vld [tilespmem:s15+$0x43B0];
	[tilespmem:s13+$0xC3B0] =	vst v3;
	v3 =	vmul.f32 v50, v1  }
0x1be: {  	v56 =	vld [tilespmem:s15+$0x43A0];
	v57 =	vmul.f32 v51, v1;
	[tilespmem:s13+$0xC3C0] =	vst v4;
	v1 =	vmul.f32 v53, v1  }
0x1bf: {  	v60 =	vld [tilespmem:s15+$0x43D0];
	[tilespmem:s13+$0xC3D0] =	vst v3  }
0x1c0: {  	v3 =	vld [tilespmem:s15+$0x43C0];
	[tilespmem:s13+$0xC3F0] =	vst v1;
	v1 =	vmul.f32 v55, v2  }
0x1c1: {  	v63 =	vld [tilespmem:s15+$0x43F0];
	[tilespmem:s13+$0xC3E0] =	vst v57;
	v59 =	vmul.f32 v54, v2  }
0x1c2: {  	v61 =	vld [tilespmem:s15+$0x43E0];
	[tilespmem:s15+$0xC390] =	vst v1;
	v1 =	vmul.f32 v58, v2  }
0x1c3: {  	v62 =	vmul.f32 v56, v2;
	[tilespmem:s15+$0xC380] =	vst v59  }
0x1c4: {  	p0 =	slt.u32 s19, $0xC;
	[tilespmem:s15+$0xC3B0] =	vst v1;
	v1 =	vmul.f32 v60, v2  }
.Ltmp2:
0x1c5: {  	[tilespmem:s15+$0xC3A0] =	vst v62;
	v3 =	vmul.f32 v3, v2;
	(pc) =	sbr.rel @p0 .LBB2_7-.Ltmp2, $4  }
0x1c6: {  	[tilespmem:s15+$0xC3D0] =	vst v1;
	v1 =	vmul.f32 v63, v2  }
0x1c7: {  	[tilespmem:s15+$0xC3C0] =	vst v3;
	v3 =	vmul.f32 v61, v2  }
0x1c8: {  	s16 =	sadd.s32 $0x4, s19;
	[tilespmem:s15+$0xC3F0] =	vst v1  }
0x1c9: {  	s19 =	smov.u32 s16;
	[tilespmem:s15+$0xC3E0] =	vst v3  }
0x1ca: {  	s9 =	sshll.u32 s22, $0x8  }
0x1cb: {  	[spmem:s2] =	stream.indirect.scatter.add.f32 [tilespmem:s17], [sflag:$0x3], $0x80, s9, s21, $0xb8;
	[tilespmem:$0x1D000] =	vst v63  }
0x1cc: {  	v1 =	vld [tilespmem:s9+$0x0];
	_ =	sdelay $0x2  }
0x1cd: {  	v2 =	vld [tilespmem:s9+$0x2000];
	_ =	sdelay $0x4  }
0x1ce: {  	[tilespmem:v1+s28+$0x0] =	vst.idx.add.f32.msk $0xffff, v2  }
0x1cf: {  	v1 =	vld [tilespmem:s9+$0x10];
	_ =	sdelay $0x2  }
0x1d0: {  	v2 =	vld [tilespmem:s9+$0x2010];
	_ =	sdelay $0x4  }
0x1d1: {  	[tilespmem:v1+s28+$0x0] =	vst.idx.add.f32.msk $0xffff, v2  }
0x1d2: {  	v1 =	vld [tilespmem:s9+$0x20];
	_ =	sdelay $0x2  }
0x1d3: {  	v2 =	vld [tilespmem:s9+$0x2020];
	_ =	sdelay $0x4  }
0x1d4: {  	[tilespmem:v1+s28+$0x0] =	vst.idx.add.f32.msk $0xffff, v2  }
0x1d5: {  	v1 =	vld [tilespmem:s9+$0x30];
	_ =	sdelay $0x2  }
0x1d6: {  	v2 =	vld [tilespmem:s9+$0x2030];
	_ =	sdelay $0x4  }
0x1d7: {  	[tilespmem:v1+s28+$0x0] =	vst.idx.add.f32.msk $0xffff, v2  }
0x1d8: {  	v1 =	vld [tilespmem:s9+$0x40];
	_ =	sdelay $0x2  }
0x1d9: {  	v2 =	vld [tilespmem:s9+$0x2040];
	_ =	sdelay $0x4  }
0x1da: {  	[tilespmem:v1+s28+$0x0] =	vst.idx.add.f32.msk $0xffff, v2  }
0x1db: {  	v1 =	vld [tilespmem:s9+$0x50];
	_ =	sdelay $0x2  }
0x1dc: {  	v2 =	vld [tilespmem:s9+$0x2050];
	_ =	sdelay $0x4  }
0x1dd: {  	[tilespmem:v1+s28+$0x0] =	vst.idx.add.f32.msk $0xffff, v2  }
0x1de: {  	v1 =	vld [tilespmem:s9+$0x60];
	_ =	sdelay $0x2  }
0x1df: {  	v2 =	vld [tilespmem:s9+$0x2060];
	_ =	sdelay $0x4  }
0x1e0: {  	[tilespmem:v1+s28+$0x0] =	vst.idx.add.f32.msk $0xffff, v2  }
0x1e1: {  	v1 =	vld [tilespmem:s9+$0x70];
	_ =	sdelay $0x2  }
0x1e2: {  	v2 =	vld [tilespmem:s9+$0x2070];
	_ =	sdelay $0x4  }
0x1e3: {  	[tilespmem:v1+s28+$0x0] =	vst.idx.add.f32.msk $0xffff, v2  }
0x1e4: {  	_ =	swait.ge [sflag:s29], $0x4000  }
0x1e5: {  	[sflag:s29] =	ssyncset.done $0x0  }
0x1e6: {  	[sflag:s29] =	ssyncadd.s32 $0xFFFFC000  }
0x1e7: {  	_ =	swait.ge [sflag:s29], $0x800  }
0x1e8: {  	[sflag:s29] =	ssyncset.done $0x0  }
0x1e9: {  	s19 =	simm.s32 $0x0;
	[sflag:s29] =	ssyncadd.s32 $0xFFFFF800  }
.LBB2_9:
0x1ea: {  	s9 =	sshll.u32 s19, $0x7  }
0x1eb: {  	s10 =	sand.u32 $0x3FFFFF80, s9  }
0x1ec: {  	s9 =	sshll.u32 s19, $0xA;
	v1 =	vld [tilespmem:s10+$0x3800]  }
0x1ed: {  	v2 =	vld [tilespmem:s9+$0x8000]  }
0x1ee: {  	v3 =	vld [tilespmem:s9+$0x8010]  }
0x1ef: {  	v4 =	vld [tilespmem:s9+$0x8020]  }
0x1f0: {  	v5 =	vld [tilespmem:s9+$0x8030]  }
0x1f1: {  	v6 =	vld [tilespmem:s9+$0x8040]  }
0x1f2: {  	v7 =	vld [tilespmem:s9+$0x8050];
	v2 =	vmul.f32 v2, v1  }
0x1f3: {  	v8 =	vld [tilespmem:s9+$0x8060];
	v3 =	vmul.f32 v3, v1  }
0x1f4: {  	v61 =	vld [tilespmem:s9+$0x8070];
	[tilespmem:s9+$0x10000] =	vst v2;
	v2 =	vmul.f32 v4, v1  }
0x1f5: {  	[tilespmem:s9+$0x10010] =	vst v3;
	v3 =	vmul.f32 v5, v1  }
0x1f6: {  	[tilespmem:s9+$0x10020] =	vst v2;
	v2 =	vmul.f32 v6, v1  }
0x1f7: {  	[tilespmem:s9+$0x10030] =	vst v3;
	v3 =	vmul.f32 v7, v1  }
0x1f8: {  	[tilespmem:s9+$0x10040] =	vst v2;
	v2 =	vmul.f32 v8, v1  }
0x1f9: {  	[tilespmem:s9+$0x10050] =	vst v3;
	v1 =	vmul.f32 v61, v1  }
0x1fa: {  	[tilespmem:s9+$0x10060] =	vst v2  }
0x1fb: {  	[tilespmem:s9+$0x10070] =	vst v1;
	v2 =	vld [tilespmem:s9+$0x8080]  }
0x1fc: {  	v1 =	vld [tilespmem:s10+$0x3810]  }
0x1fd: {  	v3 =	vld [tilespmem:s9+$0x8090]  }
0x1fe: {  	v62 =	vld [tilespmem:s9+$0x80A0]  }
0x1ff: {  	v63 =	vld [tilespmem:s9+$0x80B0]  }
0x200: {  	v12 =	vld [tilespmem:s9+$0x80C0]  }
0x201: {  	v13 =	vld [tilespmem:s9+$0x80D0];
	v2 =	vmul.f32 v2, v1  }
0x202: {  	v14 =	vld [tilespmem:s9+$0x80E0];
	v3 =	vmul.f32 v3, v1  }
0x203: {  	v15 =	vld [tilespmem:s9+$0x80F0];
	[tilespmem:s9+$0x10080] =	vst v2;
	v2 =	vmul.f32 v62, v1  }
0x204: {  	[tilespmem:s9+$0x10090] =	vst v3;
	v3 =	vmul.f32 v63, v1  }
0x205: {  	[tilespmem:s9+$0x100A0] =	vst v2;
	v2 =	vmul.f32 v12, v1  }
0x206: {  	[tilespmem:s9+$0x100B0] =	vst v3;
	v3 =	vmul.f32 v13, v1  }
0x207: {  	[tilespmem:s9+$0x100C0] =	vst v2;
	v2 =	vmul.f32 v14, v1  }
0x208: {  	[tilespmem:s9+$0x100D0] =	vst v3;
	v1 =	vmul.f32 v15, v1  }
0x209: {  	[tilespmem:s9+$0x100E0] =	vst v2  }
0x20a: {  	[tilespmem:s9+$0x100F0] =	vst v1;
	v2 =	vld [tilespmem:s9+$0x8100]  }
0x20b: {  	v1 =	vld [tilespmem:s10+$0x3820]  }
0x20c: {  	v3 =	vld [tilespmem:s9+$0x8110]  }
0x20d: {  	v16 =	vld [tilespmem:s9+$0x8120]  }
0x20e: {  	v17 =	vld [tilespmem:s9+$0x8130]  }
0x20f: {  	v18 =	vld [tilespmem:s9+$0x8140]  }
0x210: {  	v2 =	vmul.f32 v2, v1  }
0x211: {  	v3 =	vmul.f32 v3, v1  }
0x212: {  	[tilespmem:s9+$0x10100] =	vst v2;
	v2 =	vmul.f32 v16, v1  }
0x213: {  	[tilespmem:s9+$0x10110] =	vst v3;
	v3 =	vmul.f32 v17, v1  }
0x214: {  	[tilespmem:s9+$0x10120] =	vst v2;
	v2 =	vmul.f32 v18, v1  }
0x215: {  	[tilespmem:s9+$0x10130] =	vst v3  }
0x216: {  	[tilespmem:s9+$0x10140] =	vst v2  }
0x217: {  	v2 =	vld [tilespmem:s9+$0x8150]  }
0x218: {  	v3 =	vld [tilespmem:s9+$0x8160]  }
0x219: {  	v19 =	vld [tilespmem:s9+$0x8170]  }
0x21a: {  	v20 =	vld [tilespmem:s9+$0x81A0]  }
0x21b: {  	v21 =	vld [tilespmem:s9+$0x81B0]  }
0x21c: {  	v22 =	vld [tilespmem:s9+$0x81C0]  }
0x21d: {  	v23 =	vld [tilespmem:s9+$0x81D0]  }
0x21e: {  	s11 =	sor.u32 $0x1, s19;
	v24 =	vld [tilespmem:s9+$0x81E0]  }
0x21f: {  	s12 =	sshll.u32 s11, $0x7;
	s11 =	sshll.u32 s11, $0xA;
	v25 =	vld [tilespmem:s9+$0x81F0]  }
0x220: {  	v26 =	vld [tilespmem:s11+$0x8000]  }
0x221: {  	v27 =	vld [tilespmem:s11+$0x8010]  }
0x222: {  	v28 =	vld [tilespmem:s11+$0x8020]  }
0x223: {  	v29 =	vld [tilespmem:s11+$0x8030]  }
0x224: {  	v30 =	vld [tilespmem:s11+$0x8040]  }
0x225: {  	v9 =	vld [tilespmem:s11+$0x8050]  }
0x226: {  	v10 =	vld [tilespmem:s11+$0x8060]  }
0x227: {  	v32 =	vld [tilespmem:s11+$0x8070]  }
0x228: {  	v11 =	vld [tilespmem:s9+$0x8210]  }
0x229: {  	v34 =	vld [tilespmem:s9+$0x8220]  }
0x22a: {  	v36 =	vld [tilespmem:s9+$0x8230]  }
0x22b: {  	v38 =	vld [tilespmem:s9+$0x8240]  }
0x22c: {  	v40 =	vld [tilespmem:s9+$0x8250];
	v2 =	vmul.f32 v2, v1  }
0x22d: {  	v41 =	vld [tilespmem:s9+$0x8260];
	v3 =	vmul.f32 v3, v1  }
0x22e: {  	v43 =	vld [tilespmem:s9+$0x8270];
	v1 =	vmul.f32 v19, v1;
	[tilespmem:s9+$0x10150] =	vst v2  }
0x22f: {  	v45 =	vld [tilespmem:s11+$0x8080];
	[tilespmem:s9+$0x10160] =	vst v3  }
0x230: {  	[tilespmem:s9+$0x10170] =	vst v1;
	v3 =	vld [tilespmem:s9+$0x8190]  }
0x231: {  	v1 =	vld [tilespmem:s10+$0x3830]  }
0x232: {  	v46 =	vld [tilespmem:s11+$0x8090]  }
0x233: {  	v48 =	vld [tilespmem:s11+$0x80A0]  }
0x234: {  	v2 =	vld [tilespmem:s9+$0x8180]  }
0x235: {  	v49 =	vld [tilespmem:s11+$0x80B0]  }
0x236: {  	v50 =	vld [tilespmem:s11+$0x80C0];
	v3 =	vmul.f32 v3, v1  }
0x237: {  	v51 =	vld [tilespmem:s11+$0x80D0]  }
0x238: {  	v52 =	vld [tilespmem:s11+$0x80E0];
	[tilespmem:s9+$0x10190] =	vst v3;
	v3 =	vmul.f32 v21, v1  }
0x239: {  	v53 =	vld [tilespmem:s11+$0x80F0];
	v2 =	vmul.f32 v2, v1  }
0x23a: {  	v54 =	vld [tilespmem:s11+$0x8100];
	[tilespmem:s9+$0x101B0] =	vst v3;
	v3 =	vmul.f32 v23, v1  }
0x23b: {  	s12 =	sand.u32 $0x3FFFFF80, s12;
	v55 =	vld [tilespmem:s11+$0x8110];
	[tilespmem:s9+$0x10180] =	vst v2;
	v2 =	vmul.f32 v20, v1  }
0x23c: {  	[tilespmem:s9+$0x101D0] =	vst v3;
	v3 =	vld [tilespmem:s12+$0x3800]  }
0x23d: {  	v56 =	vld [tilespmem:s11+$0x8120];
	[tilespmem:s9+$0x101A0] =	vst v2;
	v2 =	vmul.f32 v22, v1  }
0x23e: {  	v57 =	vld [tilespmem:s11+$0x8130]  }
0x23f: {  	v58 =	vld [tilespmem:s11+$0x8140];
	[tilespmem:s9+$0x101C0] =	vst v2;
	v2 =	vmul.f32 v24, v1  }
0x240: {  	v59 =	vld [tilespmem:s11+$0x8150];
	v1 =	vmul.f32 v25, v1  }
0x241: {  	v60 =	vld [tilespmem:s11+$0x8160];
	[tilespmem:s9+$0x101E0] =	vst v2;
	v4 =	vmul.f32 v26, v3  }
0x242: {  	v62 =	vld [tilespmem:s11+$0x8170];
	[tilespmem:s9+$0x101F0] =	vst v1;
	v5 =	vmul.f32 v27, v3  }
0x243: {  	v2 =	vld [tilespmem:s9+$0x8200];
	v31 =	vmul.f32 v28, v3;
	[tilespmem:s11+$0x10000] =	vst v4  }
0x244: {  	v1 =	vld [tilespmem:s10+$0x3840];
	v33 =	vmul.f32 v29, v3;
	[tilespmem:s11+$0x10010] =	vst v5  }
0x245: {  	v63 =	vld [tilespmem:s9+$0x8290];
	v35 =	vmul.f32 v30, v3;
	[tilespmem:s11+$0x10020] =	vst v31  }
0x246: {  	v13 =	vld [tilespmem:s9+$0x82A0];
	v37 =	vmul.f32 v9, v3;
	[tilespmem:s11+$0x10030] =	vst v33  }
0x247: {  	v15 =	vld [tilespmem:s9+$0x82B0];
	v39 =	vmul.f32 v10, v3;
	[tilespmem:s11+$0x10040] =	vst v35  }
0x248: {  	v17 =	vld [tilespmem:s9+$0x82C0];
	v3 =	vmul.f32 v32, v3;
	[tilespmem:s11+$0x10050] =	vst v37  }
0x249: {  	v19 =	vld [tilespmem:s9+$0x82D0];
	[tilespmem:s11+$0x10060] =	vst v39;
	v2 =	vmul.f32 v2, v1  }
0x24a: {  	v20 =	vld [tilespmem:s9+$0x82E0];
	[tilespmem:s11+$0x10070] =	vst v3;
	v42 =	vmul.f32 v11, v1  }
0x24b: {  	v21 =	vld [tilespmem:s9+$0x82F0];
	[tilespmem:s9+$0x10200] =	vst v2;
	v2 =	vmul.f32 v34, v1  }
0x24c: {  	v3 =	vld [tilespmem:s12+$0x3810];
	v44 =	vmul.f32 v36, v1;
	[tilespmem:s9+$0x10210] =	vst v42  }
0x24d: {  	v23 =	vld [tilespmem:s11+$0x8180];
	[tilespmem:s9+$0x10220] =	vst v2;
	v2 =	vmul.f32 v38, v1  }
0x24e: {  	v24 =	vld [tilespmem:s11+$0x8190];
	v47 =	vmul.f32 v40, v1;
	[tilespmem:s9+$0x10230] =	vst v44  }
0x24f: {  	v25 =	vld [tilespmem:s11+$0x81A0];
	[tilespmem:s9+$0x10240] =	vst v2;
	v2 =	vmul.f32 v41, v1  }
0x250: {  	v8 =	vld [tilespmem:s9+$0x8360];
	[tilespmem:s9+$0x10250] =	vst v47;
	v1 =	vmul.f32 v43, v1  }
0x251: {  	v26 =	vld [tilespmem:s11+$0x81B0];
	[tilespmem:s9+$0x10260] =	vst v2;
	v2 =	vmul.f32 v45, v3  }
0x252: {  	s13 =	sor.u32 $0x2, s19;
	v27 =	vld [tilespmem:s11+$0x81C0];
	[tilespmem:s9+$0x10270] =	vst v1;
	v1 =	vmul.f32 v46, v3  }
0x253: {  	s14 =	sshll.u32 s13, $0x7;
	v28 =	vld [tilespmem:s11+$0x81E0];
	[tilespmem:s11+$0x10080] =	vst v2;
	v2 =	vmul.f32 v48, v3  }
0x254: {  	s14 =	sand.u32 $0x3FFFFF80, s14;
	v29 =	vld [tilespmem:s11+$0x81F0];
	[tilespmem:s11+$0x10090] =	vst v1;
	v1 =	vmul.f32 v49, v3  }
0x255: {  	s13 =	sshll.u32 s13, $0xA;
	v30 =	vld [tilespmem:s14+$0x3800];
	[tilespmem:s11+$0x100A0] =	vst v2;
	v2 =	vmul.f32 v50, v3  }
0x256: {  	v32 =	vld [tilespmem:s13+$0x8010];
	[tilespmem:s11+$0x100B0] =	vst v1;
	v1 =	vmul.f32 v51, v3  }
0x257: {  	v35 =	vld [tilespmem:s13+$0x8050];
	[tilespmem:s11+$0x100C0] =	vst v2;
	v2 =	vmul.f32 v52, v3  }
0x258: {  	v36 =	vld [tilespmem:s13+$0x8060];
	[tilespmem:s11+$0x100D0] =	vst v1;
	v1 =	vmul.f32 v53, v3  }
0x259: {  	v3 =	vld [tilespmem:s10+$0x3850];
	[tilespmem:s11+$0x100E0] =	vst v2  }
0x25a: {  	v2 =	vld [tilespmem:s9+$0x8280];
	[tilespmem:s11+$0x100F0] =	vst v1  }
0x25b: {  	v1 =	vld [tilespmem:s12+$0x3820]  }
0x25c: {  	v31 =	vld [tilespmem:s13+$0x8000]  }
0x25d: {  	v33 =	vld [tilespmem:s13+$0x8030];
	v7 =	vmul.f32 v35, v30  }
0x25e: {  	v37 =	vld [tilespmem:s13+$0x8070];
	v38 =	vmul.f32 v36, v30  }
0x25f: {  	v34 =	vld [tilespmem:s13+$0x8040];
	[tilespmem:s13+$0x10050] =	vst v7;
	v2 =	vmul.f32 v2, v3  }
0x260: {  	v42 =	vld [tilespmem:s13+$0x8080];
	[tilespmem:s13+$0x10060] =	vst v38;
	v4 =	vmul.f32 v54, v1  }
0x261: {  	v44 =	vld [tilespmem:s13+$0x80A0];
	v5 =	vmul.f32 v55, v1;
	[tilespmem:s9+$0x10280] =	vst v2  }
0x262: {  	v35 =	vld [tilespmem:s13+$0x8190];
	v61 =	vmul.f32 v56, v1;
	[tilespmem:s11+$0x10100] =	vst v4  }
0x263: {  	v36 =	vld [tilespmem:s13+$0x81A0];
	v12 =	vmul.f32 v57, v1;
	[tilespmem:s11+$0x10110] =	vst v5  }
0x264: {  	s15 =	sor.u32 $0x3, s19;
	v41 =	vld [tilespmem:s11+$0x8200];
	v14 =	vmul.f32 v58, v1;
	[tilespmem:s11+$0x10120] =	vst v61  }
0x265: {  	s16 =	sshll.u32 s15, $0x7;
	v43 =	vld [tilespmem:s13+$0x8090];
	v6 =	vmul.f32 v34, v30;
	v16 =	vmul.f32 v59, v1;
	[tilespmem:s11+$0x10130] =	vst v12  }
0x266: {  	s16 =	sand.u32 $0x3FFFFF80, s16;
	v34 =	vld [tilespmem:s13+$0x8180];
	v18 =	vmul.f32 v60, v1;
	v1 =	vmul.f32 v62, v1;
	[tilespmem:s11+$0x10140] =	vst v14  }
0x267: {  	v38 =	vld [tilespmem:s16+$0x3800];
	[tilespmem:s11+$0x10150] =	vst v16  }
0x268: {  	v46 =	vld [tilespmem:s13+$0x80F0];
	[tilespmem:s11+$0x10170] =	vst v1;
	v1 =	vmul.f32 v63, v3  }
0x269: {  	v48 =	vld [tilespmem:s11+$0x8220];
	v2 =	vmul.f32 v13, v3;
	[tilespmem:s11+$0x10160] =	vst v18  }
0x26a: {  	v50 =	vld [tilespmem:s11+$0x8230];
	[tilespmem:s9+$0x10290] =	vst v1;
	v1 =	vmul.f32 v15, v3  }
0x26b: {  	v5 =	vmul.f32 v32, v30;
	v22 =	vld [tilespmem:s12+$0x3830];
	[tilespmem:s9+$0x102A0] =	vst v2  }
0x26c: {  	v52 =	vld [tilespmem:s11+$0x8240];
	[tilespmem:s9+$0x102B0] =	vst v1;
	v1 =	vmul.f32 v19, v3  }
0x26d: {  	v54 =	vld [tilespmem:s11+$0x8250];
	v2 =	vmul.f32 v17, v3;
	[tilespmem:s13+$0x10010] =	vst v5  }
0x26e: {  	v55 =	vld [tilespmem:s11+$0x8260];
	[tilespmem:s9+$0x102D0] =	vst v1;
	v1 =	vmul.f32 v21, v3  }
0x26f: {  	[tilespmem:s9+$0x102C0] =	vst v2;
	v2 =	vmul.f32 v20, v3;
	v3 =	vld [tilespmem:s11+$0x81D0]  }
0x270: {  	v57 =	vld [tilespmem:s11+$0x8270];
	[tilespmem:s9+$0x102F0] =	vst v1;
	v1 =	vmul.f32 v24, v22  }
0x271: {  	v13 =	vld [tilespmem:s13+$0x80C0];
	[tilespmem:s9+$0x102E0] =	vst v2;
	v2 =	vmul.f32 v23, v22  }
0x272: {  	v4 =	vld [tilespmem:s9+$0x8300];
	[tilespmem:s11+$0x10190] =	vst v1;
	v1 =	vmul.f32 v26, v22  }
0x273: {  	v12 =	vld [tilespmem:s13+$0x80B0];
	[tilespmem:s11+$0x10180] =	vst v2;
	v2 =	vmul.f32 v25, v22  }
0x274: {  	v14 =	vld [tilespmem:s13+$0x80D0];
	[tilespmem:s11+$0x101B0] =	vst v1;
	v1 =	vmul.f32 v3, v22  }
0x275: {  	v16 =	vld [tilespmem:s11+$0x8210];
	[tilespmem:s11+$0x101A0] =	vst v2;
	v2 =	vmul.f32 v27, v22  }
0x276: {  	v3 =	vld [tilespmem:s13+$0x8020];
	[tilespmem:s11+$0x101D0] =	vst v1;
	v1 =	vmul.f32 v29, v22  }
0x277: {  	v61 =	vld [tilespmem:s13+$0x8100];
	[tilespmem:s11+$0x101C0] =	vst v2;
	v2 =	vmul.f32 v28, v22  }
0x278: {  	v39 =	vmul.f32 v37, v30;
	[tilespmem:s11+$0x101F0] =	vst v1;
	v1 =	vld [tilespmem:s10+$0x3860]  }
0x279: {  	v5 =	vld [tilespmem:s9+$0x8310];
	[tilespmem:s11+$0x101E0] =	vst v2;
	v2 =	vmul.f32 v31, v30  }
0x27a: {  	[tilespmem:s13+$0x10070] =	vst v39;
	v40 =	vld [tilespmem:s12+$0x3840]  }
0x27b: {  	v63 =	vld [tilespmem:s13+$0x8110];
	[tilespmem:s13+$0x10000] =	vst v2;
	v2 =	vmul.f32 v3, v30  }
0x27c: {  	[tilespmem:s13+$0x10040] =	vst v6;
	v32 =	vld [tilespmem:s11+$0x8290];
	v3 =	vmul.f32 v33, v30  }
0x27d: {  	v17 =	vld [tilespmem:s13+$0x8120];
	[tilespmem:s13+$0x10020] =	vst v2;
	v4 =	vmul.f32 v4, v1  }
0x27e: {  	v15 =	vld [tilespmem:s13+$0x80E0];
	[tilespmem:s13+$0x10030] =	vst v3;
	v5 =	vmul.f32 v5, v1  }
0x27f: {  	v19 =	vld [tilespmem:s13+$0x8130];
	v6 =	vmul.f32 v41, v40;
	[tilespmem:s9+$0x10300] =	vst v4  }
0x280: {  	v7 =	vld [tilespmem:s14+$0x3810];
	v56 =	vmul.f32 v16, v40;
	[tilespmem:s9+$0x10310] =	vst v5  }
0x281: {  	v21 =	vld [tilespmem:s13+$0x8140];
	v58 =	vmul.f32 v48, v40;
	[tilespmem:s11+$0x10200] =	vst v6  }
0x282: {  	v23 =	vld [tilespmem:s13+$0x8150];
	v60 =	vmul.f32 v50, v40;
	[tilespmem:s11+$0x10210] =	vst v56  }
0x283: {  	v25 =	vld [tilespmem:s13+$0x8160];
	v62 =	vmul.f32 v52, v40;
	[tilespmem:s11+$0x10220] =	vst v58  }
0x284: {  	v27 =	vld [tilespmem:s13+$0x8170];
	v16 =	vmul.f32 v54, v40;
	[tilespmem:s11+$0x10230] =	vst v60  }
0x285: {  	v30 =	vld [tilespmem:s11+$0x8280];
	[tilespmem:s11+$0x10240] =	vst v62;
	v9 =	vmul.f32 v42, v7  }
0x286: {  	v33 =	vld [tilespmem:s11+$0x82A0];
	[tilespmem:s11+$0x10250] =	vst v16;
	v10 =	vmul.f32 v43, v7  }
0x287: {  	v2 =	vld [tilespmem:s9+$0x8320];
	v45 =	vmul.f32 v44, v7;
	[tilespmem:s13+$0x10080] =	vst v9  }
0x288: {  	s15 =	sshll.u32 s15, $0xA;
	v3 =	vld [tilespmem:s9+$0x8330];
	v18 =	vmul.f32 v55, v40;
	v47 =	vmul.f32 v12, v7;
	[tilespmem:s13+$0x10090] =	vst v10  }
0x289: {  	v20 =	vmul.f32 v57, v40;
	v40 =	vld [tilespmem:s15+$0x8000];
	v49 =	vmul.f32 v13, v7;
	[tilespmem:s13+$0x100A0] =	vst v45  }
0x28a: {  	v54 =	vld [tilespmem:s11+$0x82B0];
	v51 =	vmul.f32 v14, v7;
	[tilespmem:s13+$0x100B0] =	vst v47  }
0x28b: {  	v55 =	vld [tilespmem:s11+$0x82C0];
	v53 =	vmul.f32 v15, v7;
	[tilespmem:s13+$0x100C0] =	vst v49  }
0x28c: {  	v57 =	vld [tilespmem:s11+$0x82E0];
	v7 =	vmul.f32 v46, v7;
	[tilespmem:s13+$0x100D0] =	vst v51  }
0x28d: {  	v42 =	vld [tilespmem:s15+$0x8010];
	[tilespmem:s13+$0x100E0] =	vst v53  }
0x28e: {  	v44 =	vld [tilespmem:s15+$0x8020];
	[tilespmem:s13+$0x100F0] =	vst v7  }
0x28f: {  	[tilespmem:s11+$0x10260] =	vst v18;
	v2 =	vmul.f32 v2, v1;
	v59 =	vld [tilespmem:s14+$0x3820]  }
0x290: {  	[tilespmem:s11+$0x10270] =	vst v20;
	v6 =	vld [tilespmem:s9+$0x8340];
	v3 =	vmul.f32 v3, v1  }
0x291: {  	v18 =	vld [tilespmem:s13+$0x81C0];
	[tilespmem:s9+$0x10320] =	vst v2;
	v48 =	vmul.f32 v40, v38  }
0x292: {  	v20 =	vld [tilespmem:s13+$0x81E0];
	[tilespmem:s9+$0x10330] =	vst v3;
	v50 =	vmul.f32 v42, v38  }
0x293: {  	v56 =	vld [tilespmem:s11+$0x82D0];
	[tilespmem:s15+$0x10000] =	vst v48;
	v52 =	vmul.f32 v44, v38  }
0x294: {  	v58 =	vld [tilespmem:s11+$0x82F0];
	[tilespmem:s15+$0x10010] =	vst v50;
	v22 =	vmul.f32 v61, v59  }
0x295: {  	v60 =	vld [tilespmem:s13+$0x8200];
	[tilespmem:s15+$0x10020] =	vst v52;
	v24 =	vmul.f32 v63, v59  }
0x296: {  	v62 =	vld [tilespmem:s15+$0x8080];
	v26 =	vmul.f32 v17, v59;
	[tilespmem:s13+$0x10100] =	vst v22  }
0x297: {  	v29 =	vld [tilespmem:s12+$0x3850];
	v10 =	vmul.f32 v19, v59;
	[tilespmem:s13+$0x10110] =	vst v24  }
0x298: {  	v53 =	vld [tilespmem:s15+$0x8070];
	v28 =	vmul.f32 v21, v59;
	[tilespmem:s13+$0x10120] =	vst v26  }
0x299: {  	v7 =	vld [tilespmem:s9+$0x8350];
	v9 =	vmul.f32 v23, v59;
	[tilespmem:s13+$0x10130] =	vst v10  }
0x29a: {  	v46 =	vld [tilespmem:s15+$0x8030];
	v11 =	vmul.f32 v25, v59;
	[tilespmem:s13+$0x10140] =	vst v28  }
0x29b: {  	v47 =	vld [tilespmem:s15+$0x8040];
	v31 =	vmul.f32 v27, v59;
	[tilespmem:s13+$0x10150] =	vst v9  }
0x29c: {  	v49 =	vld [tilespmem:s15+$0x8050];
	v12 =	vmul.f32 v32, v29;
	[tilespmem:s13+$0x10160] =	vst v11  }
0x29d: {  	v51 =	vld [tilespmem:s15+$0x8060];
	v16 =	vmul.f32 v53, v38;
	[tilespmem:s13+$0x10170] =	vst v31  }
0x29e: {  	[tilespmem:s11+$0x10290] =	vst v12;
	v3 =	vmul.f32 v7, v1;
	v9 =	vld [tilespmem:s14+$0x3830]  }
0x29f: {  	v40 =	vld [tilespmem:s13+$0x8260];
	v63 =	vmul.f32 v55, v29;
	[tilespmem:s15+$0x10070] =	vst v16  }
0x2a0: {  	v17 =	vld [tilespmem:s13+$0x81B0];
	[tilespmem:s9+$0x10350] =	vst v3;
	v22 =	vmul.f32 v56, v29  }
0x2a1: {  	v44 =	vld [tilespmem:s15+$0x8100];
	[tilespmem:s11+$0x102C0] =	vst v63;
	v24 =	vmul.f32 v57, v29  }
0x2a2: {  	v53 =	vld [tilespmem:s15+$0x8150];
	v26 =	vmul.f32 v58, v29;
	[tilespmem:s11+$0x102D0] =	vst v22  }
0x2a3: {  	v19 =	vld [tilespmem:s13+$0x81D0];
	[tilespmem:s11+$0x102E0] =	vst v24;
	v15 =	vmul.f32 v35, v9  }
0x2a4: {  	v21 =	vld [tilespmem:s13+$0x81F0];
	[tilespmem:s11+$0x102F0] =	vst v26;
	v45 =	vmul.f32 v20, v9;
	v20 =	vmul.f32 v46, v38  }
0x2a5: {  	v23 =	vld [tilespmem:s15+$0x80A0];
	v39 =	vmul.f32 v17, v9;
	v17 =	vmul.f32 v49, v38;
	[tilespmem:s13+$0x10190] =	vst v15  }
0x2a6: {  	v25 =	vld [tilespmem:s15+$0x80B0];
	v41 =	vmul.f32 v18, v9;
	v18 =	vmul.f32 v51, v38;
	[tilespmem:s15+$0x10030] =	vst v20  }
0x2a7: {  	v27 =	vld [tilespmem:s15+$0x80C0];
	v15 =	vmul.f32 v47, v38;
	[tilespmem:s15+$0x10050] =	vst v17  }
0x2a8: {  	v55 =	vld [tilespmem:s15+$0x8160];
	v14 =	vmul.f32 v34, v9;
	[tilespmem:s15+$0x10060] =	vst v18  }
0x2a9: {  	v3 =	vld [tilespmem:s15+$0x81C0];
	v37 =	vmul.f32 v36, v9;
	[tilespmem:s15+$0x10040] =	vst v15  }
0x2aa: {  	[tilespmem:s13+$0x10180] =	vst v14;
	v61 =	vld [tilespmem:s16+$0x3810]  }
0x2ab: {  	v43 =	vmul.f32 v19, v9;
	v9 =	vmul.f32 v21, v9;
	v21 =	vld [tilespmem:s15+$0x8090];
	[tilespmem:s13+$0x101A0] =	vst v37  }
0x2ac: {  	v31 =	vld [tilespmem:s15+$0x80E0];
	[tilespmem:s13+$0x101B0] =	vst v39  }
0x2ad: {  	v11 =	vmul.f32 v33, v29;
	v33 =	vld [tilespmem:s15+$0x80F0];
	[tilespmem:s13+$0x101C0] =	vst v41  }
0x2ae: {  	v13 =	vmul.f32 v30, v29;
	v57 =	vld [tilespmem:s15+$0x8170];
	[tilespmem:s13+$0x101D0] =	vst v43  }
0x2af: {  	[tilespmem:s13+$0x101F0] =	vst v9;
	v9 =	vmul.f32 v54, v29;
	v29 =	vld [tilespmem:s15+$0x80D0];
	v28 =	vmul.f32 v62, v61  }
0x2b0: {  	v58 =	vld [tilespmem:s9+$0x8370];
	[tilespmem:s13+$0x101E0] =	vst v45;
	v30 =	vmul.f32 v21, v61  }
0x2b1: {  	v63 =	vld [tilespmem:s11+$0x8310];
	v32 =	vmul.f32 v23, v61;
	[tilespmem:s15+$0x10080] =	vst v28  }
0x2b2: {  	v22 =	vld [tilespmem:s15+$0x8190];
	v15 =	vmul.f32 v25, v61;
	[tilespmem:s15+$0x10090] =	vst v30  }
0x2b3: {  	v24 =	vld [tilespmem:s15+$0x81B0];
	v10 =	vmul.f32 v27, v61;
	[tilespmem:s15+$0x100A0] =	vst v32  }
0x2b4: {  	v26 =	vld [tilespmem:s15+$0x81E0];
	v12 =	vmul.f32 v29, v61;
	[tilespmem:s15+$0x100B0] =	vst v15  }
0x2b5: {  	v34 =	vld [tilespmem:s13+$0x8210];
	v14 =	vmul.f32 v31, v61;
	[tilespmem:s15+$0x100C0] =	vst v10  }
0x2b6: {  	v35 =	vld [tilespmem:s13+$0x8220];
	v38 =	vmul.f32 v33, v61;
	[tilespmem:s15+$0x100D0] =	vst v12  }
0x2b7: {  	v2 =	vmul.f32 v6, v1;
	v36 =	vld [tilespmem:s13+$0x8230];
	[tilespmem:s15+$0x100E0] =	vst v14  }
0x2b8: {  	v59 =	vld [tilespmem:s14+$0x3840];
	[tilespmem:s15+$0x100F0] =	vst v38  }
0x2b9: {  	[tilespmem:s9+$0x10340] =	vst v2;
	v2 =	vmul.f32 v8, v1;
	v42 =	vld [tilespmem:s16+$0x3820]  }
0x2ba: {  	[tilespmem:s11+$0x10280] =	vst v13;
	v45 =	vld [tilespmem:s15+$0x8110]  }
0x2bb: {  	[tilespmem:s9+$0x10360] =	vst v2;
	v1 =	vmul.f32 v58, v1;
	v47 =	vld [tilespmem:s15+$0x8120]  }
0x2bc: {  	[tilespmem:s11+$0x102A0] =	vst v11;
	v49 =	vld [tilespmem:s15+$0x8130]  }
0x2bd: {  	v51 =	vld [tilespmem:s15+$0x8140];
	[tilespmem:s9+$0x10370] =	vst v1;
	v11 =	vmul.f32 v35, v59  }
0x2be: {  	v19 =	vld [tilespmem:s13+$0x8280];
	[tilespmem:s11+$0x102B0] =	vst v9;
	v52 =	vmul.f32 v44, v42  }
0x2bf: {  	v37 =	vld [tilespmem:s13+$0x8240];
	[tilespmem:s13+$0x10220] =	vst v11;
	v54 =	vmul.f32 v45, v42  }
0x2c0: {  	v39 =	vld [tilespmem:s13+$0x8250];
	v56 =	vmul.f32 v47, v42;
	[tilespmem:s15+$0x10100] =	vst v52  }
0x2c1: {  	v41 =	vld [tilespmem:s13+$0x8270];
	v14 =	vmul.f32 v49, v42;
	[tilespmem:s15+$0x10110] =	vst v54  }
0x2c2: {  	v58 =	vld [tilespmem:s13+$0x8340];
	v16 =	vmul.f32 v60, v59;
	v60 =	vmul.f32 v51, v42;
	[tilespmem:s15+$0x10120] =	vst v56  }
0x2c3: {  	v17 =	vld [tilespmem:s15+$0x8370];
	v62 =	vmul.f32 v53, v42;
	[tilespmem:s15+$0x10130] =	vst v14  }
0x2c4: {  	v9 =	vmul.f32 v34, v59;
	v34 =	vld [tilespmem:s15+$0x8200];
	v11 =	vmul.f32 v55, v42;
	[tilespmem:s15+$0x10140] =	vst v60  }
0x2c5: {  	v35 =	vld [tilespmem:s15+$0x8220];
	v13 =	vmul.f32 v57, v42;
	[tilespmem:s15+$0x10150] =	vst v62  }
0x2c6: {  	v43 =	vmul.f32 v36, v59;
	v36 =	vld [tilespmem:s15+$0x8230];
	[tilespmem:s15+$0x10160] =	vst v11  }
0x2c7: {  	v21 =	vld [tilespmem:s15+$0x8180];
	[tilespmem:s15+$0x10170] =	vst v13  }
0x2c8: {  	[tilespmem:s13+$0x10200] =	vst v16;
	v20 =	vld [tilespmem:s16+$0x3830]  }
0x2c9: {  	v46 =	vmul.f32 v39, v59;
	v39 =	vld [tilespmem:s15+$0x8270];
	[tilespmem:s13+$0x10210] =	vst v9  }
0x2ca: {  	v48 =	vmul.f32 v40, v59;
	v40 =	vld [tilespmem:s11+$0x8350];
	[tilespmem:s13+$0x10230] =	vst v43  }
0x2cb: {  	v50 =	vmul.f32 v41, v59;
	v41 =	vld [tilespmem:s11+$0x8360];
	[tilespmem:s13+$0x10250] =	vst v46  }
0x2cc: {  	[tilespmem:s13+$0x10260] =	vst v48;
	v25 =	vld [tilespmem:s15+$0x81D0];
	v10 =	vmul.f32 v37, v59  }
0x2cd: {  	[tilespmem:s13+$0x10270] =	vst v50;
	v61 =	vld [tilespmem:s11+$0x8300];
	v2 =	vmul.f32 v21, v20  }
0x2ce: {  	v23 =	vld [tilespmem:s15+$0x81A0];
	[tilespmem:s13+$0x10240] =	vst v10;
	v1 =	vmul.f32 v22, v20  }
0x2cf: {  	v27 =	vld [tilespmem:s15+$0x81F0];
	v8 =	vmul.f32 v24, v20;
	[tilespmem:s15+$0x10180] =	vst v2  }
0x2d0: {  	v16 =	vld [tilespmem:s11+$0x8320];
	v3 =	vmul.f32 v3, v20;
	[tilespmem:s15+$0x10190] =	vst v1  }
0x2d1: {  	v59 =	vld [tilespmem:s12+$0x3860];
	v5 =	vmul.f32 v25, v20;
	[tilespmem:s15+$0x101B0] =	vst v8  }
0x2d2: {  	v29 =	vld [tilespmem:s13+$0x82D0];
	v6 =	vmul.f32 v26, v20;
	[tilespmem:s15+$0x101C0] =	vst v3  }
0x2d3: {  	v18 =	vld [tilespmem:s14+$0x3850];
	v2 =	vmul.f32 v23, v20;
	[tilespmem:s15+$0x101D0] =	vst v5  }
0x2d4: {  	v4 =	vmul.f32 v27, v20;
	v1 =	vld [tilespmem:s13+$0x8290];
	[tilespmem:s15+$0x101E0] =	vst v6  }
0x2d5: {  	[tilespmem:s15+$0x101A0] =	vst v2;
	v2 =	vld [tilespmem:s13+$0x82A0]  }
0x2d6: {  	v28 =	vld [tilespmem:s13+$0x82B0];
	v43 =	vmul.f32 v61, v59;
	[tilespmem:s15+$0x101F0] =	vst v4  }
0x2d7: {  	v10 =	vmul.f32 v63, v59;
	v33 =	vld [tilespmem:s16+$0x3840]  }
0x2d8: {  	[tilespmem:s11+$0x10300] =	vst v43;
	v30 =	vmul.f32 v19, v18;
	v3 =	vld [tilespmem:s13+$0x82C0]  }
0x2d9: {  	v31 =	vld [tilespmem:s13+$0x82E0];
	[tilespmem:s11+$0x10310] =	vst v10;
	v1 =	vmul.f32 v1, v18  }
0x2da: {  	v48 =	vld [tilespmem:s15+$0x8290];
	[tilespmem:s13+$0x10280] =	vst v30;
	v2 =	vmul.f32 v2, v18  }
0x2db: {  	v32 =	vld [tilespmem:s13+$0x82F0];
	[tilespmem:s13+$0x10290] =	vst v1;
	v1 =	vmul.f32 v28, v18  }
0x2dc: {  	v50 =	vld [tilespmem:s15+$0x82B0];
	v6 =	vmul.f32 v36, v33;
	[tilespmem:s13+$0x102A0] =	vst v2  }
0x2dd: {  	v2 =	vmul.f32 v3, v18;
	v3 =	vld [tilespmem:s15+$0x8210];
	[tilespmem:s13+$0x102B0] =	vst v1  }
0x2de: {  	v37 =	vld [tilespmem:s15+$0x8240];
	v1 =	vmul.f32 v29, v18;
	[tilespmem:s15+$0x10230] =	vst v6  }
0x2df: {  	v38 =	vld [tilespmem:s15+$0x8250];
	[tilespmem:s13+$0x102C0] =	vst v2;
	v2 =	vmul.f32 v31, v18  }
0x2e0: {  	v12 =	vld [tilespmem:s15+$0x8310];
	[tilespmem:s13+$0x102D0] =	vst v1;
	v1 =	vmul.f32 v32, v18  }
0x2e1: {  	v15 =	vld [tilespmem:s15+$0x8350];
	[tilespmem:s13+$0x102E0] =	vst v2;
	v2 =	vmul.f32 v34, v33  }
0x2e2: {  	[tilespmem:s13+$0x102F0] =	vst v1;
	v1 =	vmul.f32 v3, v33;
	v3 =	vld [tilespmem:s15+$0x8260]  }
0x2e3: {  	v61 =	vld [tilespmem:s13+$0x8370];
	[tilespmem:s15+$0x10200] =	vst v2;
	v2 =	vmul.f32 v35, v33  }
0x2e4: {  	v4 =	vmul.f32 v37, v33;
	[tilespmem:s15+$0x10210] =	vst v1;
	v1 =	vld [tilespmem:s11+$0x8330]  }
0x2e5: {  	v8 =	vmul.f32 v38, v33;
	[tilespmem:s15+$0x10220] =	vst v2;
	v2 =	vld [tilespmem:s11+$0x8340]  }
0x2e6: {  	v42 =	vld [tilespmem:s11+$0x8370];
	v5 =	vmul.f32 v39, v33;
	[tilespmem:s15+$0x10240] =	vst v4  }
0x2e7: {  	v44 =	vld [tilespmem:s13+$0x8300];
	[tilespmem:s15+$0x10250] =	vst v8;
	v3 =	vmul.f32 v3, v33  }
0x2e8: {  	v45 =	vmul.f32 v16, v59;
	v47 =	vld [tilespmem:s15+$0x8280];
	[tilespmem:s15+$0x10270] =	vst v5  }
0x2e9: {  	[tilespmem:s15+$0x10260] =	vst v3;
	v3 =	vld [tilespmem:s14+$0x3860];
	v1 =	vmul.f32 v1, v59  }
0x2ea: {  	[tilespmem:s11+$0x10320] =	vst v45;
	v46 =	vld [tilespmem:s16+$0x3850];
	v2 =	vmul.f32 v2, v59  }
0x2eb: {  	v63 =	vld [tilespmem:s15+$0x8300];
	[tilespmem:s11+$0x10330] =	vst v1;
	v1 =	vmul.f32 v40, v59  }
0x2ec: {  	v49 =	vld [tilespmem:s15+$0x82A0];
	[tilespmem:s11+$0x10340] =	vst v2;
	v2 =	vmul.f32 v41, v59  }
0x2ed: {  	v51 =	vld [tilespmem:s15+$0x82C0];
	[tilespmem:s11+$0x10350] =	vst v1;
	v1 =	vmul.f32 v42, v59  }
0x2ee: {  	v53 =	vld [tilespmem:s15+$0x82E0];
	[tilespmem:s11+$0x10360] =	vst v2;
	v5 =	vmul.f32 v44, v3  }
0x2ef: {  	v52 =	vld [tilespmem:s15+$0x82D0];
	v2 =	vmul.f32 v47, v46;
	[tilespmem:s11+$0x10370] =	vst v1  }
0x2f0: {  	v54 =	vld [tilespmem:s15+$0x82F0];
	v1 =	vmul.f32 v48, v46;
	[tilespmem:s13+$0x10300] =	vst v5  }
0x2f1: {  	v29 =	vld [tilespmem:s11+$0x8380];
	[tilespmem:s15+$0x10280] =	vst v2;
	v2 =	vmul.f32 v49, v46  }
0x2f2: {  	v18 =	vld [tilespmem:s12+$0x3870];
	[tilespmem:s15+$0x10290] =	vst v1;
	v1 =	vmul.f32 v50, v46  }
0x2f3: {  	v33 =	vld [tilespmem:s11+$0x83A0];
	[tilespmem:s15+$0x102A0] =	vst v2;
	v2 =	vmul.f32 v51, v46  }
0x2f4: {  	v36 =	vld [tilespmem:s11+$0x83C0];
	[tilespmem:s15+$0x102B0] =	vst v1;
	v1 =	vmul.f32 v52, v46  }
0x2f5: {  	v55 =	vld [tilespmem:s13+$0x8310];
	[tilespmem:s15+$0x102C0] =	vst v2;
	v2 =	vmul.f32 v53, v46  }
0x2f6: {  	v56 =	vld [tilespmem:s13+$0x8320];
	[tilespmem:s15+$0x102D0] =	vst v1;
	v1 =	vmul.f32 v54, v46  }
0x2f7: {  	v57 =	vld [tilespmem:s13+$0x8330];
	v37 =	vmul.f32 v29, v18;
	[tilespmem:s15+$0x102E0] =	vst v2  }
0x2f8: {  	v16 =	vld [tilespmem:s15+$0x8360];
	v40 =	vmul.f32 v33, v18;
	[tilespmem:s15+$0x102F0] =	vst v1  }
0x2f9: {  	v59 =	vld [tilespmem:s13+$0x8350];
	v43 =	vmul.f32 v36, v18;
	[tilespmem:s11+$0x10380] =	vst v37  }
0x2fa: {  	v60 =	vld [tilespmem:s13+$0x8360];
	v2 =	vmul.f32 v55, v3;
	[tilespmem:s11+$0x103A0] =	vst v40  }
0x2fb: {  	v13 =	vld [tilespmem:s15+$0x8320];
	v1 =	vmul.f32 v56, v3;
	[tilespmem:s11+$0x103C0] =	vst v43  }
0x2fc: {  	v62 =	vld [tilespmem:s16+$0x3860];
	[tilespmem:s13+$0x10310] =	vst v2;
	v2 =	vmul.f32 v57, v3  }
0x2fd: {  	v14 =	vld [tilespmem:s15+$0x8330];
	[tilespmem:s13+$0x10320] =	vst v1;
	v1 =	vmul.f32 v58, v3  }
0x2fe: {  	v19 =	vld [tilespmem:s9+$0x8380];
	[tilespmem:s13+$0x10330] =	vst v2;
	v2 =	vmul.f32 v59, v3  }
0x2ff: {  	v39 =	vld [tilespmem:s11+$0x83E0];
	[tilespmem:s13+$0x10340] =	vst v1;
	v1 =	vmul.f32 v60, v3  }
0x300: {  	[tilespmem:s13+$0x10350] =	vst v2;
	v2 =	vmul.f32 v61, v3;
	v3 =	vld [tilespmem:s15+$0x8340]  }
0x301: {  	v21 =	vld [tilespmem:s9+$0x83A0];
	[tilespmem:s13+$0x10360] =	vst v1;
	v1 =	vmul.f32 v63, v62  }
0x302: {  	v22 =	vld [tilespmem:s9+$0x83B0];
	[tilespmem:s13+$0x10370] =	vst v2;
	v2 =	vmul.f32 v12, v62  }
0x303: {  	v24 =	vld [tilespmem:s9+$0x83D0];
	[tilespmem:s15+$0x10300] =	vst v1;
	v1 =	vmul.f32 v13, v62  }
0x304: {  	v20 =	vld [tilespmem:s9+$0x8390];
	v46 =	vmul.f32 v39, v18;
	[tilespmem:s15+$0x10310] =	vst v2  }
0x305: {  	v2 =	vmul.f32 v14, v62;
	[tilespmem:s15+$0x10320] =	vst v1;
	v1 =	vmul.f32 v3, v62;
	v3 =	vld [tilespmem:s10+$0x3870]  }
0x306: {  	v25 =	vld [tilespmem:s9+$0x83E0];
	[tilespmem:s11+$0x103E0] =	vst v46  }
0x307: {  	v23 =	vld [tilespmem:s9+$0x83C0];
	[tilespmem:s15+$0x10330] =	vst v2;
	v2 =	vmul.f32 v15, v62  }
0x308: {  	v27 =	vld [tilespmem:s9+$0x83F0];
	[tilespmem:s15+$0x10340] =	vst v1;
	v1 =	vmul.f32 v16, v62  }
0x309: {  	[tilespmem:s15+$0x10350] =	vst v2;
	v2 =	vmul.f32 v17, v62  }
0x30a: {  	v31 =	vld [tilespmem:s11+$0x8390];
	[tilespmem:s15+$0x10360] =	vst v1;
	v5 =	vmul.f32 v19, v3;
	v6 =	vmul.f32 v20, v3  }
0x30b: {  	[tilespmem:s15+$0x10370] =	vst v2;
	v26 =	vmul.f32 v21, v3;
	v28 =	vmul.f32 v22, v3  }
0x30c: {  	v35 =	vld [tilespmem:s11+$0x83B0];
	v30 =	vmul.f32 v23, v3;
	v32 =	vmul.f32 v24, v3;
	[tilespmem:s9+$0x10380] =	vst v5  }
0x30d: {  	v45 =	vld [tilespmem:s13+$0x83A0];
	v34 =	vmul.f32 v25, v3;
	v3 =	vmul.f32 v27, v3;
	[tilespmem:s9+$0x10390] =	vst v6  }
0x30e: {  	v38 =	vld [tilespmem:s11+$0x83D0];
	[tilespmem:s9+$0x103A0] =	vst v26  }
0x30f: {  	v41 =	vld [tilespmem:s11+$0x83F0];
	[tilespmem:s9+$0x103F0] =	vst v3;
	v3 =	vmul.f32 v31, v18  }
0x310: {  	v42 =	vld [tilespmem:s13+$0x8380];
	[tilespmem:s9+$0x103B0] =	vst v28  }
0x311: {  	v1 =	vld [tilespmem:s14+$0x3870];
	[tilespmem:s11+$0x10390] =	vst v3;
	v3 =	vmul.f32 v35, v18  }
0x312: {  	v44 =	vld [tilespmem:s13+$0x8390];
	[tilespmem:s9+$0x103C0] =	vst v30  }
0x313: {  	v47 =	vld [tilespmem:s13+$0x83B0];
	[tilespmem:s11+$0x103B0] =	vst v3;
	v3 =	vmul.f32 v38, v18  }
0x314: {  	v48 =	vld [tilespmem:s13+$0x83C0];
	[tilespmem:s9+$0x103D0] =	vst v32  }
0x315: {  	v50 =	vld [tilespmem:s13+$0x83D0];
	[tilespmem:s11+$0x103D0] =	vst v3;
	v3 =	vmul.f32 v41, v18  }
0x316: {  	v51 =	vld [tilespmem:s13+$0x83E0];
	[tilespmem:s9+$0x103E0] =	vst v34;
	v49 =	vmul.f32 v42, v1  }
0x317: {  	v53 =	vld [tilespmem:s13+$0x83F0];
	[tilespmem:s11+$0x103F0] =	vst v3;
	v3 =	vmul.f32 v44, v1  }
0x318: {  	v55 =	vld [tilespmem:s15+$0x8390];
	v52 =	vmul.f32 v45, v1;
	[tilespmem:s13+$0x10380] =	vst v49  }
0x319: {  	v2 =	vld [tilespmem:s16+$0x3870];
	[tilespmem:s13+$0x10390] =	vst v3;
	v3 =	vmul.f32 v47, v1  }
0x31a: {  	v54 =	vld [tilespmem:s15+$0x8380];
	v4 =	vmul.f32 v48, v1;
	[tilespmem:s13+$0x103A0] =	vst v52  }
0x31b: {  	v58 =	vld [tilespmem:s15+$0x83B0];
	[tilespmem:s13+$0x103B0] =	vst v3;
	v3 =	vmul.f32 v50, v1  }
0x31c: {  	v56 =	vld [tilespmem:s15+$0x83A0];
	v57 =	vmul.f32 v51, v1;
	[tilespmem:s13+$0x103C0] =	vst v4;
	v1 =	vmul.f32 v53, v1  }
0x31d: {  	v60 =	vld [tilespmem:s15+$0x83D0];
	[tilespmem:s13+$0x103D0] =	vst v3  }
0x31e: {  	v3 =	vld [tilespmem:s15+$0x83C0];
	[tilespmem:s13+$0x103F0] =	vst v1;
	v1 =	vmul.f32 v55, v2  }
0x31f: {  	v63 =	vld [tilespmem:s15+$0x83F0];
	[tilespmem:s13+$0x103E0] =	vst v57;
	v59 =	vmul.f32 v54, v2  }
0x320: {  	v61 =	vld [tilespmem:s15+$0x83E0];
	[tilespmem:s15+$0x10390] =	vst v1;
	v1 =	vmul.f32 v58, v2  }
0x321: {  	v62 =	vmul.f32 v56, v2;
	[tilespmem:s15+$0x10380] =	vst v59  }
0x322: {  	p0 =	slt.u32 s19, $0xC;
	[tilespmem:s15+$0x103B0] =	vst v1;
	v1 =	vmul.f32 v60, v2  }
.Ltmp3:
0x323: {  	[tilespmem:s15+$0x103A0] =	vst v62;
	v3 =	vmul.f32 v3, v2;
	(pc) =	sbr.rel @p0 .LBB2_9-.Ltmp3, $4  }
0x324: {  	[tilespmem:s15+$0x103D0] =	vst v1;
	v1 =	vmul.f32 v63, v2  }
0x325: {  	[tilespmem:s15+$0x103C0] =	vst v3;
	v3 =	vmul.f32 v61, v2  }
0x326: {  	s16 =	sadd.s32 $0x4, s19;
	[tilespmem:s15+$0x103F0] =	vst v1  }
0x327: {  	s19 =	smov.u32 s16;
	[tilespmem:s15+$0x103E0] =	vst v3  }
0x328: {  	p0 =	seq.s32 s22, $0xF  }
0x329: {  	_ =	swait.ge [sflag:s30], $0x4000;
	s1 =	sadd.s32 @!p0 $0x2, s1  }
0x32a: {  	[sflag:s30] =	ssyncset.done $0x0;
	s10 =	simm.s32 @!p0 $0x80;
	s9 =	sshll.u32 @!p0 s1, $0x7  }
0x32b: {  	s11 =	simm.s32 @!p0 $0x4000;
	s1 =	sadd.s32 @!p0 s5, s1;
	s9 =	sand.u32 @!p0 $0x3FFFFF80, s9  }
0x32c: {  	[sflag:s30] =	ssyncadd.s32 $0xFFFFC000;
	s1 =	sshll.u32 @!p0 s1, $0x8;
	s9 =	sadd.s32 @!p0 $0x1000, s9  }
0x32d: {  	[tilespmem:s11], [sflag:$0x1] =	stream.indirect.gather @!p0 [hbm4b:s7+s10], $0x80, s9, s10, $0xb8;
	[tilespmem:$0x1D000] =	vst v63  }
0x32e: {  	s1 =	sadd.s32 @!p0 s6, s1;
	s9 =	simm.s32 @!p0 $0x0;
	s10 =	simm.s32 @!p0 $0x3000  }
0x32f: {  	[tilespmem:s10], [sflag:$0x1] =	stream.linear.gather @!p0 [hbm4b:s1+s9], $0x800, $0x38;
	[tilespmem:$0x1D000] =	vst v63  }
0x330: {  	_ = 	snop  }
0x331: {  	[spmem:s2] =	stream.indirect.scatter.add.f32 [tilespmem:s31], [sflag:$0x4], $0x80, s23, s21, $0xb8;
	[tilespmem:$0x1D000] =	vst v63  }
0x332: {  	v1 =	vld [tilespmem:s23+$0x0];
	_ =	sdelay $0x2  }
0x333: {  	v2 =	vld [tilespmem:s23+$0x2000];
	_ =	sdelay $0x4  }
0x334: {  	s11 =	sor.u32 $0x10, s23;
	[tilespmem:v1+s28+$0x0] =	vst.idx.add.f32.msk $0xffff, v2  }
0x335: {  	v1 =	vld [tilespmem:s11+$0x0];
	_ =	sdelay $0x2  }
0x336: {  	v2 =	vld [tilespmem:s23+$0x2010];
	_ =	sdelay $0x4  }
0x337: {  	s12 =	sor.u32 $0x20, s23;
	[tilespmem:v1+s28+$0x0] =	vst.idx.add.f32.msk $0xffff, v2  }
0x338: {  	v1 =	vld [tilespmem:s12+$0x0];
	_ =	sdelay $0x2  }
0x339: {  	v2 =	vld [tilespmem:s23+$0x2020];
	_ =	sdelay $0x4  }
0x33a: {  	s13 =	sor.u32 $0x30, s23;
	[tilespmem:v1+s28+$0x0] =	vst.idx.add.f32.msk $0xffff, v2  }
0x33b: {  	v1 =	vld [tilespmem:s13+$0x0];
	_ =	sdelay $0x2  }
0x33c: {  	v2 =	vld [tilespmem:s23+$0x2030];
	_ =	sdelay $0x4  }
0x33d: {  	s14 =	sor.u32 $0x40, s23;
	[tilespmem:v1+s28+$0x0] =	vst.idx.add.f32.msk $0xffff, v2  }
0x33e: {  	v1 =	vld [tilespmem:s14+$0x0];
	_ =	sdelay $0x2  }
0x33f: {  	v2 =	vld [tilespmem:s23+$0x2040];
	_ =	sdelay $0x4  }
0x340: {  	s15 =	sor.u32 $0x50, s23;
	[tilespmem:v1+s28+$0x0] =	vst.idx.add.f32.msk $0xffff, v2  }
0x341: {  	v1 =	vld [tilespmem:s15+$0x0];
	_ =	sdelay $0x2  }
0x342: {  	v2 =	vld [tilespmem:s23+$0x2050];
	_ =	sdelay $0x4  }
0x343: {  	s16 =	sor.u32 $0x60, s23;
	[tilespmem:v1+s28+$0x0] =	vst.idx.add.f32.msk $0xffff, v2  }
0x344: {  	v1 =	vld [tilespmem:s16+$0x0];
	_ =	sdelay $0x2  }
0x345: {  	v2 =	vld [tilespmem:s23+$0x2060];
	_ =	sdelay $0x4  }
0x346: {  	s19 =	sor.u32 $0x70, s23;
	[tilespmem:v1+s28+$0x0] =	vst.idx.add.f32.msk $0xffff, v2  }
0x347: {  	v1 =	vld [tilespmem:s19+$0x0];
	_ =	sdelay $0x1  }
0x348: {  	s22 =	sadd.s32 $0x1, s22  }
0x349: {  	p0 =	sne.s32 s22, $0x10;
	v2 =	vld [tilespmem:s23+$0x2070]  }
.Ltmp4:
0x34a: {  	_ = 	snop;
	(pc) =	sbr.rel @p0 .LBB2_6-.Ltmp4, $2  }
0x34b: {  	_ =	sdelay $0x2  }
0x34c: {  	[tilespmem:v1+s28+$0x0] =	vst.idx.add.f32.msk $0xffff, v2  }
0x34d: {  	_ =	swait.ge [sflag:s0], $0x4000  }
0x34e: {  	[sflag:s0] =	ssyncset.done $0x0  }
0x34f: {  	s9 =	simm.s32 $0x400;
	s1 =	rddreg [dreg:$0xa];
	[sflag:s0] =	ssyncadd.s32 $0xFFFFC000  }
0x350: {  	[hbm4b:s1+s21] =	stream.strided.scatter [tilespmem:s28], [sflag:$0x5], $0x1000, s9, s21, $0x38;
	[tilespmem:$0x1D000] =	vst v63  }
0x351: {  	_ =	swait.ge [sflag:s18], $0x1000  }
0x352: {  	[sflag:s18] =	ssyncset.done $0x0  }
0x353: {  	[sflag:s18] =	ssyncadd.s32 $0xFFFFF000  }
0x354: {  	[bflag:$0x0] =	sbarrier.arrive $0xFFFF  }
0x355: {  	s19 =	sor.u32 $0x1C05, s4;
	s22 =	sshrl.u32 s8, $0x3;
	s10 =	rddreg [dreg:$0xb]  }
0x356: {  	[hbm:s10], [sflag:s19] =	dma.local [spmem:s22], $0x1000  }
0x357: {  	_ =	swait.ge [sflag:s18], $0x1000  }
0x358: {  	s3 =	sadd.s32 $0x1, s3;
	s23 =	rddreg [dreg:$0xc]  }
0x359: {  	p0 =	sne.s32 s3, s23  }
.Ltmp5:
0x35a: {  	_ = 	snop;
	(pc) =	sbr.rel @p0 .LBB2_1-.Ltmp5, $3  }
0x35b: {  	_ =	sdelay $0x1  }
0x35c: {  	[sflag:s18] =	ssyncset.done $0x0  }
0x35d: {  	[sflag:s18] =	ssyncadd.s32 $0xFFFFF000  }
0x35e: {  	_ =	sfence.sel $0x180000  }
0x35f: {  	[bflag:$0x0] =	sbarrier.arrive $0xFFFF  }
0x360: {  	_ =	strace $0x90000047  }
0x361: {  	s0 =	stileid.u32;
	[bflag:$0x2] =	sbarrier.arrive $0xFFFF  }
0x362: {  	p0 =	sne.s32 s0, $0x0;
	s0 =	rddreg [dreg:$0x4]  }
0x363: {  	s0 =	sadd.s32 @!p0 $0x100000, s0  }
0x364: {  	[sflag:s0] =	ssyncadd.tile.s32 @!p0 $0x1;
	_ =	shalt  }
.Lfunc_end2:
_tile_overlayer_lowered:
.L_overlay_start_2:
0x365: {  	(tag) =	ssettag $0x2  }
0x366: {  	s0 =	rddreg [dreg:$0x0];
	s2 =	stileid.u32  }
0x367: {  	s1 =	rddreg [dreg:$0x1];
	p0 =	sne.s32 s2, $0x0  }
0x368: {  	s3 =	rddreg [dreg:$0x2];
	[bflag:$0x3] =	sbarrier.arrive $0xFFFF;
	s2 =	simm.s32 @!p0 $0x1C05  }
0x369: {  	[timem:s3], [sflag:s2] =	dma.local @!p0 [hbm:s0], s1  }
0x36a: {  	s0 =	simm.s32 @!p0 $0x5  }
0x36b: {  	_ =	swait.ge @!p0 [sflag:s0], s1  }
0x36c: {  	s1 =	ssub.s32 @!p0 $0x0, s1;
	[sflag:s0] =	ssyncset.done @!p0 $0x0  }
0x36d: {  	[sflag:s0] =	ssyncadd.s32 @!p0 s1  }
0x36e: {  	[bflag:$0x3] =	sbarrier.arrive $0xFFFF  }
0x36f: {  	_ =	shalt  }

</sc_bundles>
